<compile_context>
chip_gen: v7x
topology: tpu7x:2x2x1
jax: 0.10.2.dev20260603
libtpu: 0.0.44.dev20260713+nightly
codegen_flags: <defaults>
</compile_context>

<pallas_src>
import functools

import jax
import jax.numpy as jnp
from jax import lax
from jax.experimental import pallas as pl
from jax.experimental.pallas import tpu as pltpu
from jax.experimental.pallas import tpu_sc as plsc

N_NODES = 10000
N_CH = 256
N_EDGES = 160000

NC = 2
NS = 16
NW = NC * NS
OWN = 320
DN = NW * OWN
PAD_COL = 16383

CHUNK_E = 4096
N_CHUNKS = 41
E_PAD = N_CHUNKS * CHUNK_E
DEG_PER_TEC = E_PAD // NS
BATCH = 64
LIST_CAP = CHUNK_E + 256

_CP = pltpu.CompilerParams(needs_layout_passes=False)

_mesh = functools.partial(
    plsc.VectorSubcoreMesh, core_axis_name="c", subcore_axis_name="s")


def _fast_rsqrt(x):
    i = lax.bitcast_convert_type(x, jnp.int32)
    y = lax.bitcast_convert_type(jnp.int32(0x5F3759DF) - (i >> 1), jnp.float32)
    for _ in range(3):
        y = y * (1.5 - 0.5 * x * y * y)
    return y


_TRUE16 = functools.partial(jnp.full, (16,), True)



HIST_N = 16448


@functools.partial(
    pl.kernel,
    out_type=jax.ShapeDtypeStruct((DN,), jnp.float32),
    mesh=_mesh(num_cores=NC, num_subcores=NS),
    compiler_params=_CP,
    scratch_types=[
        pltpu.VMEM_SHARED((NS * DN,), jnp.float32),
        pltpu.VMEM((HIST_N,), jnp.float32),
        pltpu.VMEM((DEG_PER_TEC + 16,), jnp.int32),
        pltpu.VMEM((NS * OWN,), jnp.float32),
        pltpu.VMEM((OWN,), jnp.float32),
    ],
)
def _deg_dis_kernel(col_hbm, dis_hbm, shared, hist, col_v, red_v, dis_v):
    cid = lax.axis_index("c")
    tid = lax.axis_index("s")

    zf16 = jnp.zeros((16,), jnp.float32)
    t16 = _TRUE16()

    def zbody(j, _):
        plsc.store_compressed(hist.at[pl.ds(j * 16, 16)], zf16, mask=t16)
        return 0

    lax.fori_loop(0, HIST_N // 16, zbody, 0)

    pltpu.sync_copy(col_hbm.at[pl.ds(tid * DEG_PER_TEC, DEG_PER_TEC)],
                    col_v.at[pl.ds(0, DEG_PER_TEC)])

    def hbody(i4, _):
        for u in range(4):
            cv = col_v[pl.ds(i4 * 64 + u * 16, 16)]
            cnt, lastm = plsc.scan_count(cv)
            plsc.addupdate_scatter(hist, [cv], cnt.astype(jnp.float32),
                                   mask=lastm)
        return 0

    lax.fori_loop(0, DEG_PER_TEC // 64, hbody, 0)

    pltpu.sync_copy(hist.at[pl.ds(0, DN)], shared.at[pl.ds(tid * DN, DN)])
    plsc.subcore_barrier()

    q0 = cid * (DN // NC) + tid * OWN
    for s in range(NS):
        pltpu.sync_copy(shared.at[pl.ds(s * DN + q0, OWN)],
                        red_v.at[pl.ds(s * OWN, OWN)])
    for k in range(OWN // 16):
        tot = red_v[pl.ds(k * 16, 16)]
        for s in range(1, NS):
            tot = tot + red_v[pl.ds(s * OWN + k * 16, 16)]
        dis_v[pl.ds(k * 16, 16)] = _fast_rsqrt(tot + 1.0)
    pltpu.sync_copy(dis_v, dis_hbm.at[pl.ds(q0, OWN)])



@functools.partial(
    pl.kernel,
    out_type=jax.ShapeDtypeStruct((DN, N_CH), jnp.float32),
    mesh=_mesh(num_cores=NC, num_subcores=NS),
    compiler_params=_CP,
    scratch_types=[
        pltpu.VMEM((OWN + 1, N_CH), jnp.float32),
        pltpu.VMEM((2 * BATCH, N_CH), jnp.float32),
        pltpu.VMEM((2 * CHUNK_E,), jnp.int32),
        pltpu.VMEM((LIST_CAP,), jnp.int32),
        pltpu.VMEM((2 * BATCH,), jnp.int32),
        pltpu.SemaphoreType.DMA,
        pltpu.SemaphoreType.DMA,
    ],
)
def _scatter_kernel(epk_hbm, g_hbm, s_hbm,
                    acc, data_v, epk_v, lpk, gidx, semg, semc):
    cid = lax.axis_index("c")
    tid = lax.axis_index("s")
    wid = cid * NS + tid
    lo = wid * OWN

    zeros16 = jnp.zeros((16,), jnp.float32)
    true16 = _TRUE16()

    def zbody(j, _):
        for k in range(N_CH // 16):
            plsc.store_compressed(acc.at[j, pl.ds(k * 16, 16)], zeros16,
                                  mask=true16)
        return 0

    lax.fori_loop(0, OWN + 1, zbody, 0)

    def _unpack_idx(b, slot):
        for u in range(BATCH // 16):
            pv = lpk[pl.ds(b * BATCH + u * 16, 16)]
            gidx[pl.ds(slot * BATCH + u * 16, 16)] = pv & jnp.int32(16383)

    def _gather(b, slot, start):
        mk = pltpu.async_copy if start else pltpu.make_async_copy
        if start:
            _unpack_idx(b, slot)
        return mk(g_hbm.at[gidx.at[pl.ds(slot * BATCH, BATCH)]],
                  data_v.at[pl.ds(slot * BATCH, BATCH)], semg)

    def flush(fill, nb):
        @pl.when(nb > 0)
        def _():
            _gather(jnp.int32(0), jnp.int32(0), True)

        def bbody(b, _):
            slot = lax.rem(b, 2)
            _gather(b, slot, False).wait()

            @pl.when(b + 1 < nb)
            def _():
                _gather(b + 1, lax.rem(b + 1, 2), True)

            dbase = slot * BATCH

            def ebody(e, _):
                pv = lpk[pl.ds(b * BATCH + e, 16)][0]
                r = (pv >> 14) - lo
                vals = [data_v[dbase + e, pl.ds(kk * 16, 16)]
                        for kk in range(N_CH // 16)]
                for kk in range(N_CH // 16):
                    plsc.addupdate(acc.at[r, pl.ds(kk * 16, 16)], vals[kk])
                return 0

            lax.fori_loop(0, BATCH, ebody, 0)
            return 0

        lax.fori_loop(0, nb, bbody, 0)
        return fill - nb * BATCH

    def _chunk_copy(j, slot, start):
        mk = pltpu.async_copy if start else pltpu.make_async_copy
        base = lax.rem(j + wid, N_CHUNKS) * CHUNK_E
        return mk(epk_hbm.at[pl.ds(base, CHUNK_E)],
                  epk_v.at[pl.ds(slot * CHUNK_E, CHUNK_E)], semc)

    _chunk_copy(jnp.int32(0), jnp.int32(0), True)
    plo = lo * 16384
    phi = (lo + OWN) * 16384

    def cbody(j, fill):
        slot = lax.rem(j, 2)
        _chunk_copy(j, slot, False).wait()

        @pl.when(j + 1 < N_CHUNKS)
        def _():
            _chunk_copy(j + 1, lax.rem(j + 1, 2), True)

        sbase = slot * CHUNK_E

        def sbody(i8, fill):
            for u in range(8):
                ev = epk_v[pl.ds(sbase + i8 * 128 + u * 16, 16)]
                m = (ev >= plo) & (ev < phi)
                plsc.store_compressed(lpk.at[pl.ds(fill, 16)], ev, mask=m)
                fill = fill + plsc.all_reduce_population_count(m)[0]
            return fill

        fill = lax.fori_loop(0, CHUNK_E // 128, sbody, fill)
        nb = fill // BATCH
        rem = flush(fill, nb)
        mv = nb * BATCH
        for k in range(BATCH // 16):
            pv = lpk[pl.ds(mv + k * 16, 16)]
            plsc.store_compressed(lpk.at[pl.ds(k * 16, 16)], pv, mask=true16)
        return rem

    fill = lax.fori_loop(0, N_CHUNKS, cbody, jnp.int32(0))

    dummy16 = jnp.zeros((16,), jnp.int32) + (lo + OWN) * 16384
    for k in range(BATCH // 16):
        plsc.store_compressed(lpk.at[pl.ds(fill + k * 16, 16)], dummy16,
                              mask=true16)
    flush(fill, (fill + BATCH - 1) // BATCH)

    pltpu.sync_copy(acc.at[pl.ds(0, OWN)], s_hbm.at[pl.ds(lo, OWN)])



_ROWS_BLK = 1000
_N_BLKS = N_NODES // _ROWS_BLK


def _matmul_body(x_ref, w_ref, dis_ref, g_ref):
    g_ref[...] = jnp.dot(
        x_ref[...], w_ref[...],
        preferred_element_type=jnp.float32) * dis_ref[...]


def _matmul(x, W, dis2d):
    return pl.pallas_call(
        _matmul_body,
        grid=(_N_BLKS,),
        in_specs=[
            pl.BlockSpec((_ROWS_BLK, N_CH), lambda i: (i, 0)),
            pl.BlockSpec((N_CH, N_CH), lambda i: (0, 0)),
            pl.BlockSpec((_ROWS_BLK, 1), lambda i: (i, 0)),
        ],
        out_specs=pl.BlockSpec((_ROWS_BLK, N_CH), lambda i: (i, 0)),
        out_shape=jax.ShapeDtypeStruct((N_NODES, N_CH), jnp.float32),
    )(x, W, dis2d)


def _final_body(s_ref, g_ref, dis_ref, b_ref, o_ref):
    o_ref[...] = dis_ref[...] * (s_ref[...] + g_ref[...]) + b_ref[...]


def _final(S, g, dis2d, b2d):
    return pl.pallas_call(
        _final_body,
        grid=(_N_BLKS,),
        in_specs=[
            pl.BlockSpec((_ROWS_BLK, N_CH), lambda i: (i, 0)),
            pl.BlockSpec((_ROWS_BLK, N_CH), lambda i: (i, 0)),
            pl.BlockSpec((_ROWS_BLK, 1), lambda i: (i, 0)),
            pl.BlockSpec((1, N_CH), lambda i: (0, 0)),
        ],
        out_specs=pl.BlockSpec((_ROWS_BLK, N_CH), lambda i: (i, 0)),
        out_shape=jax.ShapeDtypeStruct((N_NODES, N_CH), jnp.float32),
    )(S, g, dis2d, b2d)


def kernel(x, edge_index, W, b):
    row = edge_index[0].astype(jnp.int32)
    col = edge_index[1].astype(jnp.int32)
    pad = E_PAD - N_EDGES
    row_p = jnp.concatenate([row, jnp.zeros((pad,), jnp.int32)])
    col_p = jnp.concatenate([col, jnp.full((pad,), PAD_COL, jnp.int32)])

    epk_p = col_p * jnp.int32(16384) + row_p
    dis = _deg_dis_kernel(col_p)
    dis2d = dis[:N_NODES].reshape(N_NODES, 1)
    g = _matmul(x, W, dis2d)
    S = _scatter_kernel(epk_p, g)
    return _final(S, g, dis2d, b.reshape(1, N_CH))

# --- scband reference (transcript-rebuilt; emitter-appended) ---
"""Pipeline reference for scband-gcnlayer-7464653160606 (READ-ONLY COPY).

The authoritative reference and input builder live on the scoring server;
editing this copy changes nothing except your own understanding.
"""

import jax, jax.numpy as jnp
import numpy as np

N_NODES = 10000
N_EDGES = 160000
IN_CH = 256
OUT_CH = 256


def setup_inputs(seed: int = 0) -> dict:
    key = jax.random.key(seed)
    k1, k2, k3, k4 = jax.random.split(key, 4)
    x = jax.random.normal(k1, (N_NODES, IN_CH), dtype=jnp.float32)
    edge_index = jax.random.randint(k2, (2, N_EDGES), 0, N_NODES, dtype=jnp.int64)
    # GCNConv learned params: weight [in, out] (glorot), bias [out] (zeros in PyG, use small randn)
    W = jax.random.normal(k3, (IN_CH, OUT_CH), dtype=jnp.float32) * (1.0 / np.sqrt(IN_CH))
    b = jnp.zeros((OUT_CH,), dtype=jnp.float32)
    return {"x": x, "edge_index": edge_index, "W": W, "b": b}


def reference(x, edge_index, W, b):
    # Faithful PyG GCNConv: add self-loops, symmetric normalization, linear transform, aggregate.
    n = x.shape[0]
    # 1) linear transform
    h = x @ W  # [N, out]
    # 2) add self-loops
    loops = jnp.arange(n, dtype=edge_index.dtype)
    row = jnp.concatenate([edge_index[0], loops])  # src
    col = jnp.concatenate([edge_index[1], loops])  # dst
    # 3) symmetric normalization: deg computed over dst (col) with edge_weight=1
    ones = jnp.ones(col.shape[0], dtype=h.dtype)
    deg = jax.ops.segment_sum(ones, col, num_segments=n)
    deg_inv_sqrt = jnp.where(deg > 0, jax.lax.rsqrt(deg), 0.0)
    norm = deg_inv_sqrt[row] * deg_inv_sqrt[col]  # [E+N]
    # 4) propagate: out[dst] += norm * h[src]
    msgs = h[row] * norm[:, None]
    out = jax.ops.segment_sum(msgs, col, num_segments=n)
    # 5) bias
    return out + b

if __name__ == "__main__":
    import jax
    _d = setup_inputs()
    print(jax.jit(kernel)(*tuple(_d.values())))

</pallas_src>

<mosaic_0001>
#map = affine_map<(d0, d1) -> (0)>
module attributes {stable_mosaic.version = 14 : i64} {
  func.func @_deg_dis_kernel(%arg0: i32, %arg1: i32, %arg2: memref<167936xi32, #tpu.memory_space<hbm>>, %arg3: memref<10240xf32, #tpu.memory_space<hbm>>, %arg4: memref<163840xf32, #tpu.memory_space<vmem_shared>>, %arg5: memref<16448xf32, #tpu.memory_space<vmem>>, %arg6: memref<10512xi32, #tpu.memory_space<vmem>>, %arg7: memref<5120xf32, #tpu.memory_space<vmem>>, %arg8: memref<320xf32, #tpu.memory_space<vmem>>) attributes {dimension_semantics = [#tpu.dimension_semantics<core_parallel>, #tpu.dimension_semantics<subcore_parallel>], iteration_bounds = array<i64: 2, 16>, scalar_prefetch = 0 : i64, scratch_operands = 5 : i64, tpu.core_type = #tpu.core_type<sc_vector_subcore>, window_params = [{transform_indices = #map}, {transform_indices = #map}]} {
    %broadcast_in_dim3A = arith.constant 0.000000e+00 : f32
    %broadcast_in_dim3A_0 = vector.broadcast %broadcast_in_dim3A : f32 to vector<16xf32>
    %broadcast_in_dim3A_1 = arith.constant true
    %broadcast_in_dim3A_2 = vector.broadcast %broadcast_in_dim3A_1 : i1 to vector<16xi1>
    %scan3A = arith.constant 0 : i32
    %scan3A_3 = arith.constant 0 : i32
    %scan3A_4 = arith.constant 1028 : i32
    %scan3A_5 = arith.addi %scan3A_3, %scan3A_4 : i32
    %scan3A_6 = arith.constant 1 : i32
    %scan3A_7 = scf.for %scan3A_1790 = %scan3A_3 to %scan3A_5 step %scan3A_6 iter_args(%scan3A_1791 = %scan3A) -> (i32)  : i32 {
      %mul3A_1792 = arith.constant 16 : i32
      %mul3A_1793 = arith.muli %scan3A_1790, %mul3A_1792 : i32
      %swap3A_1794 = arith.index_cast %mul3A_1793 : i32 to index
      %swap3A_1795 = tpu.vector_load %arg5[%swap3A_1794] masked %broadcast_in_dim3A_2 {strides = array<i32>} : memref<16448xf32, #tpu.memory_space<vmem>>, vector<16xf32>, vector<16xi1>
      tpu.vector_store %arg5[%swap3A_1794], %broadcast_in_dim3A_0 masked %broadcast_in_dim3A_2 {strides = array<i32>} : memref<16448xf32, #tpu.memory_space<vmem>>, vector<16xf32>, vector<16xi1>
      %scan3A_1796 = arith.constant 0 : i32
      scf.yield %scan3A_1796 : i32
    }
    %scan3A_8 = arith.constant 1028 : i32
    %mul3A = arith.constant 10496 : i32
    %mul3A_9 = arith.muli %arg1, %mul3A : i32
    "tpu.region"() ({
      %run_scoped3A = tpu.sem_alloc : memref<!tpu.dma_semaphore, #tpu.memory_space<semaphore_mem>>
      %dma_start3A = arith.constant 0 : i32
      %dma_start3A_1790 = tpu.memref_slice %arg6[%dma_start3A] : memref<10512xi32, #tpu.memory_space<vmem>> -> memref<10496xi32, #tpu.memory_space<vmem>>
      %dma_start3A_1791 = tpu.memref_slice %arg2[%mul3A_9] : memref<167936xi32, #tpu.memory_space<hbm>> -> memref<10496xi32, #tpu.memory_space<hbm>>
      %dma_start3A_1792 = arith.constant 0 : i32
      %dma_start3A_1793 = tpu.memref_slice %arg6[%dma_start3A_1792] : memref<10512xi32, #tpu.memory_space<vmem>> -> memref<10496xi32, #tpu.memory_space<vmem>>
      %dma_start3A_1794 = tpu.memref_slice %arg2[%mul3A_9] : memref<167936xi32, #tpu.memory_space<hbm>> -> memref<10496xi32, #tpu.memory_space<hbm>>
      tpu.enqueue_dma source(%dma_start3A_1794 : memref<10496xi32, #tpu.memory_space<hbm>>) target(%dma_start3A_1793 : memref<10496xi32, #tpu.memory_space<vmem>>) target_semaphore(%run_scoped3A : memref<!tpu.dma_semaphore, #tpu.memory_space<semaphore_mem>>)
      %dma_wait3A = arith.constant 0 : i32
      %dma_wait3A_1795 = tpu.memref_slice %arg6[%dma_wait3A] : memref<10512xi32, #tpu.memory_space<vmem>> -> memref<10496xi32, #tpu.memory_space<vmem>>
      %dma_wait3A_1796 = tpu.memref_slice %arg2[%mul3A_9] : memref<167936xi32, #tpu.memory_space<hbm>> -> memref<10496xi32, #tpu.memory_space<hbm>>
      %dma_wait3A_1797 = arith.constant 0 : i32
      %dma_wait3A_1798 = tpu.memref_slice %arg6[%dma_wait3A_1797] : memref<10512xi32, #tpu.memory_space<vmem>> -> memref<10496xi32, #tpu.memory_space<vmem>>
      %dma_wait3A_1799 = tpu.memref_slice %arg2[%mul3A_9] : memref<167936xi32, #tpu.memory_space<hbm>> -> memref<10496xi32, #tpu.memory_space<hbm>>
      tpu.wait_dma2 semaphore(%run_scoped3A : memref<!tpu.dma_semaphore, #tpu.memory_space<semaphore_mem>>) src(%dma_wait3A_1799 : memref<10496xi32, #tpu.memory_space<hbm>>) dst(%dma_wait3A_1798 : memref<10496xi32, #tpu.memory_space<vmem>>)
      tpu.yield
    }) : () -> ()
    %scan3A_10 = arith.constant 0 : i32
    %scan3A_11 = arith.constant 0 : i32
    %scan3A_12 = arith.constant 164 : i32
    %scan3A_13 = arith.addi %scan3A_11, %scan3A_12 : i32
    %scan3A_14 = arith.constant 1 : i32
    %scan3A_15 = scf.for %scan3A_1790 = %scan3A_11 to %scan3A_13 step %scan3A_14 iter_args(%scan3A_1791 = %scan3A_10) -> (i32)  : i32 {
      %mul3A_1792 = arith.constant 64 : i32
      %mul3A_1793 = arith.muli %scan3A_1790, %mul3A_1792 : i32
      %add3A_1794 = arith.constant 0 : i32
      %add3A_1795 = arith.addi %mul3A_1793, %add3A_1794 : i32
      %get3A_1796 = arith.index_cast %add3A_1795 : i32 to index
      %get3A_1797 = tpu.vector_load %arg6[%get3A_1796] {strides = array<i32>} : memref<10512xi32, #tpu.memory_space<vmem>>, vector<16xi32>,
      %broadcast_in_dim3A_1798 = arith.constant true
      %broadcast_in_dim3A_1799 = vector.broadcast %broadcast_in_dim3A_1798 : i1 to vector<16xi1>
      %unique3A, %unique3A_1800 = tpu.scan_count mask(%broadcast_in_dim3A_1799 : vector<16xi1>) value(%get3A_1797 : vector<16xi32>) : vector<16xi1>, vector<16xi32>
      %convert_element_type3A = arith.sitofp %unique3A_1800 : vector<16xi32> to vector<16xf32>
      tpu.vector_store_idx %arg5[%get3A_1797], %convert_element_type3A masked %unique3A {add = true} : memref<16448xf32, #tpu.memory_space<vmem>>[vector<16xi32>], vector<16xf32>, vector<16xi1>
      %mul3A_1801 = arith.constant 64 : i32
      %mul3A_1802 = arith.muli %scan3A_1790, %mul3A_1801 : i32
      %add3A_1803 = arith.constant 16 : i32
      %add3A_1804 = arith.addi %mul3A_1802, %add3A_1803 : i32
      %get3A_1805 = arith.index_cast %add3A_1804 : i32 to index
      %get3A_1806 = tpu.vector_load %arg6[%get3A_1805] {strides = array<i32>} : memref<10512xi32, #tpu.memory_space<vmem>>, vector<16xi32>,
      %broadcast_in_dim3A_1807 = arith.constant true
      %broadcast_in_dim3A_1808 = vector.broadcast %broadcast_in_dim3A_1807 : i1 to vector<16xi1>
      %unique3A_1809, %unique3A_1810 = tpu.scan_count mask(%broadcast_in_dim3A_1808 : vector<16xi1>) value(%get3A_1806 : vector<16xi32>) : vector<16xi1>, vector<16xi32>
      %convert_element_type3A_1811 = arith.sitofp %unique3A_1810 : vector<16xi32> to vector<16xf32>
      tpu.vector_store_idx %arg5[%get3A_1806], %convert_element_type3A_1811 masked %unique3A_1809 {add = true} : memref<16448xf32, #tpu.memory_space<vmem>>[vector<16xi32>], vector<16xf32>, vector<16xi1>
      %mul3A_1812 = arith.constant 64 : i32
      %mul3A_1813 = arith.muli %scan3A_1790, %mul3A_1812 : i32
      %add3A_1814 = arith.constant 32 : i32
      %add3A_1815 = arith.addi %mul3A_1813, %add3A_1814 : i32
      %get3A_1816 = arith.index_cast %add3A_1815 : i32 to index
      %get3A_1817 = tpu.vector_load %arg6[%get3A_1816] {strides = array<i32>} : memref<10512xi32, #tpu.memory_space<vmem>>, vector<16xi32>,
      %broadcast_in_dim3A_1818 = arith.constant true
      %broadcast_in_dim3A_1819 = vector.broadcast %broadcast_in_dim3A_1818 : i1 to vector<16xi1>
      %unique3A_1820, %unique3A_1821 = tpu.scan_count mask(%broadcast_in_dim3A_1819 : vector<16xi1>) value(%get3A_1817 : vector<16xi32>) : vector<16xi1>, vector<16xi32>
      %convert_element_type3A_1822 = arith.sitofp %unique3A_1821 : vector<16xi32> to vector<16xf32>
      tpu.vector_store_idx %arg5[%get3A_1817], %convert_element_type3A_1822 masked %unique3A_1820 {add = true} : memref<16448xf32, #tpu.memory_space<vmem>>[vector<16xi32>], vector<16xf32>, vector<16xi1>
      %mul3A_1823 = arith.constant 64 : i32
      %mul3A_1824 = arith.muli %scan3A_1790, %mul3A_1823 : i32
      %add3A_1825 = arith.constant 48 : i32
      %add3A_1826 = arith.addi %mul3A_1824, %add3A_1825 : i32
      %get3A_1827 = arith.index_cast %add3A_1826 : i32 to index
      %get3A_1828 = tpu.vector_load %arg6[%get3A_1827] {strides = array<i32>} : memref<10512xi32, #tpu.memory_space<vmem>>, vector<16xi32>,
      %broadcast_in_dim3A_1829 = arith.constant true
      %broadcast_in_dim3A_1830 = vector.broadcast %broadcast_in_dim3A_1829 : i1 to vector<16xi1>
      %unique3A_1831, %unique3A_1832 = tpu.scan_count mask(%broadcast_in_dim3A_1830 : vector<16xi1>) value(%get3A_1828 : vector<16xi32>) : vector<16xi1>, vector<16xi32>
      %convert_element_type3A_1833 = arith.sitofp %unique3A_1832 : vector<16xi32> to vector<16xf32>
      tpu.vector_store_idx %arg5[%get3A_1828], %convert_element_type3A_1833 masked %unique3A_1831 {add = true} : memref<16448xf32, #tpu.memory_space<vmem>>[vector<16xi32>], vector<16xf32>, vector<16xi1>
      %scan3A_1834 = arith.constant 0 : i32
      scf.yield %scan3A_1834 : i32
    }
    %scan3A_16 = arith.constant 164 : i32
    %mul3A_17 = arith.constant 10240 : i32
    %mul3A_18 = arith.muli %arg1, %mul3A_17 : i32
    "tpu.region"() ({
      %run_scoped3A = tpu.sem_alloc : memref<!tpu.dma_semaphore, #tpu.memory_space<semaphore_mem>>
      %dma_start3A = arith.constant 0 : i32
      %dma_start3A_1790 = tpu.memref_slice %arg5[%dma_start3A] : memref<16448xf32, #tpu.memory_space<vmem>> -> memref<10240xf32, #tpu.memory_space<vmem>>
      %dma_start3A_1791 = tpu.memref_slice %arg4[%mul3A_18] : memref<163840xf32, #tpu.memory_space<vmem_shared>> -> memref<10240xf32, #tpu.memory_space<vmem_shared>>
      %dma_start3A_1792 = tpu.memref_slice %arg4[%mul3A_18] : memref<163840xf32, #tpu.memory_space<vmem_shared>> -> memref<10240xf32, #tpu.memory_space<vmem_shared>>
      %dma_start3A_1793 = arith.constant 0 : i32
      %dma_start3A_1794 = tpu.memref_slice %arg5[%dma_start3A_1793] : memref<16448xf32, #tpu.memory_space<vmem>> -> memref<10240xf32, #tpu.memory_space<vmem>>
      tpu.enqueue_dma source(%dma_start3A_1794 : memref<10240xf32, #tpu.memory_space<vmem>>) target(%dma_start3A_1792 : memref<10240xf32, #tpu.memory_space<vmem_shared>>) target_semaphore(%run_scoped3A : memref<!tpu.dma_semaphore, #tpu.memory_space<semaphore_mem>>)
      %dma_wait3A = arith.constant 0 : i32
      %dma_wait3A_1795 = tpu.memref_slice %arg5[%dma_wait3A] : memref<16448xf32, #tpu.memory_space<vmem>> -> memref<10240xf32, #tpu.memory_space<vmem>>
      %dma_wait3A_1796 = tpu.memref_slice %arg4[%mul3A_18] : memref<163840xf32, #tpu.memory_space<vmem_shared>> -> memref<10240xf32, #tpu.memory_space<vmem_shared>>
      %dma_wait3A_1797 = tpu.memref_slice %arg4[%mul3A_18] : memref<163840xf32, #tpu.memory_space<vmem_shared>> -> memref<10240xf32, #tpu.memory_space<vmem_shared>>
      %dma_wait3A_1798 = arith.constant 0 : i32
      %dma_wait3A_1799 = tpu.memref_slice %arg5[%dma_wait3A_1798] : memref<16448xf32, #tpu.memory_space<vmem>> -> memref<10240xf32, #tpu.memory_space<vmem>>
      tpu.wait_dma2 semaphore(%run_scoped3A : memref<!tpu.dma_semaphore, #tpu.memory_space<semaphore_mem>>) src(%dma_wait3A_1799 : memref<10240xf32, #tpu.memory_space<vmem>>) dst(%dma_wait3A_1797 : memref<10240xf32, #tpu.memory_space<vmem_shared>>)
      tpu.yield
    }) : () -> ()
    %barrier3A = arith.constant 0 : index
    tpu.barrier barrier_id(%barrier3A)
    %mul3A_19 = arith.constant 5120 : i32
    %mul3A_20 = arith.muli %arg0, %mul3A_19 : i32
    %mul3A_21 = arith.constant 320 : i32
    %mul3A_22 = arith.muli %arg1, %mul3A_21 : i32
    %add3A = arith.addi %mul3A_20, %mul3A_22 : i32
    %add3A_23 = arith.constant 0 : i32
    %add3A_24 = arith.addi %add3A_23, %add3A : i32
    "tpu.region"() ({
      %run_scoped3A = tpu.sem_alloc : memref<!tpu.dma_semaphore, #tpu.memory_space<semaphore_mem>>
      %dma_start3A = arith.constant 0 : i32
      %dma_start3A_1790 = tpu.memref_slice %arg7[%dma_start3A] : memref<5120xf32, #tpu.memory_space<vmem>> -> memref<320xf32, #tpu.memory_space<vmem>>
      %dma_start3A_1791 = tpu.memref_slice %arg4[%add3A_24] : memref<163840xf32, #tpu.memory_space<vmem_shared>> -> memref<320xf32, #tpu.memory_space<vmem_shared>>
      %dma_start3A_1792 = arith.constant 0 : i32
      %dma_start3A_1793 = tpu.memref_slice %arg7[%dma_start3A_1792] : memref<5120xf32, #tpu.memory_space<vmem>> -> memref<320xf32, #tpu.memory_space<vmem>>
      %dma_start3A_1794 = tpu.memref_slice %arg4[%add3A_24] : memref<163840xf32, #tpu.memory_space<vmem_shared>> -> memref<320xf32, #tpu.memory_space<vmem_shared>>
      tpu.enqueue_dma source(%dma_start3A_1794 : memref<320xf32, #tpu.memory_space<vmem_shared>>) target(%dma_start3A_1793 : memref<320xf32, #tpu.memory_space<vmem>>) target_semaphore(%run_scoped3A : memref<!tpu.dma_semaphore, #tpu.memory_space<semaphore_mem>>)
      %dma_wait3A = arith.constant 0 : i32
      %dma_wait3A_1795 = tpu.memref_slice %arg7[%dma_wait3A] : memref<5120xf32, #tpu.memory_space<vmem>> -> memref<320xf32, #tpu.memory_space<vmem>>
      %dma_wait3A_1796 = tpu.memref_slice %arg4[%add3A_24] : memref<163840xf32, #tpu.memory_space<vmem_shared>> -> memref<320xf32, #tpu.memory_space<vmem_shared>>
      %dma_wait3A_1797 = arith.constant 0 : i32
      %dma_wait3A_1798 = tpu.memref_slice %arg7[%dma_wait3A_1797] : memref<5120xf32, #tpu.memory_space<vmem>> -> memref<320xf32, #tpu.memory_space<vmem>>
      %dma_wait3A_1799 = tpu.memref_slice %arg4[%add3A_24] : memref<163840xf32, #tpu.memory_space<vmem_shared>> -> memref<320xf32, #tpu.memory_space<vmem_shared>>
      tpu.wait_dma2 semaphore(%run_scoped3A : memref<!tpu.dma_semaphore, #tpu.memory_space<semaphore_mem>>) src(%dma_wait3A_1799 : memref<320xf32, #tpu.memory_space<vmem_shared>>) dst(%dma_wait3A_1798 : memref<320xf32, #tpu.memory_space<vmem>>)
      tpu.yield
    }) : () -> ()
    %add3A_25 = arith.constant 10240 : i32
    %add3A_26 = arith.addi %add3A_25, %add3A : i32
    "tpu.region"() ({
      %run_scoped3A = tpu.sem_alloc : memref<!tpu.dma_semaphore, #tpu.memory_space<semaphore_mem>>
      %dma_start3A = arith.constant 320 : i32
      %dma_start3A_1790 = tpu.memref_slice %arg7[%dma_start3A] : memref<5120xf32, #tpu.memory_space<vmem>> -> memref<320xf32, #tpu.memory_space<vmem>>
      %dma_start3A_1791 = tpu.memref_slice %arg4[%add3A_26] : memref<163840xf32, #tpu.memory_space<vmem_shared>> -> memref<320xf32, #tpu.memory_space<vmem_shared>>
      %dma_start3A_1792 = arith.constant 320 : i32
      %dma_start3A_1793 = tpu.memref_slice %arg7[%dma_start3A_1792] : memref<5120xf32, #tpu.memory_space<vmem>> -> memref<320xf32, #tpu.memory_space<vmem>>
      %dma_start3A_1794 = tpu.memref_slice %arg4[%add3A_26] : memref<163840xf32, #tpu.memory_space<vmem_shared>> -> memref<320xf32, #tpu.memory_space<vmem_shared>>
      tpu.enqueue_dma source(%dma_start3A_1794 : memref<320xf32, #tpu.memory_space<vmem_shared>>) target(%dma_start3A_1793 : memref<320xf32, #tpu.memory_space<vmem>>) target_semaphore(%run_scoped3A : memref<!tpu.dma_semaphore, #tpu.memory_space<semaphore_mem>>)
      %dma_wait3A = arith.constant 320 : i32
      %dma_wait3A_1795 = tpu.memref_slice %arg7[%dma_wait3A] : memref<5120xf32, #tpu.memory_space<vmem>> -> memref<320xf32, #tpu.memory_space<vmem>>
      %dma_wait3A_1796 = tpu.memref_slice %arg4[%add3A_26] : memref<163840xf32, #tpu.memory_space<vmem_shared>> -> memref<320xf32, #tpu.memory_space<vmem_shared>>
      %dma_wait3A_1797 = arith.constant 320 : i32
      %dma_wait3A_1798 = tpu.memref_slice %arg7[%dma_wait3A_1797] : memref<5120xf32, #tpu.memory_space<vmem>> -> memref<320xf32, #tpu.memory_space<vmem>>
      %dma_wait3A_1799 = tpu.memref_slice %arg4[%add3A_26] : memref<163840xf32, #tpu.memory_space<vmem_shared>> -> memref<320xf32, #tpu.memory_space<vmem_shared>>
      tpu.wait_dma2 semaphore(%run_scoped3A : memref<!tpu.dma_semaphore, #tpu.memory_space<semaphore_mem>>) src(%dma_wait3A_1799 : memref<320xf32, #tpu.memory_space<vmem_shared>>) dst(%dma_wait3A_1798 : memref<320xf32, #tpu.memory_space<vmem>>)
      tpu.yield
    }) : () -> ()
    %add3A_27 = arith.constant 20480 : i32
    %add3A_28 = arith.addi %add3A_27, %add3A : i32
    "tpu.region"() ({
      %run_scoped3A = tpu.sem_alloc : memref<!tpu.dma_semaphore, #tpu.memory_space<semaphore_mem>>
      %dma_start3A = arith.constant 640 : i32
      %dma_start3A_1790 = tpu.memref_slice %arg7[%dma_start3A] : memref<5120xf32, #tpu.memory_space<vmem>> -> memref<320xf32, #tpu.memory_space<vmem>>
      %dma_start3A_1791 = tpu.memref_slice %arg4[%add3A_28] : memref<163840xf32, #tpu.memory_space<vmem_shared>> -> memref<320xf32, #tpu.memory_space<vmem_shared>>
      %dma_start3A_1792 = arith.constant 640 : i32
      %dma_start3A_1793 = tpu.memref_slice %arg7[%dma_start3A_1792] : memref<5120xf32, #tpu.memory_space<vmem>> -> memref<320xf32, #tpu.memory_space<vmem>>
      %dma_start3A_1794 = tpu.memref_slice %arg4[%add3A_28] : memref<163840xf32, #tpu.memory_space<vmem_shared>> -> memref<320xf32, #tpu.memory_space<vmem_shared>>
      tpu.enqueue_dma source(%dma_start3A_1794 : memref<320xf32, #tpu.memory_space<vmem_shared>>) target(%dma_start3A_1793 : memref<320xf32, #tpu.memory_space<vmem>>) target_semaphore(%run_scoped3A : memref<!tpu.dma_semaphore, #tpu.memory_space<semaphore_mem>>)
      %dma_wait3A = arith.constant 640 : i32
      %dma_wait3A_1795 = tpu.memref_slice %arg7[%dma_wait3A] : memref<5120xf32, #tpu.memory_space<vmem>> -> memref<320xf32, #tpu.memory_space<vmem>>
      %dma_wait3A_1796 = tpu.memref_slice %arg4[%add3A_28] : memref<163840xf32, #tpu.memory_space<vmem_shared>> -> memref<320xf32, #tpu.memory_space<vmem_shared>>
      %dma_wait3A_1797 = arith.constant 640 : i32
      %dma_wait3A_1798 = tpu.memref_slice %arg7[%dma_wait3A_1797] : memref<5120xf32, #tpu.memory_space<vmem>> -> memref<320xf32, #tpu.memory_space<vmem>>
      %dma_wait3A_1799 = tpu.memref_slice %arg4[%add3A_28] : memref<163840xf32, #tpu.memory_space<vmem_shared>> -> memref<320xf32, #tpu.memory_space<vmem_shared>>
      tpu.wait_dma2 semaphore(%run_scoped3A : memref<!tpu.dma_semaphore, #tpu.memory_space<semaphore_mem>>) src(%dma_wait3A_1799 : memref<320xf32, #tpu.memory_space<vmem_shared>>) dst(%dma_wait3A_1798 : memref<320xf32, #tpu.memory_space<vmem>>)
      tpu.yield
    }) : () -> ()
    %add3A_29 = arith.constant 30720 : i32
    %add3A_30 = arith.addi %add3A_29, %add3A : i32
    "tpu.region"() ({
      %run_scoped3A = tpu.sem_alloc : memref<!tpu.dma_semaphore, #tpu.memory_space<semaphore_mem>>
      %dma_start3A = arith.constant 960 : i32
      %dma_start3A_1790 = tpu.memref_slice %arg7[%dma_start3A] : memref<5120xf32, #tpu.memory_space<vmem>> -> memref<320xf32, #tpu.memory_space<vmem>>
      %dma_start3A_1791 = tpu.memref_slice %arg4[%add3A_30] : memref<163840xf32, #tpu.memory_space<vmem_shared>> -> memref<320xf32, #tpu.memory_space<vmem_shared>>
      %dma_start3A_1792 = arith.constant 960 : i32
      %dma_start3A_1793 = tpu.memref_slice %arg7[%dma_start3A_1792] : memref<5120xf32, #tpu.memory_space<vmem>> -> memref<320xf32, #tpu.memory_space<vmem>>
      %dma_start3A_1794 = tpu.memref_slice %arg4[%add3A_30] : memref<163840xf32, #tpu.memory_space<vmem_shared>> -> memref<320xf32, #tpu.memory_space<vmem_shared>>
      tpu.enqueue_dma source(%dma_start3A_1794 : memref<320xf32, #tpu.memory_space<vmem_shared>>) target(%dma_start3A_1793 : memref<320xf32, #tpu.memory_space<vmem>>) target_semaphore(%run_scoped3A : memref<!tpu.dma_semaphore, #tpu.memory_space<semaphore_mem>>)
      %dma_wait3A = arith.constant 960 : i32
      %dma_wait3A_1795 = tpu.memref_slice %arg7[%dma_wait3A] : memref<5120xf32, #tpu.memory_space<vmem>> -> memref<320xf32, #tpu.memory_space<vmem>>
      %dma_wait3A_1796 = tpu.memref_slice %arg4[%add3A_30] : memref<163840xf32, #tpu.memory_space<vmem_shared>> -> memref<320xf32, #tpu.memory_space<vmem_shared>>
      %dma_wait3A_1797 = arith.constant 960 : i32
      %dma_wait3A_1798 = tpu.memref_slice %arg7[%dma_wait3A_1797] : memref<5120xf32, #tpu.memory_space<vmem>> -> memref<320xf32, #tpu.memory_space<vmem>>
      %dma_wait3A_1799 = tpu.memref_slice %arg4[%add3A_30] : memref<163840xf32, #tpu.memory_space<vmem_shared>> -> memref<320xf32, #tpu.memory_space<vmem_shared>>
      tpu.wait_dma2 semaphore(%run_scoped3A : memref<!tpu.dma_semaphore, #tpu.memory_space<semaphore_mem>>) src(%dma_wait3A_1799 : memref<320xf32, #tpu.memory_space<vmem_shared>>) dst(%dma_wait3A_1798 : memref<320xf32, #tpu.memory_space<vmem>>)
      tpu.yield
    }) : () -> ()
    %add3A_31 = arith.constant 40960 : i32
    %add3A_32 = arith.addi %add3A_31, %add3A : i32
    "tpu.region"() ({
      %run_scoped3A = tpu.sem_alloc : memref<!tpu.dma_semaphore, #tpu.memory_space<semaphore_mem>>
      %dma_start3A = arith.constant 1280 : i32
      %dma_start3A_1790 = tpu.memref_slice %arg7[%dma_start3A] : memref<5120xf32, #tpu.memory_space<vmem>> -> memref<320xf32, #tpu.memory_space<vmem>>
      %dma_start3A_1791 = tpu.memref_slice %arg4[%add3A_32] : memref<163840xf32, #tpu.memory_space<vmem_shared>> -> memref<320xf32, #tpu.memory_space<vmem_shared>>
      %dma_start3A_1792 = arith.constant 1280 : i32
      %dma_start3A_1793 = tpu.memref_slice %arg7[%dma_start3A_1792] : memref<5120xf32, #tpu.memory_space<vmem>> -> memref<320xf32, #tpu.memory_space<vmem>>
      %dma_start3A_1794 = tpu.memref_slice %arg4[%add3A_32] : memref<163840xf32, #tpu.memory_space<vmem_shared>> -> memref<320xf32, #tpu.memory_space<vmem_shared>>
      tpu.enqueue_dma source(%dma_start3A_1794 : memref<320xf32, #tpu.memory_space<vmem_shared>>) target(%dma_start3A_1793 : memref<320xf32, #tpu.memory_space<vmem>>) target_semaphore(%run_scoped3A : memref<!tpu.dma_semaphore, #tpu.memory_space<semaphore_mem>>)
      %dma_wait3A = arith.constant 1280 : i32
      %dma_wait3A_1795 = tpu.memref_slice %arg7[%dma_wait3A] : memref<5120xf32, #tpu.memory_space<vmem>> -> memref<320xf32, #tpu.memory_space<vmem>>
      %dma_wait3A_1796 = tpu.memref_slice %arg4[%add3A_32] : memref<163840xf32, #tpu.memory_space<vmem_shared>> -> memref<320xf32, #tpu.memory_space<vmem_shared>>
      %dma_wait3A_1797 = arith.constant 1280 : i32
      %dma_wait3A_1798 = tpu.memref_slice %arg7[%dma_wait3A_1797] : memref<5120xf32, #tpu.memory_space<vmem>> -> memref<320xf32, #tpu.memory_space<vmem>>
      %dma_wait3A_1799 = tpu.memref_slice %arg4[%add3A_32] : memref<163840xf32, #tpu.memory_space<vmem_shared>> -> memref<320xf32, #tpu.memory_space<vmem_shared>>
      tpu.wait_dma2 semaphore(%run_scoped3A : memref<!tpu.dma_semaphore, #tpu.memory_space<semaphore_mem>>) src(%dma_wait3A_1799 : memref<320xf32, #tpu.memory_space<vmem_shared>>) dst(%dma_wait3A_1798 : memref<320xf32, #tpu.memory_space<vmem>>)
      tpu.yield
    }) : () -> ()
    %add3A_33 = arith.constant 51200 : i32
    %add3A_34 = arith.addi %add3A_33, %add3A : i32
    "tpu.region"() ({
      %run_scoped3A = tpu.sem_alloc : memref<!tpu.dma_semaphore, #tpu.memory_space<semaphore_mem>>
      %dma_start3A = arith.constant 1600 : i32
      %dma_start3A_1790 = tpu.memref_slice %arg7[%dma_start3A] : memref<5120xf32, #tpu.memory_space<vmem>> -> memref<320xf32, #tpu.memory_space<vmem>>
      %dma_start3A_1791 = tpu.memref_slice %arg4[%add3A_34] : memref<163840xf32, #tpu.memory_space<vmem_shared>> -> memref<320xf32, #tpu.memory_space<vmem_shared>>
      %dma_start3A_1792 = arith.constant 1600 : i32
      %dma_start3A_1793 = tpu.memref_slice %arg7[%dma_start3A_1792] : memref<5120xf32, #tpu.memory_space<vmem>> -> memref<320xf32, #tpu.memory_space<vmem>>
      %dma_start3A_1794 = tpu.memref_slice %arg4[%add3A_34] : memref<163840xf32, #tpu.memory_space<vmem_shared>> -> memref<320xf32, #tpu.memory_space<vmem_shared>>
      tpu.enqueue_dma source(%dma_start3A_1794 : memref<320xf32, #tpu.memory_space<vmem_shared>>) target(%dma_start3A_1793 : memref<320xf32, #tpu.memory_space<vmem>>) target_semaphore(%run_scoped3A : memref<!tpu.dma_semaphore, #tpu.memory_space<semaphore_mem>>)
      %dma_wait3A = arith.constant 1600 : i32
      %dma_wait3A_1795 = tpu.memref_slice %arg7[%dma_wait3A] : memref<5120xf32, #tpu.memory_space<vmem>> -> memref<320xf32, #tpu.memory_space<vmem>>
      %dma_wait3A_1796 = tpu.memref_slice %arg4[%add3A_34] : memref<163840xf32, #tpu.memory_space<vmem_shared>> -> memref<320xf32, #tpu.memory_space<vmem_shared>>
      %dma_wait3A_1797 = arith.constant 1600 : i32
      %dma_wait3A_1798 = tpu.memref_slice %arg7[%dma_wait3A_1797] : memref<5120xf32, #tpu.memory_space<vmem>> -> memref<320xf32, #tpu.memory_space<vmem>>
      %dma_wait3A_1799 = tpu.memref_slice %arg4[%add3A_34] : memref<163840xf32, #tpu.memory_space<vmem_shared>> -> memref<320xf32, #tpu.memory_space<vmem_shared>>
      tpu.wait_dma2 semaphore(%run_scoped3A : memref<!tpu.dma_semaphore, #tpu.memory_space<semaphore_mem>>) src(%dma_wait3A_1799 : memref<320xf32, #tpu.memory_space<vmem_shared>>) dst(%dma_wait3A_1798 : memref<320xf32, #tpu.memory_space<vmem>>)
      tpu.yield
    }) : () -> ()
    %add3A_35 = arith.constant 61440 : i32
    %add3A_36 = arith.addi %add3A_35, %add3A : i32
    "tpu.region"() ({
      %run_scoped3A = tpu.sem_alloc : memref<!tpu.dma_semaphore, #tpu.memory_space<semaphore_mem>>
      %dma_start3A = arith.constant 1920 : i32
      %dma_start3A_1790 = tpu.memref_slice %arg7[%dma_start3A] : memref<5120xf32, #tpu.memory_space<vmem>> -> memref<320xf32, #tpu.memory_space<vmem>>
      %dma_start3A_1791 = tpu.memref_slice %arg4[%add3A_36] : memref<163840xf32, #tpu.memory_space<vmem_shared>> -> memref<320xf32, #tpu.memory_space<vmem_shared>>
      %dma_start3A_1792 = arith.constant 1920 : i32
      %dma_start3A_1793 = tpu.memref_slice %arg7[%dma_start3A_1792] : memref<5120xf32, #tpu.memory_space<vmem>> -> memref<320xf32, #tpu.memory_space<vmem>>
      %dma_start3A_1794 = tpu.memref_slice %arg4[%add3A_36] : memref<163840xf32, #tpu.memory_space<vmem_shared>> -> memref<320xf32, #tpu.memory_space<vmem_shared>>
      tpu.enqueue_dma source(%dma_start3A_1794 : memref<320xf32, #tpu.memory_space<vmem_shared>>) target(%dma_start3A_1793 : memref<320xf32, #tpu.memory_space<vmem>>) target_semaphore(%run_scoped3A : memref<!tpu.dma_semaphore, #tpu.memory_space<semaphore_mem>>)
      %dma_wait3A = arith.constant 1920 : i32
      %dma_wait3A_1795 = tpu.memref_slice %arg7[%dma_wait3A] : memref<5120xf32, #tpu.memory_space<vmem>> -> memref<320xf32, #tpu.memory_space<vmem>>
      %dma_wait3A_1796 = tpu.memref_slice %arg4[%add3A_36] : memref<163840xf32, #tpu.memory_space<vmem_shared>> -> memref<320xf32, #tpu.memory_space<vmem_shared>>
      %dma_wait3A_1797 = arith.constant 1920 : i32
      %dma_wait3A_1798 = tpu.memref_slice %arg7[%dma_wait3A_1797] : memref<5120xf32, #tpu.memory_space<vmem>> -> memref<320xf32, #tpu.memory_space<vmem>>
      %dma_wait3A_1799 = tpu.memref_slice %arg4[%add3A_36] : memref<163840xf32, #tpu.memory_space<vmem_shared>> -> memref<320xf32, #tpu.memory_space<vmem_shared>>
      tpu.wait_dma2 semaphore(%run_scoped3A : memref<!tpu.dma_semaphore, #tpu.memory_space<semaphore_mem>>) src(%dma_wait3A_1799 : memref<320xf32, #tpu.memory_space<vmem_shared>>) dst(%dma_wait3A_1798 : memref<320xf32, #tpu.memory_space<vmem>>)
      tpu.yield
    }) : () -> ()
    %add3A_37 = arith.constant 71680 : i32
    %add3A_38 = arith.addi %add3A_37, %add3A : i32
    "tpu.region"() ({
      %run_scoped3A = tpu.sem_alloc : memref<!tpu.dma_semaphore, #tpu.memory_space<semaphore_mem>>
      %dma_start3A = arith.constant 2240 : i32
      %dma_start3A_1790 = tpu.memref_slice %arg7[%dma_start3A] : memref<5120xf32, #tpu.memory_space<vmem>> -> memref<320xf32, #tpu.memory_space<vmem>>
      %dma_start3A_1791 = tpu.memref_slice %arg4[%add3A_38] : memref<163840xf32, #tpu.memory_space<vmem_shared>> -> memref<320xf32, #tpu.memory_space<vmem_shared>>
      %dma_start3A_1792 = arith.constant 2240 : i32
      %dma_start3A_1793 = tpu.memref_slice %arg7[%dma_start3A_1792] : memref<5120xf32, #tpu.memory_space<vmem>> -> memref<320xf32, #tpu.memory_space<vmem>>
      %dma_start3A_1794 = tpu.memref_slice %arg4[%add3A_38] : memref<163840xf32, #tpu.memory_space<vmem_shared>> -> memref<320xf32, #tpu.memory_space<vmem_shared>>
      tpu.enqueue_dma source(%dma_start3A_1794 : memref<320xf32, #tpu.memory_space<vmem_shared>>) target(%dma_start3A_1793 : memref<320xf32, #tpu.memory_space<vmem>>) target_semaphore(%run_scoped3A : memref<!tpu.dma_semaphore, #tpu.memory_space<semaphore_mem>>)
      %dma_wait3A = arith.constant 2240 : i32
      %dma_wait3A_1795 = tpu.memref_slice %arg7[%dma_wait3A] : memref<5120xf32, #tpu.memory_space<vmem>> -> memref<320xf32, #tpu.memory_space<vmem>>
      %dma_wait3A_1796 = tpu.memref_slice %arg4[%add3A_38] : memref<163840xf32, #tpu.memory_space<vmem_shared>> -> memref<320xf32, #tpu.memory_space<vmem_shared>>
      %dma_wait3A_1797 = arith.constant 2240 : i32
      %dma_wait3A_1798 = tpu.memref_slice %arg7[%dma_wait3A_1797] : memref<5120xf32, #tpu.memory_space<vmem>> -> memref<320xf32, #tpu.memory_space<vmem>>
      %dma_wait3A_1799 = tpu.memref_slice %arg4[%add3A_38] : memref<163840xf32, #tpu.memory_space<vmem_shared>> -> memref<320xf32, #tpu.memory_space<vmem_shared>>
      tpu.wait_dma2 semaphore(%run_scoped3A : memref<!tpu.dma_semaphore, #tpu.memory_space<semaphore_mem>>) src(%dma_wait3A_1799 : memref<320xf32, #tpu.memory_space<vmem_shared>>) dst(%dma_wait3A_1798 : memref<320xf32, #tpu.memory_space<vmem>>)
      tpu.yield
    }) : () -> ()
    %add3A_39 = arith.constant 81920 : i32
    %add3A_40 = arith.addi %add3A_39, %add3A : i32
    "tpu.region"() ({
      %run_scoped3A = tpu.sem_alloc : memref<!tpu.dma_semaphore, #tpu.memory_space<semaphore_mem>>
      %dma_start3A = arith.constant 2560 : i32
      %dma_start3A_1790 = tpu.memref_slice %arg7[%dma_start3A] : memref<5120xf32, #tpu.memory_space<vmem>> -> memref<320xf32, #tpu.memory_space<vmem>>
      %dma_start3A_1791 = tpu.memref_slice %arg4[%add3A_40] : memref<163840xf32, #tpu.memory_space<vmem_shared>> -> memref<320xf32, #tpu.memory_space<vmem_shared>>
      %dma_start3A_1792 = arith.constant 2560 : i32
      %dma_start3A_1793 = tpu.memref_slice %arg7[%dma_start3A_1792] : memref<5120xf32, #tpu.memory_space<vmem>> -> memref<320xf32, #tpu.memory_space<vmem>>
      %dma_start3A_1794 = tpu.memref_slice %arg4[%add3A_40] : memref<163840xf32, #tpu.memory_space<vmem_shared>> -> memref<320xf32, #tpu.memory_space<vmem_shared>>
      tpu.enqueue_dma source(%dma_start3A_1794 : memref<320xf32, #tpu.memory_space<vmem_shared>>) target(%dma_start3A_1793 : memref<320xf32, #tpu.memory_space<vmem>>) target_semaphore(%run_scoped3A : memref<!tpu.dma_semaphore, #tpu.memory_space<semaphore_mem>>)
      %dma_wait3A = arith.constant 2560 : i32
      %dma_wait3A_1795 = tpu.memref_slice %arg7[%dma_wait3A] : memref<5120xf32, #tpu.memory_space<vmem>> -> memref<320xf32, #tpu.memory_space<vmem>>
      %dma_wait3A_1796 = tpu.memref_slice %arg4[%add3A_40] : memref<163840xf32, #tpu.memory_space<vmem_shared>> -> memref<320xf32, #tpu.memory_space<vmem_shared>>
      %dma_wait3A_1797 = arith.constant 2560 : i32
      %dma_wait3A_1798 = tpu.memref_slice %arg7[%dma_wait3A_1797] : memref<5120xf32, #tpu.memory_space<vmem>> -> memref<320xf32, #tpu.memory_space<vmem>>
      %dma_wait3A_1799 = tpu.memref_slice %arg4[%add3A_40] : memref<163840xf32, #tpu.memory_space<vmem_shared>> -> memref<320xf32, #tpu.memory_space<vmem_shared>>
      tpu.wait_dma2 semaphore(%run_scoped3A : memref<!tpu.dma_semaphore, #tpu.memory_space<semaphore_mem>>) src(%dma_wait3A_1799 : memref<320xf32, #tpu.memory_space<vmem_shared>>) dst(%dma_wait3A_1798 : memref<320xf32, #tpu.memory_space<vmem>>)
      tpu.yield
    }) : () -> ()
    %add3A_41 = arith.constant 92160 : i32
    %add3A_42 = arith.addi %add3A_41, %add3A : i32
    "tpu.region"() ({
      %run_scoped3A = tpu.sem_alloc : memref<!tpu.dma_semaphore, #tpu.memory_space<semaphore_mem>>
      %dma_start3A = arith.constant 2880 : i32
      %dma_start3A_1790 = tpu.memref_slice %arg7[%dma_start3A] : memref<5120xf32, #tpu.memory_space<vmem>> -> memref<320xf32, #tpu.memory_space<vmem>>
      %dma_start3A_1791 = tpu.memref_slice %arg4[%add3A_42] : memref<163840xf32, #tpu.memory_space<vmem_shared>> -> memref<320xf32, #tpu.memory_space<vmem_shared>>
      %dma_start3A_1792 = arith.constant 2880 : i32
      %dma_start3A_1793 = tpu.memref_slice %arg7[%dma_start3A_1792] : memref<5120xf32, #tpu.memory_space<vmem>> -> memref<320xf32, #tpu.memory_space<vmem>>
      %dma_start3A_1794 = tpu.memref_slice %arg4[%add3A_42] : memref<163840xf32, #tpu.memory_space<vmem_shared>> -> memref<320xf32, #tpu.memory_space<vmem_shared>>
      tpu.enqueue_dma source(%dma_start3A_1794 : memref<320xf32, #tpu.memory_space<vmem_shared>>) target(%dma_start3A_1793 : memref<320xf32, #tpu.memory_space<vmem>>) target_semaphore(%run_scoped3A : memref<!tpu.dma_semaphore, #tpu.memory_space<semaphore_mem>>)
      %dma_wait3A = arith.constant 2880 : i32
      %dma_wait3A_1795 = tpu.memref_slice %arg7[%dma_wait3A] : memref<5120xf32, #tpu.memory_space<vmem>> -> memref<320xf32, #tpu.memory_space<vmem>>
      %dma_wait3A_1796 = tpu.memref_slice %arg4[%add3A_42] : memref<163840xf32, #tpu.memory_space<vmem_shared>> -> memref<320xf32, #tpu.memory_space<vmem_shared>>
      %dma_wait3A_1797 = arith.constant 2880 : i32
      %dma_wait3A_1798 = tpu.memref_slice %arg7[%dma_wait3A_1797] : memref<5120xf32, #tpu.memory_space<vmem>> -> memref<320xf32, #tpu.memory_space<vmem>>
      %dma_wait3A_1799 = tpu.memref_slice %arg4[%add3A_42] : memref<163840xf32, #tpu.memory_space<vmem_shared>> -> memref<320xf32, #tpu.memory_space<vmem_shared>>
      tpu.wait_dma2 semaphore(%run_scoped3A : memref<!tpu.dma_semaphore, #tpu.memory_space<semaphore_mem>>) src(%dma_wait3A_1799 : memref<320xf32, #tpu.memory_space<vmem_shared>>) dst(%dma_wait3A_1798 : memref<320xf32, #tpu.memory_space<vmem>>)
      tpu.yield
    }) : () -> ()
    %add3A_43 = arith.constant 102400 : i32
    %add3A_44 = arith.addi %add3A_43, %add3A : i32
    "tpu.region"() ({
      %run_scoped3A = tpu.sem_alloc : memref<!tpu.dma_semaphore, #tpu.memory_space<semaphore_mem>>
      %dma_start3A = arith.constant 3200 : i32
      %dma_start3A_1790 = tpu.memref_slice %arg7[%dma_start3A] : memref<5120xf32, #tpu.memory_space<vmem>> -> memref<320xf32, #tpu.memory_space<vmem>>
      %dma_start3A_1791 = tpu.memref_slice %arg4[%add3A_44] : memref<163840xf32, #tpu.memory_space<vmem_shared>> -> memref<320xf32, #tpu.memory_space<vmem_shared>>
      %dma_start3A_1792 = arith.constant 3200 : i32
      %dma_start3A_1793 = tpu.memref_slice %arg7[%dma_start3A_1792] : memref<5120xf32, #tpu.memory_space<vmem>> -> memref<320xf32, #tpu.memory_space<vmem>>
      %dma_start3A_1794 = tpu.memref_slice %arg4[%add3A_44] : memref<163840xf32, #tpu.memory_space<vmem_shared>> -> memref<320xf32, #tpu.memory_space<vmem_shared>>
      tpu.enqueue_dma source(%dma_start3A_1794 : memref<320xf32, #tpu.memory_space<vmem_shared>>) target(%dma_start3A_1793 : memref<320xf32, #tpu.memory_space<vmem>>) target_semaphore(%run_scoped3A : memref<!tpu.dma_semaphore, #tpu.memory_space<semaphore_mem>>)
      %dma_wait3A = arith.constant 3200 : i32
      %dma_wait3A_1795 = tpu.memref_slice %arg7[%dma_wait3A] : memref<5120xf32, #tpu.memory_space<vmem>> -> memref<320xf32, #tpu.memory_space<vmem>>
      %dma_wait3A_1796 = tpu.memref_slice %arg4[%add3A_44] : memref<163840xf32, #tpu.memory_space<vmem_shared>> -> memref<320xf32, #tpu.memory_space<vmem_shared>>
      %dma_wait3A_1797 = arith.constant 3200 : i32
      %dma_wait3A_1798 = tpu.memref_slice %arg7[%dma_wait3A_1797] : memref<5120xf32, #tpu.memory_space<vmem>> -> memref<320xf32, #tpu.memory_space<vmem>>
      %dma_wait3A_1799 = tpu.memref_slice %arg4[%add3A_44] : memref<163840xf32, #tpu.memory_space<vmem_shared>> -> memref<320xf32, #tpu.memory_space<vmem_shared>>
      tpu.wait_dma2 semaphore(%run_scoped3A : memref<!tpu.dma_semaphore, #tpu.memory_space<semaphore_mem>>) src(%dma_wait3A_1799 : memref<320xf32, #tpu.memory_space<vmem_shared>>) dst(%dma_wait3A_1798 : memref<320xf32, #tpu.memory_space<vmem>>)
      tpu.yield
    }) : () -> ()
    %add3A_45 = arith.constant 112640 : i32
    %add3A_46 = arith.addi %add3A_45, %add3A : i32
    "tpu.region"() ({
      %run_scoped3A = tpu.sem_alloc : memref<!tpu.dma_semaphore, #tpu.memory_space<semaphore_mem>>
      %dma_start3A = arith.constant 3520 : i32
      %dma_start3A_1790 = tpu.memref_slice %arg7[%dma_start3A] : memref<5120xf32, #tpu.memory_space<vmem>> -> memref<320xf32, #tpu.memory_space<vmem>>
      %dma_start3A_1791 = tpu.memref_slice %arg4[%add3A_46] : memref<163840xf32, #tpu.memory_space<vmem_shared>> -> memref<320xf32, #tpu.memory_space<vmem_shared>>
      %dma_start3A_1792 = arith.constant 3520 : i32
      %dma_start3A_1793 = tpu.memref_slice %arg7[%dma_start3A_1792] : memref<5120xf32, #tpu.memory_space<vmem>> -> memref<320xf32, #tpu.memory_space<vmem>>
      %dma_start3A_1794 = tpu.memref_slice %arg4[%add3A_46] : memref<163840xf32, #tpu.memory_space<vmem_shared>> -> memref<320xf32, #tpu.memory_space<vmem_shared>>
      tpu.enqueue_dma source(%dma_start3A_1794 : memref<320xf32, #tpu.memory_space<vmem_shared>>) target(%dma_start3A_1793 : memref<320xf32, #tpu.memory_space<vmem>>) target_semaphore(%run_scoped3A : memref<!tpu.dma_semaphore, #tpu.memory_space<semaphore_mem>>)
      %dma_wait3A = arith.constant 3520 : i32
      %dma_wait3A_1795 = tpu.memref_slice %arg7[%dma_wait3A] : memref<5120xf32, #tpu.memory_space<vmem>> -> memref<320xf32, #tpu.memory_space<vmem>>
      %dma_wait3A_1796 = tpu.memref_slice %arg4[%add3A_46] : memref<163840xf32, #tpu.memory_space<vmem_shared>> -> memref<320xf32, #tpu.memory_space<vmem_shared>>
      %dma_wait3A_1797 = arith.constant 3520 : i32
      %dma_wait3A_1798 = tpu.memref_slice %arg7[%dma_wait3A_1797] : memref<5120xf32, #tpu.memory_space<vmem>> -> memref<320xf32, #tpu.memory_space<vmem>>
      %dma_wait3A_1799 = tpu.memref_slice %arg4[%add3A_46] : memref<163840xf32, #tpu.memory_space<vmem_shared>> -> memref<320xf32, #tpu.memory_space<vmem_shared>>
      tpu.wait_dma2 semaphore(%run_scoped3A : memref<!tpu.dma_semaphore, #tpu.memory_space<semaphore_mem>>) src(%dma_wait3A_1799 : memref<320xf32, #tpu.memory_space<vmem_shared>>) dst(%dma_wait3A_1798 : memref<320xf32, #tpu.memory_space<vmem>>)
      tpu.yield
    }) : () -> ()
    %add3A_47 = arith.constant 122880 : i32
    %add3A_48 = arith.addi %add3A_47, %add3A : i32
    "tpu.region"() ({
      %run_scoped3A = tpu.sem_alloc : memref<!tpu.dma_semaphore, #tpu.memory_space<semaphore_mem>>
      %dma_start3A = arith.constant 3840 : i32
      %dma_start3A_1790 = tpu.memref_slice %arg7[%dma_start3A] : memref<5120xf32, #tpu.memory_space<vmem>> -> memref<320xf32, #tpu.memory_space<vmem>>
      %dma_start3A_1791 = tpu.memref_slice %arg4[%add3A_48] : memref<163840xf32, #tpu.memory_space<vmem_shared>> -> memref<320xf32, #tpu.memory_space<vmem_shared>>
      %dma_start3A_1792 = arith.constant 3840 : i32
      %dma_start3A_1793 = tpu.memref_slice %arg7[%dma_start3A_1792] : memref<5120xf32, #tpu.memory_space<vmem>> -> memref<320xf32, #tpu.memory_space<vmem>>
      %dma_start3A_1794 = tpu.memref_slice %arg4[%add3A_48] : memref<163840xf32, #tpu.memory_space<vmem_shared>> -> memref<320xf32, #tpu.memory_space<vmem_shared>>
      tpu.enqueue_dma source(%dma_start3A_1794 : memref<320xf32, #tpu.memory_space<vmem_shared>>) target(%dma_start3A_1793 : memref<320xf32, #tpu.memory_space<vmem>>) target_semaphore(%run_scoped3A : memref<!tpu.dma_semaphore, #tpu.memory_space<semaphore_mem>>)
      %dma_wait3A = arith.constant 3840 : i32
      %dma_wait3A_1795 = tpu.memref_slice %arg7[%dma_wait3A] : memref<5120xf32, #tpu.memory_space<vmem>> -> memref<320xf32, #tpu.memory_space<vmem>>
      %dma_wait3A_1796 = tpu.memref_slice %arg4[%add3A_48] : memref<163840xf32, #tpu.memory_space<vmem_shared>> -> memref<320xf32, #tpu.memory_space<vmem_shared>>
      %dma_wait3A_1797 = arith.constant 3840 : i32
      %dma_wait3A_1798 = tpu.memref_slice %arg7[%dma_wait3A_1797] : memref<5120xf32, #tpu.memory_space<vmem>> -> memref<320xf32, #tpu.memory_space<vmem>>
      %dma_wait3A_1799 = tpu.memref_slice %arg4[%add3A_48] : memref<163840xf32, #tpu.memory_space<vmem_shared>> -> memref<320xf32, #tpu.memory_space<vmem_shared>>
      tpu.wait_dma2 semaphore(%run_scoped3A : memref<!tpu.dma_semaphore, #tpu.memory_space<semaphore_mem>>) src(%dma_wait3A_1799 : memref<320xf32, #tpu.memory_space<vmem_shared>>) dst(%dma_wait3A_1798 : memref<320xf32, #tpu.memory_space<vmem>>)
      tpu.yield
    }) : () -> ()
    %add3A_49 = arith.constant 133120 : i32
    %add3A_50 = arith.addi %add3A_49, %add3A : i32
    "tpu.region"() ({
      %run_scoped3A = tpu.sem_alloc : memref<!tpu.dma_semaphore, #tpu.memory_space<semaphore_mem>>
      %dma_start3A = arith.constant 4160 : i32
      %dma_start3A_1790 = tpu.memref_slice %arg7[%dma_start3A] : memref<5120xf32, #tpu.memory_space<vmem>> -> memref<320xf32, #tpu.memory_space<vmem>>
      %dma_start3A_1791 = tpu.memref_slice %arg4[%add3A_50] : memref<163840xf32, #tpu.memory_space<vmem_shared>> -> memref<320xf32, #tpu.memory_space<vmem_shared>>
      %dma_start3A_1792 = arith.constant 4160 : i32
      %dma_start3A_1793 = tpu.memref_slice %arg7[%dma_start3A_1792] : memref<5120xf32, #tpu.memory_space<vmem>> -> memref<320xf32, #tpu.memory_space<vmem>>
      %dma_start3A_1794 = tpu.memref_slice %arg4[%add3A_50] : memref<163840xf32, #tpu.memory_space<vmem_shared>> -> memref<320xf32, #tpu.memory_space<vmem_shared>>
      tpu.enqueue_dma source(%dma_start3A_1794 : memref<320xf32, #tpu.memory_space<vmem_shared>>) target(%dma_start3A_1793 : memref<320xf32, #tpu.memory_space<vmem>>) target_semaphore(%run_scoped3A : memref<!tpu.dma_semaphore, #tpu.memory_space<semaphore_mem>>)
      %dma_wait3A = arith.constant 4160 : i32
      %dma_wait3A_1795 = tpu.memref_slice %arg7[%dma_wait3A] : memref<5120xf32, #tpu.memory_space<vmem>> -> memref<320xf32, #tpu.memory_space<vmem>>
      %dma_wait3A_1796 = tpu.memref_slice %arg4[%add3A_50] : memref<163840xf32, #tpu.memory_space<vmem_shared>> -> memref<320xf32, #tpu.memory_space<vmem_shared>>
      %dma_wait3A_1797 = arith.constant 4160 : i32
      %dma_wait3A_1798 = tpu.memref_slice %arg7[%dma_wait3A_1797] : memref<5120xf32, #tpu.memory_space<vmem>> -> memref<320xf32, #tpu.memory_space<vmem>>
      %dma_wait3A_1799 = tpu.memref_slice %arg4[%add3A_50] : memref<163840xf32, #tpu.memory_space<vmem_shared>> -> memref<320xf32, #tpu.memory_space<vmem_shared>>
      tpu.wait_dma2 semaphore(%run_scoped3A : memref<!tpu.dma_semaphore, #tpu.memory_space<semaphore_mem>>) src(%dma_wait3A_1799 : memref<320xf32, #tpu.memory_space<vmem_shared>>) dst(%dma_wait3A_1798 : memref<320xf32, #tpu.memory_space<vmem>>)
      tpu.yield
    }) : () -> ()
    %add3A_51 = arith.constant 143360 : i32
    %add3A_52 = arith.addi %add3A_51, %add3A : i32
    "tpu.region"() ({
      %run_scoped3A = tpu.sem_alloc : memref<!tpu.dma_semaphore, #tpu.memory_space<semaphore_mem>>
      %dma_start3A = arith.constant 4480 : i32
      %dma_start3A_1790 = tpu.memref_slice %arg7[%dma_start3A] : memref<5120xf32, #tpu.memory_space<vmem>> -> memref<320xf32, #tpu.memory_space<vmem>>
      %dma_start3A_1791 = tpu.memref_slice %arg4[%add3A_52] : memref<163840xf32, #tpu.memory_space<vmem_shared>> -> memref<320xf32, #tpu.memory_space<vmem_shared>>
      %dma_start3A_1792 = arith.constant 4480 : i32
      %dma_start3A_1793 = tpu.memref_slice %arg7[%dma_start3A_1792] : memref<5120xf32, #tpu.memory_space<vmem>> -> memref<320xf32, #tpu.memory_space<vmem>>
      %dma_start3A_1794 = tpu.memref_slice %arg4[%add3A_52] : memref<163840xf32, #tpu.memory_space<vmem_shared>> -> memref<320xf32, #tpu.memory_space<vmem_shared>>
      tpu.enqueue_dma source(%dma_start3A_1794 : memref<320xf32, #tpu.memory_space<vmem_shared>>) target(%dma_start3A_1793 : memref<320xf32, #tpu.memory_space<vmem>>) target_semaphore(%run_scoped3A : memref<!tpu.dma_semaphore, #tpu.memory_space<semaphore_mem>>)
      %dma_wait3A = arith.constant 4480 : i32
      %dma_wait3A_1795 = tpu.memref_slice %arg7[%dma_wait3A] : memref<5120xf32, #tpu.memory_space<vmem>> -> memref<320xf32, #tpu.memory_space<vmem>>
      %dma_wait3A_1796 = tpu.memref_slice %arg4[%add3A_52] : memref<163840xf32, #tpu.memory_space<vmem_shared>> -> memref<320xf32, #tpu.memory_space<vmem_shared>>
      %dma_wait3A_1797 = arith.constant 4480 : i32
      %dma_wait3A_1798 = tpu.memref_slice %arg7[%dma_wait3A_1797] : memref<5120xf32, #tpu.memory_space<vmem>> -> memref<320xf32, #tpu.memory_space<vmem>>
      %dma_wait3A_1799 = tpu.memref_slice %arg4[%add3A_52] : memref<163840xf32, #tpu.memory_space<vmem_shared>> -> memref<320xf32, #tpu.memory_space<vmem_shared>>
      tpu.wait_dma2 semaphore(%run_scoped3A : memref<!tpu.dma_semaphore, #tpu.memory_space<semaphore_mem>>) src(%dma_wait3A_1799 : memref<320xf32, #tpu.memory_space<vmem_shared>>) dst(%dma_wait3A_1798 : memref<320xf32, #tpu.memory_space<vmem>>)
      tpu.yield
    }) : () -> ()
    %add3A_53 = arith.constant 153600 : i32
    %add3A_54 = arith.addi %add3A_53, %add3A : i32
    "tpu.region"() ({
      %run_scoped3A = tpu.sem_alloc : memref<!tpu.dma_semaphore, #tpu.memory_space<semaphore_mem>>
      %dma_start3A = arith.constant 4800 : i32
      %dma_start3A_1790 = tpu.memref_slice %arg7[%dma_start3A] : memref<5120xf32, #tpu.memory_space<vmem>> -> memref<320xf32, #tpu.memory_space<vmem>>
      %dma_start3A_1791 = tpu.memref_slice %arg4[%add3A_54] : memref<163840xf32, #tpu.memory_space<vmem_shared>> -> memref<320xf32, #tpu.memory_space<vmem_shared>>
      %dma_start3A_1792 = arith.constant 4800 : i32
      %dma_start3A_1793 = tpu.memref_slice %arg7[%dma_start3A_1792] : memref<5120xf32, #tpu.memory_space<vmem>> -> memref<320xf32, #tpu.memory_space<vmem>>
      %dma_start3A_1794 = tpu.memref_slice %arg4[%add3A_54] : memref<163840xf32, #tpu.memory_space<vmem_shared>> -> memref<320xf32, #tpu.memory_space<vmem_shared>>
      tpu.enqueue_dma source(%dma_start3A_1794 : memref<320xf32, #tpu.memory_space<vmem_shared>>) target(%dma_start3A_1793 : memref<320xf32, #tpu.memory_space<vmem>>) target_semaphore(%run_scoped3A : memref<!tpu.dma_semaphore, #tpu.memory_space<semaphore_mem>>)
      %dma_wait3A = arith.constant 4800 : i32
      %dma_wait3A_1795 = tpu.memref_slice %arg7[%dma_wait3A] : memref<5120xf32, #tpu.memory_space<vmem>> -> memref<320xf32, #tpu.memory_space<vmem>>
      %dma_wait3A_1796 = tpu.memref_slice %arg4[%add3A_54] : memref<163840xf32, #tpu.memory_space<vmem_shared>> -> memref<320xf32, #tpu.memory_space<vmem_shared>>
      %dma_wait3A_1797 = arith.constant 4800 : i32
      %dma_wait3A_1798 = tpu.memref_slice %arg7[%dma_wait3A_1797] : memref<5120xf32, #tpu.memory_space<vmem>> -> memref<320xf32, #tpu.memory_space<vmem>>
      %dma_wait3A_1799 = tpu.memref_slice %arg4[%add3A_54] : memref<163840xf32, #tpu.memory_space<vmem_shared>> -> memref<320xf32, #tpu.memory_space<vmem_shared>>
      tpu.wait_dma2 semaphore(%run_scoped3A : memref<!tpu.dma_semaphore, #tpu.memory_space<semaphore_mem>>) src(%dma_wait3A_1799 : memref<320xf32, #tpu.memory_space<vmem_shared>>) dst(%dma_wait3A_1798 : memref<320xf32, #tpu.memory_space<vmem>>)
      tpu.yield
    }) : () -> ()
    %get3A = arith.constant 0 : index
    %get3A_55 = tpu.vector_load %arg7[%get3A] {strides = array<i32>} : memref<5120xf32, #tpu.memory_space<vmem>>, vector<16xf32>,
    %get3A_56 = arith.constant 320 : index
    %get3A_57 = tpu.vector_load %arg7[%get3A_56] {strides = array<i32>} : memref<5120xf32, #tpu.memory_space<vmem>>, vector<16xf32>,
    %add3A_58 = arith.addf %get3A_55, %get3A_57 : vector<16xf32>
    %get3A_59 = arith.constant 640 : index
    %get3A_60 = tpu.vector_load %arg7[%get3A_59] {strides = array<i32>} : memref<5120xf32, #tpu.memory_space<vmem>>, vector<16xf32>,
    %add3A_61 = arith.addf %add3A_58, %get3A_60 : vector<16xf32>
    %get3A_62 = arith.constant 960 : index
    %get3A_63 = tpu.vector_load %arg7[%get3A_62] {strides = array<i32>} : memref<5120xf32, #tpu.memory_space<vmem>>, vector<16xf32>,
    %add3A_64 = arith.addf %add3A_61, %get3A_63 : vector<16xf32>
    %get3A_65 = arith.constant 1280 : index
    %get3A_66 = tpu.vector_load %arg7[%get3A_65] {strides = array<i32>} : memref<5120xf32, #tpu.memory_space<vmem>>, vector<16xf32>,
    %add3A_67 = arith.addf %add3A_64, %get3A_66 : vector<16xf32>
    %get3A_68 = arith.constant 1600 : index
    %get3A_69 = tpu.vector_load %arg7[%get3A_68] {strides = array<i32>} : memref<5120xf32, #tpu.memory_space<vmem>>, vector<16xf32>,
    %add3A_70 = arith.addf %add3A_67, %get3A_69 : vector<16xf32>
    %get3A_71 = arith.constant 1920 : index
    %get3A_72 = tpu.vector_load %arg7[%get3A_71] {strides = array<i32>} : memref<5120xf32, #tpu.memory_space<vmem>>, vector<16xf32>,
    %add3A_73 = arith.addf %add3A_70, %get3A_72 : vector<16xf32>
    %get3A_74 = arith.constant 2240 : index
    %get3A_75 = tpu.vector_load %arg7[%get3A_74] {strides = array<i32>} : memref<5120xf32, #tpu.memory_space<vmem>>, vector<16xf32>,
    %add3A_76 = arith.addf %add3A_73, %get3A_75 : vector<16xf32>
    %get3A_77 = arith.constant 2560 : index
    %get3A_78 = tpu.vector_load %arg7[%get3A_77] {strides = array<i32>} : memref<5120xf32, #tpu.memory_space<vmem>>, vector<16xf32>,
    %add3A_79 = arith.addf %add3A_76, %get3A_78 : vector<16xf32>
    %get3A_80 = arith.constant 2880 : index
    %get3A_81 = tpu.vector_load %arg7[%get3A_80] {strides = array<i32>} : memref<5120xf32, #tpu.memory_space<vmem>>, vector<16xf32>,
    %add3A_82 = arith.addf %add3A_79, %get3A_81 : vector<16xf32>
    %get3A_83 = arith.constant 3200 : index
    %get3A_84 = tpu.vector_load %arg7[%get3A_83] {strides = array<i32>} : memref<5120xf32, #tpu.memory_space<vmem>>, vector<16xf32>,
    %add3A_85 = arith.addf %add3A_82, %get3A_84 : vector<16xf32>
    %get3A_86 = arith.constant 3520 : index
    %get3A_87 = tpu.vector_load %arg7[%get3A_86] {strides = array<i32>} : memref<5120xf32, #tpu.memory_space<vmem>>, vector<16xf32>,
    %add3A_88 = arith.addf %add3A_85, %get3A_87 : vector<16xf32>
    %get3A_89 = arith.constant 3840 : index
    %get3A_90 = tpu.vector_load %arg7[%get3A_89] {strides = array<i32>} : memref<5120xf32, #tpu.memory_space<vmem>>, vector<16xf32>,
    %add3A_91 = arith.addf %add3A_88, %get3A_90 : vector<16xf32>
    %get3A_92 = arith.constant 4160 : index
    %get3A_93 = tpu.vector_load %arg7[%get3A_92] {strides = array<i32>} : memref<5120xf32, #tpu.memory_space<vmem>>, vector<16xf32>,
    %add3A_94 = arith.addf %add3A_91, %get3A_93 : vector<16xf32>
    %get3A_95 = arith.constant 4480 : index
    %get3A_96 = tpu.vector_load %arg7[%get3A_95] {strides = array<i32>} : memref<5120xf32, #tpu.memory_space<vmem>>, vector<16xf32>,
    %add3A_97 = arith.addf %add3A_94, %get3A_96 : vector<16xf32>
    %get3A_98 = arith.constant 4800 : index
    %get3A_99 = tpu.vector_load %arg7[%get3A_98] {strides = array<i32>} : memref<5120xf32, #tpu.memory_space<vmem>>, vector<16xf32>,
    %add3A_100 = arith.addf %add3A_97, %get3A_99 : vector<16xf32>
    %add3A_101 = arith.constant 1.000000e+00 : f32
    %add3A_102 = vector.broadcast %add3A_101 : f32 to vector<16xf32>
    %add3A_103 = arith.addf %add3A_100, %add3A_102 : vector<16xf32>
    %bitcast_convert_type3A = tpu.bitcast %add3A_103 : vector<16xf32> -> vector<16xi32>
    %shift_right_arithmetic3A = arith.constant 1 : i32
    %shift_right_arithmetic3A_104 = vector.broadcast %shift_right_arithmetic3A : i32 to vector<16xi32>
    %shift_right_arithmetic3A_105 = arith.shrsi %bitcast_convert_type3A, %shift_right_arithmetic3A_104 : vector<16xi32>
    %sub3A = arith.constant 1597463007 : i32
    %sub3A_106 = vector.broadcast %sub3A : i32 to vector<16xi32>
    %sub3A_107 = arith.subi %sub3A_106, %shift_right_arithmetic3A_105 : vector<16xi32>
    %bitcast_convert_type3A_108 = tpu.bitcast %sub3A_107 : vector<16xi32> -> vector<16xf32>
    %mul3A_109 = arith.constant 5.000000e-01 : f32
    %mul3A_110 = vector.broadcast %mul3A_109 : f32 to vector<16xf32>
    %mul3A_111 = arith.mulf %mul3A_110, %add3A_103 : vector<16xf32>
    %mul3A_112 = arith.mulf %mul3A_111, %bitcast_convert_type3A_108 : vector<16xf32>
    %mul3A_113 = arith.mulf %mul3A_112, %bitcast_convert_type3A_108 : vector<16xf32>
    %sub3A_114 = arith.constant 1.500000e+00 : f32
    %sub3A_115 = vector.broadcast %sub3A_114 : f32 to vector<16xf32>
    %sub3A_116 = arith.subf %sub3A_115, %mul3A_113 : vector<16xf32>
    %mul3A_117 = arith.mulf %bitcast_convert_type3A_108, %sub3A_116 : vector<16xf32>
    %mul3A_118 = arith.constant 5.000000e-01 : f32
    %mul3A_119 = vector.broadcast %mul3A_118 : f32 to vector<16xf32>
    %mul3A_120 = arith.mulf %mul3A_119, %add3A_103 : vector<16xf32>
    %mul3A_121 = arith.mulf %mul3A_120, %mul3A_117 : vector<16xf32>
    %mul3A_122 = arith.mulf %mul3A_121, %mul3A_117 : vector<16xf32>
    %sub3A_123 = arith.constant 1.500000e+00 : f32
    %sub3A_124 = vector.broadcast %sub3A_123 : f32 to vector<16xf32>
    %sub3A_125 = arith.subf %sub3A_124, %mul3A_122 : vector<16xf32>
    %mul3A_126 = arith.mulf %mul3A_117, %sub3A_125 : vector<16xf32>
    %mul3A_127 = arith.constant 5.000000e-01 : f32
    %mul3A_128 = vector.broadcast %mul3A_127 : f32 to vector<16xf32>
    %mul3A_129 = arith.mulf %mul3A_128, %add3A_103 : vector<16xf32>
    %mul3A_130 = arith.mulf %mul3A_129, %mul3A_126 : vector<16xf32>
    %mul3A_131 = arith.mulf %mul3A_130, %mul3A_126 : vector<16xf32>
    %sub3A_132 = arith.constant 1.500000e+00 : f32
    %sub3A_133 = vector.broadcast %sub3A_132 : f32 to vector<16xf32>
    %sub3A_134 = arith.subf %sub3A_133, %mul3A_131 : vector<16xf32>
    %mul3A_135 = arith.mulf %mul3A_126, %sub3A_134 : vector<16xf32>
    %swap3A = arith.constant 0 : index
    %swap3A_136 = tpu.vector_load %arg8[%swap3A] {strides = array<i32>} : memref<320xf32, #tpu.memory_space<vmem>>, vector<16xf32>,
    tpu.vector_store %arg8[%swap3A], %mul3A_135 {strides = array<i32>} : memref<320xf32, #tpu.memory_space<vmem>>, vector<16xf32>,
    %get3A_137 = arith.constant 16 : index
    %get3A_138 = tpu.vector_load %arg7[%get3A_137] {strides = array<i32>} : memref<5120xf32, #tpu.memory_space<vmem>>, vector<16xf32>,
    %get3A_139 = arith.constant 336 : index
    %get3A_140 = tpu.vector_load %arg7[%get3A_139] {strides = array<i32>} : memref<5120xf32, #tpu.memory_space<vmem>>, vector<16xf32>,
    %add3A_141 = arith.addf %get3A_138, %get3A_140 : vector<16xf32>
    %get3A_142 = arith.constant 656 : index
    %get3A_143 = tpu.vector_load %arg7[%get3A_142] {strides = array<i32>} : memref<5120xf32, #tpu.memory_space<vmem>>, vector<16xf32>,
    %add3A_144 = arith.addf %add3A_141, %get3A_143 : vector<16xf32>
    %get3A_145 = arith.constant 976 : index
    %get3A_146 = tpu.vector_load %arg7[%get3A_145] {strides = array<i32>} : memref<5120xf32, #tpu.memory_space<vmem>>, vector<16xf32>,
    %add3A_147 = arith.addf %add3A_144, %get3A_146 : vector<16xf32>
    %get3A_148 = arith.constant 1296 : index
    %get3A_149 = tpu.vector_load %arg7[%get3A_148] {strides = array<i32>} : memref<5120xf32, #tpu.memory_space<vmem>>, vector<16xf32>,
    %add3A_150 = arith.addf %add3A_147, %get3A_149 : vector<16xf32>
    %get3A_151 = arith.constant 1616 : index
    %get3A_152 = tpu.vector_load %arg7[%get3A_151] {strides = array<i32>} : memref<5120xf32, #tpu.memory_space<vmem>>, vector<16xf32>,
    %add3A_153 = arith.addf %add3A_150, %get3A_152 : vector<16xf32>
    %get3A_154 = arith.constant 1936 : index
    %get3A_155 = tpu.vector_load %arg7[%get3A_154] {strides = array<i32>} : memref<5120xf32, #tpu.memory_space<vmem>>, vector<16xf32>,
    %add3A_156 = arith.addf %add3A_153, %get3A_155 : vector<16xf32>
    %get3A_157 = arith.constant 2256 : index
    %get3A_158 = tpu.vector_load %arg7[%get3A_157] {strides = array<i32>} : memref<5120xf32, #tpu.memory_space<vmem>>, vector<16xf32>,
    %add3A_159 = arith.addf %add3A_156, %get3A_158 : vector<16xf32>
    %get3A_160 = arith.constant 2576 : index
    %get3A_161 = tpu.vector_load %arg7[%get3A_160] {strides = array<i32>} : memref<5120xf32, #tpu.memory_space<vmem>>, vector<16xf32>,
    %add3A_162 = arith.addf %add3A_159, %get3A_161 : vector<16xf32>
    %get3A_163 = arith.constant 2896 : index
    %get3A_164 = tpu.vector_load %arg7[%get3A_163] {strides = array<i32>} : memref<5120xf32, #tpu.memory_space<vmem>>, vector<16xf32>,
    %add3A_165 = arith.addf %add3A_162, %get3A_164 : vector<16xf32>
    %get3A_166 = arith.constant 3216 : index
    %get3A_167 = tpu.vector_load %arg7[%get3A_166] {strides = array<i32>} : memref<5120xf32, #tpu.memory_space<vmem>>, vector<16xf32>,
    %add3A_168 = arith.addf %add3A_165, %get3A_167 : vector<16xf32>
    %get3A_169 = arith.constant 3536 : index
    %get3A_170 = tpu.vector_load %arg7[%get3A_169] {strides = array<i32>} : memref<5120xf32, #tpu.memory_space<vmem>>, vector<16xf32>,
    %add3A_171 = arith.addf %add3A_168, %get3A_170 : vector<16xf32>
    %get3A_172 = arith.constant 3856 : index
    %get3A_173 = tpu.vector_load %arg7[%get3A_172] {strides = array<i32>} : memref<5120xf32, #tpu.memory_space<vmem>>, vector<16xf32>,
    %add3A_174 = arith.addf %add3A_171, %get3A_173 : vector<16xf32>
    %get3A_175 = arith.constant 4176 : index
    %get3A_176 = tpu.vector_load %arg7[%get3A_175] {strides = array<i32>} : memref<5120xf32, #tpu.memory_space<vmem>>, vector<16xf32>,
    %add3A_177 = arith.addf %add3A_174, %get3A_176 : vector<16xf32>
    %get3A_178 = arith.constant 4496 : index
    %get3A_179 = tpu.vector_load %arg7[%get3A_178] {strides = array<i32>} : memref<5120xf32, #tpu.memory_space<vmem>>, vector<16xf32>,
    %add3A_180 = arith.addf %add3A_177, %get3A_179 : vector<16xf32>
    %get3A_181 = arith.constant 4816 : index
    %get3A_182 = tpu.vector_load %arg7[%get3A_181] {strides = array<i32>} : memref<5120xf32, #tpu.memory_space<vmem>>, vector<16xf32>,
    %add3A_183 = arith.addf %add3A_180, %get3A_182 : vector<16xf32>
    %add3A_184 = arith.constant 1.000000e+00 : f32
    %add3A_185 = vector.broadcast %add3A_184 : f32 to vector<16xf32>
    %add3A_186 = arith.addf %add3A_183, %add3A_185 : vector<16xf32>
    %bitcast_convert_type3A_187 = tpu.bitcast %add3A_186 : vector<16xf32> -> vector<16xi32>
    %shift_right_arithmetic3A_188 = arith.constant 1 : i32
    %shift_right_arithmetic3A_189 = vector.broadcast %shift_right_arithmetic3A_188 : i32 to vector<16xi32>
    %shift_right_arithmetic3A_190 = arith.shrsi %bitcast_convert_type3A_187, %shift_right_arithmetic3A_189 : vector<16xi32>
    %sub3A_191 = arith.constant 1597463007 : i32
    %sub3A_192 = vector.broadcast %sub3A_191 : i32 to vector<16xi32>
    %sub3A_193 = arith.subi %sub3A_192, %shift_right_arithmetic3A_190 : vector<16xi32>
    %bitcast_convert_type3A_194 = tpu.bitcast %sub3A_193 : vector<16xi32> -> vector<16xf32>
    %mul3A_195 = arith.constant 5.000000e-01 : f32
    %mul3A_196 = vector.broadcast %mul3A_195 : f32 to vector<16xf32>
    %mul3A_197 = arith.mulf %mul3A_196, %add3A_186 : vector<16xf32>
    %mul3A_198 = arith.mulf %mul3A_197, %bitcast_convert_type3A_194 : vector<16xf32>
    %mul3A_199 = arith.mulf %mul3A_198, %bitcast_convert_type3A_194 : vector<16xf32>
    %sub3A_200 = arith.constant 1.500000e+00 : f32
    %sub3A_201 = vector.broadcast %sub3A_200 : f32 to vector<16xf32>
    %sub3A_202 = arith.subf %sub3A_201, %mul3A_199 : vector<16xf32>
    %mul3A_203 = arith.mulf %bitcast_convert_type3A_194, %sub3A_202 : vector<16xf32>
    %mul3A_204 = arith.constant 5.000000e-01 : f32
    %mul3A_205 = vector.broadcast %mul3A_204 : f32 to vector<16xf32>
    %mul3A_206 = arith.mulf %mul3A_205, %add3A_186 : vector<16xf32>
    %mul3A_207 = arith.mulf %mul3A_206, %mul3A_203 : vector<16xf32>
    %mul3A_208 = arith.mulf %mul3A_207, %mul3A_203 : vector<16xf32>
    %sub3A_209 = arith.constant 1.500000e+00 : f32
    %sub3A_210 = vector.broadcast %sub3A_209 : f32 to vector<16xf32>
    %sub3A_211 = arith.subf %sub3A_210, %mul3A_208 : vector<16xf32>
    %mul3A_212 = arith.mulf %mul3A_203, %sub3A_211 : vector<16xf32>
    %mul3A_213 = arith.constant 5.000000e-01 : f32
    %mul3A_214 = vector.broadcast %mul3A_213 : f32 to vector<16xf32>
    %mul3A_215 = arith.mulf %mul3A_214, %add3A_186 : vector<16xf32>
    %mul3A_216 = arith.mulf %mul3A_215, %mul3A_212 : vector<16xf32>
    %mul3A_217 = arith.mulf %mul3A_216, %mul3A_212 : vector<16xf32>
    %sub3A_218 = arith.constant 1.500000e+00 : f32
    %sub3A_219 = vector.broadcast %sub3A_218 : f32 to vector<16xf32>
    %sub3A_220 = arith.subf %sub3A_219, %mul3A_217 : vector<16xf32>
    %mul3A_221 = arith.mulf %mul3A_212, %sub3A_220 : vector<16xf32>
    %swap3A_222 = arith.constant 16 : index
    %swap3A_223 = tpu.vector_load %arg8[%swap3A_222] {strides = array<i32>} : memref<320xf32, #tpu.memory_space<vmem>>, vector<16xf32>,
    tpu.vector_store %arg8[%swap3A_222], %mul3A_221 {strides = array<i32>} : memref<320xf32, #tpu.memory_space<vmem>>, vector<16xf32>,
    %get3A_224 = arith.constant 32 : index
    %get3A_225 = tpu.vector_load %arg7[%get3A_224] {strides = array<i32>} : memref<5120xf32, #tpu.memory_space<vmem>>, vector<16xf32>,
    %get3A_226 = arith.constant 352 : index
    %get3A_227 = tpu.vector_load %arg7[%get3A_226] {strides = array<i32>} : memref<5120xf32, #tpu.memory_space<vmem>>, vector<16xf32>,
    %add3A_228 = arith.addf %get3A_225, %get3A_227 : vector<16xf32>
    %get3A_229 = arith.constant 672 : index
    %get3A_230 = tpu.vector_load %arg7[%get3A_229] {strides = array<i32>} : memref<5120xf32, #tpu.memory_space<vmem>>, vector<16xf32>,
    %add3A_231 = arith.addf %add3A_228, %get3A_230 : vector<16xf32>
    %get3A_232 = arith.constant 992 : index
    %get3A_233 = tpu.vector_load %arg7[%get3A_232] {strides = array<i32>} : memref<5120xf32, #tpu.memory_space<vmem>>, vector<16xf32>,
    %add3A_234 = arith.addf %add3A_231, %get3A_233 : vector<16xf32>
    %get3A_235 = arith.constant 1312 : index
    %get3A_236 = tpu.vector_load %arg7[%get3A_235] {strides = array<i32>} : memref<5120xf32, #tpu.memory_space<vmem>>, vector<16xf32>,
    %add3A_237 = arith.addf %add3A_234, %get3A_236 : vector<16xf32>
    %get3A_238 = arith.constant 1632 : index
    %get3A_239 = tpu.vector_load %arg7[%get3A_238] {strides = array<i32>} : memref<5120xf32, #tpu.memory_space<vmem>>, vector<16xf32>,
    %add3A_240 = arith.addf %add3A_237, %get3A_239 : vector<16xf32>
    %get3A_241 = arith.constant 1952 : index
    %get3A_242 = tpu.vector_load %arg7[%get3A_241] {strides = array<i32>} : memref<5120xf32, #tpu.memory_space<vmem>>, vector<16xf32>,
    %add3A_243 = arith.addf %add3A_240, %get3A_242 : vector<16xf32>
    %get3A_244 = arith.constant 2272 : index
    %get3A_245 = tpu.vector_load %arg7[%get3A_244] {strides = array<i32>} : memref<5120xf32, #tpu.memory_space<vmem>>, vector<16xf32>,
    %add3A_246 = arith.addf %add3A_243, %get3A_245 : vector<16xf32>
    %get3A_247 = arith.constant 2592 : index
    %get3A_248 = tpu.vector_load %arg7[%get3A_247] {strides = array<i32>} : memref<5120xf32, #tpu.memory_space<vmem>>, vector<16xf32>,
    %add3A_249 = arith.addf %add3A_246, %get3A_248 : vector<16xf32>
    %get3A_250 = arith.constant 2912 : index
    %get3A_251 = tpu.vector_load %arg7[%get3A_250] {strides = array<i32>} : memref<5120xf32, #tpu.memory_space<vmem>>, vector<16xf32>,
    %add3A_252 = arith.addf %add3A_249, %get3A_251 : vector<16xf32>
    %get3A_253 = arith.constant 3232 : index
    %get3A_254 = tpu.vector_load %arg7[%get3A_253] {strides = array<i32>} : memref<5120xf32, #tpu.memory_space<vmem>>, vector<16xf32>,
    %add3A_255 = arith.addf %add3A_252, %get3A_254 : vector<16xf32>
    %get3A_256 = arith.constant 3552 : index
    %get3A_257 = tpu.vector_load %arg7[%get3A_256] {strides = array<i32>} : memref<5120xf32, #tpu.memory_space<vmem>>, vector<16xf32>,
    %add3A_258 = arith.addf %add3A_255, %get3A_257 : vector<16xf32>
    %get3A_259 = arith.constant 3872 : index
    %get3A_260 = tpu.vector_load %arg7[%get3A_259] {strides = array<i32>} : memref<5120xf32, #tpu.memory_space<vmem>>, vector<16xf32>,
    %add3A_261 = arith.addf %add3A_258, %get3A_260 : vector<16xf32>
    %get3A_262 = arith.constant 4192 : index
    %get3A_263 = tpu.vector_load %arg7[%get3A_262] {strides = array<i32>} : memref<5120xf32, #tpu.memory_space<vmem>>, vector<16xf32>,
    %add3A_264 = arith.addf %add3A_261, %get3A_263 : vector<16xf32>
    %get3A_265 = arith.constant 4512 : index
    %get3A_266 = tpu.vector_load %arg7[%get3A_265] {strides = array<i32>} : memref<5120xf32, #tpu.memory_space<vmem>>, vector<16xf32>,
    %add3A_267 = arith.addf %add3A_264, %get3A_266 : vector<16xf32>
    %get3A_268 = arith.constant 4832 : index
    %get3A_269 = tpu.vector_load %arg7[%get3A_268] {strides = array<i32>} : memref<5120xf32, #tpu.memory_space<vmem>>, vector<16xf32>,
    %add3A_270 = arith.addf %add3A_267, %get3A_269 : vector<16xf32>
    %add3A_271 = arith.constant 1.000000e+00 : f32
    %add3A_272 = vector.broadcast %add3A_271 : f32 to vector<16xf32>
    %add3A_273 = arith.addf %add3A_270, %add3A_272 : vector<16xf32>
    %bitcast_convert_type3A_274 = tpu.bitcast %add3A_273 : vector<16xf32> -> vector<16xi32>
    %shift_right_arithmetic3A_275 = arith.constant 1 : i32
    %shift_right_arithmetic3A_276 = vector.broadcast %shift_right_arithmetic3A_275 : i32 to vector<16xi32>
    %shift_right_arithmetic3A_277 = arith.shrsi %bitcast_convert_type3A_274, %shift_right_arithmetic3A_276 : vector<16xi32>
    %sub3A_278 = arith.constant 1597463007 : i32
    %sub3A_279 = vector.broadcast %sub3A_278 : i32 to vector<16xi32>
    %sub3A_280 = arith.subi %sub3A_279, %shift_right_arithmetic3A_277 : vector<16xi32>
    %bitcast_convert_type3A_281 = tpu.bitcast %sub3A_280 : vector<16xi32> -> vector<16xf32>
    %mul3A_282 = arith.constant 5.000000e-01 : f32
    %mul3A_283 = vector.broadcast %mul3A_282 : f32 to vector<16xf32>
    %mul3A_284 = arith.mulf %mul3A_283, %add3A_273 : vector<16xf32>
    %mul3A_285 = arith.mulf %mul3A_284, %bitcast_convert_type3A_281 : vector<16xf32>
    %mul3A_286 = arith.mulf %mul3A_285, %bitcast_convert_type3A_281 : vector<16xf32>
    %sub3A_287 = arith.constant 1.500000e+00 : f32
    %sub3A_288 = vector.broadcast %sub3A_287 : f32 to vector<16xf32>
    %sub3A_289 = arith.subf %sub3A_288, %mul3A_286 : vector<16xf32>
    %mul3A_290 = arith.mulf %bitcast_convert_type3A_281, %sub3A_289 : vector<16xf32>
    %mul3A_291 = arith.constant 5.000000e-01 : f32
    %mul3A_292 = vector.broadcast %mul3A_291 : f32 to vector<16xf32>
    %mul3A_293 = arith.mulf %mul3A_292, %add3A_273 : vector<16xf32>
    %mul3A_294 = arith.mulf %mul3A_293, %mul3A_290 : vector<16xf32>
    %mul3A_295 = arith.mulf %mul3A_294, %mul3A_290 : vector<16xf32>
    %sub3A_296 = arith.constant 1.500000e+00 : f32
    %sub3A_297 = vector.broadcast %sub3A_296 : f32 to vector<16xf32>
    %sub3A_298 = arith.subf %sub3A_297, %mul3A_295 : vector<16xf32>
    %mul3A_299 = arith.mulf %mul3A_290, %sub3A_298 : vector<16xf32>
    %mul3A_300 = arith.constant 5.000000e-01 : f32
    %mul3A_301 = vector.broadcast %mul3A_300 : f32 to vector<16xf32>
    %mul3A_302 = arith.mulf %mul3A_301, %add3A_273 : vector<16xf32>
    %mul3A_303 = arith.mulf %mul3A_302, %mul3A_299 : vector<16xf32>
    %mul3A_304 = arith.mulf %mul3A_303, %mul3A_299 : vector<16xf32>
    %sub3A_305 = arith.constant 1.500000e+00 : f32
    %sub3A_306 = vector.broadcast %sub3A_305 : f32 to vector<16xf32>
    %sub3A_307 = arith.subf %sub3A_306, %mul3A_304 : vector<16xf32>
    %mul3A_308 = arith.mulf %mul3A_299, %sub3A_307 : vector<16xf32>
    %swap3A_309 = arith.constant 32 : index
    %swap3A_310 = tpu.vector_load %arg8[%swap3A_309] {strides = array<i32>} : memref<320xf32, #tpu.memory_space<vmem>>, vector<16xf32>,
    tpu.vector_store %arg8[%swap3A_309], %mul3A_308 {strides = array<i32>} : memref<320xf32, #tpu.memory_space<vmem>>, vector<16xf32>,
    %get3A_311 = arith.constant 48 : index
    %get3A_312 = tpu.vector_load %arg7[%get3A_311] {strides = array<i32>} : memref<5120xf32, #tpu.memory_space<vmem>>, vector<16xf32>,
    %get3A_313 = arith.constant 368 : index
    %get3A_314 = tpu.vector_load %arg7[%get3A_313] {strides = array<i32>} : memref<5120xf32, #tpu.memory_space<vmem>>, vector<16xf32>,
    %add3A_315 = arith.addf %get3A_312, %get3A_314 : vector<16xf32>
    %get3A_316 = arith.constant 688 : index
    %get3A_317 = tpu.vector_load %arg7[%get3A_316] {strides = array<i32>} : memref<5120xf32, #tpu.memory_space<vmem>>, vector<16xf32>,
    %add3A_318 = arith.addf %add3A_315, %get3A_317 : vector<16xf32>
    %get3A_319 = arith.constant 1008 : index
    %get3A_320 = tpu.vector_load %arg7[%get3A_319] {strides = array<i32>} : memref<5120xf32, #tpu.memory_space<vmem>>, vector<16xf32>,
    %add3A_321 = arith.addf %add3A_318, %get3A_320 : vector<16xf32>
    %get3A_322 = arith.constant 1328 : index
    %get3A_323 = tpu.vector_load %arg7[%get3A_322] {strides = array<i32>} : memref<5120xf32, #tpu.memory_space<vmem>>, vector<16xf32>,
    %add3A_324 = arith.addf %add3A_321, %get3A_323 : vector<16xf32>
    %get3A_325 = arith.constant 1648 : index
    %get3A_326 = tpu.vector_load %arg7[%get3A_325] {strides = array<i32>} : memref<5120xf32, #tpu.memory_space<vmem>>, vector<16xf32>,
    %add3A_327 = arith.addf %add3A_324, %get3A_326 : vector<16xf32>
    %get3A_328 = arith.constant 1968 : index
    %get3A_329 = tpu.vector_load %arg7[%get3A_328] {strides = array<i32>} : memref<5120xf32, #tpu.memory_space<vmem>>, vector<16xf32>,
    %add3A_330 = arith.addf %add3A_327, %get3A_329 : vector<16xf32>
    %get3A_331 = arith.constant 2288 : index
    %get3A_332 = tpu.vector_load %arg7[%get3A_331] {strides = array<i32>} : memref<5120xf32, #tpu.memory_space<vmem>>, vector<16xf32>,
    %add3A_333 = arith.addf %add3A_330, %get3A_332 : vector<16xf32>
    %get3A_334 = arith.constant 2608 : index
    %get3A_335 = tpu.vector_load %arg7[%get3A_334] {strides = array<i32>} : memref<5120xf32, #tpu.memory_space<vmem>>, vector<16xf32>,
    %add3A_336 = arith.addf %add3A_333, %get3A_335 : vector<16xf32>
    %get3A_337 = arith.constant 2928 : index
    %get3A_338 = tpu.vector_load %arg7[%get3A_337] {strides = array<i32>} : memref<5120xf32, #tpu.memory_space<vmem>>, vector<16xf32>,
    %add3A_339 = arith.addf %add3A_336, %get3A_338 : vector<16xf32>
    %get3A_340 = arith.constant 3248 : index
    %get3A_341 = tpu.vector_load %arg7[%get3A_340] {strides = array<i32>} : memref<5120xf32, #tpu.memory_space<vmem>>, vector<16xf32>,
    %add3A_342 = arith.addf %add3A_339, %get3A_341 : vector<16xf32>
    %get3A_343 = arith.constant 3568 : index
    %get3A_344 = tpu.vector_load %arg7[%get3A_343] {strides = array<i32>} : memref<5120xf32, #tpu.memory_space<vmem>>, vector<16xf32>,
    %add3A_345 = arith.addf %add3A_342, %get3A_344 : vector<16xf32>
    %get3A_346 = arith.constant 3888 : index
    %get3A_347 = tpu.vector_load %arg7[%get3A_346] {strides = array<i32>} : memref<5120xf32, #tpu.memory_space<vmem>>, vector<16xf32>,
    %add3A_348 = arith.addf %add3A_345, %get3A_347 : vector<16xf32>
    %get3A_349 = arith.constant 4208 : index
    %get3A_350 = tpu.vector_load %arg7[%get3A_349] {strides = array<i32>} : memref<5120xf32, #tpu.memory_space<vmem>>, vector<16xf32>,
    %add3A_351 = arith.addf %add3A_348, %get3A_350 : vector<16xf32>
    %get3A_352 = arith.constant 4528 : index
    %get3A_353 = tpu.vector_load %arg7[%get3A_352] {strides = array<i32>} : memref<5120xf32, #tpu.memory_space<vmem>>, vector<16xf32>,
    %add3A_354 = arith.addf %add3A_351, %get3A_353 : vector<16xf32>
    %get3A_355 = arith.constant 4848 : index
    %get3A_356 = tpu.vector_load %arg7[%get3A_355] {strides = array<i32>} : memref<5120xf32, #tpu.memory_space<vmem>>, vector<16xf32>,
    %add3A_357 = arith.addf %add3A_354, %get3A_356 : vector<16xf32>
    %add3A_358 = arith.constant 1.000000e+00 : f32
    %add3A_359 = vector.broadcast %add3A_358 : f32 to vector<16xf32>
    %add3A_360 = arith.addf %add3A_357, %add3A_359 : vector<16xf32>
    %bitcast_convert_type3A_361 = tpu.bitcast %add3A_360 : vector<16xf32> -> vector<16xi32>
    %shift_right_arithmetic3A_362 = arith.constant 1 : i32
    %shift_right_arithmetic3A_363 = vector.broadcast %shift_right_arithmetic3A_362 : i32 to vector<16xi32>
    %shift_right_arithmetic3A_364 = arith.shrsi %bitcast_convert_type3A_361, %shift_right_arithmetic3A_363 : vector<16xi32>
    %sub3A_365 = arith.constant 1597463007 : i32
    %sub3A_366 = vector.broadcast %sub3A_365 : i32 to vector<16xi32>
    %sub3A_367 = arith.subi %sub3A_366, %shift_right_arithmetic3A_364 : vector<16xi32>
    %bitcast_convert_type3A_368 = tpu.bitcast %sub3A_367 : vector<16xi32> -> vector<16xf32>
    %mul3A_369 = arith.constant 5.000000e-01 : f32
    %mul3A_370 = vector.broadcast %mul3A_369 : f32 to vector<16xf32>
    %mul3A_371 = arith.mulf %mul3A_370, %add3A_360 : vector<16xf32>
    %mul3A_372 = arith.mulf %mul3A_371, %bitcast_convert_type3A_368 : vector<16xf32>
    %mul3A_373 = arith.mulf %mul3A_372, %bitcast_convert_type3A_368 : vector<16xf32>
    %sub3A_374 = arith.constant 1.500000e+00 : f32
    %sub3A_375 = vector.broadcast %sub3A_374 : f32 to vector<16xf32>
    %sub3A_376 = arith.subf %sub3A_375, %mul3A_373 : vector<16xf32>
    %mul3A_377 = arith.mulf %bitcast_convert_type3A_368, %sub3A_376 : vector<16xf32>
    %mul3A_378 = arith.constant 5.000000e-01 : f32
    %mul3A_379 = vector.broadcast %mul3A_378 : f32 to vector<16xf32>
    %mul3A_380 = arith.mulf %mul3A_379, %add3A_360 : vector<16xf32>
    %mul3A_381 = arith.mulf %mul3A_380, %mul3A_377 : vector<16xf32>
    %mul3A_382 = arith.mulf %mul3A_381, %mul3A_377 : vector<16xf32>
    %sub3A_383 = arith.constant 1.500000e+00 : f32
    %sub3A_384 = vector.broadcast %sub3A_383 : f32 to vector<16xf32>
    %sub3A_385 = arith.subf %sub3A_384, %mul3A_382 : vector<16xf32>
    %mul3A_386 = arith.mulf %mul3A_377, %sub3A_385 : vector<16xf32>
    %mul3A_387 = arith.constant 5.000000e-01 : f32
    %mul3A_388 = vector.broadcast %mul3A_387 : f32 to vector<16xf32>
    %mul3A_389 = arith.mulf %mul3A_388, %add3A_360 : vector<16xf32>
    %mul3A_390 = arith.mulf %mul3A_389, %mul3A_386 : vector<16xf32>
    %mul3A_391 = arith.mulf %mul3A_390, %mul3A_386 : vector<16xf32>
    %sub3A_392 = arith.constant 1.500000e+00 : f32
    %sub3A_393 = vector.broadcast %sub3A_392 : f32 to vector<16xf32>
    %sub3A_394 = arith.subf %sub3A_393, %mul3A_391 : vector<16xf32>
    %mul3A_395 = arith.mulf %mul3A_386, %sub3A_394 : vector<16xf32>
    %swap3A_396 = arith.constant 48 : index
    %swap3A_397 = tpu.vector_load %arg8[%swap3A_396] {strides = array<i32>} : memref<320xf32, #tpu.memory_space<vmem>>, vector<16xf32>,
    tpu.vector_store %arg8[%swap3A_396], %mul3A_395 {strides = array<i32>} : memref<320xf32, #tpu.memory_space<vmem>>, vector<16xf32>,
    %get3A_398 = arith.constant 64 : index
    %get3A_399 = tpu.vector_load %arg7[%get3A_398] {strides = array<i32>} : memref<5120xf32, #tpu.memory_space<vmem>>, vector<16xf32>,
    %get3A_400 = arith.constant 384 : index
    %get3A_401 = tpu.vector_load %arg7[%get3A_400] {strides = array<i32>} : memref<5120xf32, #tpu.memory_space<vmem>>, vector<16xf32>,
    %add3A_402 = arith.addf %get3A_399, %get3A_401 : vector<16xf32>
    %get3A_403 = arith.constant 704 : index
    %get3A_404 = tpu.vector_load %arg7[%get3A_403] {strides = array<i32>} : memref<5120xf32, #tpu.memory_space<vmem>>, vector<16xf32>,
    %add3A_405 = arith.addf %add3A_402, %get3A_404 : vector<16xf32>
    %get3A_406 = arith.constant 1024 : index
    %get3A_407 = tpu.vector_load %arg7[%get3A_406] {strides = array<i32>} : memref<5120xf32, #tpu.memory_space<vmem>>, vector<16xf32>,
    %add3A_408 = arith.addf %add3A_405, %get3A_407 : vector<16xf32>
    %get3A_409 = arith.constant 1344 : index
    %get3A_410 = tpu.vector_load %arg7[%get3A_409] {strides = array<i32>} : memref<5120xf32, #tpu.memory_space<vmem>>, vector<16xf32>,
    %add3A_411 = arith.addf %add3A_408, %get3A_410 : vector<16xf32>
    %get3A_412 = arith.constant 1664 : index
    %get3A_413 = tpu.vector_load %arg7[%get3A_412] {strides = array<i32>} : memref<5120xf32, #tpu.memory_space<vmem>>, vector<16xf32>,
    %add3A_414 = arith.addf %add3A_411, %get3A_413 : vector<16xf32>
    %get3A_415 = arith.constant 1984 : index
    %get3A_416 = tpu.vector_load %arg7[%get3A_415] {strides = array<i32>} : memref<5120xf32, #tpu.memory_space<vmem>>, vector<16xf32>,
    %add3A_417 = arith.addf %add3A_414, %get3A_416 : vector<16xf32>
    %get3A_418 = arith.constant 2304 : index
    %get3A_419 = tpu.vector_load %arg7[%get3A_418] {strides = array<i32>} : memref<5120xf32, #tpu.memory_space<vmem>>, vector<16xf32>,
    %add3A_420 = arith.addf %add3A_417, %get3A_419 : vector<16xf32>
    %get3A_421 = arith.constant 2624 : index
    %get3A_422 = tpu.vector_load %arg7[%get3A_421] {strides = array<i32>} : memref<5120xf32, #tpu.memory_space<vmem>>, vector<16xf32>,
    %add3A_423 = arith.addf %add3A_420, %get3A_422 : vector<16xf32>
    %get3A_424 = arith.constant 2944 : index
    %get3A_425 = tpu.vector_load %arg7[%get3A_424] {strides = array<i32>} : memref<5120xf32, #tpu.memory_space<vmem>>, vector<16xf32>,
    %add3A_426 = arith.addf %add3A_423, %get3A_425 : vector<16xf32>
    %get3A_427 = arith.constant 3264 : index
    %get3A_428 = tpu.vector_load %arg7[%get3A_427] {strides = array<i32>} : memref<5120xf32, #tpu.memory_space<vmem>>, vector<16xf32>,
    %add3A_429 = arith.addf %add3A_426, %get3A_428 : vector<16xf32>
    %get3A_430 = arith.constant 3584 : index
    %get3A_431 = tpu.vector_load %arg7[%get3A_430] {strides = array<i32>} : memref<5120xf32, #tpu.memory_space<vmem>>, vector<16xf32>,
    %add3A_432 = arith.addf %add3A_429, %get3A_431 : vector<16xf32>
    %get3A_433 = arith.constant 3904 : index
    %get3A_434 = tpu.vector_load %arg7[%get3A_433] {strides = array<i32>} : memref<5120xf32, #tpu.memory_space<vmem>>, vector<16xf32>,
    %add3A_435 = arith.addf %add3A_432, %get3A_434 : vector<16xf32>
    %get3A_436 = arith.constant 4224 : index
    %get3A_437 = tpu.vector_load %arg7[%get3A_436] {strides = array<i32>} : memref<5120xf32, #tpu.memory_space<vmem>>, vector<16xf32>,
    %add3A_438 = arith.addf %add3A_435, %get3A_437 : vector<16xf32>
    %get3A_439 = arith.constant 4544 : index
    %get3A_440 = tpu.vector_load %arg7[%get3A_439] {strides = array<i32>} : memref<5120xf32, #tpu.memory_space<vmem>>, vector<16xf32>,
    %add3A_441 = arith.addf %add3A_438, %get3A_440 : vector<16xf32>
    %get3A_442 = arith.constant 4864 : index
    %get3A_443 = tpu.vector_load %arg7[%get3A_442] {strides = array<i32>} : memref<5120xf32, #tpu.memory_space<vmem>>, vector<16xf32>,
    %add3A_444 = arith.addf %add3A_441, %get3A_443 : vector<16xf32>
    %add3A_445 = arith.constant 1.000000e+00 : f32
    %add3A_446 = vector.broadcast %add3A_445 : f32 to vector<16xf32>
    %add3A_447 = arith.addf %add3A_444, %add3A_446 : vector<16xf32>
    %bitcast_convert_type3A_448 = tpu.bitcast %add3A_447 : vector<16xf32> -> vector<16xi32>
    %shift_right_arithmetic3A_449 = arith.constant 1 : i32
    %shift_right_arithmetic3A_450 = vector.broadcast %shift_right_arithmetic3A_449 : i32 to vector<16xi32>
    %shift_right_arithmetic3A_451 = arith.shrsi %bitcast_convert_type3A_448, %shift_right_arithmetic3A_450 : vector<16xi32>
    %sub3A_452 = arith.constant 1597463007 : i32
    %sub3A_453 = vector.broadcast %sub3A_452 : i32 to vector<16xi32>
    %sub3A_454 = arith.subi %sub3A_453, %shift_right_arithmetic3A_451 : vector<16xi32>
    %bitcast_convert_type3A_455 = tpu.bitcast %sub3A_454 : vector<16xi32> -> vector<16xf32>
    %mul3A_456 = arith.constant 5.000000e-01 : f32
    %mul3A_457 = vector.broadcast %mul3A_456 : f32 to vector<16xf32>
    %mul3A_458 = arith.mulf %mul3A_457, %add3A_447 : vector<16xf32>
    %mul3A_459 = arith.mulf %mul3A_458, %bitcast_convert_type3A_455 : vector<16xf32>
    %mul3A_460 = arith.mulf %mul3A_459, %bitcast_convert_type3A_455 : vector<16xf32>
    %sub3A_461 = arith.constant 1.500000e+00 : f32
    %sub3A_462 = vector.broadcast %sub3A_461 : f32 to vector<16xf32>
    %sub3A_463 = arith.subf %sub3A_462, %mul3A_460 : vector<16xf32>
    %mul3A_464 = arith.mulf %bitcast_convert_type3A_455, %sub3A_463 : vector<16xf32>
    %mul3A_465 = arith.constant 5.000000e-01 : f32
    %mul3A_466 = vector.broadcast %mul3A_465 : f32 to vector<16xf32>
    %mul3A_467 = arith.mulf %mul3A_466, %add3A_447 : vector<16xf32>
    %mul3A_468 = arith.mulf %mul3A_467, %mul3A_464 : vector<16xf32>
    %mul3A_469 = arith.mulf %mul3A_468, %mul3A_464 : vector<16xf32>
    %sub3A_470 = arith.constant 1.500000e+00 : f32
    %sub3A_471 = vector.broadcast %sub3A_470 : f32 to vector<16xf32>
    %sub3A_472 = arith.subf %sub3A_471, %mul3A_469 : vector<16xf32>
    %mul3A_473 = arith.mulf %mul3A_464, %sub3A_472 : vector<16xf32>
    %mul3A_474 = arith.constant 5.000000e-01 : f32
    %mul3A_475 = vector.broadcast %mul3A_474 : f32 to vector<16xf32>
    %mul3A_476 = arith.mulf %mul3A_475, %add3A_447 : vector<16xf32>
    %mul3A_477 = arith.mulf %mul3A_476, %mul3A_473 : vector<16xf32>
    %mul3A_478 = arith.mulf %mul3A_477, %mul3A_473 : vector<16xf32>
    %sub3A_479 = arith.constant 1.500000e+00 : f32
    %sub3A_480 = vector.broadcast %sub3A_479 : f32 to vector<16xf32>
    %sub3A_481 = arith.subf %sub3A_480, %mul3A_478 : vector<16xf32>
    %mul3A_482 = arith.mulf %mul3A_473, %sub3A_481 : vector<16xf32>
    %swap3A_483 = arith.constant 64 : index
    %swap3A_484 = tpu.vector_load %arg8[%swap3A_483] {strides = array<i32>} : memref<320xf32, #tpu.memory_space<vmem>>, vector<16xf32>,
    tpu.vector_store %arg8[%swap3A_483], %mul3A_482 {strides = array<i32>} : memref<320xf32, #tpu.memory_space<vmem>>, vector<16xf32>,
    %get3A_485 = arith.constant 80 : index
    %get3A_486 = tpu.vector_load %arg7[%get3A_485] {strides = array<i32>} : memref<5120xf32, #tpu.memory_space<vmem>>, vector<16xf32>,
    %get3A_487 = arith.constant 400 : index
    %get3A_488 = tpu.vector_load %arg7[%get3A_487] {strides = array<i32>} : memref<5120xf32, #tpu.memory_space<vmem>>, vector<16xf32>,
    %add3A_489 = arith.addf %get3A_486, %get3A_488 : vector<16xf32>
    %get3A_490 = arith.constant 720 : index
    %get3A_491 = tpu.vector_load %arg7[%get3A_490] {strides = array<i32>} : memref<5120xf32, #tpu.memory_space<vmem>>, vector<16xf32>,
    %add3A_492 = arith.addf %add3A_489, %get3A_491 : vector<16xf32>
    %get3A_493 = arith.constant 1040 : index
    %get3A_494 = tpu.vector_load %arg7[%get3A_493] {strides = array<i32>} : memref<5120xf32, #tpu.memory_space<vmem>>, vector<16xf32>,
    %add3A_495 = arith.addf %add3A_492, %get3A_494 : vector<16xf32>
    %get3A_496 = arith.constant 1360 : index
    %get3A_497 = tpu.vector_load %arg7[%get3A_496] {strides = array<i32>} : memref<5120xf32, #tpu.memory_space<vmem>>, vector<16xf32>,
    %add3A_498 = arith.addf %add3A_495, %get3A_497 : vector<16xf32>
    %get3A_499 = arith.constant 1680 : index
    %get3A_500 = tpu.vector_load %arg7[%get3A_499] {strides = array<i32>} : memref<5120xf32, #tpu.memory_space<vmem>>, vector<16xf32>,
    %add3A_501 = arith.addf %add3A_498, %get3A_500 : vector<16xf32>
    %get3A_502 = arith.constant 2000 : index
    %get3A_503 = tpu.vector_load %arg7[%get3A_502] {strides = array<i32>} : memref<5120xf32, #tpu.memory_space<vmem>>, vector<16xf32>,
    %add3A_504 = arith.addf %add3A_501, %get3A_503 : vector<16xf32>
    %get3A_505 = arith.constant 2320 : index
    %get3A_506 = tpu.vector_load %arg7[%get3A_505] {strides = array<i32>} : memref<5120xf32, #tpu.memory_space<vmem>>, vector<16xf32>,
    %add3A_507 = arith.addf %add3A_504, %get3A_506 : vector<16xf32>
    %get3A_508 = arith.constant 2640 : index
    %get3A_509 = tpu.vector_load %arg7[%get3A_508] {strides = array<i32>} : memref<5120xf32, #tpu.memory_space<vmem>>, vector<16xf32>,
    %add3A_510 = arith.addf %add3A_507, %get3A_509 : vector<16xf32>
    %get3A_511 = arith.constant 2960 : index
    %get3A_512 = tpu.vector_load %arg7[%get3A_511] {strides = array<i32>} : memref<5120xf32, #tpu.memory_space<vmem>>, vector<16xf32>,
    %add3A_513 = arith.addf %add3A_510, %get3A_512 : vector<16xf32>
    %get3A_514 = arith.constant 3280 : index
    %get3A_515 = tpu.vector_load %arg7[%get3A_514] {strides = array<i32>} : memref<5120xf32, #tpu.memory_space<vmem>>, vector<16xf32>,
    %add3A_516 = arith.addf %add3A_513, %get3A_515 : vector<16xf32>
    %get3A_517 = arith.constant 3600 : index
    %get3A_518 = tpu.vector_load %arg7[%get3A_517] {strides = array<i32>} : memref<5120xf32, #tpu.memory_space<vmem>>, vector<16xf32>,
    %add3A_519 = arith.addf %add3A_516, %get3A_518 : vector<16xf32>
    %get3A_520 = arith.constant 3920 : index
    %get3A_521 = tpu.vector_load %arg7[%get3A_520] {strides = array<i32>} : memref<5120xf32, #tpu.memory_space<vmem>>, vector<16xf32>,
    %add3A_522 = arith.addf %add3A_519, %get3A_521 : vector<16xf32>
    %get3A_523 = arith.constant 4240 : index
    %get3A_524 = tpu.vector_load %arg7[%get3A_523] {strides = array<i32>} : memref<5120xf32, #tpu.memory_space<vmem>>, vector<16xf32>,
    %add3A_525 = arith.addf %add3A_522, %get3A_524 : vector<16xf32>
    %get3A_526 = arith.constant 4560 : index
    %get3A_527 = tpu.vector_load %arg7[%get3A_526] {strides = array<i32>} : memref<5120xf32, #tpu.memory_space<vmem>>, vector<16xf32>,
    %add3A_528 = arith.addf %add3A_525, %get3A_527 : vector<16xf32>
    %get3A_529 = arith.constant 4880 : index
    %get3A_530 = tpu.vector_load %arg7[%get3A_529] {strides = array<i32>} : memref<5120xf32, #tpu.memory_space<vmem>>, vector<16xf32>,
    %add3A_531 = arith.addf %add3A_528, %get3A_530 : vector<16xf32>
    %add3A_532 = arith.constant 1.000000e+00 : f32
    %add3A_533 = vector.broadcast %add3A_532 : f32 to vector<16xf32>
    %add3A_534 = arith.addf %add3A_531, %add3A_533 : vector<16xf32>
    %bitcast_convert_type3A_535 = tpu.bitcast %add3A_534 : vector<16xf32> -> vector<16xi32>
    %shift_right_arithmetic3A_536 = arith.constant 1 : i32
    %shift_right_arithmetic3A_537 = vector.broadcast %shift_right_arithmetic3A_536 : i32 to vector<16xi32>
    %shift_right_arithmetic3A_538 = arith.shrsi %bitcast_convert_type3A_535, %shift_right_arithmetic3A_537 : vector<16xi32>
    %sub3A_539 = arith.constant 1597463007 : i32
    %sub3A_540 = vector.broadcast %sub3A_539 : i32 to vector<16xi32>
    %sub3A_541 = arith.subi %sub3A_540, %shift_right_arithmetic3A_538 : vector<16xi32>
    %bitcast_convert_type3A_542 = tpu.bitcast %sub3A_541 : vector<16xi32> -> vector<16xf32>
    %mul3A_543 = arith.constant 5.000000e-01 : f32
    %mul3A_544 = vector.broadcast %mul3A_543 : f32 to vector<16xf32>
    %mul3A_545 = arith.mulf %mul3A_544, %add3A_534 : vector<16xf32>
    %mul3A_546 = arith.mulf %mul3A_545, %bitcast_convert_type3A_542 : vector<16xf32>
    %mul3A_547 = arith.mulf %mul3A_546, %bitcast_convert_type3A_542 : vector<16xf32>
    %sub3A_548 = arith.constant 1.500000e+00 : f32
    %sub3A_549 = vector.broadcast %sub3A_548 : f32 to vector<16xf32>
    %sub3A_550 = arith.subf %sub3A_549, %mul3A_547 : vector<16xf32>
    %mul3A_551 = arith.mulf %bitcast_convert_type3A_542, %sub3A_550 : vector<16xf32>
    %mul3A_552 = arith.constant 5.000000e-01 : f32
    %mul3A_553 = vector.broadcast %mul3A_552 : f32 to vector<16xf32>
    %mul3A_554 = arith.mulf %mul3A_553, %add3A_534 : vector<16xf32>
    %mul3A_555 = arith.mulf %mul3A_554, %mul3A_551 : vector<16xf32>
    %mul3A_556 = arith.mulf %mul3A_555, %mul3A_551 : vector<16xf32>
    %sub3A_557 = arith.constant 1.500000e+00 : f32
    %sub3A_558 = vector.broadcast %sub3A_557 : f32 to vector<16xf32>
    %sub3A_559 = arith.subf %sub3A_558, %mul3A_556 : vector<16xf32>
    %mul3A_560 = arith.mulf %mul3A_551, %sub3A_559 : vector<16xf32>
    %mul3A_561 = arith.constant 5.000000e-01 : f32
    %mul3A_562 = vector.broadcast %mul3A_561 : f32 to vector<16xf32>
    %mul3A_563 = arith.mulf %mul3A_562, %add3A_534 : vector<16xf32>
    %mul3A_564 = arith.mulf %mul3A_563, %mul3A_560 : vector<16xf32>
    %mul3A_565 = arith.mulf %mul3A_564, %mul3A_560 : vector<16xf32>
    %sub3A_566 = arith.constant 1.500000e+00 : f32
    %sub3A_567 = vector.broadcast %sub3A_566 : f32 to vector<16xf32>
    %sub3A_568 = arith.subf %sub3A_567, %mul3A_565 : vector<16xf32>
    %mul3A_569 = arith.mulf %mul3A_560, %sub3A_568 : vector<16xf32>
    %swap3A_570 = arith.constant 80 : index
    %swap3A_571 = tpu.vector_load %arg8[%swap3A_570] {strides = array<i32>} : memref<320xf32, #tpu.memory_space<vmem>>, vector<16xf32>,
    tpu.vector_store %arg8[%swap3A_570], %mul3A_569 {strides = array<i32>} : memref<320xf32, #tpu.memory_space<vmem>>, vector<16xf32>,
    %get3A_572 = arith.constant 96 : index
    %get3A_573 = tpu.vector_load %arg7[%get3A_572] {strides = array<i32>} : memref<5120xf32, #tpu.memory_space<vmem>>, vector<16xf32>,
    %get3A_574 = arith.constant 416 : index
    %get3A_575 = tpu.vector_load %arg7[%get3A_574] {strides = array<i32>} : memref<5120xf32, #tpu.memory_space<vmem>>, vector<16xf32>,
    %add3A_576 = arith.addf %get3A_573, %get3A_575 : vector<16xf32>
    %get3A_577 = arith.constant 736 : index
    %get3A_578 = tpu.vector_load %arg7[%get3A_577] {strides = array<i32>} : memref<5120xf32, #tpu.memory_space<vmem>>, vector<16xf32>,
    %add3A_579 = arith.addf %add3A_576, %get3A_578 : vector<16xf32>
    %get3A_580 = arith.constant 1056 : index
    %get3A_581 = tpu.vector_load %arg7[%get3A_580] {strides = array<i32>} : memref<5120xf32, #tpu.memory_space<vmem>>, vector<16xf32>,
    %add3A_582 = arith.addf %add3A_579, %get3A_581 : vector<16xf32>
    %get3A_583 = arith.constant 1376 : index
    %get3A_584 = tpu.vector_load %arg7[%get3A_583] {strides = array<i32>} : memref<5120xf32, #tpu.memory_space<vmem>>, vector<16xf32>,
    %add3A_585 = arith.addf %add3A_582, %get3A_584 : vector<16xf32>
    %get3A_586 = arith.constant 1696 : index
    %get3A_587 = tpu.vector_load %arg7[%get3A_586] {strides = array<i32>} : memref<5120xf32, #tpu.memory_space<vmem>>, vector<16xf32>,
    %add3A_588 = arith.addf %add3A_585, %get3A_587 : vector<16xf32>
    %get3A_589 = arith.constant 2016 : index
    %get3A_590 = tpu.vector_load %arg7[%get3A_589] {strides = array<i32>} : memref<5120xf32, #tpu.memory_space<vmem>>, vector<16xf32>,
    %add3A_591 = arith.addf %add3A_588, %get3A_590 : vector<16xf32>
    %get3A_592 = arith.constant 2336 : index
    %get3A_593 = tpu.vector_load %arg7[%get3A_592] {strides = array<i32>} : memref<5120xf32, #tpu.memory_space<vmem>>, vector<16xf32>,
    %add3A_594 = arith.addf %add3A_591, %get3A_593 : vector<16xf32>
    %get3A_595 = arith.constant 2656 : index
    %get3A_596 = tpu.vector_load %arg7[%get3A_595] {strides = array<i32>} : memref<5120xf32, #tpu.memory_space<vmem>>, vector<16xf32>,
    %add3A_597 = arith.addf %add3A_594, %get3A_596 : vector<16xf32>
    %get3A_598 = arith.constant 2976 : index
    %get3A_599 = tpu.vector_load %arg7[%get3A_598] {strides = array<i32>} : memref<5120xf32, #tpu.memory_space<vmem>>, vector<16xf32>,
    %add3A_600 = arith.addf %add3A_597, %get3A_599 : vector<16xf32>
    %get3A_601 = arith.constant 3296 : index
    %get3A_602 = tpu.vector_load %arg7[%get3A_601] {strides = array<i32>} : memref<5120xf32, #tpu.memory_space<vmem>>, vector<16xf32>,
    %add3A_603 = arith.addf %add3A_600, %get3A_602 : vector<16xf32>
    %get3A_604 = arith.constant 3616 : index
    %get3A_605 = tpu.vector_load %arg7[%get3A_604] {strides = array<i32>} : memref<5120xf32, #tpu.memory_space<vmem>>, vector<16xf32>,
    %add3A_606 = arith.addf %add3A_603, %get3A_605 : vector<16xf32>
    %get3A_607 = arith.constant 3936 : index
    %get3A_608 = tpu.vector_load %arg7[%get3A_607] {strides = array<i32>} : memref<5120xf32, #tpu.memory_space<vmem>>, vector<16xf32>,
    %add3A_609 = arith.addf %add3A_606, %get3A_608 : vector<16xf32>
    %get3A_610 = arith.constant 4256 : index
    %get3A_611 = tpu.vector_load %arg7[%get3A_610] {strides = array<i32>} : memref<5120xf32, #tpu.memory_space<vmem>>, vector<16xf32>,
    %add3A_612 = arith.addf %add3A_609, %get3A_611 : vector<16xf32>
    %get3A_613 = arith.constant 4576 : index
    %get3A_614 = tpu.vector_load %arg7[%get3A_613] {strides = array<i32>} : memref<5120xf32, #tpu.memory_space<vmem>>, vector<16xf32>,
    %add3A_615 = arith.addf %add3A_612, %get3A_614 : vector<16xf32>
    %get3A_616 = arith.constant 4896 : index
    %get3A_617 = tpu.vector_load %arg7[%get3A_616] {strides = array<i32>} : memref<5120xf32, #tpu.memory_space<vmem>>, vector<16xf32>,
    %add3A_618 = arith.addf %add3A_615, %get3A_617 : vector<16xf32>
    %add3A_619 = arith.constant 1.000000e+00 : f32
    %add3A_620 = vector.broadcast %add3A_619 : f32 to vector<16xf32>
    %add3A_621 = arith.addf %add3A_618, %add3A_620 : vector<16xf32>
    %bitcast_convert_type3A_622 = tpu.bitcast %add3A_621 : vector<16xf32> -> vector<16xi32>
    %shift_right_arithmetic3A_623 = arith.constant 1 : i32
    %shift_right_arithmetic3A_624 = vector.broadcast %shift_right_arithmetic3A_623 : i32 to vector<16xi32>
    %shift_right_arithmetic3A_625 = arith.shrsi %bitcast_convert_type3A_622, %shift_right_arithmetic3A_624 : vector<16xi32>
    %sub3A_626 = arith.constant 1597463007 : i32
    %sub3A_627 = vector.broadcast %sub3A_626 : i32 to vector<16xi32>
    %sub3A_628 = arith.subi %sub3A_627, %shift_right_arithmetic3A_625 : vector<16xi32>
    %bitcast_convert_type3A_629 = tpu.bitcast %sub3A_628 : vector<16xi32> -> vector<16xf32>
    %mul3A_630 = arith.constant 5.000000e-01 : f32
    %mul3A_631 = vector.broadcast %mul3A_630 : f32 to vector<16xf32>
    %mul3A_632 = arith.mulf %mul3A_631, %add3A_621 : vector<16xf32>
    %mul3A_633 = arith.mulf %mul3A_632, %bitcast_convert_type3A_629 : vector<16xf32>
    %mul3A_634 = arith.mulf %mul3A_633, %bitcast_convert_type3A_629 : vector<16xf32>
    %sub3A_635 = arith.constant 1.500000e+00 : f32
    %sub3A_636 = vector.broadcast %sub3A_635 : f32 to vector<16xf32>
    %sub3A_637 = arith.subf %sub3A_636, %mul3A_634 : vector<16xf32>
    %mul3A_638 = arith.mulf %bitcast_convert_type3A_629, %sub3A_637 : vector<16xf32>
    %mul3A_639 = arith.constant 5.000000e-01 : f32
    %mul3A_640 = vector.broadcast %mul3A_639 : f32 to vector<16xf32>
    %mul3A_641 = arith.mulf %mul3A_640, %add3A_621 : vector<16xf32>
    %mul3A_642 = arith.mulf %mul3A_641, %mul3A_638 : vector<16xf32>
    %mul3A_643 = arith.mulf %mul3A_642, %mul3A_638 : vector<16xf32>
    %sub3A_644 = arith.constant 1.500000e+00 : f32
    %sub3A_645 = vector.broadcast %sub3A_644 : f32 to vector<16xf32>
    %sub3A_646 = arith.subf %sub3A_645, %mul3A_643 : vector<16xf32>
    %mul3A_647 = arith.mulf %mul3A_638, %sub3A_646 : vector<16xf32>
    %mul3A_648 = arith.constant 5.000000e-01 : f32
    %mul3A_649 = vector.broadcast %mul3A_648 : f32 to vector<16xf32>
    %mul3A_650 = arith.mulf %mul3A_649, %add3A_621 : vector<16xf32>
    %mul3A_651 = arith.mulf %mul3A_650, %mul3A_647 : vector<16xf32>
    %mul3A_652 = arith.mulf %mul3A_651, %mul3A_647 : vector<16xf32>
    %sub3A_653 = arith.constant 1.500000e+00 : f32
    %sub3A_654 = vector.broadcast %sub3A_653 : f32 to vector<16xf32>
    %sub3A_655 = arith.subf %sub3A_654, %mul3A_652 : vector<16xf32>
    %mul3A_656 = arith.mulf %mul3A_647, %sub3A_655 : vector<16xf32>
    %swap3A_657 = arith.constant 96 : index
    %swap3A_658 = tpu.vector_load %arg8[%swap3A_657] {strides = array<i32>} : memref<320xf32, #tpu.memory_space<vmem>>, vector<16xf32>,
    tpu.vector_store %arg8[%swap3A_657], %mul3A_656 {strides = array<i32>} : memref<320xf32, #tpu.memory_space<vmem>>, vector<16xf32>,
    %get3A_659 = arith.constant 112 : index
    %get3A_660 = tpu.vector_load %arg7[%get3A_659] {strides = array<i32>} : memref<5120xf32, #tpu.memory_space<vmem>>, vector<16xf32>,
    %get3A_661 = arith.constant 432 : index
    %get3A_662 = tpu.vector_load %arg7[%get3A_661] {strides = array<i32>} : memref<5120xf32, #tpu.memory_space<vmem>>, vector<16xf32>,
    %add3A_663 = arith.addf %get3A_660, %get3A_662 : vector<16xf32>
    %get3A_664 = arith.constant 752 : index
    %get3A_665 = tpu.vector_load %arg7[%get3A_664] {strides = array<i32>} : memref<5120xf32, #tpu.memory_space<vmem>>, vector<16xf32>,
    %add3A_666 = arith.addf %add3A_663, %get3A_665 : vector<16xf32>
    %get3A_667 = arith.constant 1072 : index
    %get3A_668 = tpu.vector_load %arg7[%get3A_667] {strides = array<i32>} : memref<5120xf32, #tpu.memory_space<vmem>>, vector<16xf32>,
    %add3A_669 = arith.addf %add3A_666, %get3A_668 : vector<16xf32>
    %get3A_670 = arith.constant 1392 : index
    %get3A_671 = tpu.vector_load %arg7[%get3A_670] {strides = array<i32>} : memref<5120xf32, #tpu.memory_space<vmem>>, vector<16xf32>,
    %add3A_672 = arith.addf %add3A_669, %get3A_671 : vector<16xf32>
    %get3A_673 = arith.constant 1712 : index
    %get3A_674 = tpu.vector_load %arg7[%get3A_673] {strides = array<i32>} : memref<5120xf32, #tpu.memory_space<vmem>>, vector<16xf32>,
    %add3A_675 = arith.addf %add3A_672, %get3A_674 : vector<16xf32>
    %get3A_676 = arith.constant 2032 : index
    %get3A_677 = tpu.vector_load %arg7[%get3A_676] {strides = array<i32>} : memref<5120xf32, #tpu.memory_space<vmem>>, vector<16xf32>,
    %add3A_678 = arith.addf %add3A_675, %get3A_677 : vector<16xf32>
    %get3A_679 = arith.constant 2352 : index
    %get3A_680 = tpu.vector_load %arg7[%get3A_679] {strides = array<i32>} : memref<5120xf32, #tpu.memory_space<vmem>>, vector<16xf32>,
    %add3A_681 = arith.addf %add3A_678, %get3A_680 : vector<16xf32>
    %get3A_682 = arith.constant 2672 : index
    %get3A_683 = tpu.vector_load %arg7[%get3A_682] {strides = array<i32>} : memref<5120xf32, #tpu.memory_space<vmem>>, vector<16xf32>,
    %add3A_684 = arith.addf %add3A_681, %get3A_683 : vector<16xf32>
    %get3A_685 = arith.constant 2992 : index
    %get3A_686 = tpu.vector_load %arg7[%get3A_685] {strides = array<i32>} : memref<5120xf32, #tpu.memory_space<vmem>>, vector<16xf32>,
    %add3A_687 = arith.addf %add3A_684, %get3A_686 : vector<16xf32>
    %get3A_688 = arith.constant 3312 : index
    %get3A_689 = tpu.vector_load %arg7[%get3A_688] {strides = array<i32>} : memref<5120xf32, #tpu.memory_space<vmem>>, vector<16xf32>,
    %add3A_690 = arith.addf %add3A_687, %get3A_689 : vector<16xf32>
    %get3A_691 = arith.constant 3632 : index
    %get3A_692 = tpu.vector_load %arg7[%get3A_691] {strides = array<i32>} : memref<5120xf32, #tpu.memory_space<vmem>>, vector<16xf32>,
    %add3A_693 = arith.addf %add3A_690, %get3A_692 : vector<16xf32>
    %get3A_694 = arith.constant 3952 : index
    %get3A_695 = tpu.vector_load %arg7[%get3A_694] {strides = array<i32>} : memref<5120xf32, #tpu.memory_space<vmem>>, vector<16xf32>,
    %add3A_696 = arith.addf %add3A_693, %get3A_695 : vector<16xf32>
    %get3A_697 = arith.constant 4272 : index
    %get3A_698 = tpu.vector_load %arg7[%get3A_697] {strides = array<i32>} : memref<5120xf32, #tpu.memory_space<vmem>>, vector<16xf32>,
    %add3A_699 = arith.addf %add3A_696, %get3A_698 : vector<16xf32>
    %get3A_700 = arith.constant 4592 : index
    %get3A_701 = tpu.vector_load %arg7[%get3A_700] {strides = array<i32>} : memref<5120xf32, #tpu.memory_space<vmem>>, vector<16xf32>,
    %add3A_702 = arith.addf %add3A_699, %get3A_701 : vector<16xf32>
    %get3A_703 = arith.constant 4912 : index
    %get3A_704 = tpu.vector_load %arg7[%get3A_703] {strides = array<i32>} : memref<5120xf32, #tpu.memory_space<vmem>>, vector<16xf32>,
    %add3A_705 = arith.addf %add3A_702, %get3A_704 : vector<16xf32>
    %add3A_706 = arith.constant 1.000000e+00 : f32
    %add3A_707 = vector.broadcast %add3A_706 : f32 to vector<16xf32>
    %add3A_708 = arith.addf %add3A_705, %add3A_707 : vector<16xf32>
    %bitcast_convert_type3A_709 = tpu.bitcast %add3A_708 : vector<16xf32> -> vector<16xi32>
    %shift_right_arithmetic3A_710 = arith.constant 1 : i32
    %shift_right_arithmetic3A_711 = vector.broadcast %shift_right_arithmetic3A_710 : i32 to vector<16xi32>
    %shift_right_arithmetic3A_712 = arith.shrsi %bitcast_convert_type3A_709, %shift_right_arithmetic3A_711 : vector<16xi32>
    %sub3A_713 = arith.constant 1597463007 : i32
    %sub3A_714 = vector.broadcast %sub3A_713 : i32 to vector<16xi32>
    %sub3A_715 = arith.subi %sub3A_714, %shift_right_arithmetic3A_712 : vector<16xi32>
    %bitcast_convert_type3A_716 = tpu.bitcast %sub3A_715 : vector<16xi32> -> vector<16xf32>
    %mul3A_717 = arith.constant 5.000000e-01 : f32
    %mul3A_718 = vector.broadcast %mul3A_717 : f32 to vector<16xf32>
    %mul3A_719 = arith.mulf %mul3A_718, %add3A_708 : vector<16xf32>
    %mul3A_720 = arith.mulf %mul3A_719, %bitcast_convert_type3A_716 : vector<16xf32>
    %mul3A_721 = arith.mulf %mul3A_720, %bitcast_convert_type3A_716 : vector<16xf32>
    %sub3A_722 = arith.constant 1.500000e+00 : f32
    %sub3A_723 = vector.broadcast %sub3A_722 : f32 to vector<16xf32>
    %sub3A_724 = arith.subf %sub3A_723, %mul3A_721 : vector<16xf32>
    %mul3A_725 = arith.mulf %bitcast_convert_type3A_716, %sub3A_724 : vector<16xf32>
    %mul3A_726 = arith.constant 5.000000e-01 : f32
    %mul3A_727 = vector.broadcast %mul3A_726 : f32 to vector<16xf32>
    %mul3A_728 = arith.mulf %mul3A_727, %add3A_708 : vector<16xf32>
    %mul3A_729 = arith.mulf %mul3A_728, %mul3A_725 : vector<16xf32>
    %mul3A_730 = arith.mulf %mul3A_729, %mul3A_725 : vector<16xf32>
    %sub3A_731 = arith.constant 1.500000e+00 : f32
    %sub3A_732 = vector.broadcast %sub3A_731 : f32 to vector<16xf32>
    %sub3A_733 = arith.subf %sub3A_732, %mul3A_730 : vector<16xf32>
    %mul3A_734 = arith.mulf %mul3A_725, %sub3A_733 : vector<16xf32>
    %mul3A_735 = arith.constant 5.000000e-01 : f32
    %mul3A_736 = vector.broadcast %mul3A_735 : f32 to vector<16xf32>
    %mul3A_737 = arith.mulf %mul3A_736, %add3A_708 : vector<16xf32>
    %mul3A_738 = arith.mulf %mul3A_737, %mul3A_734 : vector<16xf32>
    %mul3A_739 = arith.mulf %mul3A_738, %mul3A_734 : vector<16xf32>
    %sub3A_740 = arith.constant 1.500000e+00 : f32
    %sub3A_741 = vector.broadcast %sub3A_740 : f32 to vector<16xf32>
    %sub3A_742 = arith.subf %sub3A_741, %mul3A_739 : vector<16xf32>
    %mul3A_743 = arith.mulf %mul3A_734, %sub3A_742 : vector<16xf32>
    %swap3A_744 = arith.constant 112 : index
    %swap3A_745 = tpu.vector_load %arg8[%swap3A_744] {strides = array<i32>} : memref<320xf32, #tpu.memory_space<vmem>>, vector<16xf32>,
    tpu.vector_store %arg8[%swap3A_744], %mul3A_743 {strides = array<i32>} : memref<320xf32, #tpu.memory_space<vmem>>, vector<16xf32>,
    %get3A_746 = arith.constant 128 : index
    %get3A_747 = tpu.vector_load %arg7[%get3A_746] {strides = array<i32>} : memref<5120xf32, #tpu.memory_space<vmem>>, vector<16xf32>,
    %get3A_748 = arith.constant 448 : index
    %get3A_749 = tpu.vector_load %arg7[%get3A_748] {strides = array<i32>} : memref<5120xf32, #tpu.memory_space<vmem>>, vector<16xf32>,
    %add3A_750 = arith.addf %get3A_747, %get3A_749 : vector<16xf32>
    %get3A_751 = arith.constant 768 : index
    %get3A_752 = tpu.vector_load %arg7[%get3A_751] {strides = array<i32>} : memref<5120xf32, #tpu.memory_space<vmem>>, vector<16xf32>,
    %add3A_753 = arith.addf %add3A_750, %get3A_752 : vector<16xf32>
    %get3A_754 = arith.constant 1088 : index
    %get3A_755 = tpu.vector_load %arg7[%get3A_754] {strides = array<i32>} : memref<5120xf32, #tpu.memory_space<vmem>>, vector<16xf32>,
    %add3A_756 = arith.addf %add3A_753, %get3A_755 : vector<16xf32>
    %get3A_757 = arith.constant 1408 : index
    %get3A_758 = tpu.vector_load %arg7[%get3A_757] {strides = array<i32>} : memref<5120xf32, #tpu.memory_space<vmem>>, vector<16xf32>,
    %add3A_759 = arith.addf %add3A_756, %get3A_758 : vector<16xf32>
    %get3A_760 = arith.constant 1728 : index
    %get3A_761 = tpu.vector_load %arg7[%get3A_760] {strides = array<i32>} : memref<5120xf32, #tpu.memory_space<vmem>>, vector<16xf32>,
    %add3A_762 = arith.addf %add3A_759, %get3A_761 : vector<16xf32>
    %get3A_763 = arith.constant 2048 : index
    %get3A_764 = tpu.vector_load %arg7[%get3A_763] {strides = array<i32>} : memref<5120xf32, #tpu.memory_space<vmem>>, vector<16xf32>,
    %add3A_765 = arith.addf %add3A_762, %get3A_764 : vector<16xf32>
    %get3A_766 = arith.constant 2368 : index
    %get3A_767 = tpu.vector_load %arg7[%get3A_766] {strides = array<i32>} : memref<5120xf32, #tpu.memory_space<vmem>>, vector<16xf32>,
    %add3A_768 = arith.addf %add3A_765, %get3A_767 : vector<16xf32>
    %get3A_769 = arith.constant 2688 : index
    %get3A_770 = tpu.vector_load %arg7[%get3A_769] {strides = array<i32>} : memref<5120xf32, #tpu.memory_space<vmem>>, vector<16xf32>,
    %add3A_771 = arith.addf %add3A_768, %get3A_770 : vector<16xf32>
    %get3A_772 = arith.constant 3008 : index
    %get3A_773 = tpu.vector_load %arg7[%get3A_772] {strides = array<i32>} : memref<5120xf32, #tpu.memory_space<vmem>>, vector<16xf32>,
    %add3A_774 = arith.addf %add3A_771, %get3A_773 : vector<16xf32>
    %get3A_775 = arith.constant 3328 : index
    %get3A_776 = tpu.vector_load %arg7[%get3A_775] {strides = array<i32>} : memref<5120xf32, #tpu.memory_space<vmem>>, vector<16xf32>,
    %add3A_777 = arith.addf %add3A_774, %get3A_776 : vector<16xf32>
    %get3A_778 = arith.constant 3648 : index
    %get3A_779 = tpu.vector_load %arg7[%get3A_778] {strides = array<i32>} : memref<5120xf32, #tpu.memory_space<vmem>>, vector<16xf32>,
    %add3A_780 = arith.addf %add3A_777, %get3A_779 : vector<16xf32>
    %get3A_781 = arith.constant 3968 : index
    %get3A_782 = tpu.vector_load %arg7[%get3A_781] {strides = array<i32>} : memref<5120xf32, #tpu.memory_space<vmem>>, vector<16xf32>,
    %add3A_783 = arith.addf %add3A_780, %get3A_782 : vector<16xf32>
    %get3A_784 = arith.constant 4288 : index
    %get3A_785 = tpu.vector_load %arg7[%get3A_784] {strides = array<i32>} : memref<5120xf32, #tpu.memory_space<vmem>>, vector<16xf32>,
    %add3A_786 = arith.addf %add3A_783, %get3A_785 : vector<16xf32>
    %get3A_787 = arith.constant 4608 : index
    %get3A_788 = tpu.vector_load %arg7[%get3A_787] {strides = array<i32>} : memref<5120xf32, #tpu.memory_space<vmem>>, vector<16xf32>,
    %add3A_789 = arith.addf %add3A_786, %get3A_788 : vector<16xf32>
    %get3A_790 = arith.constant 4928 : index
    %get3A_791 = tpu.vector_load %arg7[%get3A_790] {strides = array<i32>} : memref<5120xf32, #tpu.memory_space<vmem>>, vector<16xf32>,
    %add3A_792 = arith.addf %add3A_789, %get3A_791 : vector<16xf32>
    %add3A_793 = arith.constant 1.000000e+00 : f32
    %add3A_794 = vector.broadcast %add3A_793 : f32 to vector<16xf32>
    %add3A_795 = arith.addf %add3A_792, %add3A_794 : vector<16xf32>
    %bitcast_convert_type3A_796 = tpu.bitcast %add3A_795 : vector<16xf32> -> vector<16xi32>
    %shift_right_arithmetic3A_797 = arith.constant 1 : i32
    %shift_right_arithmetic3A_798 = vector.broadcast %shift_right_arithmetic3A_797 : i32 to vector<16xi32>
    %shift_right_arithmetic3A_799 = arith.shrsi %bitcast_convert_type3A_796, %shift_right_arithmetic3A_798 : vector<16xi32>
    %sub3A_800 = arith.constant 1597463007 : i32
    %sub3A_801 = vector.broadcast %sub3A_800 : i32 to vector<16xi32>
    %sub3A_802 = arith.subi %sub3A_801, %shift_right_arithmetic3A_799 : vector<16xi32>
    %bitcast_convert_type3A_803 = tpu.bitcast %sub3A_802 : vector<16xi32> -> vector<16xf32>
    %mul3A_804 = arith.constant 5.000000e-01 : f32
    %mul3A_805 = vector.broadcast %mul3A_804 : f32 to vector<16xf32>
    %mul3A_806 = arith.mulf %mul3A_805, %add3A_795 : vector<16xf32>
    %mul3A_807 = arith.mulf %mul3A_806, %bitcast_convert_type3A_803 : vector<16xf32>
    %mul3A_808 = arith.mulf %mul3A_807, %bitcast_convert_type3A_803 : vector<16xf32>
    %sub3A_809 = arith.constant 1.500000e+00 : f32
    %sub3A_810 = vector.broadcast %sub3A_809 : f32 to vector<16xf32>
    %sub3A_811 = arith.subf %sub3A_810, %mul3A_808 : vector<16xf32>
    %mul3A_812 = arith.mulf %bitcast_convert_type3A_803, %sub3A_811 : vector<16xf32>
    %mul3A_813 = arith.constant 5.000000e-01 : f32
    %mul3A_814 = vector.broadcast %mul3A_813 : f32 to vector<16xf32>
    %mul3A_815 = arith.mulf %mul3A_814, %add3A_795 : vector<16xf32>
    %mul3A_816 = arith.mulf %mul3A_815, %mul3A_812 : vector<16xf32>
    %mul3A_817 = arith.mulf %mul3A_816, %mul3A_812 : vector<16xf32>
    %sub3A_818 = arith.constant 1.500000e+00 : f32
    %sub3A_819 = vector.broadcast %sub3A_818 : f32 to vector<16xf32>
    %sub3A_820 = arith.subf %sub3A_819, %mul3A_817 : vector<16xf32>
    %mul3A_821 = arith.mulf %mul3A_812, %sub3A_820 : vector<16xf32>
    %mul3A_822 = arith.constant 5.000000e-01 : f32
    %mul3A_823 = vector.broadcast %mul3A_822 : f32 to vector<16xf32>
    %mul3A_824 = arith.mulf %mul3A_823, %add3A_795 : vector<16xf32>
    %mul3A_825 = arith.mulf %mul3A_824, %mul3A_821 : vector<16xf32>
    %mul3A_826 = arith.mulf %mul3A_825, %mul3A_821 : vector<16xf32>
    %sub3A_827 = arith.constant 1.500000e+00 : f32
    %sub3A_828 = vector.broadcast %sub3A_827 : f32 to vector<16xf32>
    %sub3A_829 = arith.subf %sub3A_828, %mul3A_826 : vector<16xf32>
    %mul3A_830 = arith.mulf %mul3A_821, %sub3A_829 : vector<16xf32>
    %swap3A_831 = arith.constant 128 : index
    %swap3A_832 = tpu.vector_load %arg8[%swap3A_831] {strides = array<i32>} : memref<320xf32, #tpu.memory_space<vmem>>, vector<16xf32>,
    tpu.vector_store %arg8[%swap3A_831], %mul3A_830 {strides = array<i32>} : memref<320xf32, #tpu.memory_space<vmem>>, vector<16xf32>,
    %get3A_833 = arith.constant 144 : index
    %get3A_834 = tpu.vector_load %arg7[%get3A_833] {strides = array<i32>} : memref<5120xf32, #tpu.memory_space<vmem>>, vector<16xf32>,
    %get3A_835 = arith.constant 464 : index
    %get3A_836 = tpu.vector_load %arg7[%get3A_835] {strides = array<i32>} : memref<5120xf32, #tpu.memory_space<vmem>>, vector<16xf32>,
    %add3A_837 = arith.addf %get3A_834, %get3A_836 : vector<16xf32>
    %get3A_838 = arith.constant 784 : index
    %get3A_839 = tpu.vector_load %arg7[%get3A_838] {strides = array<i32>} : memref<5120xf32, #tpu.memory_space<vmem>>, vector<16xf32>,
    %add3A_840 = arith.addf %add3A_837, %get3A_839 : vector<16xf32>
    %get3A_841 = arith.constant 1104 : index
    %get3A_842 = tpu.vector_load %arg7[%get3A_841] {strides = array<i32>} : memref<5120xf32, #tpu.memory_space<vmem>>, vector<16xf32>,
    %add3A_843 = arith.addf %add3A_840, %get3A_842 : vector<16xf32>
    %get3A_844 = arith.constant 1424 : index
    %get3A_845 = tpu.vector_load %arg7[%get3A_844] {strides = array<i32>} : memref<5120xf32, #tpu.memory_space<vmem>>, vector<16xf32>,
    %add3A_846 = arith.addf %add3A_843, %get3A_845 : vector<16xf32>
    %get3A_847 = arith.constant 1744 : index
    %get3A_848 = tpu.vector_load %arg7[%get3A_847] {strides = array<i32>} : memref<5120xf32, #tpu.memory_space<vmem>>, vector<16xf32>,
    %add3A_849 = arith.addf %add3A_846, %get3A_848 : vector<16xf32>
    %get3A_850 = arith.constant 2064 : index
    %get3A_851 = tpu.vector_load %arg7[%get3A_850] {strides = array<i32>} : memref<5120xf32, #tpu.memory_space<vmem>>, vector<16xf32>,
    %add3A_852 = arith.addf %add3A_849, %get3A_851 : vector<16xf32>
    %get3A_853 = arith.constant 2384 : index
    %get3A_854 = tpu.vector_load %arg7[%get3A_853] {strides = array<i32>} : memref<5120xf32, #tpu.memory_space<vmem>>, vector<16xf32>,
    %add3A_855 = arith.addf %add3A_852, %get3A_854 : vector<16xf32>
    %get3A_856 = arith.constant 2704 : index
    %get3A_857 = tpu.vector_load %arg7[%get3A_856] {strides = array<i32>} : memref<5120xf32, #tpu.memory_space<vmem>>, vector<16xf32>,
    %add3A_858 = arith.addf %add3A_855, %get3A_857 : vector<16xf32>
    %get3A_859 = arith.constant 3024 : index
    %get3A_860 = tpu.vector_load %arg7[%get3A_859] {strides = array<i32>} : memref<5120xf32, #tpu.memory_space<vmem>>, vector<16xf32>,
    %add3A_861 = arith.addf %add3A_858, %get3A_860 : vector<16xf32>
    %get3A_862 = arith.constant 3344 : index
    %get3A_863 = tpu.vector_load %arg7[%get3A_862] {strides = array<i32>} : memref<5120xf32, #tpu.memory_space<vmem>>, vector<16xf32>,
    %add3A_864 = arith.addf %add3A_861, %get3A_863 : vector<16xf32>
    %get3A_865 = arith.constant 3664 : index
    %get3A_866 = tpu.vector_load %arg7[%get3A_865] {strides = array<i32>} : memref<5120xf32, #tpu.memory_space<vmem>>, vector<16xf32>,
    %add3A_867 = arith.addf %add3A_864, %get3A_866 : vector<16xf32>
    %get3A_868 = arith.constant 3984 : index
    %get3A_869 = tpu.vector_load %arg7[%get3A_868] {strides = array<i32>} : memref<5120xf32, #tpu.memory_space<vmem>>, vector<16xf32>,
    %add3A_870 = arith.addf %add3A_867, %get3A_869 : vector<16xf32>
    %get3A_871 = arith.constant 4304 : index
    %get3A_872 = tpu.vector_load %arg7[%get3A_871] {strides = array<i32>} : memref<5120xf32, #tpu.memory_space<vmem>>, vector<16xf32>,
    %add3A_873 = arith.addf %add3A_870, %get3A_872 : vector<16xf32>
    %get3A_874 = arith.constant 4624 : index
    %get3A_875 = tpu.vector_load %arg7[%get3A_874] {strides = array<i32>} : memref<5120xf32, #tpu.memory_space<vmem>>, vector<16xf32>,
    %add3A_876 = arith.addf %add3A_873, %get3A_875 : vector<16xf32>
    %get3A_877 = arith.constant 4944 : index
    %get3A_878 = tpu.vector_load %arg7[%get3A_877] {strides = array<i32>} : memref<5120xf32, #tpu.memory_space<vmem>>, vector<16xf32>,
    %add3A_879 = arith.addf %add3A_876, %get3A_878 : vector<16xf32>
    %add3A_880 = arith.constant 1.000000e+00 : f32
    %add3A_881 = vector.broadcast %add3A_880 : f32 to vector<16xf32>
    %add3A_882 = arith.addf %add3A_879, %add3A_881 : vector<16xf32>
    %bitcast_convert_type3A_883 = tpu.bitcast %add3A_882 : vector<16xf32> -> vector<16xi32>
    %shift_right_arithmetic3A_884 = arith.constant 1 : i32
    %shift_right_arithmetic3A_885 = vector.broadcast %shift_right_arithmetic3A_884 : i32 to vector<16xi32>
    %shift_right_arithmetic3A_886 = arith.shrsi %bitcast_convert_type3A_883, %shift_right_arithmetic3A_885 : vector<16xi32>
    %sub3A_887 = arith.constant 1597463007 : i32
    %sub3A_888 = vector.broadcast %sub3A_887 : i32 to vector<16xi32>
    %sub3A_889 = arith.subi %sub3A_888, %shift_right_arithmetic3A_886 : vector<16xi32>
    %bitcast_convert_type3A_890 = tpu.bitcast %sub3A_889 : vector<16xi32> -> vector<16xf32>
    %mul3A_891 = arith.constant 5.000000e-01 : f32
    %mul3A_892 = vector.broadcast %mul3A_891 : f32 to vector<16xf32>
    %mul3A_893 = arith.mulf %mul3A_892, %add3A_882 : vector<16xf32>
    %mul3A_894 = arith.mulf %mul3A_893, %bitcast_convert_type3A_890 : vector<16xf32>
    %mul3A_895 = arith.mulf %mul3A_894, %bitcast_convert_type3A_890 : vector<16xf32>
    %sub3A_896 = arith.constant 1.500000e+00 : f32
    %sub3A_897 = vector.broadcast %sub3A_896 : f32 to vector<16xf32>
    %sub3A_898 = arith.subf %sub3A_897, %mul3A_895 : vector<16xf32>
    %mul3A_899 = arith.mulf %bitcast_convert_type3A_890, %sub3A_898 : vector<16xf32>
    %mul3A_900 = arith.constant 5.000000e-01 : f32
    %mul3A_901 = vector.broadcast %mul3A_900 : f32 to vector<16xf32>
    %mul3A_902 = arith.mulf %mul3A_901, %add3A_882 : vector<16xf32>
    %mul3A_903 = arith.mulf %mul3A_902, %mul3A_899 : vector<16xf32>
    %mul3A_904 = arith.mulf %mul3A_903, %mul3A_899 : vector<16xf32>
    %sub3A_905 = arith.constant 1.500000e+00 : f32
    %sub3A_906 = vector.broadcast %sub3A_905 : f32 to vector<16xf32>
    %sub3A_907 = arith.subf %sub3A_906, %mul3A_904 : vector<16xf32>
    %mul3A_908 = arith.mulf %mul3A_899, %sub3A_907 : vector<16xf32>
    %mul3A_909 = arith.constant 5.000000e-01 : f32
    %mul3A_910 = vector.broadcast %mul3A_909 : f32 to vector<16xf32>
    %mul3A_911 = arith.mulf %mul3A_910, %add3A_882 : vector<16xf32>
    %mul3A_912 = arith.mulf %mul3A_911, %mul3A_908 : vector<16xf32>
    %mul3A_913 = arith.mulf %mul3A_912, %mul3A_908 : vector<16xf32>
    %sub3A_914 = arith.constant 1.500000e+00 : f32
    %sub3A_915 = vector.broadcast %sub3A_914 : f32 to vector<16xf32>
    %sub3A_916 = arith.subf %sub3A_915, %mul3A_913 : vector<16xf32>
    %mul3A_917 = arith.mulf %mul3A_908, %sub3A_916 : vector<16xf32>
    %swap3A_918 = arith.constant 144 : index
    %swap3A_919 = tpu.vector_load %arg8[%swap3A_918] {strides = array<i32>} : memref<320xf32, #tpu.memory_space<vmem>>, vector<16xf32>,
    tpu.vector_store %arg8[%swap3A_918], %mul3A_917 {strides = array<i32>} : memref<320xf32, #tpu.memory_space<vmem>>, vector<16xf32>,
    %get3A_920 = arith.constant 160 : index
    %get3A_921 = tpu.vector_load %arg7[%get3A_920] {strides = array<i32>} : memref<5120xf32, #tpu.memory_space<vmem>>, vector<16xf32>,
    %get3A_922 = arith.constant 480 : index
    %get3A_923 = tpu.vector_load %arg7[%get3A_922] {strides = array<i32>} : memref<5120xf32, #tpu.memory_space<vmem>>, vector<16xf32>,
    %add3A_924 = arith.addf %get3A_921, %get3A_923 : vector<16xf32>
    %get3A_925 = arith.constant 800 : index
    %get3A_926 = tpu.vector_load %arg7[%get3A_925] {strides = array<i32>} : memref<5120xf32, #tpu.memory_space<vmem>>, vector<16xf32>,
    %add3A_927 = arith.addf %add3A_924, %get3A_926 : vector<16xf32>
    %get3A_928 = arith.constant 1120 : index
    %get3A_929 = tpu.vector_load %arg7[%get3A_928] {strides = array<i32>} : memref<5120xf32, #tpu.memory_space<vmem>>, vector<16xf32>,
    %add3A_930 = arith.addf %add3A_927, %get3A_929 : vector<16xf32>
    %get3A_931 = arith.constant 1440 : index
    %get3A_932 = tpu.vector_load %arg7[%get3A_931] {strides = array<i32>} : memref<5120xf32, #tpu.memory_space<vmem>>, vector<16xf32>,
    %add3A_933 = arith.addf %add3A_930, %get3A_932 : vector<16xf32>
    %get3A_934 = arith.constant 1760 : index
    %get3A_935 = tpu.vector_load %arg7[%get3A_934] {strides = array<i32>} : memref<5120xf32, #tpu.memory_space<vmem>>, vector<16xf32>,
    %add3A_936 = arith.addf %add3A_933, %get3A_935 : vector<16xf32>
    %get3A_937 = arith.constant 2080 : index
    %get3A_938 = tpu.vector_load %arg7[%get3A_937] {strides = array<i32>} : memref<5120xf32, #tpu.memory_space<vmem>>, vector<16xf32>,
    %add3A_939 = arith.addf %add3A_936, %get3A_938 : vector<16xf32>
    %get3A_940 = arith.constant 2400 : index
    %get3A_941 = tpu.vector_load %arg7[%get3A_940] {strides = array<i32>} : memref<5120xf32, #tpu.memory_space<vmem>>, vector<16xf32>,
    %add3A_942 = arith.addf %add3A_939, %get3A_941 : vector<16xf32>
    %get3A_943 = arith.constant 2720 : index
    %get3A_944 = tpu.vector_load %arg7[%get3A_943] {strides = array<i32>} : memref<5120xf32, #tpu.memory_space<vmem>>, vector<16xf32>,
    %add3A_945 = arith.addf %add3A_942, %get3A_944 : vector<16xf32>
    %get3A_946 = arith.constant 3040 : index
    %get3A_947 = tpu.vector_load %arg7[%get3A_946] {strides = array<i32>} : memref<5120xf32, #tpu.memory_space<vmem>>, vector<16xf32>,
    %add3A_948 = arith.addf %add3A_945, %get3A_947 : vector<16xf32>
    %get3A_949 = arith.constant 3360 : index
    %get3A_950 = tpu.vector_load %arg7[%get3A_949] {strides = array<i32>} : memref<5120xf32, #tpu.memory_space<vmem>>, vector<16xf32>,
    %add3A_951 = arith.addf %add3A_948, %get3A_950 : vector<16xf32>
    %get3A_952 = arith.constant 3680 : index
    %get3A_953 = tpu.vector_load %arg7[%get3A_952] {strides = array<i32>} : memref<5120xf32, #tpu.memory_space<vmem>>, vector<16xf32>,
    %add3A_954 = arith.addf %add3A_951, %get3A_953 : vector<16xf32>
    %get3A_955 = arith.constant 4000 : index
    %get3A_956 = tpu.vector_load %arg7[%get3A_955] {strides = array<i32>} : memref<5120xf32, #tpu.memory_space<vmem>>, vector<16xf32>,
    %add3A_957 = arith.addf %add3A_954, %get3A_956 : vector<16xf32>
    %get3A_958 = arith.constant 4320 : index
    %get3A_959 = tpu.vector_load %arg7[%get3A_958] {strides = array<i32>} : memref<5120xf32, #tpu.memory_space<vmem>>, vector<16xf32>,
    %add3A_960 = arith.addf %add3A_957, %get3A_959 : vector<16xf32>
    %get3A_961 = arith.constant 4640 : index
    %get3A_962 = tpu.vector_load %arg7[%get3A_961] {strides = array<i32>} : memref<5120xf32, #tpu.memory_space<vmem>>, vector<16xf32>,
    %add3A_963 = arith.addf %add3A_960, %get3A_962 : vector<16xf32>
    %get3A_964 = arith.constant 4960 : index
    %get3A_965 = tpu.vector_load %arg7[%get3A_964] {strides = array<i32>} : memref<5120xf32, #tpu.memory_space<vmem>>, vector<16xf32>,
    %add3A_966 = arith.addf %add3A_963, %get3A_965 : vector<16xf32>
    %add3A_967 = arith.constant 1.000000e+00 : f32
    %add3A_968 = vector.broadcast %add3A_967 : f32 to vector<16xf32>
    %add3A_969 = arith.addf %add3A_966, %add3A_968 : vector<16xf32>
    %bitcast_convert_type3A_970 = tpu.bitcast %add3A_969 : vector<16xf32> -> vector<16xi32>
    %shift_right_arithmetic3A_971 = arith.constant 1 : i32
    %shift_right_arithmetic3A_972 = vector.broadcast %shift_right_arithmetic3A_971 : i32 to vector<16xi32>
    %shift_right_arithmetic3A_973 = arith.shrsi %bitcast_convert_type3A_970, %shift_right_arithmetic3A_972 : vector<16xi32>
    %sub3A_974 = arith.constant 1597463007 : i32
    %sub3A_975 = vector.broadcast %sub3A_974 : i32 to vector<16xi32>
    %sub3A_976 = arith.subi %sub3A_975, %shift_right_arithmetic3A_973 : vector<16xi32>
    %bitcast_convert_type3A_977 = tpu.bitcast %sub3A_976 : vector<16xi32> -> vector<16xf32>
    %mul3A_978 = arith.constant 5.000000e-01 : f32
    %mul3A_979 = vector.broadcast %mul3A_978 : f32 to vector<16xf32>
    %mul3A_980 = arith.mulf %mul3A_979, %add3A_969 : vector<16xf32>
    %mul3A_981 = arith.mulf %mul3A_980, %bitcast_convert_type3A_977 : vector<16xf32>
    %mul3A_982 = arith.mulf %mul3A_981, %bitcast_convert_type3A_977 : vector<16xf32>
    %sub3A_983 = arith.constant 1.500000e+00 : f32
    %sub3A_984 = vector.broadcast %sub3A_983 : f32 to vector<16xf32>
    %sub3A_985 = arith.subf %sub3A_984, %mul3A_982 : vector<16xf32>
    %mul3A_986 = arith.mulf %bitcast_convert_type3A_977, %sub3A_985 : vector<16xf32>
    %mul3A_987 = arith.constant 5.000000e-01 : f32
    %mul3A_988 = vector.broadcast %mul3A_987 : f32 to vector<16xf32>
    %mul3A_989 = arith.mulf %mul3A_988, %add3A_969 : vector<16xf32>
    %mul3A_990 = arith.mulf %mul3A_989, %mul3A_986 : vector<16xf32>
    %mul3A_991 = arith.mulf %mul3A_990, %mul3A_986 : vector<16xf32>
    %sub3A_992 = arith.constant 1.500000e+00 : f32
    %sub3A_993 = vector.broadcast %sub3A_992 : f32 to vector<16xf32>
    %sub3A_994 = arith.subf %sub3A_993, %mul3A_991 : vector<16xf32>
    %mul3A_995 = arith.mulf %mul3A_986, %sub3A_994 : vector<16xf32>
    %mul3A_996 = arith.constant 5.000000e-01 : f32
    %mul3A_997 = vector.broadcast %mul3A_996 : f32 to vector<16xf32>
    %mul3A_998 = arith.mulf %mul3A_997, %add3A_969 : vector<16xf32>
    %mul3A_999 = arith.mulf %mul3A_998, %mul3A_995 : vector<16xf32>
    %mul3A_1000 = arith.mulf %mul3A_999, %mul3A_995 : vector<16xf32>
    %sub3A_1001 = arith.constant 1.500000e+00 : f32
    %sub3A_1002 = vector.broadcast %sub3A_1001 : f32 to vector<16xf32>
    %sub3A_1003 = arith.subf %sub3A_1002, %mul3A_1000 : vector<16xf32>
    %mul3A_1004 = arith.mulf %mul3A_995, %sub3A_1003 : vector<16xf32>
    %swap3A_1005 = arith.constant 160 : index
    %swap3A_1006 = tpu.vector_load %arg8[%swap3A_1005] {strides = array<i32>} : memref<320xf32, #tpu.memory_space<vmem>>, vector<16xf32>,
    tpu.vector_store %arg8[%swap3A_1005], %mul3A_1004 {strides = array<i32>} : memref<320xf32, #tpu.memory_space<vmem>>, vector<16xf32>,
    %get3A_1007 = arith.constant 176 : index
    %get3A_1008 = tpu.vector_load %arg7[%get3A_1007] {strides = array<i32>} : memref<5120xf32, #tpu.memory_space<vmem>>, vector<16xf32>,
    %get3A_1009 = arith.constant 496 : index
    %get3A_1010 = tpu.vector_load %arg7[%get3A_1009] {strides = array<i32>} : memref<5120xf32, #tpu.memory_space<vmem>>, vector<16xf32>,
    %add3A_1011 = arith.addf %get3A_1008, %get3A_1010 : vector<16xf32>
    %get3A_1012 = arith.constant 816 : index
    %get3A_1013 = tpu.vector_load %arg7[%get3A_1012] {strides = array<i32>} : memref<5120xf32, #tpu.memory_space<vmem>>, vector<16xf32>,
    %add3A_1014 = arith.addf %add3A_1011, %get3A_1013 : vector<16xf32>
    %get3A_1015 = arith.constant 1136 : index
    %get3A_1016 = tpu.vector_load %arg7[%get3A_1015] {strides = array<i32>} : memref<5120xf32, #tpu.memory_space<vmem>>, vector<16xf32>,
    %add3A_1017 = arith.addf %add3A_1014, %get3A_1016 : vector<16xf32>
    %get3A_1018 = arith.constant 1456 : index
    %get3A_1019 = tpu.vector_load %arg7[%get3A_1018] {strides = array<i32>} : memref<5120xf32, #tpu.memory_space<vmem>>, vector<16xf32>,
    %add3A_1020 = arith.addf %add3A_1017, %get3A_1019 : vector<16xf32>
    %get3A_1021 = arith.constant 1776 : index
    %get3A_1022 = tpu.vector_load %arg7[%get3A_1021] {strides = array<i32>} : memref<5120xf32, #tpu.memory_space<vmem>>, vector<16xf32>,
    %add3A_1023 = arith.addf %add3A_1020, %get3A_1022 : vector<16xf32>
    %get3A_1024 = arith.constant 2096 : index
    %get3A_1025 = tpu.vector_load %arg7[%get3A_1024] {strides = array<i32>} : memref<5120xf32, #tpu.memory_space<vmem>>, vector<16xf32>,
    %add3A_1026 = arith.addf %add3A_1023, %get3A_1025 : vector<16xf32>
    %get3A_1027 = arith.constant 2416 : index
    %get3A_1028 = tpu.vector_load %arg7[%get3A_1027] {strides = array<i32>} : memref<5120xf32, #tpu.memory_space<vmem>>, vector<16xf32>,
    %add3A_1029 = arith.addf %add3A_1026, %get3A_1028 : vector<16xf32>
    %get3A_1030 = arith.constant 2736 : index
    %get3A_1031 = tpu.vector_load %arg7[%get3A_1030] {strides = array<i32>} : memref<5120xf32, #tpu.memory_space<vmem>>, vector<16xf32>,
    %add3A_1032 = arith.addf %add3A_1029, %get3A_1031 : vector<16xf32>
    %get3A_1033 = arith.constant 3056 : index
    %get3A_1034 = tpu.vector_load %arg7[%get3A_1033] {strides = array<i32>} : memref<5120xf32, #tpu.memory_space<vmem>>, vector<16xf32>,
    %add3A_1035 = arith.addf %add3A_1032, %get3A_1034 : vector<16xf32>
    %get3A_1036 = arith.constant 3376 : index
    %get3A_1037 = tpu.vector_load %arg7[%get3A_1036] {strides = array<i32>} : memref<5120xf32, #tpu.memory_space<vmem>>, vector<16xf32>,
    %add3A_1038 = arith.addf %add3A_1035, %get3A_1037 : vector<16xf32>
    %get3A_1039 = arith.constant 3696 : index
    %get3A_1040 = tpu.vector_load %arg7[%get3A_1039] {strides = array<i32>} : memref<5120xf32, #tpu.memory_space<vmem>>, vector<16xf32>,
    %add3A_1041 = arith.addf %add3A_1038, %get3A_1040 : vector<16xf32>
    %get3A_1042 = arith.constant 4016 : index
    %get3A_1043 = tpu.vector_load %arg7[%get3A_1042] {strides = array<i32>} : memref<5120xf32, #tpu.memory_space<vmem>>, vector<16xf32>,
    %add3A_1044 = arith.addf %add3A_1041, %get3A_1043 : vector<16xf32>
    %get3A_1045 = arith.constant 4336 : index
    %get3A_1046 = tpu.vector_load %arg7[%get3A_1045] {strides = array<i32>} : memref<5120xf32, #tpu.memory_space<vmem>>, vector<16xf32>,
    %add3A_1047 = arith.addf %add3A_1044, %get3A_1046 : vector<16xf32>
    %get3A_1048 = arith.constant 4656 : index
    %get3A_1049 = tpu.vector_load %arg7[%get3A_1048] {strides = array<i32>} : memref<5120xf32, #tpu.memory_space<vmem>>, vector<16xf32>,
    %add3A_1050 = arith.addf %add3A_1047, %get3A_1049 : vector<16xf32>
    %get3A_1051 = arith.constant 4976 : index
    %get3A_1052 = tpu.vector_load %arg7[%get3A_1051] {strides = array<i32>} : memref<5120xf32, #tpu.memory_space<vmem>>, vector<16xf32>,
    %add3A_1053 = arith.addf %add3A_1050, %get3A_1052 : vector<16xf32>
    %add3A_1054 = arith.constant 1.000000e+00 : f32
    %add3A_1055 = vector.broadcast %add3A_1054 : f32 to vector<16xf32>
    %add3A_1056 = arith.addf %add3A_1053, %add3A_1055 : vector<16xf32>
    %bitcast_convert_type3A_1057 = tpu.bitcast %add3A_1056 : vector<16xf32> -> vector<16xi32>
    %shift_right_arithmetic3A_1058 = arith.constant 1 : i32
    %shift_right_arithmetic3A_1059 = vector.broadcast %shift_right_arithmetic3A_1058 : i32 to vector<16xi32>
    %shift_right_arithmetic3A_1060 = arith.shrsi %bitcast_convert_type3A_1057, %shift_right_arithmetic3A_1059 : vector<16xi32>
    %sub3A_1061 = arith.constant 1597463007 : i32
    %sub3A_1062 = vector.broadcast %sub3A_1061 : i32 to vector<16xi32>
    %sub3A_1063 = arith.subi %sub3A_1062, %shift_right_arithmetic3A_1060 : vector<16xi32>
    %bitcast_convert_type3A_1064 = tpu.bitcast %sub3A_1063 : vector<16xi32> -> vector<16xf32>
    %mul3A_1065 = arith.constant 5.000000e-01 : f32
    %mul3A_1066 = vector.broadcast %mul3A_1065 : f32 to vector<16xf32>
    %mul3A_1067 = arith.mulf %mul3A_1066, %add3A_1056 : vector<16xf32>
    %mul3A_1068 = arith.mulf %mul3A_1067, %bitcast_convert_type3A_1064 : vector<16xf32>
    %mul3A_1069 = arith.mulf %mul3A_1068, %bitcast_convert_type3A_1064 : vector<16xf32>
    %sub3A_1070 = arith.constant 1.500000e+00 : f32
    %sub3A_1071 = vector.broadcast %sub3A_1070 : f32 to vector<16xf32>
    %sub3A_1072 = arith.subf %sub3A_1071, %mul3A_1069 : vector<16xf32>
    %mul3A_1073 = arith.mulf %bitcast_convert_type3A_1064, %sub3A_1072 : vector<16xf32>
    %mul3A_1074 = arith.constant 5.000000e-01 : f32
    %mul3A_1075 = vector.broadcast %mul3A_1074 : f32 to vector<16xf32>
    %mul3A_1076 = arith.mulf %mul3A_1075, %add3A_1056 : vector<16xf32>
    %mul3A_1077 = arith.mulf %mul3A_1076, %mul3A_1073 : vector<16xf32>
    %mul3A_1078 = arith.mulf %mul3A_1077, %mul3A_1073 : vector<16xf32>
    %sub3A_1079 = arith.constant 1.500000e+00 : f32
    %sub3A_1080 = vector.broadcast %sub3A_1079 : f32 to vector<16xf32>
    %sub3A_1081 = arith.subf %sub3A_1080, %mul3A_1078 : vector<16xf32>
    %mul3A_1082 = arith.mulf %mul3A_1073, %sub3A_1081 : vector<16xf32>
    %mul3A_1083 = arith.constant 5.000000e-01 : f32
    %mul3A_1084 = vector.broadcast %mul3A_1083 : f32 to vector<16xf32>
    %mul3A_1085 = arith.mulf %mul3A_1084, %add3A_1056 : vector<16xf32>
    %mul3A_1086 = arith.mulf %mul3A_1085, %mul3A_1082 : vector<16xf32>
    %mul3A_1087 = arith.mulf %mul3A_1086, %mul3A_1082 : vector<16xf32>
    %sub3A_1088 = arith.constant 1.500000e+00 : f32
    %sub3A_1089 = vector.broadcast %sub3A_1088 : f32 to vector<16xf32>
    %sub3A_1090 = arith.subf %sub3A_1089, %mul3A_1087 : vector<16xf32>
    %mul3A_1091 = arith.mulf %mul3A_1082, %sub3A_1090 : vector<16xf32>
    %swap3A_1092 = arith.constant 176 : index
    %swap3A_1093 = tpu.vector_load %arg8[%swap3A_1092] {strides = array<i32>} : memref<320xf32, #tpu.memory_space<vmem>>, vector<16xf32>,
    tpu.vector_store %arg8[%swap3A_1092], %mul3A_1091 {strides = array<i32>} : memref<320xf32, #tpu.memory_space<vmem>>, vector<16xf32>,
    %get3A_1094 = arith.constant 192 : index
    %get3A_1095 = tpu.vector_load %arg7[%get3A_1094] {strides = array<i32>} : memref<5120xf32, #tpu.memory_space<vmem>>, vector<16xf32>,
    %get3A_1096 = arith.constant 512 : index
    %get3A_1097 = tpu.vector_load %arg7[%get3A_1096] {strides = array<i32>} : memref<5120xf32, #tpu.memory_space<vmem>>, vector<16xf32>,
    %add3A_1098 = arith.addf %get3A_1095, %get3A_1097 : vector<16xf32>
    %get3A_1099 = arith.constant 832 : index
    %get3A_1100 = tpu.vector_load %arg7[%get3A_1099] {strides = array<i32>} : memref<5120xf32, #tpu.memory_space<vmem>>, vector<16xf32>,
    %add3A_1101 = arith.addf %add3A_1098, %get3A_1100 : vector<16xf32>
    %get3A_1102 = arith.constant 1152 : index
    %get3A_1103 = tpu.vector_load %arg7[%get3A_1102] {strides = array<i32>} : memref<5120xf32, #tpu.memory_space<vmem>>, vector<16xf32>,
    %add3A_1104 = arith.addf %add3A_1101, %get3A_1103 : vector<16xf32>
    %get3A_1105 = arith.constant 1472 : index
    %get3A_1106 = tpu.vector_load %arg7[%get3A_1105] {strides = array<i32>} : memref<5120xf32, #tpu.memory_space<vmem>>, vector<16xf32>,
    %add3A_1107 = arith.addf %add3A_1104, %get3A_1106 : vector<16xf32>
    %get3A_1108 = arith.constant 1792 : index
    %get3A_1109 = tpu.vector_load %arg7[%get3A_1108] {strides = array<i32>} : memref<5120xf32, #tpu.memory_space<vmem>>, vector<16xf32>,
    %add3A_1110 = arith.addf %add3A_1107, %get3A_1109 : vector<16xf32>
    %get3A_1111 = arith.constant 2112 : index
    %get3A_1112 = tpu.vector_load %arg7[%get3A_1111] {strides = array<i32>} : memref<5120xf32, #tpu.memory_space<vmem>>, vector<16xf32>,
    %add3A_1113 = arith.addf %add3A_1110, %get3A_1112 : vector<16xf32>
    %get3A_1114 = arith.constant 2432 : index
    %get3A_1115 = tpu.vector_load %arg7[%get3A_1114] {strides = array<i32>} : memref<5120xf32, #tpu.memory_space<vmem>>, vector<16xf32>,
    %add3A_1116 = arith.addf %add3A_1113, %get3A_1115 : vector<16xf32>
    %get3A_1117 = arith.constant 2752 : index
    %get3A_1118 = tpu.vector_load %arg7[%get3A_1117] {strides = array<i32>} : memref<5120xf32, #tpu.memory_space<vmem>>, vector<16xf32>,
    %add3A_1119 = arith.addf %add3A_1116, %get3A_1118 : vector<16xf32>
    %get3A_1120 = arith.constant 3072 : index
    %get3A_1121 = tpu.vector_load %arg7[%get3A_1120] {strides = array<i32>} : memref<5120xf32, #tpu.memory_space<vmem>>, vector<16xf32>,
    %add3A_1122 = arith.addf %add3A_1119, %get3A_1121 : vector<16xf32>
    %get3A_1123 = arith.constant 3392 : index
    %get3A_1124 = tpu.vector_load %arg7[%get3A_1123] {strides = array<i32>} : memref<5120xf32, #tpu.memory_space<vmem>>, vector<16xf32>,
    %add3A_1125 = arith.addf %add3A_1122, %get3A_1124 : vector<16xf32>
    %get3A_1126 = arith.constant 3712 : index
    %get3A_1127 = tpu.vector_load %arg7[%get3A_1126] {strides = array<i32>} : memref<5120xf32, #tpu.memory_space<vmem>>, vector<16xf32>,
    %add3A_1128 = arith.addf %add3A_1125, %get3A_1127 : vector<16xf32>
    %get3A_1129 = arith.constant 4032 : index
    %get3A_1130 = tpu.vector_load %arg7[%get3A_1129] {strides = array<i32>} : memref<5120xf32, #tpu.memory_space<vmem>>, vector<16xf32>,
    %add3A_1131 = arith.addf %add3A_1128, %get3A_1130 : vector<16xf32>
    %get3A_1132 = arith.constant 4352 : index
    %get3A_1133 = tpu.vector_load %arg7[%get3A_1132] {strides = array<i32>} : memref<5120xf32, #tpu.memory_space<vmem>>, vector<16xf32>,
    %add3A_1134 = arith.addf %add3A_1131, %get3A_1133 : vector<16xf32>
    %get3A_1135 = arith.constant 4672 : index
    %get3A_1136 = tpu.vector_load %arg7[%get3A_1135] {strides = array<i32>} : memref<5120xf32, #tpu.memory_space<vmem>>, vector<16xf32>,
    %add3A_1137 = arith.addf %add3A_1134, %get3A_1136 : vector<16xf32>
    %get3A_1138 = arith.constant 4992 : index
    %get3A_1139 = tpu.vector_load %arg7[%get3A_1138] {strides = array<i32>} : memref<5120xf32, #tpu.memory_space<vmem>>, vector<16xf32>,
    %add3A_1140 = arith.addf %add3A_1137, %get3A_1139 : vector<16xf32>
    %add3A_1141 = arith.constant 1.000000e+00 : f32
    %add3A_1142 = vector.broadcast %add3A_1141 : f32 to vector<16xf32>
    %add3A_1143 = arith.addf %add3A_1140, %add3A_1142 : vector<16xf32>
    %bitcast_convert_type3A_1144 = tpu.bitcast %add3A_1143 : vector<16xf32> -> vector<16xi32>
    %shift_right_arithmetic3A_1145 = arith.constant 1 : i32
    %shift_right_arithmetic3A_1146 = vector.broadcast %shift_right_arithmetic3A_1145 : i32 to vector<16xi32>
    %shift_right_arithmetic3A_1147 = arith.shrsi %bitcast_convert_type3A_1144, %shift_right_arithmetic3A_1146 : vector<16xi32>
    %sub3A_1148 = arith.constant 1597463007 : i32
    %sub3A_1149 = vector.broadcast %sub3A_1148 : i32 to vector<16xi32>
    %sub3A_1150 = arith.subi %sub3A_1149, %shift_right_arithmetic3A_1147 : vector<16xi32>
    %bitcast_convert_type3A_1151 = tpu.bitcast %sub3A_1150 : vector<16xi32> -> vector<16xf32>
    %mul3A_1152 = arith.constant 5.000000e-01 : f32
    %mul3A_1153 = vector.broadcast %mul3A_1152 : f32 to vector<16xf32>
    %mul3A_1154 = arith.mulf %mul3A_1153, %add3A_1143 : vector<16xf32>
    %mul3A_1155 = arith.mulf %mul3A_1154, %bitcast_convert_type3A_1151 : vector<16xf32>
    %mul3A_1156 = arith.mulf %mul3A_1155, %bitcast_convert_type3A_1151 : vector<16xf32>
    %sub3A_1157 = arith.constant 1.500000e+00 : f32
    %sub3A_1158 = vector.broadcast %sub3A_1157 : f32 to vector<16xf32>
    %sub3A_1159 = arith.subf %sub3A_1158, %mul3A_1156 : vector<16xf32>
    %mul3A_1160 = arith.mulf %bitcast_convert_type3A_1151, %sub3A_1159 : vector<16xf32>
    %mul3A_1161 = arith.constant 5.000000e-01 : f32
    %mul3A_1162 = vector.broadcast %mul3A_1161 : f32 to vector<16xf32>
    %mul3A_1163 = arith.mulf %mul3A_1162, %add3A_1143 : vector<16xf32>
    %mul3A_1164 = arith.mulf %mul3A_1163, %mul3A_1160 : vector<16xf32>
    %mul3A_1165 = arith.mulf %mul3A_1164, %mul3A_1160 : vector<16xf32>
    %sub3A_1166 = arith.constant 1.500000e+00 : f32
    %sub3A_1167 = vector.broadcast %sub3A_1166 : f32 to vector<16xf32>
    %sub3A_1168 = arith.subf %sub3A_1167, %mul3A_1165 : vector<16xf32>
    %mul3A_1169 = arith.mulf %mul3A_1160, %sub3A_1168 : vector<16xf32>
    %mul3A_1170 = arith.constant 5.000000e-01 : f32
    %mul3A_1171 = vector.broadcast %mul3A_1170 : f32 to vector<16xf32>
    %mul3A_1172 = arith.mulf %mul3A_1171, %add3A_1143 : vector<16xf32>
    %mul3A_1173 = arith.mulf %mul3A_1172, %mul3A_1169 : vector<16xf32>
    %mul3A_1174 = arith.mulf %mul3A_1173, %mul3A_1169 : vector<16xf32>
    %sub3A_1175 = arith.constant 1.500000e+00 : f32
    %sub3A_1176 = vector.broadcast %sub3A_1175 : f32 to vector<16xf32>
    %sub3A_1177 = arith.subf %sub3A_1176, %mul3A_1174 : vector<16xf32>
    %mul3A_1178 = arith.mulf %mul3A_1169, %sub3A_1177 : vector<16xf32>
    %swap3A_1179 = arith.constant 192 : index
    %swap3A_1180 = tpu.vector_load %arg8[%swap3A_1179] {strides = array<i32>} : memref<320xf32, #tpu.memory_space<vmem>>, vector<16xf32>,
    tpu.vector_store %arg8[%swap3A_1179], %mul3A_1178 {strides = array<i32>} : memref<320xf32, #tpu.memory_space<vmem>>, vector<16xf32>,
    %get3A_1181 = arith.constant 208 : index
    %get3A_1182 = tpu.vector_load %arg7[%get3A_1181] {strides = array<i32>} : memref<5120xf32, #tpu.memory_space<vmem>>, vector<16xf32>,
    %get3A_1183 = arith.constant 528 : index
    %get3A_1184 = tpu.vector_load %arg7[%get3A_1183] {strides = array<i32>} : memref<5120xf32, #tpu.memory_space<vmem>>, vector<16xf32>,
    %add3A_1185 = arith.addf %get3A_1182, %get3A_1184 : vector<16xf32>
    %get3A_1186 = arith.constant 848 : index
    %get3A_1187 = tpu.vector_load %arg7[%get3A_1186] {strides = array<i32>} : memref<5120xf32, #tpu.memory_space<vmem>>, vector<16xf32>,
    %add3A_1188 = arith.addf %add3A_1185, %get3A_1187 : vector<16xf32>
    %get3A_1189 = arith.constant 1168 : index
    %get3A_1190 = tpu.vector_load %arg7[%get3A_1189] {strides = array<i32>} : memref<5120xf32, #tpu.memory_space<vmem>>, vector<16xf32>,
    %add3A_1191 = arith.addf %add3A_1188, %get3A_1190 : vector<16xf32>
    %get3A_1192 = arith.constant 1488 : index
    %get3A_1193 = tpu.vector_load %arg7[%get3A_1192] {strides = array<i32>} : memref<5120xf32, #tpu.memory_space<vmem>>, vector<16xf32>,
    %add3A_1194 = arith.addf %add3A_1191, %get3A_1193 : vector<16xf32>
    %get3A_1195 = arith.constant 1808 : index
    %get3A_1196 = tpu.vector_load %arg7[%get3A_1195] {strides = array<i32>} : memref<5120xf32, #tpu.memory_space<vmem>>, vector<16xf32>,
    %add3A_1197 = arith.addf %add3A_1194, %get3A_1196 : vector<16xf32>
    %get3A_1198 = arith.constant 2128 : index
    %get3A_1199 = tpu.vector_load %arg7[%get3A_1198] {strides = array<i32>} : memref<5120xf32, #tpu.memory_space<vmem>>, vector<16xf32>,
    %add3A_1200 = arith.addf %add3A_1197, %get3A_1199 : vector<16xf32>
    %get3A_1201 = arith.constant 2448 : index
    %get3A_1202 = tpu.vector_load %arg7[%get3A_1201] {strides = array<i32>} : memref<5120xf32, #tpu.memory_space<vmem>>, vector<16xf32>,
    %add3A_1203 = arith.addf %add3A_1200, %get3A_1202 : vector<16xf32>
    %get3A_1204 = arith.constant 2768 : index
    %get3A_1205 = tpu.vector_load %arg7[%get3A_1204] {strides = array<i32>} : memref<5120xf32, #tpu.memory_space<vmem>>, vector<16xf32>,
    %add3A_1206 = arith.addf %add3A_1203, %get3A_1205 : vector<16xf32>
    %get3A_1207 = arith.constant 3088 : index
    %get3A_1208 = tpu.vector_load %arg7[%get3A_1207] {strides = array<i32>} : memref<5120xf32, #tpu.memory_space<vmem>>, vector<16xf32>,
    %add3A_1209 = arith.addf %add3A_1206, %get3A_1208 : vector<16xf32>
    %get3A_1210 = arith.constant 3408 : index
    %get3A_1211 = tpu.vector_load %arg7[%get3A_1210] {strides = array<i32>} : memref<5120xf32, #tpu.memory_space<vmem>>, vector<16xf32>,
    %add3A_1212 = arith.addf %add3A_1209, %get3A_1211 : vector<16xf32>
    %get3A_1213 = arith.constant 3728 : index
    %get3A_1214 = tpu.vector_load %arg7[%get3A_1213] {strides = array<i32>} : memref<5120xf32, #tpu.memory_space<vmem>>, vector<16xf32>,
    %add3A_1215 = arith.addf %add3A_1212, %get3A_1214 : vector<16xf32>
    %get3A_1216 = arith.constant 4048 : index
    %get3A_1217 = tpu.vector_load %arg7[%get3A_1216] {strides = array<i32>} : memref<5120xf32, #tpu.memory_space<vmem>>, vector<16xf32>,
    %add3A_1218 = arith.addf %add3A_1215, %get3A_1217 : vector<16xf32>
    %get3A_1219 = arith.constant 4368 : index
    %get3A_1220 = tpu.vector_load %arg7[%get3A_1219] {strides = array<i32>} : memref<5120xf32, #tpu.memory_space<vmem>>, vector<16xf32>,
    %add3A_1221 = arith.addf %add3A_1218, %get3A_1220 : vector<16xf32>
    %get3A_1222 = arith.constant 4688 : index
    %get3A_1223 = tpu.vector_load %arg7[%get3A_1222] {strides = array<i32>} : memref<5120xf32, #tpu.memory_space<vmem>>, vector<16xf32>,
    %add3A_1224 = arith.addf %add3A_1221, %get3A_1223 : vector<16xf32>
    %get3A_1225 = arith.constant 5008 : index
    %get3A_1226 = tpu.vector_load %arg7[%get3A_1225] {strides = array<i32>} : memref<5120xf32, #tpu.memory_space<vmem>>, vector<16xf32>,
    %add3A_1227 = arith.addf %add3A_1224, %get3A_1226 : vector<16xf32>
    %add3A_1228 = arith.constant 1.000000e+00 : f32
    %add3A_1229 = vector.broadcast %add3A_1228 : f32 to vector<16xf32>
    %add3A_1230 = arith.addf %add3A_1227, %add3A_1229 : vector<16xf32>
    %bitcast_convert_type3A_1231 = tpu.bitcast %add3A_1230 : vector<16xf32> -> vector<16xi32>
    %shift_right_arithmetic3A_1232 = arith.constant 1 : i32
    %shift_right_arithmetic3A_1233 = vector.broadcast %shift_right_arithmetic3A_1232 : i32 to vector<16xi32>
    %shift_right_arithmetic3A_1234 = arith.shrsi %bitcast_convert_type3A_1231, %shift_right_arithmetic3A_1233 : vector<16xi32>
    %sub3A_1235 = arith.constant 1597463007 : i32
    %sub3A_1236 = vector.broadcast %sub3A_1235 : i32 to vector<16xi32>
    %sub3A_1237 = arith.subi %sub3A_1236, %shift_right_arithmetic3A_1234 : vector<16xi32>
    %bitcast_convert_type3A_1238 = tpu.bitcast %sub3A_1237 : vector<16xi32> -> vector<16xf32>
    %mul3A_1239 = arith.constant 5.000000e-01 : f32
    %mul3A_1240 = vector.broadcast %mul3A_1239 : f32 to vector<16xf32>
    %mul3A_1241 = arith.mulf %mul3A_1240, %add3A_1230 : vector<16xf32>
    %mul3A_1242 = arith.mulf %mul3A_1241, %bitcast_convert_type3A_1238 : vector<16xf32>
    %mul3A_1243 = arith.mulf %mul3A_1242, %bitcast_convert_type3A_1238 : vector<16xf32>
    %sub3A_1244 = arith.constant 1.500000e+00 : f32
    %sub3A_1245 = vector.broadcast %sub3A_1244 : f32 to vector<16xf32>
    %sub3A_1246 = arith.subf %sub3A_1245, %mul3A_1243 : vector<16xf32>
    %mul3A_1247 = arith.mulf %bitcast_convert_type3A_1238, %sub3A_1246 : vector<16xf32>
    %mul3A_1248 = arith.constant 5.000000e-01 : f32
    %mul3A_1249 = vector.broadcast %mul3A_1248 : f32 to vector<16xf32>
    %mul3A_1250 = arith.mulf %mul3A_1249, %add3A_1230 : vector<16xf32>
    %mul3A_1251 = arith.mulf %mul3A_1250, %mul3A_1247 : vector<16xf32>
    %mul3A_1252 = arith.mulf %mul3A_1251, %mul3A_1247 : vector<16xf32>
    %sub3A_1253 = arith.constant 1.500000e+00 : f32
    %sub3A_1254 = vector.broadcast %sub3A_1253 : f32 to vector<16xf32>
    %sub3A_1255 = arith.subf %sub3A_1254, %mul3A_1252 : vector<16xf32>
    %mul3A_1256 = arith.mulf %mul3A_1247, %sub3A_1255 : vector<16xf32>
    %mul3A_1257 = arith.constant 5.000000e-01 : f32
    %mul3A_1258 = vector.broadcast %mul3A_1257 : f32 to vector<16xf32>
    %mul3A_1259 = arith.mulf %mul3A_1258, %add3A_1230 : vector<16xf32>
    %mul3A_1260 = arith.mulf %mul3A_1259, %mul3A_1256 : vector<16xf32>
    %mul3A_1261 = arith.mulf %mul3A_1260, %mul3A_1256 : vector<16xf32>
    %sub3A_1262 = arith.constant 1.500000e+00 : f32
    %sub3A_1263 = vector.broadcast %sub3A_1262 : f32 to vector<16xf32>
    %sub3A_1264 = arith.subf %sub3A_1263, %mul3A_1261 : vector<16xf32>
    %mul3A_1265 = arith.mulf %mul3A_1256, %sub3A_1264 : vector<16xf32>
    %swap3A_1266 = arith.constant 208 : index
    %swap3A_1267 = tpu.vector_load %arg8[%swap3A_1266] {strides = array<i32>} : memref<320xf32, #tpu.memory_space<vmem>>, vector<16xf32>,
    tpu.vector_store %arg8[%swap3A_1266], %mul3A_1265 {strides = array<i32>} : memref<320xf32, #tpu.memory_space<vmem>>, vector<16xf32>,
    %get3A_1268 = arith.constant 224 : index
    %get3A_1269 = tpu.vector_load %arg7[%get3A_1268] {strides = array<i32>} : memref<5120xf32, #tpu.memory_space<vmem>>, vector<16xf32>,
    %get3A_1270 = arith.constant 544 : index
    %get3A_1271 = tpu.vector_load %arg7[%get3A_1270] {strides = array<i32>} : memref<5120xf32, #tpu.memory_space<vmem>>, vector<16xf32>,
    %add3A_1272 = arith.addf %get3A_1269, %get3A_1271 : vector<16xf32>
    %get3A_1273 = arith.constant 864 : index
    %get3A_1274 = tpu.vector_load %arg7[%get3A_1273] {strides = array<i32>} : memref<5120xf32, #tpu.memory_space<vmem>>, vector<16xf32>,
    %add3A_1275 = arith.addf %add3A_1272, %get3A_1274 : vector<16xf32>
    %get3A_1276 = arith.constant 1184 : index
    %get3A_1277 = tpu.vector_load %arg7[%get3A_1276] {strides = array<i32>} : memref<5120xf32, #tpu.memory_space<vmem>>, vector<16xf32>,
    %add3A_1278 = arith.addf %add3A_1275, %get3A_1277 : vector<16xf32>
    %get3A_1279 = arith.constant 1504 : index
    %get3A_1280 = tpu.vector_load %arg7[%get3A_1279] {strides = array<i32>} : memref<5120xf32, #tpu.memory_space<vmem>>, vector<16xf32>,
    %add3A_1281 = arith.addf %add3A_1278, %get3A_1280 : vector<16xf32>
    %get3A_1282 = arith.constant 1824 : index
    %get3A_1283 = tpu.vector_load %arg7[%get3A_1282] {strides = array<i32>} : memref<5120xf32, #tpu.memory_space<vmem>>, vector<16xf32>,
    %add3A_1284 = arith.addf %add3A_1281, %get3A_1283 : vector<16xf32>
    %get3A_1285 = arith.constant 2144 : index
    %get3A_1286 = tpu.vector_load %arg7[%get3A_1285] {strides = array<i32>} : memref<5120xf32, #tpu.memory_space<vmem>>, vector<16xf32>,
    %add3A_1287 = arith.addf %add3A_1284, %get3A_1286 : vector<16xf32>
    %get3A_1288 = arith.constant 2464 : index
    %get3A_1289 = tpu.vector_load %arg7[%get3A_1288] {strides = array<i32>} : memref<5120xf32, #tpu.memory_space<vmem>>, vector<16xf32>,
    %add3A_1290 = arith.addf %add3A_1287, %get3A_1289 : vector<16xf32>
    %get3A_1291 = arith.constant 2784 : index
    %get3A_1292 = tpu.vector_load %arg7[%get3A_1291] {strides = array<i32>} : memref<5120xf32, #tpu.memory_space<vmem>>, vector<16xf32>,
    %add3A_1293 = arith.addf %add3A_1290, %get3A_1292 : vector<16xf32>
    %get3A_1294 = arith.constant 3104 : index
    %get3A_1295 = tpu.vector_load %arg7[%get3A_1294] {strides = array<i32>} : memref<5120xf32, #tpu.memory_space<vmem>>, vector<16xf32>,
    %add3A_1296 = arith.addf %add3A_1293, %get3A_1295 : vector<16xf32>
    %get3A_1297 = arith.constant 3424 : index
    %get3A_1298 = tpu.vector_load %arg7[%get3A_1297] {strides = array<i32>} : memref<5120xf32, #tpu.memory_space<vmem>>, vector<16xf32>,
    %add3A_1299 = arith.addf %add3A_1296, %get3A_1298 : vector<16xf32>
    %get3A_1300 = arith.constant 3744 : index
    %get3A_1301 = tpu.vector_load %arg7[%get3A_1300] {strides = array<i32>} : memref<5120xf32, #tpu.memory_space<vmem>>, vector<16xf32>,
    %add3A_1302 = arith.addf %add3A_1299, %get3A_1301 : vector<16xf32>
    %get3A_1303 = arith.constant 4064 : index
    %get3A_1304 = tpu.vector_load %arg7[%get3A_1303] {strides = array<i32>} : memref<5120xf32, #tpu.memory_space<vmem>>, vector<16xf32>,
    %add3A_1305 = arith.addf %add3A_1302, %get3A_1304 : vector<16xf32>
    %get3A_1306 = arith.constant 4384 : index
    %get3A_1307 = tpu.vector_load %arg7[%get3A_1306] {strides = array<i32>} : memref<5120xf32, #tpu.memory_space<vmem>>, vector<16xf32>,
    %add3A_1308 = arith.addf %add3A_1305, %get3A_1307 : vector<16xf32>
    %get3A_1309 = arith.constant 4704 : index
    %get3A_1310 = tpu.vector_load %arg7[%get3A_1309] {strides = array<i32>} : memref<5120xf32, #tpu.memory_space<vmem>>, vector<16xf32>,
    %add3A_1311 = arith.addf %add3A_1308, %get3A_1310 : vector<16xf32>
    %get3A_1312 = arith.constant 5024 : index
    %get3A_1313 = tpu.vector_load %arg7[%get3A_1312] {strides = array<i32>} : memref<5120xf32, #tpu.memory_space<vmem>>, vector<16xf32>,
    %add3A_1314 = arith.addf %add3A_1311, %get3A_1313 : vector<16xf32>
    %add3A_1315 = arith.constant 1.000000e+00 : f32
    %add3A_1316 = vector.broadcast %add3A_1315 : f32 to vector<16xf32>
    %add3A_1317 = arith.addf %add3A_1314, %add3A_1316 : vector<16xf32>
    %bitcast_convert_type3A_1318 = tpu.bitcast %add3A_1317 : vector<16xf32> -> vector<16xi32>
    %shift_right_arithmetic3A_1319 = arith.constant 1 : i32
    %shift_right_arithmetic3A_1320 = vector.broadcast %shift_right_arithmetic3A_1319 : i32 to vector<16xi32>
    %shift_right_arithmetic3A_1321 = arith.shrsi %bitcast_convert_type3A_1318, %shift_right_arithmetic3A_1320 : vector<16xi32>
    %sub3A_1322 = arith.constant 1597463007 : i32
    %sub3A_1323 = vector.broadcast %sub3A_1322 : i32 to vector<16xi32>
    %sub3A_1324 = arith.subi %sub3A_1323, %shift_right_arithmetic3A_1321 : vector<16xi32>
    %bitcast_convert_type3A_1325 = tpu.bitcast %sub3A_1324 : vector<16xi32> -> vector<16xf32>
    %mul3A_1326 = arith.constant 5.000000e-01 : f32
    %mul3A_1327 = vector.broadcast %mul3A_1326 : f32 to vector<16xf32>
    %mul3A_1328 = arith.mulf %mul3A_1327, %add3A_1317 : vector<16xf32>
    %mul3A_1329 = arith.mulf %mul3A_1328, %bitcast_convert_type3A_1325 : vector<16xf32>
    %mul3A_1330 = arith.mulf %mul3A_1329, %bitcast_convert_type3A_1325 : vector<16xf32>
    %sub3A_1331 = arith.constant 1.500000e+00 : f32
    %sub3A_1332 = vector.broadcast %sub3A_1331 : f32 to vector<16xf32>
    %sub3A_1333 = arith.subf %sub3A_1332, %mul3A_1330 : vector<16xf32>
    %mul3A_1334 = arith.mulf %bitcast_convert_type3A_1325, %sub3A_1333 : vector<16xf32>
    %mul3A_1335 = arith.constant 5.000000e-01 : f32
    %mul3A_1336 = vector.broadcast %mul3A_1335 : f32 to vector<16xf32>
    %mul3A_1337 = arith.mulf %mul3A_1336, %add3A_1317 : vector<16xf32>
    %mul3A_1338 = arith.mulf %mul3A_1337, %mul3A_1334 : vector<16xf32>
    %mul3A_1339 = arith.mulf %mul3A_1338, %mul3A_1334 : vector<16xf32>
    %sub3A_1340 = arith.constant 1.500000e+00 : f32
    %sub3A_1341 = vector.broadcast %sub3A_1340 : f32 to vector<16xf32>
    %sub3A_1342 = arith.subf %sub3A_1341, %mul3A_1339 : vector<16xf32>
    %mul3A_1343 = arith.mulf %mul3A_1334, %sub3A_1342 : vector<16xf32>
    %mul3A_1344 = arith.constant 5.000000e-01 : f32
    %mul3A_1345 = vector.broadcast %mul3A_1344 : f32 to vector<16xf32>
    %mul3A_1346 = arith.mulf %mul3A_1345, %add3A_1317 : vector<16xf32>
    %mul3A_1347 = arith.mulf %mul3A_1346, %mul3A_1343 : vector<16xf32>
    %mul3A_1348 = arith.mulf %mul3A_1347, %mul3A_1343 : vector<16xf32>
    %sub3A_1349 = arith.constant 1.500000e+00 : f32
    %sub3A_1350 = vector.broadcast %sub3A_1349 : f32 to vector<16xf32>
    %sub3A_1351 = arith.subf %sub3A_1350, %mul3A_1348 : vector<16xf32>
    %mul3A_1352 = arith.mulf %mul3A_1343, %sub3A_1351 : vector<16xf32>
    %swap3A_1353 = arith.constant 224 : index
    %swap3A_1354 = tpu.vector_load %arg8[%swap3A_1353] {strides = array<i32>} : memref<320xf32, #tpu.memory_space<vmem>>, vector<16xf32>,
    tpu.vector_store %arg8[%swap3A_1353], %mul3A_1352 {strides = array<i32>} : memref<320xf32, #tpu.memory_space<vmem>>, vector<16xf32>,
    %get3A_1355 = arith.constant 240 : index
    %get3A_1356 = tpu.vector_load %arg7[%get3A_1355] {strides = array<i32>} : memref<5120xf32, #tpu.memory_space<vmem>>, vector<16xf32>,
    %get3A_1357 = arith.constant 560 : index
    %get3A_1358 = tpu.vector_load %arg7[%get3A_1357] {strides = array<i32>} : memref<5120xf32, #tpu.memory_space<vmem>>, vector<16xf32>,
    %add3A_1359 = arith.addf %get3A_1356, %get3A_1358 : vector<16xf32>
    %get3A_1360 = arith.constant 880 : index
    %get3A_1361 = tpu.vector_load %arg7[%get3A_1360] {strides = array<i32>} : memref<5120xf32, #tpu.memory_space<vmem>>, vector<16xf32>,
    %add3A_1362 = arith.addf %add3A_1359, %get3A_1361 : vector<16xf32>
    %get3A_1363 = arith.constant 1200 : index
    %get3A_1364 = tpu.vector_load %arg7[%get3A_1363] {strides = array<i32>} : memref<5120xf32, #tpu.memory_space<vmem>>, vector<16xf32>,
    %add3A_1365 = arith.addf %add3A_1362, %get3A_1364 : vector<16xf32>
    %get3A_1366 = arith.constant 1520 : index
    %get3A_1367 = tpu.vector_load %arg7[%get3A_1366] {strides = array<i32>} : memref<5120xf32, #tpu.memory_space<vmem>>, vector<16xf32>,
    %add3A_1368 = arith.addf %add3A_1365, %get3A_1367 : vector<16xf32>
    %get3A_1369 = arith.constant 1840 : index
    %get3A_1370 = tpu.vector_load %arg7[%get3A_1369] {strides = array<i32>} : memref<5120xf32, #tpu.memory_space<vmem>>, vector<16xf32>,
    %add3A_1371 = arith.addf %add3A_1368, %get3A_1370 : vector<16xf32>
    %get3A_1372 = arith.constant 2160 : index
    %get3A_1373 = tpu.vector_load %arg7[%get3A_1372] {strides = array<i32>} : memref<5120xf32, #tpu.memory_space<vmem>>, vector<16xf32>,
    %add3A_1374 = arith.addf %add3A_1371, %get3A_1373 : vector<16xf32>
    %get3A_1375 = arith.constant 2480 : index
    %get3A_1376 = tpu.vector_load %arg7[%get3A_1375] {strides = array<i32>} : memref<5120xf32, #tpu.memory_space<vmem>>, vector<16xf32>,
    %add3A_1377 = arith.addf %add3A_1374, %get3A_1376 : vector<16xf32>
    %get3A_1378 = arith.constant 2800 : index
    %get3A_1379 = tpu.vector_load %arg7[%get3A_1378] {strides = array<i32>} : memref<5120xf32, #tpu.memory_space<vmem>>, vector<16xf32>,
    %add3A_1380 = arith.addf %add3A_1377, %get3A_1379 : vector<16xf32>
    %get3A_1381 = arith.constant 3120 : index
    %get3A_1382 = tpu.vector_load %arg7[%get3A_1381] {strides = array<i32>} : memref<5120xf32, #tpu.memory_space<vmem>>, vector<16xf32>,
    %add3A_1383 = arith.addf %add3A_1380, %get3A_1382 : vector<16xf32>
    %get3A_1384 = arith.constant 3440 : index
    %get3A_1385 = tpu.vector_load %arg7[%get3A_1384] {strides = array<i32>} : memref<5120xf32, #tpu.memory_space<vmem>>, vector<16xf32>,
    %add3A_1386 = arith.addf %add3A_1383, %get3A_1385 : vector<16xf32>
    %get3A_1387 = arith.constant 3760 : index
    %get3A_1388 = tpu.vector_load %arg7[%get3A_1387] {strides = array<i32>} : memref<5120xf32, #tpu.memory_space<vmem>>, vector<16xf32>,
    %add3A_1389 = arith.addf %add3A_1386, %get3A_1388 : vector<16xf32>
    %get3A_1390 = arith.constant 4080 : index
    %get3A_1391 = tpu.vector_load %arg7[%get3A_1390] {strides = array<i32>} : memref<5120xf32, #tpu.memory_space<vmem>>, vector<16xf32>,
    %add3A_1392 = arith.addf %add3A_1389, %get3A_1391 : vector<16xf32>
    %get3A_1393 = arith.constant 4400 : index
    %get3A_1394 = tpu.vector_load %arg7[%get3A_1393] {strides = array<i32>} : memref<5120xf32, #tpu.memory_space<vmem>>, vector<16xf32>,
    %add3A_1395 = arith.addf %add3A_1392, %get3A_1394 : vector<16xf32>
    %get3A_1396 = arith.constant 4720 : index
    %get3A_1397 = tpu.vector_load %arg7[%get3A_1396] {strides = array<i32>} : memref<5120xf32, #tpu.memory_space<vmem>>, vector<16xf32>,
    %add3A_1398 = arith.addf %add3A_1395, %get3A_1397 : vector<16xf32>
    %get3A_1399 = arith.constant 5040 : index
    %get3A_1400 = tpu.vector_load %arg7[%get3A_1399] {strides = array<i32>} : memref<5120xf32, #tpu.memory_space<vmem>>, vector<16xf32>,
    %add3A_1401 = arith.addf %add3A_1398, %get3A_1400 : vector<16xf32>
    %add3A_1402 = arith.constant 1.000000e+00 : f32
    %add3A_1403 = vector.broadcast %add3A_1402 : f32 to vector<16xf32>
    %add3A_1404 = arith.addf %add3A_1401, %add3A_1403 : vector<16xf32>
    %bitcast_convert_type3A_1405 = tpu.bitcast %add3A_1404 : vector<16xf32> -> vector<16xi32>
    %shift_right_arithmetic3A_1406 = arith.constant 1 : i32
    %shift_right_arithmetic3A_1407 = vector.broadcast %shift_right_arithmetic3A_1406 : i32 to vector<16xi32>
    %shift_right_arithmetic3A_1408 = arith.shrsi %bitcast_convert_type3A_1405, %shift_right_arithmetic3A_1407 : vector<16xi32>
    %sub3A_1409 = arith.constant 1597463007 : i32
    %sub3A_1410 = vector.broadcast %sub3A_1409 : i32 to vector<16xi32>
    %sub3A_1411 = arith.subi %sub3A_1410, %shift_right_arithmetic3A_1408 : vector<16xi32>
    %bitcast_convert_type3A_1412 = tpu.bitcast %sub3A_1411 : vector<16xi32> -> vector<16xf32>
    %mul3A_1413 = arith.constant 5.000000e-01 : f32
    %mul3A_1414 = vector.broadcast %mul3A_1413 : f32 to vector<16xf32>
    %mul3A_1415 = arith.mulf %mul3A_1414, %add3A_1404 : vector<16xf32>
    %mul3A_1416 = arith.mulf %mul3A_1415, %bitcast_convert_type3A_1412 : vector<16xf32>
    %mul3A_1417 = arith.mulf %mul3A_1416, %bitcast_convert_type3A_1412 : vector<16xf32>
    %sub3A_1418 = arith.constant 1.500000e+00 : f32
    %sub3A_1419 = vector.broadcast %sub3A_1418 : f32 to vector<16xf32>
    %sub3A_1420 = arith.subf %sub3A_1419, %mul3A_1417 : vector<16xf32>
    %mul3A_1421 = arith.mulf %bitcast_convert_type3A_1412, %sub3A_1420 : vector<16xf32>
    %mul3A_1422 = arith.constant 5.000000e-01 : f32
    %mul3A_1423 = vector.broadcast %mul3A_1422 : f32 to vector<16xf32>
    %mul3A_1424 = arith.mulf %mul3A_1423, %add3A_1404 : vector<16xf32>
    %mul3A_1425 = arith.mulf %mul3A_1424, %mul3A_1421 : vector<16xf32>
    %mul3A_1426 = arith.mulf %mul3A_1425, %mul3A_1421 : vector<16xf32>
    %sub3A_1427 = arith.constant 1.500000e+00 : f32
    %sub3A_1428 = vector.broadcast %sub3A_1427 : f32 to vector<16xf32>
    %sub3A_1429 = arith.subf %sub3A_1428, %mul3A_1426 : vector<16xf32>
    %mul3A_1430 = arith.mulf %mul3A_1421, %sub3A_1429 : vector<16xf32>
    %mul3A_1431 = arith.constant 5.000000e-01 : f32
    %mul3A_1432 = vector.broadcast %mul3A_1431 : f32 to vector<16xf32>
    %mul3A_1433 = arith.mulf %mul3A_1432, %add3A_1404 : vector<16xf32>
    %mul3A_1434 = arith.mulf %mul3A_1433, %mul3A_1430 : vector<16xf32>
    %mul3A_1435 = arith.mulf %mul3A_1434, %mul3A_1430 : vector<16xf32>
    %sub3A_1436 = arith.constant 1.500000e+00 : f32
    %sub3A_1437 = vector.broadcast %sub3A_1436 : f32 to vector<16xf32>
    %sub3A_1438 = arith.subf %sub3A_1437, %mul3A_1435 : vector<16xf32>
    %mul3A_1439 = arith.mulf %mul3A_1430, %sub3A_1438 : vector<16xf32>
    %swap3A_1440 = arith.constant 240 : index
    %swap3A_1441 = tpu.vector_load %arg8[%swap3A_1440] {strides = array<i32>} : memref<320xf32, #tpu.memory_space<vmem>>, vector<16xf32>,
    tpu.vector_store %arg8[%swap3A_1440], %mul3A_1439 {strides = array<i32>} : memref<320xf32, #tpu.memory_space<vmem>>, vector<16xf32>,
    %get3A_1442 = arith.constant 256 : index
    %get3A_1443 = tpu.vector_load %arg7[%get3A_1442] {strides = array<i32>} : memref<5120xf32, #tpu.memory_space<vmem>>, vector<16xf32>,
    %get3A_1444 = arith.constant 576 : index
    %get3A_1445 = tpu.vector_load %arg7[%get3A_1444] {strides = array<i32>} : memref<5120xf32, #tpu.memory_space<vmem>>, vector<16xf32>,
    %add3A_1446 = arith.addf %get3A_1443, %get3A_1445 : vector<16xf32>
    %get3A_1447 = arith.constant 896 : index
    %get3A_1448 = tpu.vector_load %arg7[%get3A_1447] {strides = array<i32>} : memref<5120xf32, #tpu.memory_space<vmem>>, vector<16xf32>,
    %add3A_1449 = arith.addf %add3A_1446, %get3A_1448 : vector<16xf32>
    %get3A_1450 = arith.constant 1216 : index
    %get3A_1451 = tpu.vector_load %arg7[%get3A_1450] {strides = array<i32>} : memref<5120xf32, #tpu.memory_space<vmem>>, vector<16xf32>,
    %add3A_1452 = arith.addf %add3A_1449, %get3A_1451 : vector<16xf32>
    %get3A_1453 = arith.constant 1536 : index
    %get3A_1454 = tpu.vector_load %arg7[%get3A_1453] {strides = array<i32>} : memref<5120xf32, #tpu.memory_space<vmem>>, vector<16xf32>,
    %add3A_1455 = arith.addf %add3A_1452, %get3A_1454 : vector<16xf32>
    %get3A_1456 = arith.constant 1856 : index
    %get3A_1457 = tpu.vector_load %arg7[%get3A_1456] {strides = array<i32>} : memref<5120xf32, #tpu.memory_space<vmem>>, vector<16xf32>,
    %add3A_1458 = arith.addf %add3A_1455, %get3A_1457 : vector<16xf32>
    %get3A_1459 = arith.constant 2176 : index
    %get3A_1460 = tpu.vector_load %arg7[%get3A_1459] {strides = array<i32>} : memref<5120xf32, #tpu.memory_space<vmem>>, vector<16xf32>,
    %add3A_1461 = arith.addf %add3A_1458, %get3A_1460 : vector<16xf32>
    %get3A_1462 = arith.constant 2496 : index
    %get3A_1463 = tpu.vector_load %arg7[%get3A_1462] {strides = array<i32>} : memref<5120xf32, #tpu.memory_space<vmem>>, vector<16xf32>,
    %add3A_1464 = arith.addf %add3A_1461, %get3A_1463 : vector<16xf32>
    %get3A_1465 = arith.constant 2816 : index
    %get3A_1466 = tpu.vector_load %arg7[%get3A_1465] {strides = array<i32>} : memref<5120xf32, #tpu.memory_space<vmem>>, vector<16xf32>,
    %add3A_1467 = arith.addf %add3A_1464, %get3A_1466 : vector<16xf32>
    %get3A_1468 = arith.constant 3136 : index
    %get3A_1469 = tpu.vector_load %arg7[%get3A_1468] {strides = array<i32>} : memref<5120xf32, #tpu.memory_space<vmem>>, vector<16xf32>,
    %add3A_1470 = arith.addf %add3A_1467, %get3A_1469 : vector<16xf32>
    %get3A_1471 = arith.constant 3456 : index
    %get3A_1472 = tpu.vector_load %arg7[%get3A_1471] {strides = array<i32>} : memref<5120xf32, #tpu.memory_space<vmem>>, vector<16xf32>,
    %add3A_1473 = arith.addf %add3A_1470, %get3A_1472 : vector<16xf32>
    %get3A_1474 = arith.constant 3776 : index
    %get3A_1475 = tpu.vector_load %arg7[%get3A_1474] {strides = array<i32>} : memref<5120xf32, #tpu.memory_space<vmem>>, vector<16xf32>,
    %add3A_1476 = arith.addf %add3A_1473, %get3A_1475 : vector<16xf32>
    %get3A_1477 = arith.constant 4096 : index
    %get3A_1478 = tpu.vector_load %arg7[%get3A_1477] {strides = array<i32>} : memref<5120xf32, #tpu.memory_space<vmem>>, vector<16xf32>,
    %add3A_1479 = arith.addf %add3A_1476, %get3A_1478 : vector<16xf32>
    %get3A_1480 = arith.constant 4416 : index
    %get3A_1481 = tpu.vector_load %arg7[%get3A_1480] {strides = array<i32>} : memref<5120xf32, #tpu.memory_space<vmem>>, vector<16xf32>,
    %add3A_1482 = arith.addf %add3A_1479, %get3A_1481 : vector<16xf32>
    %get3A_1483 = arith.constant 4736 : index
    %get3A_1484 = tpu.vector_load %arg7[%get3A_1483] {strides = array<i32>} : memref<5120xf32, #tpu.memory_space<vmem>>, vector<16xf32>,
    %add3A_1485 = arith.addf %add3A_1482, %get3A_1484 : vector<16xf32>
    %get3A_1486 = arith.constant 5056 : index
    %get3A_1487 = tpu.vector_load %arg7[%get3A_1486] {strides = array<i32>} : memref<5120xf32, #tpu.memory_space<vmem>>, vector<16xf32>,
    %add3A_1488 = arith.addf %add3A_1485, %get3A_1487 : vector<16xf32>
    %add3A_1489 = arith.constant 1.000000e+00 : f32
    %add3A_1490 = vector.broadcast %add3A_1489 : f32 to vector<16xf32>
    %add3A_1491 = arith.addf %add3A_1488, %add3A_1490 : vector<16xf32>
    %bitcast_convert_type3A_1492 = tpu.bitcast %add3A_1491 : vector<16xf32> -> vector<16xi32>
    %shift_right_arithmetic3A_1493 = arith.constant 1 : i32
    %shift_right_arithmetic3A_1494 = vector.broadcast %shift_right_arithmetic3A_1493 : i32 to vector<16xi32>
    %shift_right_arithmetic3A_1495 = arith.shrsi %bitcast_convert_type3A_1492, %shift_right_arithmetic3A_1494 : vector<16xi32>
    %sub3A_1496 = arith.constant 1597463007 : i32
    %sub3A_1497 = vector.broadcast %sub3A_1496 : i32 to vector<16xi32>
    %sub3A_1498 = arith.subi %sub3A_1497, %shift_right_arithmetic3A_1495 : vector<16xi32>
    %bitcast_convert_type3A_1499 = tpu.bitcast %sub3A_1498 : vector<16xi32> -> vector<16xf32>
    %mul3A_1500 = arith.constant 5.000000e-01 : f32
    %mul3A_1501 = vector.broadcast %mul3A_1500 : f32 to vector<16xf32>
    %mul3A_1502 = arith.mulf %mul3A_1501, %add3A_1491 : vector<16xf32>
    %mul3A_1503 = arith.mulf %mul3A_1502, %bitcast_convert_type3A_1499 : vector<16xf32>
    %mul3A_1504 = arith.mulf %mul3A_1503, %bitcast_convert_type3A_1499 : vector<16xf32>
    %sub3A_1505 = arith.constant 1.500000e+00 : f32
    %sub3A_1506 = vector.broadcast %sub3A_1505 : f32 to vector<16xf32>
    %sub3A_1507 = arith.subf %sub3A_1506, %mul3A_1504 : vector<16xf32>
    %mul3A_1508 = arith.mulf %bitcast_convert_type3A_1499, %sub3A_1507 : vector<16xf32>
    %mul3A_1509 = arith.constant 5.000000e-01 : f32
    %mul3A_1510 = vector.broadcast %mul3A_1509 : f32 to vector<16xf32>
    %mul3A_1511 = arith.mulf %mul3A_1510, %add3A_1491 : vector<16xf32>
    %mul3A_1512 = arith.mulf %mul3A_1511, %mul3A_1508 : vector<16xf32>
    %mul3A_1513 = arith.mulf %mul3A_1512, %mul3A_1508 : vector<16xf32>
    %sub3A_1514 = arith.constant 1.500000e+00 : f32
    %sub3A_1515 = vector.broadcast %sub3A_1514 : f32 to vector<16xf32>
    %sub3A_1516 = arith.subf %sub3A_1515, %mul3A_1513 : vector<16xf32>
    %mul3A_1517 = arith.mulf %mul3A_1508, %sub3A_1516 : vector<16xf32>
    %mul3A_1518 = arith.constant 5.000000e-01 : f32
    %mul3A_1519 = vector.broadcast %mul3A_1518 : f32 to vector<16xf32>
    %mul3A_1520 = arith.mulf %mul3A_1519, %add3A_1491 : vector<16xf32>
    %mul3A_1521 = arith.mulf %mul3A_1520, %mul3A_1517 : vector<16xf32>
    %mul3A_1522 = arith.mulf %mul3A_1521, %mul3A_1517 : vector<16xf32>
    %sub3A_1523 = arith.constant 1.500000e+00 : f32
    %sub3A_1524 = vector.broadcast %sub3A_1523 : f32 to vector<16xf32>
    %sub3A_1525 = arith.subf %sub3A_1524, %mul3A_1522 : vector<16xf32>
    %mul3A_1526 = arith.mulf %mul3A_1517, %sub3A_1525 : vector<16xf32>
    %swap3A_1527 = arith.constant 256 : index
    %swap3A_1528 = tpu.vector_load %arg8[%swap3A_1527] {strides = array<i32>} : memref<320xf32, #tpu.memory_space<vmem>>, vector<16xf32>,
    tpu.vector_store %arg8[%swap3A_1527], %mul3A_1526 {strides = array<i32>} : memref<320xf32, #tpu.memory_space<vmem>>, vector<16xf32>,
    %get3A_1529 = arith.constant 272 : index
    %get3A_1530 = tpu.vector_load %arg7[%get3A_1529] {strides = array<i32>} : memref<5120xf32, #tpu.memory_space<vmem>>, vector<16xf32>,
    %get3A_1531 = arith.constant 592 : index
    %get3A_1532 = tpu.vector_load %arg7[%get3A_1531] {strides = array<i32>} : memref<5120xf32, #tpu.memory_space<vmem>>, vector<16xf32>,
    %add3A_1533 = arith.addf %get3A_1530, %get3A_1532 : vector<16xf32>
    %get3A_1534 = arith.constant 912 : index
    %get3A_1535 = tpu.vector_load %arg7[%get3A_1534] {strides = array<i32>} : memref<5120xf32, #tpu.memory_space<vmem>>, vector<16xf32>,
    %add3A_1536 = arith.addf %add3A_1533, %get3A_1535 : vector<16xf32>
    %get3A_1537 = arith.constant 1232 : index
    %get3A_1538 = tpu.vector_load %arg7[%get3A_1537] {strides = array<i32>} : memref<5120xf32, #tpu.memory_space<vmem>>, vector<16xf32>,
    %add3A_1539 = arith.addf %add3A_1536, %get3A_1538 : vector<16xf32>
    %get3A_1540 = arith.constant 1552 : index
    %get3A_1541 = tpu.vector_load %arg7[%get3A_1540] {strides = array<i32>} : memref<5120xf32, #tpu.memory_space<vmem>>, vector<16xf32>,
    %add3A_1542 = arith.addf %add3A_1539, %get3A_1541 : vector<16xf32>
    %get3A_1543 = arith.constant 1872 : index
    %get3A_1544 = tpu.vector_load %arg7[%get3A_1543] {strides = array<i32>} : memref<5120xf32, #tpu.memory_space<vmem>>, vector<16xf32>,
    %add3A_1545 = arith.addf %add3A_1542, %get3A_1544 : vector<16xf32>
    %get3A_1546 = arith.constant 2192 : index
    %get3A_1547 = tpu.vector_load %arg7[%get3A_1546] {strides = array<i32>} : memref<5120xf32, #tpu.memory_space<vmem>>, vector<16xf32>,
    %add3A_1548 = arith.addf %add3A_1545, %get3A_1547 : vector<16xf32>
    %get3A_1549 = arith.constant 2512 : index
    %get3A_1550 = tpu.vector_load %arg7[%get3A_1549] {strides = array<i32>} : memref<5120xf32, #tpu.memory_space<vmem>>, vector<16xf32>,
    %add3A_1551 = arith.addf %add3A_1548, %get3A_1550 : vector<16xf32>
    %get3A_1552 = arith.constant 2832 : index
    %get3A_1553 = tpu.vector_load %arg7[%get3A_1552] {strides = array<i32>} : memref<5120xf32, #tpu.memory_space<vmem>>, vector<16xf32>,
    %add3A_1554 = arith.addf %add3A_1551, %get3A_1553 : vector<16xf32>
    %get3A_1555 = arith.constant 3152 : index
    %get3A_1556 = tpu.vector_load %arg7[%get3A_1555] {strides = array<i32>} : memref<5120xf32, #tpu.memory_space<vmem>>, vector<16xf32>,
    %add3A_1557 = arith.addf %add3A_1554, %get3A_1556 : vector<16xf32>
    %get3A_1558 = arith.constant 3472 : index
    %get3A_1559 = tpu.vector_load %arg7[%get3A_1558] {strides = array<i32>} : memref<5120xf32, #tpu.memory_space<vmem>>, vector<16xf32>,
    %add3A_1560 = arith.addf %add3A_1557, %get3A_1559 : vector<16xf32>
    %get3A_1561 = arith.constant 3792 : index
    %get3A_1562 = tpu.vector_load %arg7[%get3A_1561] {strides = array<i32>} : memref<5120xf32, #tpu.memory_space<vmem>>, vector<16xf32>,
    %add3A_1563 = arith.addf %add3A_1560, %get3A_1562 : vector<16xf32>
    %get3A_1564 = arith.constant 4112 : index
    %get3A_1565 = tpu.vector_load %arg7[%get3A_1564] {strides = array<i32>} : memref<5120xf32, #tpu.memory_space<vmem>>, vector<16xf32>,
    %add3A_1566 = arith.addf %add3A_1563, %get3A_1565 : vector<16xf32>
    %get3A_1567 = arith.constant 4432 : index
    %get3A_1568 = tpu.vector_load %arg7[%get3A_1567] {strides = array<i32>} : memref<5120xf32, #tpu.memory_space<vmem>>, vector<16xf32>,
    %add3A_1569 = arith.addf %add3A_1566, %get3A_1568 : vector<16xf32>
    %get3A_1570 = arith.constant 4752 : index
    %get3A_1571 = tpu.vector_load %arg7[%get3A_1570] {strides = array<i32>} : memref<5120xf32, #tpu.memory_space<vmem>>, vector<16xf32>,
    %add3A_1572 = arith.addf %add3A_1569, %get3A_1571 : vector<16xf32>
    %get3A_1573 = arith.constant 5072 : index
    %get3A_1574 = tpu.vector_load %arg7[%get3A_1573] {strides = array<i32>} : memref<5120xf32, #tpu.memory_space<vmem>>, vector<16xf32>,
    %add3A_1575 = arith.addf %add3A_1572, %get3A_1574 : vector<16xf32>
    %add3A_1576 = arith.constant 1.000000e+00 : f32
    %add3A_1577 = vector.broadcast %add3A_1576 : f32 to vector<16xf32>
    %add3A_1578 = arith.addf %add3A_1575, %add3A_1577 : vector<16xf32>
    %bitcast_convert_type3A_1579 = tpu.bitcast %add3A_1578 : vector<16xf32> -> vector<16xi32>
    %shift_right_arithmetic3A_1580 = arith.constant 1 : i32
    %shift_right_arithmetic3A_1581 = vector.broadcast %shift_right_arithmetic3A_1580 : i32 to vector<16xi32>
    %shift_right_arithmetic3A_1582 = arith.shrsi %bitcast_convert_type3A_1579, %shift_right_arithmetic3A_1581 : vector<16xi32>
    %sub3A_1583 = arith.constant 1597463007 : i32
    %sub3A_1584 = vector.broadcast %sub3A_1583 : i32 to vector<16xi32>
    %sub3A_1585 = arith.subi %sub3A_1584, %shift_right_arithmetic3A_1582 : vector<16xi32>
    %bitcast_convert_type3A_1586 = tpu.bitcast %sub3A_1585 : vector<16xi32> -> vector<16xf32>
    %mul3A_1587 = arith.constant 5.000000e-01 : f32
    %mul3A_1588 = vector.broadcast %mul3A_1587 : f32 to vector<16xf32>
    %mul3A_1589 = arith.mulf %mul3A_1588, %add3A_1578 : vector<16xf32>
    %mul3A_1590 = arith.mulf %mul3A_1589, %bitcast_convert_type3A_1586 : vector<16xf32>
    %mul3A_1591 = arith.mulf %mul3A_1590, %bitcast_convert_type3A_1586 : vector<16xf32>
    %sub3A_1592 = arith.constant 1.500000e+00 : f32
    %sub3A_1593 = vector.broadcast %sub3A_1592 : f32 to vector<16xf32>
    %sub3A_1594 = arith.subf %sub3A_1593, %mul3A_1591 : vector<16xf32>
    %mul3A_1595 = arith.mulf %bitcast_convert_type3A_1586, %sub3A_1594 : vector<16xf32>
    %mul3A_1596 = arith.constant 5.000000e-01 : f32
    %mul3A_1597 = vector.broadcast %mul3A_1596 : f32 to vector<16xf32>
    %mul3A_1598 = arith.mulf %mul3A_1597, %add3A_1578 : vector<16xf32>
    %mul3A_1599 = arith.mulf %mul3A_1598, %mul3A_1595 : vector<16xf32>
    %mul3A_1600 = arith.mulf %mul3A_1599, %mul3A_1595 : vector<16xf32>
    %sub3A_1601 = arith.constant 1.500000e+00 : f32
    %sub3A_1602 = vector.broadcast %sub3A_1601 : f32 to vector<16xf32>
    %sub3A_1603 = arith.subf %sub3A_1602, %mul3A_1600 : vector<16xf32>
    %mul3A_1604 = arith.mulf %mul3A_1595, %sub3A_1603 : vector<16xf32>
    %mul3A_1605 = arith.constant 5.000000e-01 : f32
    %mul3A_1606 = vector.broadcast %mul3A_1605 : f32 to vector<16xf32>
    %mul3A_1607 = arith.mulf %mul3A_1606, %add3A_1578 : vector<16xf32>
    %mul3A_1608 = arith.mulf %mul3A_1607, %mul3A_1604 : vector<16xf32>
    %mul3A_1609 = arith.mulf %mul3A_1608, %mul3A_1604 : vector<16xf32>
    %sub3A_1610 = arith.constant 1.500000e+00 : f32
    %sub3A_1611 = vector.broadcast %sub3A_1610 : f32 to vector<16xf32>
    %sub3A_1612 = arith.subf %sub3A_1611, %mul3A_1609 : vector<16xf32>
    %mul3A_1613 = arith.mulf %mul3A_1604, %sub3A_1612 : vector<16xf32>
    %swap3A_1614 = arith.constant 272 : index
    %swap3A_1615 = tpu.vector_load %arg8[%swap3A_1614] {strides = array<i32>} : memref<320xf32, #tpu.memory_space<vmem>>, vector<16xf32>,
    tpu.vector_store %arg8[%swap3A_1614], %mul3A_1613 {strides = array<i32>} : memref<320xf32, #tpu.memory_space<vmem>>, vector<16xf32>,
    %get3A_1616 = arith.constant 288 : index
    %get3A_1617 = tpu.vector_load %arg7[%get3A_1616] {strides = array<i32>} : memref<5120xf32, #tpu.memory_space<vmem>>, vector<16xf32>,
    %get3A_1618 = arith.constant 608 : index
    %get3A_1619 = tpu.vector_load %arg7[%get3A_1618] {strides = array<i32>} : memref<5120xf32, #tpu.memory_space<vmem>>, vector<16xf32>,
    %add3A_1620 = arith.addf %get3A_1617, %get3A_1619 : vector<16xf32>
    %get3A_1621 = arith.constant 928 : index
    %get3A_1622 = tpu.vector_load %arg7[%get3A_1621] {strides = array<i32>} : memref<5120xf32, #tpu.memory_space<vmem>>, vector<16xf32>,
    %add3A_1623 = arith.addf %add3A_1620, %get3A_1622 : vector<16xf32>
    %get3A_1624 = arith.constant 1248 : index
    %get3A_1625 = tpu.vector_load %arg7[%get3A_1624] {strides = array<i32>} : memref<5120xf32, #tpu.memory_space<vmem>>, vector<16xf32>,
    %add3A_1626 = arith.addf %add3A_1623, %get3A_1625 : vector<16xf32>
    %get3A_1627 = arith.constant 1568 : index
    %get3A_1628 = tpu.vector_load %arg7[%get3A_1627] {strides = array<i32>} : memref<5120xf32, #tpu.memory_space<vmem>>, vector<16xf32>,
    %add3A_1629 = arith.addf %add3A_1626, %get3A_1628 : vector<16xf32>
    %get3A_1630 = arith.constant 1888 : index
    %get3A_1631 = tpu.vector_load %arg7[%get3A_1630] {strides = array<i32>} : memref<5120xf32, #tpu.memory_space<vmem>>, vector<16xf32>,
    %add3A_1632 = arith.addf %add3A_1629, %get3A_1631 : vector<16xf32>
    %get3A_1633 = arith.constant 2208 : index
    %get3A_1634 = tpu.vector_load %arg7[%get3A_1633] {strides = array<i32>} : memref<5120xf32, #tpu.memory_space<vmem>>, vector<16xf32>,
    %add3A_1635 = arith.addf %add3A_1632, %get3A_1634 : vector<16xf32>
    %get3A_1636 = arith.constant 2528 : index
    %get3A_1637 = tpu.vector_load %arg7[%get3A_1636] {strides = array<i32>} : memref<5120xf32, #tpu.memory_space<vmem>>, vector<16xf32>,
    %add3A_1638 = arith.addf %add3A_1635, %get3A_1637 : vector<16xf32>
    %get3A_1639 = arith.constant 2848 : index
    %get3A_1640 = tpu.vector_load %arg7[%get3A_1639] {strides = array<i32>} : memref<5120xf32, #tpu.memory_space<vmem>>, vector<16xf32>,
    %add3A_1641 = arith.addf %add3A_1638, %get3A_1640 : vector<16xf32>
    %get3A_1642 = arith.constant 3168 : index
    %get3A_1643 = tpu.vector_load %arg7[%get3A_1642] {strides = array<i32>} : memref<5120xf32, #tpu.memory_space<vmem>>, vector<16xf32>,
    %add3A_1644 = arith.addf %add3A_1641, %get3A_1643 : vector<16xf32>
    %get3A_1645 = arith.constant 3488 : index
    %get3A_1646 = tpu.vector_load %arg7[%get3A_1645] {strides = array<i32>} : memref<5120xf32, #tpu.memory_space<vmem>>, vector<16xf32>,
    %add3A_1647 = arith.addf %add3A_1644, %get3A_1646 : vector<16xf32>
    %get3A_1648 = arith.constant 3808 : index
    %get3A_1649 = tpu.vector_load %arg7[%get3A_1648] {strides = array<i32>} : memref<5120xf32, #tpu.memory_space<vmem>>, vector<16xf32>,
    %add3A_1650 = arith.addf %add3A_1647, %get3A_1649 : vector<16xf32>
    %get3A_1651 = arith.constant 4128 : index
    %get3A_1652 = tpu.vector_load %arg7[%get3A_1651] {strides = array<i32>} : memref<5120xf32, #tpu.memory_space<vmem>>, vector<16xf32>,
    %add3A_1653 = arith.addf %add3A_1650, %get3A_1652 : vector<16xf32>
    %get3A_1654 = arith.constant 4448 : index
    %get3A_1655 = tpu.vector_load %arg7[%get3A_1654] {strides = array<i32>} : memref<5120xf32, #tpu.memory_space<vmem>>, vector<16xf32>,
    %add3A_1656 = arith.addf %add3A_1653, %get3A_1655 : vector<16xf32>
    %get3A_1657 = arith.constant 4768 : index
    %get3A_1658 = tpu.vector_load %arg7[%get3A_1657] {strides = array<i32>} : memref<5120xf32, #tpu.memory_space<vmem>>, vector<16xf32>,
    %add3A_1659 = arith.addf %add3A_1656, %get3A_1658 : vector<16xf32>
    %get3A_1660 = arith.constant 5088 : index
    %get3A_1661 = tpu.vector_load %arg7[%get3A_1660] {strides = array<i32>} : memref<5120xf32, #tpu.memory_space<vmem>>, vector<16xf32>,
    %add3A_1662 = arith.addf %add3A_1659, %get3A_1661 : vector<16xf32>
    %add3A_1663 = arith.constant 1.000000e+00 : f32
    %add3A_1664 = vector.broadcast %add3A_1663 : f32 to vector<16xf32>
    %add3A_1665 = arith.addf %add3A_1662, %add3A_1664 : vector<16xf32>
    %bitcast_convert_type3A_1666 = tpu.bitcast %add3A_1665 : vector<16xf32> -> vector<16xi32>
    %shift_right_arithmetic3A_1667 = arith.constant 1 : i32
    %shift_right_arithmetic3A_1668 = vector.broadcast %shift_right_arithmetic3A_1667 : i32 to vector<16xi32>
    %shift_right_arithmetic3A_1669 = arith.shrsi %bitcast_convert_type3A_1666, %shift_right_arithmetic3A_1668 : vector<16xi32>
    %sub3A_1670 = arith.constant 1597463007 : i32
    %sub3A_1671 = vector.broadcast %sub3A_1670 : i32 to vector<16xi32>
    %sub3A_1672 = arith.subi %sub3A_1671, %shift_right_arithmetic3A_1669 : vector<16xi32>
    %bitcast_convert_type3A_1673 = tpu.bitcast %sub3A_1672 : vector<16xi32> -> vector<16xf32>
    %mul3A_1674 = arith.constant 5.000000e-01 : f32
    %mul3A_1675 = vector.broadcast %mul3A_1674 : f32 to vector<16xf32>
    %mul3A_1676 = arith.mulf %mul3A_1675, %add3A_1665 : vector<16xf32>
    %mul3A_1677 = arith.mulf %mul3A_1676, %bitcast_convert_type3A_1673 : vector<16xf32>
    %mul3A_1678 = arith.mulf %mul3A_1677, %bitcast_convert_type3A_1673 : vector<16xf32>
    %sub3A_1679 = arith.constant 1.500000e+00 : f32
    %sub3A_1680 = vector.broadcast %sub3A_1679 : f32 to vector<16xf32>
    %sub3A_1681 = arith.subf %sub3A_1680, %mul3A_1678 : vector<16xf32>
    %mul3A_1682 = arith.mulf %bitcast_convert_type3A_1673, %sub3A_1681 : vector<16xf32>
    %mul3A_1683 = arith.constant 5.000000e-01 : f32
    %mul3A_1684 = vector.broadcast %mul3A_1683 : f32 to vector<16xf32>
    %mul3A_1685 = arith.mulf %mul3A_1684, %add3A_1665 : vector<16xf32>
    %mul3A_1686 = arith.mulf %mul3A_1685, %mul3A_1682 : vector<16xf32>
    %mul3A_1687 = arith.mulf %mul3A_1686, %mul3A_1682 : vector<16xf32>
    %sub3A_1688 = arith.constant 1.500000e+00 : f32
    %sub3A_1689 = vector.broadcast %sub3A_1688 : f32 to vector<16xf32>
    %sub3A_1690 = arith.subf %sub3A_1689, %mul3A_1687 : vector<16xf32>
    %mul3A_1691 = arith.mulf %mul3A_1682, %sub3A_1690 : vector<16xf32>
    %mul3A_1692 = arith.constant 5.000000e-01 : f32
    %mul3A_1693 = vector.broadcast %mul3A_1692 : f32 to vector<16xf32>
    %mul3A_1694 = arith.mulf %mul3A_1693, %add3A_1665 : vector<16xf32>
    %mul3A_1695 = arith.mulf %mul3A_1694, %mul3A_1691 : vector<16xf32>
    %mul3A_1696 = arith.mulf %mul3A_1695, %mul3A_1691 : vector<16xf32>
    %sub3A_1697 = arith.constant 1.500000e+00 : f32
    %sub3A_1698 = vector.broadcast %sub3A_1697 : f32 to vector<16xf32>
    %sub3A_1699 = arith.subf %sub3A_1698, %mul3A_1696 : vector<16xf32>
    %mul3A_1700 = arith.mulf %mul3A_1691, %sub3A_1699 : vector<16xf32>
    %swap3A_1701 = arith.constant 288 : index
    %swap3A_1702 = tpu.vector_load %arg8[%swap3A_1701] {strides = array<i32>} : memref<320xf32, #tpu.memory_space<vmem>>, vector<16xf32>,
    tpu.vector_store %arg8[%swap3A_1701], %mul3A_1700 {strides = array<i32>} : memref<320xf32, #tpu.memory_space<vmem>>, vector<16xf32>,
    %get3A_1703 = arith.constant 304 : index
    %get3A_1704 = tpu.vector_load %arg7[%get3A_1703] {strides = array<i32>} : memref<5120xf32, #tpu.memory_space<vmem>>, vector<16xf32>,
    %get3A_1705 = arith.constant 624 : index
    %get3A_1706 = tpu.vector_load %arg7[%get3A_1705] {strides = array<i32>} : memref<5120xf32, #tpu.memory_space<vmem>>, vector<16xf32>,
    %add3A_1707 = arith.addf %get3A_1704, %get3A_1706 : vector<16xf32>
    %get3A_1708 = arith.constant 944 : index
    %get3A_1709 = tpu.vector_load %arg7[%get3A_1708] {strides = array<i32>} : memref<5120xf32, #tpu.memory_space<vmem>>, vector<16xf32>,
    %add3A_1710 = arith.addf %add3A_1707, %get3A_1709 : vector<16xf32>
    %get3A_1711 = arith.constant 1264 : index
    %get3A_1712 = tpu.vector_load %arg7[%get3A_1711] {strides = array<i32>} : memref<5120xf32, #tpu.memory_space<vmem>>, vector<16xf32>,
    %add3A_1713 = arith.addf %add3A_1710, %get3A_1712 : vector<16xf32>
    %get3A_1714 = arith.constant 1584 : index
    %get3A_1715 = tpu.vector_load %arg7[%get3A_1714] {strides = array<i32>} : memref<5120xf32, #tpu.memory_space<vmem>>, vector<16xf32>,
    %add3A_1716 = arith.addf %add3A_1713, %get3A_1715 : vector<16xf32>
    %get3A_1717 = arith.constant 1904 : index
    %get3A_1718 = tpu.vector_load %arg7[%get3A_1717] {strides = array<i32>} : memref<5120xf32, #tpu.memory_space<vmem>>, vector<16xf32>,
    %add3A_1719 = arith.addf %add3A_1716, %get3A_1718 : vector<16xf32>
    %get3A_1720 = arith.constant 2224 : index
    %get3A_1721 = tpu.vector_load %arg7[%get3A_1720] {strides = array<i32>} : memref<5120xf32, #tpu.memory_space<vmem>>, vector<16xf32>,
    %add3A_1722 = arith.addf %add3A_1719, %get3A_1721 : vector<16xf32>
    %get3A_1723 = arith.constant 2544 : index
    %get3A_1724 = tpu.vector_load %arg7[%get3A_1723] {strides = array<i32>} : memref<5120xf32, #tpu.memory_space<vmem>>, vector<16xf32>,
    %add3A_1725 = arith.addf %add3A_1722, %get3A_1724 : vector<16xf32>
    %get3A_1726 = arith.constant 2864 : index
    %get3A_1727 = tpu.vector_load %arg7[%get3A_1726] {strides = array<i32>} : memref<5120xf32, #tpu.memory_space<vmem>>, vector<16xf32>,
    %add3A_1728 = arith.addf %add3A_1725, %get3A_1727 : vector<16xf32>
    %get3A_1729 = arith.constant 3184 : index
    %get3A_1730 = tpu.vector_load %arg7[%get3A_1729] {strides = array<i32>} : memref<5120xf32, #tpu.memory_space<vmem>>, vector<16xf32>,
    %add3A_1731 = arith.addf %add3A_1728, %get3A_1730 : vector<16xf32>
    %get3A_1732 = arith.constant 3504 : index
    %get3A_1733 = tpu.vector_load %arg7[%get3A_1732] {strides = array<i32>} : memref<5120xf32, #tpu.memory_space<vmem>>, vector<16xf32>,
    %add3A_1734 = arith.addf %add3A_1731, %get3A_1733 : vector<16xf32>
    %get3A_1735 = arith.constant 3824 : index
    %get3A_1736 = tpu.vector_load %arg7[%get3A_1735] {strides = array<i32>} : memref<5120xf32, #tpu.memory_space<vmem>>, vector<16xf32>,
    %add3A_1737 = arith.addf %add3A_1734, %get3A_1736 : vector<16xf32>
    %get3A_1738 = arith.constant 4144 : index
    %get3A_1739 = tpu.vector_load %arg7[%get3A_1738] {strides = array<i32>} : memref<5120xf32, #tpu.memory_space<vmem>>, vector<16xf32>,
    %add3A_1740 = arith.addf %add3A_1737, %get3A_1739 : vector<16xf32>
    %get3A_1741 = arith.constant 4464 : index
    %get3A_1742 = tpu.vector_load %arg7[%get3A_1741] {strides = array<i32>} : memref<5120xf32, #tpu.memory_space<vmem>>, vector<16xf32>,
    %add3A_1743 = arith.addf %add3A_1740, %get3A_1742 : vector<16xf32>
    %get3A_1744 = arith.constant 4784 : index
    %get3A_1745 = tpu.vector_load %arg7[%get3A_1744] {strides = array<i32>} : memref<5120xf32, #tpu.memory_space<vmem>>, vector<16xf32>,
    %add3A_1746 = arith.addf %add3A_1743, %get3A_1745 : vector<16xf32>
    %get3A_1747 = arith.constant 5104 : index
    %get3A_1748 = tpu.vector_load %arg7[%get3A_1747] {strides = array<i32>} : memref<5120xf32, #tpu.memory_space<vmem>>, vector<16xf32>,
    %add3A_1749 = arith.addf %add3A_1746, %get3A_1748 : vector<16xf32>
    %add3A_1750 = arith.constant 1.000000e+00 : f32
    %add3A_1751 = vector.broadcast %add3A_1750 : f32 to vector<16xf32>
    %add3A_1752 = arith.addf %add3A_1749, %add3A_1751 : vector<16xf32>
    %bitcast_convert_type3A_1753 = tpu.bitcast %add3A_1752 : vector<16xf32> -> vector<16xi32>
    %shift_right_arithmetic3A_1754 = arith.constant 1 : i32
    %shift_right_arithmetic3A_1755 = vector.broadcast %shift_right_arithmetic3A_1754 : i32 to vector<16xi32>
    %shift_right_arithmetic3A_1756 = arith.shrsi %bitcast_convert_type3A_1753, %shift_right_arithmetic3A_1755 : vector<16xi32>
    %sub3A_1757 = arith.constant 1597463007 : i32
    %sub3A_1758 = vector.broadcast %sub3A_1757 : i32 to vector<16xi32>
    %sub3A_1759 = arith.subi %sub3A_1758, %shift_right_arithmetic3A_1756 : vector<16xi32>
    %bitcast_convert_type3A_1760 = tpu.bitcast %sub3A_1759 : vector<16xi32> -> vector<16xf32>
    %mul3A_1761 = arith.constant 5.000000e-01 : f32
    %mul3A_1762 = vector.broadcast %mul3A_1761 : f32 to vector<16xf32>
    %mul3A_1763 = arith.mulf %mul3A_1762, %add3A_1752 : vector<16xf32>
    %mul3A_1764 = arith.mulf %mul3A_1763, %bitcast_convert_type3A_1760 : vector<16xf32>
    %mul3A_1765 = arith.mulf %mul3A_1764, %bitcast_convert_type3A_1760 : vector<16xf32>
    %sub3A_1766 = arith.constant 1.500000e+00 : f32
    %sub3A_1767 = vector.broadcast %sub3A_1766 : f32 to vector<16xf32>
    %sub3A_1768 = arith.subf %sub3A_1767, %mul3A_1765 : vector<16xf32>
    %mul3A_1769 = arith.mulf %bitcast_convert_type3A_1760, %sub3A_1768 : vector<16xf32>
    %mul3A_1770 = arith.constant 5.000000e-01 : f32
    %mul3A_1771 = vector.broadcast %mul3A_1770 : f32 to vector<16xf32>
    %mul3A_1772 = arith.mulf %mul3A_1771, %add3A_1752 : vector<16xf32>
    %mul3A_1773 = arith.mulf %mul3A_1772, %mul3A_1769 : vector<16xf32>
    %mul3A_1774 = arith.mulf %mul3A_1773, %mul3A_1769 : vector<16xf32>
    %sub3A_1775 = arith.constant 1.500000e+00 : f32
    %sub3A_1776 = vector.broadcast %sub3A_1775 : f32 to vector<16xf32>
    %sub3A_1777 = arith.subf %sub3A_1776, %mul3A_1774 : vector<16xf32>
    %mul3A_1778 = arith.mulf %mul3A_1769, %sub3A_1777 : vector<16xf32>
    %mul3A_1779 = arith.constant 5.000000e-01 : f32
    %mul3A_1780 = vector.broadcast %mul3A_1779 : f32 to vector<16xf32>
    %mul3A_1781 = arith.mulf %mul3A_1780, %add3A_1752 : vector<16xf32>
    %mul3A_1782 = arith.mulf %mul3A_1781, %mul3A_1778 : vector<16xf32>
    %mul3A_1783 = arith.mulf %mul3A_1782, %mul3A_1778 : vector<16xf32>
    %sub3A_1784 = arith.constant 1.500000e+00 : f32
    %sub3A_1785 = vector.broadcast %sub3A_1784 : f32 to vector<16xf32>
    %sub3A_1786 = arith.subf %sub3A_1785, %mul3A_1783 : vector<16xf32>
    %mul3A_1787 = arith.mulf %mul3A_1778, %sub3A_1786 : vector<16xf32>
    %swap3A_1788 = arith.constant 304 : index
    %swap3A_1789 = tpu.vector_load %arg8[%swap3A_1788] {strides = array<i32>} : memref<320xf32, #tpu.memory_space<vmem>>, vector<16xf32>,
    tpu.vector_store %arg8[%swap3A_1788], %mul3A_1787 {strides = array<i32>} : memref<320xf32, #tpu.memory_space<vmem>>, vector<16xf32>,
    "tpu.region"() ({
      %run_scoped3A = tpu.sem_alloc : memref<!tpu.dma_semaphore, #tpu.memory_space<semaphore_mem>>
      %dma_start3A = tpu.memref_slice %arg3[%add3A] : memref<10240xf32, #tpu.memory_space<hbm>> -> memref<320xf32, #tpu.memory_space<hbm>>
      %dma_start3A_1790 = tpu.memref_slice %arg3[%add3A] : memref<10240xf32, #tpu.memory_space<hbm>> -> memref<320xf32, #tpu.memory_space<hbm>>
      tpu.enqueue_dma source(%arg8 : memref<320xf32, #tpu.memory_space<vmem>>) target(%dma_start3A_1790 : memref<320xf32, #tpu.memory_space<hbm>>) target_semaphore(%run_scoped3A : memref<!tpu.dma_semaphore, #tpu.memory_space<semaphore_mem>>)
      %dma_wait3A = tpu.memref_slice %arg3[%add3A] : memref<10240xf32, #tpu.memory_space<hbm>> -> memref<320xf32, #tpu.memory_space<hbm>>
      %dma_wait3A_1791 = tpu.memref_slice %arg3[%add3A] : memref<10240xf32, #tpu.memory_space<hbm>> -> memref<320xf32, #tpu.memory_space<hbm>>
      tpu.wait_dma2 semaphore(%run_scoped3A : memref<!tpu.dma_semaphore, #tpu.memory_space<semaphore_mem>>) src(%arg8 : memref<320xf32, #tpu.memory_space<vmem>>) dst(%dma_wait3A_1791 : memref<320xf32, #tpu.memory_space<hbm>>)
      tpu.yield
    }) : () -> ()
    return
  }
}

#map = affine_map<(d0, d1) -> (0)>
#map1 = affine_map<(d0, d1) -> (0, 0)>
module attributes {stable_mosaic.version = 14 : i64} {
  func.func @_scatter_kernel(%arg0: i32, %arg1: i32, %arg2: memref<167936xi32, #tpu.memory_space<hbm>>, %arg3: memref<10000x256xf32, #tpu.memory_space<hbm>>, %arg4: memref<10240x256xf32, #tpu.memory_space<hbm>>, %arg5: memref<321x256xf32, #tpu.memory_space<vmem>>, %arg6: memref<128x256xf32, #tpu.memory_space<vmem>>, %arg7: memref<8192xi32, #tpu.memory_space<vmem>>, %arg8: memref<4352xi32, #tpu.memory_space<vmem>>, %arg9: memref<128xi32, #tpu.memory_space<vmem>>, %arg10: memref<!tpu.dma_semaphore, #tpu.memory_space<semaphore_mem>>, %arg11: memref<!tpu.dma_semaphore, #tpu.memory_space<semaphore_mem>>) attributes {dimension_semantics = [#tpu.dimension_semantics<core_parallel>, #tpu.dimension_semantics<subcore_parallel>], iteration_bounds = array<i64: 2, 16>, scalar_prefetch = 0 : i64, scratch_operands = 7 : i64, tpu.core_type = #tpu.core_type<sc_vector_subcore>, window_params = [{transform_indices = #map}, {transform_indices = #map1}, {transform_indices = #map1}]} {
    %mul3A = arith.constant 16 : i32
    %mul3A_0 = arith.muli %arg0, %mul3A : i32
    %add3A = arith.addi %mul3A_0, %arg1 : i32
    %mul3A_1 = arith.constant 320 : i32
    %mul3A_2 = arith.muli %add3A, %mul3A_1 : i32
    %broadcast_in_dim3A = arith.constant 0.000000e+00 : f32
    %broadcast_in_dim3A_3 = vector.broadcast %broadcast_in_dim3A : f32 to vector<16xf32>
    %broadcast_in_dim3A_4 = arith.constant true
    %broadcast_in_dim3A_5 = vector.broadcast %broadcast_in_dim3A_4 : i1 to vector<16xi1>
    %scan3A = arith.constant 0 : i32
    %scan3A_6 = arith.constant 0 : i32
    %scan3A_7 = arith.constant 321 : i32
    %scan3A_8 = arith.addi %scan3A_6, %scan3A_7 : i32
    %scan3A_9 = arith.constant 1 : i32
    %scan3A_10 = scf.for %scan3A_96 = %scan3A_6 to %scan3A_8 step %scan3A_9 iter_args(%scan3A_97 = %scan3A) -> (i32)  : i32 {
      %swap3A_98 = arith.index_cast %scan3A_96 : i32 to index
      %swap3A_99 = arith.constant 0 : index
      %swap3A_100 = tpu.vector_load %arg5[%swap3A_98, %swap3A_99] masked %broadcast_in_dim3A_5 {strides = array<i32>} : memref<321x256xf32, #tpu.memory_space<vmem>>, vector<16xf32>, vector<16xi1>
      tpu.vector_store %arg5[%swap3A_98, %swap3A_99], %broadcast_in_dim3A_3 masked %broadcast_in_dim3A_5 {strides = array<i32>} : memref<321x256xf32, #tpu.memory_space<vmem>>, vector<16xf32>, vector<16xi1>
      %swap3A_101 = arith.index_cast %scan3A_96 : i32 to index
      %swap3A_102 = arith.constant 16 : index
      %swap3A_103 = tpu.vector_load %arg5[%swap3A_101, %swap3A_102] masked %broadcast_in_dim3A_5 {strides = array<i32>} : memref<321x256xf32, #tpu.memory_space<vmem>>, vector<16xf32>, vector<16xi1>
      tpu.vector_store %arg5[%swap3A_101, %swap3A_102], %broadcast_in_dim3A_3 masked %broadcast_in_dim3A_5 {strides = array<i32>} : memref<321x256xf32, #tpu.memory_space<vmem>>, vector<16xf32>, vector<16xi1>
      %swap3A_104 = arith.index_cast %scan3A_96 : i32 to index
      %swap3A_105 = arith.constant 32 : index
      %swap3A_106 = tpu.vector_load %arg5[%swap3A_104, %swap3A_105] masked %broadcast_in_dim3A_5 {strides = array<i32>} : memref<321x256xf32, #tpu.memory_space<vmem>>, vector<16xf32>, vector<16xi1>
      tpu.vector_store %arg5[%swap3A_104, %swap3A_105], %broadcast_in_dim3A_3 masked %broadcast_in_dim3A_5 {strides = array<i32>} : memref<321x256xf32, #tpu.memory_space<vmem>>, vector<16xf32>, vector<16xi1>
      %swap3A_107 = arith.index_cast %scan3A_96 : i32 to index
      %swap3A_108 = arith.constant 48 : index
      %swap3A_109 = tpu.vector_load %arg5[%swap3A_107, %swap3A_108] masked %broadcast_in_dim3A_5 {strides = array<i32>} : memref<321x256xf32, #tpu.memory_space<vmem>>, vector<16xf32>, vector<16xi1>
      tpu.vector_store %arg5[%swap3A_107, %swap3A_108], %broadcast_in_dim3A_3 masked %broadcast_in_dim3A_5 {strides = array<i32>} : memref<321x256xf32, #tpu.memory_space<vmem>>, vector<16xf32>, vector<16xi1>
      %swap3A_110 = arith.index_cast %scan3A_96 : i32 to index
      %swap3A_111 = arith.constant 64 : index
      %swap3A_112 = tpu.vector_load %arg5[%swap3A_110, %swap3A_111] masked %broadcast_in_dim3A_5 {strides = array<i32>} : memref<321x256xf32, #tpu.memory_space<vmem>>, vector<16xf32>, vector<16xi1>
      tpu.vector_store %arg5[%swap3A_110, %swap3A_111], %broadcast_in_dim3A_3 masked %broadcast_in_dim3A_5 {strides = array<i32>} : memref<321x256xf32, #tpu.memory_space<vmem>>, vector<16xf32>, vector<16xi1>
      %swap3A_113 = arith.index_cast %scan3A_96 : i32 to index
      %swap3A_114 = arith.constant 80 : index
      %swap3A_115 = tpu.vector_load %arg5[%swap3A_113, %swap3A_114] masked %broadcast_in_dim3A_5 {strides = array<i32>} : memref<321x256xf32, #tpu.memory_space<vmem>>, vector<16xf32>, vector<16xi1>
      tpu.vector_store %arg5[%swap3A_113, %swap3A_114], %broadcast_in_dim3A_3 masked %broadcast_in_dim3A_5 {strides = array<i32>} : memref<321x256xf32, #tpu.memory_space<vmem>>, vector<16xf32>, vector<16xi1>
      %swap3A_116 = arith.index_cast %scan3A_96 : i32 to index
      %swap3A_117 = arith.constant 96 : index
      %swap3A_118 = tpu.vector_load %arg5[%swap3A_116, %swap3A_117] masked %broadcast_in_dim3A_5 {strides = array<i32>} : memref<321x256xf32, #tpu.memory_space<vmem>>, vector<16xf32>, vector<16xi1>
      tpu.vector_store %arg5[%swap3A_116, %swap3A_117], %broadcast_in_dim3A_3 masked %broadcast_in_dim3A_5 {strides = array<i32>} : memref<321x256xf32, #tpu.memory_space<vmem>>, vector<16xf32>, vector<16xi1>
      %swap3A_119 = arith.index_cast %scan3A_96 : i32 to index
      %swap3A_120 = arith.constant 112 : index
      %swap3A_121 = tpu.vector_load %arg5[%swap3A_119, %swap3A_120] masked %broadcast_in_dim3A_5 {strides = array<i32>} : memref<321x256xf32, #tpu.memory_space<vmem>>, vector<16xf32>, vector<16xi1>
      tpu.vector_store %arg5[%swap3A_119, %swap3A_120], %broadcast_in_dim3A_3 masked %broadcast_in_dim3A_5 {strides = array<i32>} : memref<321x256xf32, #tpu.memory_space<vmem>>, vector<16xf32>, vector<16xi1>
      %swap3A_122 = arith.index_cast %scan3A_96 : i32 to index
      %swap3A_123 = arith.constant 128 : index
      %swap3A_124 = tpu.vector_load %arg5[%swap3A_122, %swap3A_123] masked %broadcast_in_dim3A_5 {strides = array<i32>} : memref<321x256xf32, #tpu.memory_space<vmem>>, vector<16xf32>, vector<16xi1>
      tpu.vector_store %arg5[%swap3A_122, %swap3A_123], %broadcast_in_dim3A_3 masked %broadcast_in_dim3A_5 {strides = array<i32>} : memref<321x256xf32, #tpu.memory_space<vmem>>, vector<16xf32>, vector<16xi1>
      %swap3A_125 = arith.index_cast %scan3A_96 : i32 to index
      %swap3A_126 = arith.constant 144 : index
      %swap3A_127 = tpu.vector_load %arg5[%swap3A_125, %swap3A_126] masked %broadcast_in_dim3A_5 {strides = array<i32>} : memref<321x256xf32, #tpu.memory_space<vmem>>, vector<16xf32>, vector<16xi1>
      tpu.vector_store %arg5[%swap3A_125, %swap3A_126], %broadcast_in_dim3A_3 masked %broadcast_in_dim3A_5 {strides = array<i32>} : memref<321x256xf32, #tpu.memory_space<vmem>>, vector<16xf32>, vector<16xi1>
      %swap3A_128 = arith.index_cast %scan3A_96 : i32 to index
      %swap3A_129 = arith.constant 160 : index
      %swap3A_130 = tpu.vector_load %arg5[%swap3A_128, %swap3A_129] masked %broadcast_in_dim3A_5 {strides = array<i32>} : memref<321x256xf32, #tpu.memory_space<vmem>>, vector<16xf32>, vector<16xi1>
      tpu.vector_store %arg5[%swap3A_128, %swap3A_129], %broadcast_in_dim3A_3 masked %broadcast_in_dim3A_5 {strides = array<i32>} : memref<321x256xf32, #tpu.memory_space<vmem>>, vector<16xf32>, vector<16xi1>
      %swap3A_131 = arith.index_cast %scan3A_96 : i32 to index
      %swap3A_132 = arith.constant 176 : index
      %swap3A_133 = tpu.vector_load %arg5[%swap3A_131, %swap3A_132] masked %broadcast_in_dim3A_5 {strides = array<i32>} : memref<321x256xf32, #tpu.memory_space<vmem>>, vector<16xf32>, vector<16xi1>
      tpu.vector_store %arg5[%swap3A_131, %swap3A_132], %broadcast_in_dim3A_3 masked %broadcast_in_dim3A_5 {strides = array<i32>} : memref<321x256xf32, #tpu.memory_space<vmem>>, vector<16xf32>, vector<16xi1>
      %swap3A_134 = arith.index_cast %scan3A_96 : i32 to index
      %swap3A_135 = arith.constant 192 : index
      %swap3A_136 = tpu.vector_load %arg5[%swap3A_134, %swap3A_135] masked %broadcast_in_dim3A_5 {strides = array<i32>} : memref<321x256xf32, #tpu.memory_space<vmem>>, vector<16xf32>, vector<16xi1>
      tpu.vector_store %arg5[%swap3A_134, %swap3A_135], %broadcast_in_dim3A_3 masked %broadcast_in_dim3A_5 {strides = array<i32>} : memref<321x256xf32, #tpu.memory_space<vmem>>, vector<16xf32>, vector<16xi1>
      %swap3A_137 = arith.index_cast %scan3A_96 : i32 to index
      %swap3A_138 = arith.constant 208 : index
      %swap3A_139 = tpu.vector_load %arg5[%swap3A_137, %swap3A_138] masked %broadcast_in_dim3A_5 {strides = array<i32>} : memref<321x256xf32, #tpu.memory_space<vmem>>, vector<16xf32>, vector<16xi1>
      tpu.vector_store %arg5[%swap3A_137, %swap3A_138], %broadcast_in_dim3A_3 masked %broadcast_in_dim3A_5 {strides = array<i32>} : memref<321x256xf32, #tpu.memory_space<vmem>>, vector<16xf32>, vector<16xi1>
      %swap3A_140 = arith.index_cast %scan3A_96 : i32 to index
      %swap3A_141 = arith.constant 224 : index
      %swap3A_142 = tpu.vector_load %arg5[%swap3A_140, %swap3A_141] masked %broadcast_in_dim3A_5 {strides = array<i32>} : memref<321x256xf32, #tpu.memory_space<vmem>>, vector<16xf32>, vector<16xi1>
      tpu.vector_store %arg5[%swap3A_140, %swap3A_141], %broadcast_in_dim3A_3 masked %broadcast_in_dim3A_5 {strides = array<i32>} : memref<321x256xf32, #tpu.memory_space<vmem>>, vector<16xf32>, vector<16xi1>
      %swap3A_143 = arith.index_cast %scan3A_96 : i32 to index
      %swap3A_144 = arith.constant 240 : index
      %swap3A_145 = tpu.vector_load %arg5[%swap3A_143, %swap3A_144] masked %broadcast_in_dim3A_5 {strides = array<i32>} : memref<321x256xf32, #tpu.memory_space<vmem>>, vector<16xf32>, vector<16xi1>
      tpu.vector_store %arg5[%swap3A_143, %swap3A_144], %broadcast_in_dim3A_3 masked %broadcast_in_dim3A_5 {strides = array<i32>} : memref<321x256xf32, #tpu.memory_space<vmem>>, vector<16xf32>, vector<16xi1>
      %scan3A_146 = arith.constant 0 : i32
      scf.yield %scan3A_146 : i32
    }
    %scan3A_11 = arith.constant 321 : i32
    %add3A_12 = arith.constant 0 : i32
    %add3A_13 = arith.addi %add3A_12, %add3A : i32
    %rem3A = arith.constant 41 : i32
    %rem3A_14 = arith.remsi %add3A_13, %rem3A : i32
    %mul3A_15 = arith.constant 4096 : i32
    %mul3A_16 = arith.muli %rem3A_14, %mul3A_15 : i32
    %mul3A_17 = arith.constant 0 : i32
    %mul3A_18 = arith.constant 4096 : i32
    %mul3A_19 = arith.muli %mul3A_17, %mul3A_18 : i32
    %dma_start3A = tpu.memref_slice %arg7[%mul3A_19] : memref<8192xi32, #tpu.memory_space<vmem>> -> memref<4096xi32, #tpu.memory_space<vmem>>
    %dma_start3A_20 = tpu.memref_slice %arg2[%mul3A_16] : memref<167936xi32, #tpu.memory_space<hbm>> -> memref<4096xi32, #tpu.memory_space<hbm>>
    %dma_start3A_21 = tpu.memref_slice %arg7[%mul3A_19] : memref<8192xi32, #tpu.memory_space<vmem>> -> memref<4096xi32, #tpu.memory_space<vmem>>
    %dma_start3A_22 = tpu.memref_slice %arg2[%mul3A_16] : memref<167936xi32, #tpu.memory_space<hbm>> -> memref<4096xi32, #tpu.memory_space<hbm>>
    tpu.enqueue_dma source(%dma_start3A_22 : memref<4096xi32, #tpu.memory_space<hbm>>) target(%dma_start3A_21 : memref<4096xi32, #tpu.memory_space<vmem>>) target_semaphore(%arg11 : memref<!tpu.dma_semaphore, #tpu.memory_space<semaphore_mem>>)
    %mul3A_23 = arith.constant 16384 : i32
    %mul3A_24 = arith.muli %mul3A_2, %mul3A_23 : i32
    %add3A_25 = arith.constant 320 : i32
    %add3A_26 = arith.addi %mul3A_2, %add3A_25 : i32
    %mul3A_27 = arith.constant 16384 : i32
    %mul3A_28 = arith.muli %add3A_26, %mul3A_27 : i32
    %scan3A_29 = arith.constant 0 : i32
    %scan3A_30 = arith.constant 0 : i32
    %scan3A_31 = arith.constant 41 : i32
    %scan3A_32 = arith.addi %scan3A_30, %scan3A_31 : i32
    %scan3A_33 = arith.constant 1 : i32
    %scan3A_34 = scf.for %scan3A_96 = %scan3A_30 to %scan3A_32 step %scan3A_33 iter_args(%scan3A_97 = %scan3A_29) -> (i32)  : i32 {
      %rem3A_98 = arith.constant 2 : i32
      %rem3A_99 = arith.remsi %scan3A_96, %rem3A_98 : i32
      %add3A_100 = arith.addi %scan3A_96, %add3A : i32
      %rem3A_101 = arith.constant 41 : i32
      %rem3A_102 = arith.remsi %add3A_100, %rem3A_101 : i32
      %mul3A_103 = arith.constant 4096 : i32
      %mul3A_104 = arith.muli %rem3A_102, %mul3A_103 : i32
      %mul3A_105 = arith.constant 4096 : i32
      %mul3A_106 = arith.muli %rem3A_99, %mul3A_105 : i32
      %dma_wait3A = tpu.memref_slice %arg7[%mul3A_106] : memref<8192xi32, #tpu.memory_space<vmem>> -> memref<4096xi32, #tpu.memory_space<vmem>>
      %dma_wait3A_107 = tpu.memref_slice %arg2[%mul3A_104] : memref<167936xi32, #tpu.memory_space<hbm>> -> memref<4096xi32, #tpu.memory_space<hbm>>
      %dma_wait3A_108 = tpu.memref_slice %arg7[%mul3A_106] : memref<8192xi32, #tpu.memory_space<vmem>> -> memref<4096xi32, #tpu.memory_space<vmem>>
      %dma_wait3A_109 = tpu.memref_slice %arg2[%mul3A_104] : memref<167936xi32, #tpu.memory_space<hbm>> -> memref<4096xi32, #tpu.memory_space<hbm>>
      tpu.wait_dma2 semaphore(%arg11 : memref<!tpu.dma_semaphore, #tpu.memory_space<semaphore_mem>>) src(%dma_wait3A_109 : memref<4096xi32, #tpu.memory_space<hbm>>) dst(%dma_wait3A_108 : memref<4096xi32, #tpu.memory_space<vmem>>)
      %add3A_110 = arith.constant 1 : i32
      %add3A_111 = arith.addi %scan3A_96, %add3A_110 : i32
      %lt3A = arith.constant 41 : i32
      %lt3A_112 = arith.cmpi slt, %add3A_111, %lt3A : i32
      %convert_element_type3A_113 = arith.extui %lt3A_112 : i1 to i32
      %cond3A_114 = arith.constant 0 : i32
      %cond3A_115 = arith.cmpi ne, %convert_element_type3A_113, %cond3A_114 : i32
      scf.if %cond3A_115 {
        %add3A_193 = arith.constant 1 : i32
        %add3A_194 = arith.addi %scan3A_96, %add3A_193 : i32
        %add3A_195 = arith.constant 1 : i32
        %add3A_196 = arith.addi %scan3A_96, %add3A_195 : i32
        %rem3A_197 = arith.constant 2 : i32
        %rem3A_198 = arith.remsi %add3A_196, %rem3A_197 : i32
        %add3A_199 = arith.addi %add3A_194, %add3A : i32
        %rem3A_200 = arith.constant 41 : i32
        %rem3A_201 = arith.remsi %add3A_199, %rem3A_200 : i32
        %mul3A_202 = arith.constant 4096 : i32
        %mul3A_203 = arith.muli %rem3A_201, %mul3A_202 : i32
        %mul3A_204 = arith.constant 4096 : i32
        %mul3A_205 = arith.muli %rem3A_198, %mul3A_204 : i32
        %dma_start3A_206 = tpu.memref_slice %arg7[%mul3A_205] : memref<8192xi32, #tpu.memory_space<vmem>> -> memref<4096xi32, #tpu.memory_space<vmem>>
        %dma_start3A_207 = tpu.memref_slice %arg2[%mul3A_203] : memref<167936xi32, #tpu.memory_space<hbm>> -> memref<4096xi32, #tpu.memory_space<hbm>>
        %dma_start3A_208 = tpu.memref_slice %arg7[%mul3A_205] : memref<8192xi32, #tpu.memory_space<vmem>> -> memref<4096xi32, #tpu.memory_space<vmem>>
        %dma_start3A_209 = tpu.memref_slice %arg2[%mul3A_203] : memref<167936xi32, #tpu.memory_space<hbm>> -> memref<4096xi32, #tpu.memory_space<hbm>>
        tpu.enqueue_dma source(%dma_start3A_209 : memref<4096xi32, #tpu.memory_space<hbm>>) target(%dma_start3A_208 : memref<4096xi32, #tpu.memory_space<vmem>>) target_semaphore(%arg11 : memref<!tpu.dma_semaphore, #tpu.memory_space<semaphore_mem>>)
      } else {
      }
      %mul3A_116 = arith.constant 4096 : i32
      %mul3A_117 = arith.muli %rem3A_99, %mul3A_116 : i32
      %scan3A_118 = arith.constant 0 : i32
      %scan3A_119 = arith.constant 32 : i32
      %scan3A_120 = arith.addi %scan3A_118, %scan3A_119 : i32
      %scan3A_121 = arith.constant 1 : i32
      %scan3A_122 = scf.for %scan3A_193 = %scan3A_118 to %scan3A_120 step %scan3A_121 iter_args(%scan3A_194 = %scan3A_97) -> (i32)  : i32 {
        %mul3A_195 = arith.constant 128 : i32
        %mul3A_196 = arith.muli %scan3A_193, %mul3A_195 : i32
        %add3A_197 = arith.addi %mul3A_117, %mul3A_196 : i32
        %add3A_198 = arith.constant 0 : i32
        %add3A_199 = arith.addi %add3A_197, %add3A_198 : i32
        %get3A_200 = arith.index_cast %add3A_199 : i32 to index
        %get3A_201 = tpu.vector_load %arg7[%get3A_200] {strides = array<i32>} : memref<8192xi32, #tpu.memory_space<vmem>>, vector<16xi32>,
        %ge3A = vector.broadcast %mul3A_24 : i32 to vector<16xi32>
        %ge3A_202 = arith.cmpi sge, %get3A_201, %ge3A : vector<16xi32>
        %lt3A_203 = vector.broadcast %mul3A_28 : i32 to vector<16xi32>
        %lt3A_204 = arith.cmpi slt, %get3A_201, %lt3A_203 : vector<16xi32>
        %and3A_205 = arith.andi %ge3A_202, %lt3A_204 : vector<16xi1>
        %swap3A_206 = arith.index_cast %scan3A_194 : i32 to index
        %swap3A_207 = tpu.vector_load %arg8[%swap3A_206] masked %and3A_205 {strides = array<i32>} : memref<4352xi32, #tpu.memory_space<vmem>>, vector<16xi32>, vector<16xi1>
        tpu.vector_store %arg8[%swap3A_206], %get3A_201 masked %and3A_205 {strides = array<i32>} : memref<4352xi32, #tpu.memory_space<vmem>>, vector<16xi32>, vector<16xi1>
        %all_reduce_population_count3A = tpu.all_reduce %and3A_205 {dim = 0 : i64, kind = #tpu.reduction_kind<sum>} : vector<16xi1> -> vector<16xi32>
        %slice3A = vector.extract_strided_slice %all_reduce_population_count3A {offsets = [0], sizes = [1], strides = [1]} : vector<16xi32> to vector<1xi32>
        %squeeze3A = vector.extract %slice3A[0] : i32 from vector<1xi32>
        %add3A_208 = arith.addi %scan3A_194, %squeeze3A : i32
        %mul3A_209 = arith.constant 128 : i32
        %mul3A_210 = arith.muli %scan3A_193, %mul3A_209 : i32
        %add3A_211 = arith.addi %mul3A_117, %mul3A_210 : i32
        %add3A_212 = arith.constant 16 : i32
        %add3A_213 = arith.addi %add3A_211, %add3A_212 : i32
        %get3A_214 = arith.index_cast %add3A_213 : i32 to index
        %get3A_215 = tpu.vector_load %arg7[%get3A_214] {strides = array<i32>} : memref<8192xi32, #tpu.memory_space<vmem>>, vector<16xi32>,
        %ge3A_216 = vector.broadcast %mul3A_24 : i32 to vector<16xi32>
        %ge3A_217 = arith.cmpi sge, %get3A_215, %ge3A_216 : vector<16xi32>
        %lt3A_218 = vector.broadcast %mul3A_28 : i32 to vector<16xi32>
        %lt3A_219 = arith.cmpi slt, %get3A_215, %lt3A_218 : vector<16xi32>
        %and3A_220 = arith.andi %ge3A_217, %lt3A_219 : vector<16xi1>
        %swap3A_221 = arith.index_cast %add3A_208 : i32 to index
        %swap3A_222 = tpu.vector_load %arg8[%swap3A_221] masked %and3A_220 {strides = array<i32>} : memref<4352xi32, #tpu.memory_space<vmem>>, vector<16xi32>, vector<16xi1>
        tpu.vector_store %arg8[%swap3A_221], %get3A_215 masked %and3A_220 {strides = array<i32>} : memref<4352xi32, #tpu.memory_space<vmem>>, vector<16xi32>, vector<16xi1>
        %all_reduce_population_count3A_223 = tpu.all_reduce %and3A_220 {dim = 0 : i64, kind = #tpu.reduction_kind<sum>} : vector<16xi1> -> vector<16xi32>
        %slice3A_224 = vector.extract_strided_slice %all_reduce_population_count3A_223 {offsets = [0], sizes = [1], strides = [1]} : vector<16xi32> to vector<1xi32>
        %squeeze3A_225 = vector.extract %slice3A_224[0] : i32 from vector<1xi32>
        %add3A_226 = arith.addi %add3A_208, %squeeze3A_225 : i32
        %mul3A_227 = arith.constant 128 : i32
        %mul3A_228 = arith.muli %scan3A_193, %mul3A_227 : i32
        %add3A_229 = arith.addi %mul3A_117, %mul3A_228 : i32
        %add3A_230 = arith.constant 32 : i32
        %add3A_231 = arith.addi %add3A_229, %add3A_230 : i32
        %get3A_232 = arith.index_cast %add3A_231 : i32 to index
        %get3A_233 = tpu.vector_load %arg7[%get3A_232] {strides = array<i32>} : memref<8192xi32, #tpu.memory_space<vmem>>, vector<16xi32>,
        %ge3A_234 = vector.broadcast %mul3A_24 : i32 to vector<16xi32>
        %ge3A_235 = arith.cmpi sge, %get3A_233, %ge3A_234 : vector<16xi32>
        %lt3A_236 = vector.broadcast %mul3A_28 : i32 to vector<16xi32>
        %lt3A_237 = arith.cmpi slt, %get3A_233, %lt3A_236 : vector<16xi32>
        %and3A_238 = arith.andi %ge3A_235, %lt3A_237 : vector<16xi1>
        %swap3A_239 = arith.index_cast %add3A_226 : i32 to index
        %swap3A_240 = tpu.vector_load %arg8[%swap3A_239] masked %and3A_238 {strides = array<i32>} : memref<4352xi32, #tpu.memory_space<vmem>>, vector<16xi32>, vector<16xi1>
        tpu.vector_store %arg8[%swap3A_239], %get3A_233 masked %and3A_238 {strides = array<i32>} : memref<4352xi32, #tpu.memory_space<vmem>>, vector<16xi32>, vector<16xi1>
        %all_reduce_population_count3A_241 = tpu.all_reduce %and3A_238 {dim = 0 : i64, kind = #tpu.reduction_kind<sum>} : vector<16xi1> -> vector<16xi32>
        %slice3A_242 = vector.extract_strided_slice %all_reduce_population_count3A_241 {offsets = [0], sizes = [1], strides = [1]} : vector<16xi32> to vector<1xi32>
        %squeeze3A_243 = vector.extract %slice3A_242[0] : i32 from vector<1xi32>
        %add3A_244 = arith.addi %add3A_226, %squeeze3A_243 : i32
        %mul3A_245 = arith.constant 128 : i32
        %mul3A_246 = arith.muli %scan3A_193, %mul3A_245 : i32
        %add3A_247 = arith.addi %mul3A_117, %mul3A_246 : i32
        %add3A_248 = arith.constant 48 : i32
        %add3A_249 = arith.addi %add3A_247, %add3A_248 : i32
        %get3A_250 = arith.index_cast %add3A_249 : i32 to index
        %get3A_251 = tpu.vector_load %arg7[%get3A_250] {strides = array<i32>} : memref<8192xi32, #tpu.memory_space<vmem>>, vector<16xi32>,
        %ge3A_252 = vector.broadcast %mul3A_24 : i32 to vector<16xi32>
        %ge3A_253 = arith.cmpi sge, %get3A_251, %ge3A_252 : vector<16xi32>
        %lt3A_254 = vector.broadcast %mul3A_28 : i32 to vector<16xi32>
        %lt3A_255 = arith.cmpi slt, %get3A_251, %lt3A_254 : vector<16xi32>
        %and3A_256 = arith.andi %ge3A_253, %lt3A_255 : vector<16xi1>
        %swap3A_257 = arith.index_cast %add3A_244 : i32 to index
        %swap3A_258 = tpu.vector_load %arg8[%swap3A_257] masked %and3A_256 {strides = array<i32>} : memref<4352xi32, #tpu.memory_space<vmem>>, vector<16xi32>, vector<16xi1>
        tpu.vector_store %arg8[%swap3A_257], %get3A_251 masked %and3A_256 {strides = array<i32>} : memref<4352xi32, #tpu.memory_space<vmem>>, vector<16xi32>, vector<16xi1>
        %all_reduce_population_count3A_259 = tpu.all_reduce %and3A_256 {dim = 0 : i64, kind = #tpu.reduction_kind<sum>} : vector<16xi1> -> vector<16xi32>
        %slice3A_260 = vector.extract_strided_slice %all_reduce_population_count3A_259 {offsets = [0], sizes = [1], strides = [1]} : vector<16xi32> to vector<1xi32>
        %squeeze3A_261 = vector.extract %slice3A_260[0] : i32 from vector<1xi32>
        %add3A_262 = arith.addi %add3A_244, %squeeze3A_261 : i32
        %mul3A_263 = arith.constant 128 : i32
        %mul3A_264 = arith.muli %scan3A_193, %mul3A_263 : i32
        %add3A_265 = arith.addi %mul3A_117, %mul3A_264 : i32
        %add3A_266 = arith.constant 64 : i32
        %add3A_267 = arith.addi %add3A_265, %add3A_266 : i32
        %get3A_268 = arith.index_cast %add3A_267 : i32 to index
        %get3A_269 = tpu.vector_load %arg7[%get3A_268] {strides = array<i32>} : memref<8192xi32, #tpu.memory_space<vmem>>, vector<16xi32>,
        %ge3A_270 = vector.broadcast %mul3A_24 : i32 to vector<16xi32>
        %ge3A_271 = arith.cmpi sge, %get3A_269, %ge3A_270 : vector<16xi32>
        %lt3A_272 = vector.broadcast %mul3A_28 : i32 to vector<16xi32>
        %lt3A_273 = arith.cmpi slt, %get3A_269, %lt3A_272 : vector<16xi32>
        %and3A_274 = arith.andi %ge3A_271, %lt3A_273 : vector<16xi1>
        %swap3A_275 = arith.index_cast %add3A_262 : i32 to index
        %swap3A_276 = tpu.vector_load %arg8[%swap3A_275] masked %and3A_274 {strides = array<i32>} : memref<4352xi32, #tpu.memory_space<vmem>>, vector<16xi32>, vector<16xi1>
        tpu.vector_store %arg8[%swap3A_275], %get3A_269 masked %and3A_274 {strides = array<i32>} : memref<4352xi32, #tpu.memory_space<vmem>>, vector<16xi32>, vector<16xi1>
        %all_reduce_population_count3A_277 = tpu.all_reduce %and3A_274 {dim = 0 : i64, kind = #tpu.reduction_kind<sum>} : vector<16xi1> -> vector<16xi32>
        %slice3A_278 = vector.extract_strided_slice %all_reduce_population_count3A_277 {offsets = [0], sizes = [1], strides = [1]} : vector<16xi32> to vector<1xi32>
        %squeeze3A_279 = vector.extract %slice3A_278[0] : i32 from vector<1xi32>
        %add3A_280 = arith.addi %add3A_262, %squeeze3A_279 : i32
        %mul3A_281 = arith.constant 128 : i32
        %mul3A_282 = arith.muli %scan3A_193, %mul3A_281 : i32
        %add3A_283 = arith.addi %mul3A_117, %mul3A_282 : i32
        %add3A_284 = arith.constant 80 : i32
        %add3A_285 = arith.addi %add3A_283, %add3A_284 : i32
        %get3A_286 = arith.index_cast %add3A_285 : i32 to index
        %get3A_287 = tpu.vector_load %arg7[%get3A_286] {strides = array<i32>} : memref<8192xi32, #tpu.memory_space<vmem>>, vector<16xi32>,
        %ge3A_288 = vector.broadcast %mul3A_24 : i32 to vector<16xi32>
        %ge3A_289 = arith.cmpi sge, %get3A_287, %ge3A_288 : vector<16xi32>
        %lt3A_290 = vector.broadcast %mul3A_28 : i32 to vector<16xi32>
        %lt3A_291 = arith.cmpi slt, %get3A_287, %lt3A_290 : vector<16xi32>
        %and3A_292 = arith.andi %ge3A_289, %lt3A_291 : vector<16xi1>
        %swap3A_293 = arith.index_cast %add3A_280 : i32 to index
        %swap3A_294 = tpu.vector_load %arg8[%swap3A_293] masked %and3A_292 {strides = array<i32>} : memref<4352xi32, #tpu.memory_space<vmem>>, vector<16xi32>, vector<16xi1>
        tpu.vector_store %arg8[%swap3A_293], %get3A_287 masked %and3A_292 {strides = array<i32>} : memref<4352xi32, #tpu.memory_space<vmem>>, vector<16xi32>, vector<16xi1>
        %all_reduce_population_count3A_295 = tpu.all_reduce %and3A_292 {dim = 0 : i64, kind = #tpu.reduction_kind<sum>} : vector<16xi1> -> vector<16xi32>
        %slice3A_296 = vector.extract_strided_slice %all_reduce_population_count3A_295 {offsets = [0], sizes = [1], strides = [1]} : vector<16xi32> to vector<1xi32>
        %squeeze3A_297 = vector.extract %slice3A_296[0] : i32 from vector<1xi32>
        %add3A_298 = arith.addi %add3A_280, %squeeze3A_297 : i32
        %mul3A_299 = arith.constant 128 : i32
        %mul3A_300 = arith.muli %scan3A_193, %mul3A_299 : i32
        %add3A_301 = arith.addi %mul3A_117, %mul3A_300 : i32
        %add3A_302 = arith.constant 96 : i32
        %add3A_303 = arith.addi %add3A_301, %add3A_302 : i32
        %get3A_304 = arith.index_cast %add3A_303 : i32 to index
        %get3A_305 = tpu.vector_load %arg7[%get3A_304] {strides = array<i32>} : memref<8192xi32, #tpu.memory_space<vmem>>, vector<16xi32>,
        %ge3A_306 = vector.broadcast %mul3A_24 : i32 to vector<16xi32>
        %ge3A_307 = arith.cmpi sge, %get3A_305, %ge3A_306 : vector<16xi32>
        %lt3A_308 = vector.broadcast %mul3A_28 : i32 to vector<16xi32>
        %lt3A_309 = arith.cmpi slt, %get3A_305, %lt3A_308 : vector<16xi32>
        %and3A_310 = arith.andi %ge3A_307, %lt3A_309 : vector<16xi1>
        %swap3A_311 = arith.index_cast %add3A_298 : i32 to index
        %swap3A_312 = tpu.vector_load %arg8[%swap3A_311] masked %and3A_310 {strides = array<i32>} : memref<4352xi32, #tpu.memory_space<vmem>>, vector<16xi32>, vector<16xi1>
        tpu.vector_store %arg8[%swap3A_311], %get3A_305 masked %and3A_310 {strides = array<i32>} : memref<4352xi32, #tpu.memory_space<vmem>>, vector<16xi32>, vector<16xi1>
        %all_reduce_population_count3A_313 = tpu.all_reduce %and3A_310 {dim = 0 : i64, kind = #tpu.reduction_kind<sum>} : vector<16xi1> -> vector<16xi32>
        %slice3A_314 = vector.extract_strided_slice %all_reduce_population_count3A_313 {offsets = [0], sizes = [1], strides = [1]} : vector<16xi32> to vector<1xi32>
        %squeeze3A_315 = vector.extract %slice3A_314[0] : i32 from vector<1xi32>
        %add3A_316 = arith.addi %add3A_298, %squeeze3A_315 : i32
        %mul3A_317 = arith.constant 128 : i32
        %mul3A_318 = arith.muli %scan3A_193, %mul3A_317 : i32
        %add3A_319 = arith.addi %mul3A_117, %mul3A_318 : i32
        %add3A_320 = arith.constant 112 : i32
        %add3A_321 = arith.addi %add3A_319, %add3A_320 : i32
        %get3A_322 = arith.index_cast %add3A_321 : i32 to index
        %get3A_323 = tpu.vector_load %arg7[%get3A_322] {strides = array<i32>} : memref<8192xi32, #tpu.memory_space<vmem>>, vector<16xi32>,
        %ge3A_324 = vector.broadcast %mul3A_24 : i32 to vector<16xi32>
        %ge3A_325 = arith.cmpi sge, %get3A_323, %ge3A_324 : vector<16xi32>
        %lt3A_326 = vector.broadcast %mul3A_28 : i32 to vector<16xi32>
        %lt3A_327 = arith.cmpi slt, %get3A_323, %lt3A_326 : vector<16xi32>
        %and3A_328 = arith.andi %ge3A_325, %lt3A_327 : vector<16xi1>
        %swap3A_329 = arith.index_cast %add3A_316 : i32 to index
        %swap3A_330 = tpu.vector_load %arg8[%swap3A_329] masked %and3A_328 {strides = array<i32>} : memref<4352xi32, #tpu.memory_space<vmem>>, vector<16xi32>, vector<16xi1>
        tpu.vector_store %arg8[%swap3A_329], %get3A_323 masked %and3A_328 {strides = array<i32>} : memref<4352xi32, #tpu.memory_space<vmem>>, vector<16xi32>, vector<16xi1>
        %all_reduce_population_count3A_331 = tpu.all_reduce %and3A_328 {dim = 0 : i64, kind = #tpu.reduction_kind<sum>} : vector<16xi1> -> vector<16xi32>
        %slice3A_332 = vector.extract_strided_slice %all_reduce_population_count3A_331 {offsets = [0], sizes = [1], strides = [1]} : vector<16xi32> to vector<1xi32>
        %squeeze3A_333 = vector.extract %slice3A_332[0] : i32 from vector<1xi32>
        %add3A_334 = arith.addi %add3A_316, %squeeze3A_333 : i32
        scf.yield %add3A_334 : i32
      }
      %scan3A_123 = arith.constant 32 : i32
      %jit3A_124 = arith.constant 64 : i32
      %div3A_125 = arith.divsi %scan3A_122, %jit3A_124 : i32
      %sign3A_126 = arith.constant 0 : i32
      %sign3A_127 = arith.cmpi sgt, %scan3A_122, %sign3A_126 : i32
      %sign3A_128 = arith.extui %sign3A_127 : i1 to i32
      %sign3A_129 = arith.constant 0 : i32
      %sign3A_130 = arith.cmpi slt, %scan3A_122, %sign3A_129 : i32
      %sign3A_131 = arith.extui %sign3A_130 : i1 to i32
      %sign3A_132 = arith.subi %sign3A_128, %sign3A_131 : i32
      %sign3A_133 = arith.constant 0 : i32
      %sign3A_134 = arith.cmpi sgt, %jit3A_124, %sign3A_133 : i32
      %sign3A_135 = arith.extui %sign3A_134 : i1 to i32
      %sign3A_136 = arith.constant 0 : i32
      %sign3A_137 = arith.cmpi slt, %jit3A_124, %sign3A_136 : i32
      %sign3A_138 = arith.extui %sign3A_137 : i1 to i32
      %sign3A_139 = arith.subi %sign3A_135, %sign3A_138 : i32
      %ne3A_140 = arith.cmpi ne, %sign3A_132, %sign3A_139 : i32
      %rem3A_141 = arith.remsi %scan3A_122, %jit3A_124 : i32
      %ne3A_142 = arith.constant 0 : i32
      %ne3A_143 = arith.cmpi ne, %rem3A_141, %ne3A_142 : i32
      %and3A_144 = arith.andi %ne3A_140, %ne3A_143 : i1
      %sub3A_145 = arith.constant 1 : i32
      %sub3A_146 = arith.subi %div3A_125, %sub3A_145 : i32
      %select_n3A_147 = arith.select %and3A_144, %sub3A_146, %div3A_125 : i32
      %gt3A_148 = arith.constant 0 : i32
      %gt3A_149 = arith.cmpi sgt, %select_n3A_147, %gt3A_148 : i32
      %convert_element_type3A_150 = arith.extui %gt3A_149 : i1 to i32
      %cond3A_151 = arith.constant 0 : i32
      %cond3A_152 = arith.cmpi ne, %convert_element_type3A_150, %cond3A_151 : i32
      scf.if %cond3A_152 {
        %mul3A_193 = arith.constant 0 : i32
        %mul3A_194 = arith.constant 64 : i32
        %mul3A_195 = arith.muli %mul3A_193, %mul3A_194 : i32
        %add3A_196 = arith.constant 0 : i32
        %add3A_197 = arith.addi %mul3A_195, %add3A_196 : i32
        %get3A_198 = arith.index_cast %add3A_197 : i32 to index
        %get3A_199 = tpu.vector_load %arg8[%get3A_198] {strides = array<i32>} : memref<4352xi32, #tpu.memory_space<vmem>>, vector<16xi32>,
        %and3A_200 = arith.constant 16383 : i32
        %and3A_201 = vector.broadcast %and3A_200 : i32 to vector<16xi32>
        %and3A_202 = arith.andi %get3A_199, %and3A_201 : vector<16xi32>
        %mul3A_203 = arith.constant 0 : i32
        %mul3A_204 = arith.constant 64 : i32
        %mul3A_205 = arith.muli %mul3A_203, %mul3A_204 : i32
        %add3A_206 = arith.constant 0 : i32
        %add3A_207 = arith.addi %mul3A_205, %add3A_206 : i32
        %swap3A_208 = arith.index_cast %add3A_207 : i32 to index
        %swap3A_209 = tpu.vector_load %arg9[%swap3A_208] {strides = array<i32>} : memref<128xi32, #tpu.memory_space<vmem>>, vector<16xi32>,
        tpu.vector_store %arg9[%swap3A_208], %and3A_202 {strides = array<i32>} : memref<128xi32, #tpu.memory_space<vmem>>, vector<16xi32>,
        %mul3A_210 = arith.constant 0 : i32
        %mul3A_211 = arith.constant 64 : i32
        %mul3A_212 = arith.muli %mul3A_210, %mul3A_211 : i32
        %add3A_213 = arith.constant 16 : i32
        %add3A_214 = arith.addi %mul3A_212, %add3A_213 : i32
        %get3A_215 = arith.index_cast %add3A_214 : i32 to index
        %get3A_216 = tpu.vector_load %arg8[%get3A_215] {strides = array<i32>} : memref<4352xi32, #tpu.memory_space<vmem>>, vector<16xi32>,
        %and3A_217 = arith.constant 16383 : i32
        %and3A_218 = vector.broadcast %and3A_217 : i32 to vector<16xi32>
        %and3A_219 = arith.andi %get3A_216, %and3A_218 : vector<16xi32>
        %mul3A_220 = arith.constant 0 : i32
        %mul3A_221 = arith.constant 64 : i32
        %mul3A_222 = arith.muli %mul3A_220, %mul3A_221 : i32
        %add3A_223 = arith.constant 16 : i32
        %add3A_224 = arith.addi %mul3A_222, %add3A_223 : i32
        %swap3A_225 = arith.index_cast %add3A_224 : i32 to index
        %swap3A_226 = tpu.vector_load %arg9[%swap3A_225] {strides = array<i32>} : memref<128xi32, #tpu.memory_space<vmem>>, vector<16xi32>,
        tpu.vector_store %arg9[%swap3A_225], %and3A_219 {strides = array<i32>} : memref<128xi32, #tpu.memory_space<vmem>>, vector<16xi32>,
        %mul3A_227 = arith.constant 0 : i32
        %mul3A_228 = arith.constant 64 : i32
        %mul3A_229 = arith.muli %mul3A_227, %mul3A_228 : i32
        %add3A_230 = arith.constant 32 : i32
        %add3A_231 = arith.addi %mul3A_229, %add3A_230 : i32
        %get3A_232 = arith.index_cast %add3A_231 : i32 to index
        %get3A_233 = tpu.vector_load %arg8[%get3A_232] {strides = array<i32>} : memref<4352xi32, #tpu.memory_space<vmem>>, vector<16xi32>,
        %and3A_234 = arith.constant 16383 : i32
        %and3A_235 = vector.broadcast %and3A_234 : i32 to vector<16xi32>
        %and3A_236 = arith.andi %get3A_233, %and3A_235 : vector<16xi32>
        %mul3A_237 = arith.constant 0 : i32
        %mul3A_238 = arith.constant 64 : i32
        %mul3A_239 = arith.muli %mul3A_237, %mul3A_238 : i32
        %add3A_240 = arith.constant 32 : i32
        %add3A_241 = arith.addi %mul3A_239, %add3A_240 : i32
        %swap3A_242 = arith.index_cast %add3A_241 : i32 to index
        %swap3A_243 = tpu.vector_load %arg9[%swap3A_242] {strides = array<i32>} : memref<128xi32, #tpu.memory_space<vmem>>, vector<16xi32>,
        tpu.vector_store %arg9[%swap3A_242], %and3A_236 {strides = array<i32>} : memref<128xi32, #tpu.memory_space<vmem>>, vector<16xi32>,
        %mul3A_244 = arith.constant 0 : i32
        %mul3A_245 = arith.constant 64 : i32
        %mul3A_246 = arith.muli %mul3A_244, %mul3A_245 : i32
        %add3A_247 = arith.constant 48 : i32
        %add3A_248 = arith.addi %mul3A_246, %add3A_247 : i32
        %get3A_249 = arith.index_cast %add3A_248 : i32 to index
        %get3A_250 = tpu.vector_load %arg8[%get3A_249] {strides = array<i32>} : memref<4352xi32, #tpu.memory_space<vmem>>, vector<16xi32>,
        %and3A_251 = arith.constant 16383 : i32
        %and3A_252 = vector.broadcast %and3A_251 : i32 to vector<16xi32>
        %and3A_253 = arith.andi %get3A_250, %and3A_252 : vector<16xi32>
        %mul3A_254 = arith.constant 0 : i32
        %mul3A_255 = arith.constant 64 : i32
        %mul3A_256 = arith.muli %mul3A_254, %mul3A_255 : i32
        %add3A_257 = arith.constant 48 : i32
        %add3A_258 = arith.addi %mul3A_256, %add3A_257 : i32
        %swap3A_259 = arith.index_cast %add3A_258 : i32 to index
        %swap3A_260 = tpu.vector_load %arg9[%swap3A_259] {strides = array<i32>} : memref<128xi32, #tpu.memory_space<vmem>>, vector<16xi32>,
        tpu.vector_store %arg9[%swap3A_259], %and3A_253 {strides = array<i32>} : memref<128xi32, #tpu.memory_space<vmem>>, vector<16xi32>,
        %mul3A_261 = arith.constant 0 : i32
        %mul3A_262 = arith.constant 64 : i32
        %mul3A_263 = arith.muli %mul3A_261, %mul3A_262 : i32
        %mul3A_264 = arith.constant 0 : i32
        %mul3A_265 = arith.constant 64 : i32
        %mul3A_266 = arith.muli %mul3A_264, %mul3A_265 : i32
        %dma_start3A_267 = arith.constant 0 : i32
        %dma_start3A_268 = tpu.memref_slice %arg6[%mul3A_266, %dma_start3A_267] : memref<128x256xf32, #tpu.memory_space<vmem>> -> memref<64x256xf32, #tpu.memory_space<vmem>>
        %dma_start3A_269 = tpu.memref_slice %arg9[%mul3A_263] : memref<128xi32, #tpu.memory_space<vmem>> -> memref<64xi32, #tpu.memory_space<vmem>>
        %dma_start3A_270 = arith.constant 0 : i32
        %dma_start3A_271 = arith.constant 0 : i32
        %dma_start3A_272 = tpu.memref_slice %arg3[%dma_start3A_270, %dma_start3A_271] : memref<10000x256xf32, #tpu.memory_space<hbm>> -> memref<10000x256xf32, #tpu.memory_space<hbm>>
        tpu.enqueue_indirect_dma source(%dma_start3A_272 : memref<10000x256xf32, #tpu.memory_space<hbm>>) target(%dma_start3A_268 : memref<64x256xf32, #tpu.memory_space<vmem>>) offsets(%dma_start3A_269 : memref<64xi32, #tpu.memory_space<vmem>>) semaphore(%arg10 : memref<!tpu.dma_semaphore, #tpu.memory_space<semaphore_mem>>)
      } else {
      }
      %while3A_153 = arith.constant 0 : i32
      %while3A_154 = arith.constant 0 : i32
      %while3A_155 = arith.subi %select_n3A_147, %while3A_153 : i32
      %while3A_156 = arith.addi %while3A_153, %while3A_155 : i32
      %while3A_157 = arith.constant 1 : i32
      %while3A_158 = arith.divsi %while3A_155, %while3A_157 : i32
      %while3A_159 = arith.muli %while3A_158, %while3A_157 : i32
      %while3A_160 = arith.addi %while3A_153, %while3A_159 : i32
      %while3A_161 = arith.constant 1 : i32
      %while3A_162 = scf.for %while3A_193 = %while3A_153 to %while3A_160 step %while3A_161 iter_args(%while3A_194 = %while3A_154) -> (i32)  : i32 {
        %rem3A_195 = arith.constant 2 : i32
        %rem3A_196 = arith.remsi %while3A_193, %rem3A_195 : i32
        %mul3A_197 = arith.constant 64 : i32
        %mul3A_198 = arith.muli %rem3A_196, %mul3A_197 : i32
        %mul3A_199 = arith.constant 64 : i32
        %mul3A_200 = arith.muli %rem3A_196, %mul3A_199 : i32
        %dma_wait3A_201 = arith.constant 0 : i32
        %dma_wait3A_202 = tpu.memref_slice %arg6[%mul3A_200, %dma_wait3A_201] : memref<128x256xf32, #tpu.memory_space<vmem>> -> memref<64x256xf32, #tpu.memory_space<vmem>>
        %dma_wait3A_203 = tpu.memref_slice %arg9[%mul3A_198] : memref<128xi32, #tpu.memory_space<vmem>> -> memref<64xi32, #tpu.memory_space<vmem>>
        %dma_wait3A_204 = arith.constant 0 : i32
        %dma_wait3A_205 = arith.constant 0 : i32
        %dma_wait3A_206 = tpu.memref_slice %arg3[%dma_wait3A_204, %dma_wait3A_205] : memref<10000x256xf32, #tpu.memory_space<hbm>> -> memref<10000x256xf32, #tpu.memory_space<hbm>>
        tpu.wait_indirect_dma semaphore(%arg10 : memref<!tpu.dma_semaphore, #tpu.memory_space<semaphore_mem>>) src(%dma_wait3A_206 : memref<10000x256xf32, #tpu.memory_space<hbm>>) dst(%dma_wait3A_202 : memref<64x256xf32, #tpu.memory_space<vmem>>)
        %add3A_207 = arith.constant 1 : i32
        %add3A_208 = arith.addi %while3A_193, %add3A_207 : i32
        %lt3A_209 = arith.cmpi slt, %add3A_208, %select_n3A_147 : i32
        %convert_element_type3A_210 = arith.extui %lt3A_209 : i1 to i32
        %cond3A_211 = arith.constant 0 : i32
        %cond3A_212 = arith.cmpi ne, %convert_element_type3A_210, %cond3A_211 : i32
        scf.if %cond3A_212 {
          %add3A_223 = arith.constant 1 : i32
          %add3A_224 = arith.addi %while3A_193, %add3A_223 : i32
          %add3A_225 = arith.constant 1 : i32
          %add3A_226 = arith.addi %while3A_193, %add3A_225 : i32
          %rem3A_227 = arith.constant 2 : i32
          %rem3A_228 = arith.remsi %add3A_226, %rem3A_227 : i32
          %mul3A_229 = arith.constant 64 : i32
          %mul3A_230 = arith.muli %add3A_224, %mul3A_229 : i32
          %add3A_231 = arith.constant 0 : i32
          %add3A_232 = arith.addi %mul3A_230, %add3A_231 : i32
          %get3A_233 = arith.index_cast %add3A_232 : i32 to index
          %get3A_234 = tpu.vector_load %arg8[%get3A_233] {strides = array<i32>} : memref<4352xi32, #tpu.memory_space<vmem>>, vector<16xi32>,
          %and3A_235 = arith.constant 16383 : i32
          %and3A_236 = vector.broadcast %and3A_235 : i32 to vector<16xi32>
          %and3A_237 = arith.andi %get3A_234, %and3A_236 : vector<16xi32>
          %mul3A_238 = arith.constant 64 : i32
          %mul3A_239 = arith.muli %rem3A_228, %mul3A_238 : i32
          %add3A_240 = arith.constant 0 : i32
          %add3A_241 = arith.addi %mul3A_239, %add3A_240 : i32
          %swap3A_242 = arith.index_cast %add3A_241 : i32 to index
          %swap3A_243 = tpu.vector_load %arg9[%swap3A_242] {strides = array<i32>} : memref<128xi32, #tpu.memory_space<vmem>>, vector<16xi32>,
          tpu.vector_store %arg9[%swap3A_242], %and3A_237 {strides = array<i32>} : memref<128xi32, #tpu.memory_space<vmem>>, vector<16xi32>,
          %mul3A_244 = arith.constant 64 : i32
          %mul3A_245 = arith.muli %add3A_224, %mul3A_244 : i32
          %add3A_246 = arith.constant 16 : i32
          %add3A_247 = arith.addi %mul3A_245, %add3A_246 : i32
          %get3A_248 = arith.index_cast %add3A_247 : i32 to index
          %get3A_249 = tpu.vector_load %arg8[%get3A_248] {strides = array<i32>} : memref<4352xi32, #tpu.memory_space<vmem>>, vector<16xi32>,
          %and3A_250 = arith.constant 16383 : i32
          %and3A_251 = vector.broadcast %and3A_250 : i32 to vector<16xi32>
          %and3A_252 = arith.andi %get3A_249, %and3A_251 : vector<16xi32>
          %mul3A_253 = arith.constant 64 : i32
          %mul3A_254 = arith.muli %rem3A_228, %mul3A_253 : i32
          %add3A_255 = arith.constant 16 : i32
          %add3A_256 = arith.addi %mul3A_254, %add3A_255 : i32
          %swap3A_257 = arith.index_cast %add3A_256 : i32 to index
          %swap3A_258 = tpu.vector_load %arg9[%swap3A_257] {strides = array<i32>} : memref<128xi32, #tpu.memory_space<vmem>>, vector<16xi32>,
          tpu.vector_store %arg9[%swap3A_257], %and3A_252 {strides = array<i32>} : memref<128xi32, #tpu.memory_space<vmem>>, vector<16xi32>,
          %mul3A_259 = arith.constant 64 : i32
          %mul3A_260 = arith.muli %add3A_224, %mul3A_259 : i32
          %add3A_261 = arith.constant 32 : i32
          %add3A_262 = arith.addi %mul3A_260, %add3A_261 : i32
          %get3A_263 = arith.index_cast %add3A_262 : i32 to index
          %get3A_264 = tpu.vector_load %arg8[%get3A_263] {strides = array<i32>} : memref<4352xi32, #tpu.memory_space<vmem>>, vector<16xi32>,
          %and3A_265 = arith.constant 16383 : i32
          %and3A_266 = vector.broadcast %and3A_265 : i32 to vector<16xi32>
          %and3A_267 = arith.andi %get3A_264, %and3A_266 : vector<16xi32>
          %mul3A_268 = arith.constant 64 : i32
          %mul3A_269 = arith.muli %rem3A_228, %mul3A_268 : i32
          %add3A_270 = arith.constant 32 : i32
          %add3A_271 = arith.addi %mul3A_269, %add3A_270 : i32
          %swap3A_272 = arith.index_cast %add3A_271 : i32 to index
          %swap3A_273 = tpu.vector_load %arg9[%swap3A_272] {strides = array<i32>} : memref<128xi32, #tpu.memory_space<vmem>>, vector<16xi32>,
          tpu.vector_store %arg9[%swap3A_272], %and3A_267 {strides = array<i32>} : memref<128xi32, #tpu.memory_space<vmem>>, vector<16xi32>,
          %mul3A_274 = arith.constant 64 : i32
          %mul3A_275 = arith.muli %add3A_224, %mul3A_274 : i32
          %add3A_276 = arith.constant 48 : i32
          %add3A_277 = arith.addi %mul3A_275, %add3A_276 : i32
          %get3A_278 = arith.index_cast %add3A_277 : i32 to index
          %get3A_279 = tpu.vector_load %arg8[%get3A_278] {strides = array<i32>} : memref<4352xi32, #tpu.memory_space<vmem>>, vector<16xi32>,
          %and3A_280 = arith.constant 16383 : i32
          %and3A_281 = vector.broadcast %and3A_280 : i32 to vector<16xi32>
          %and3A_282 = arith.andi %get3A_279, %and3A_281 : vector<16xi32>
          %mul3A_283 = arith.constant 64 : i32
          %mul3A_284 = arith.muli %rem3A_228, %mul3A_283 : i32
          %add3A_285 = arith.constant 48 : i32
          %add3A_286 = arith.addi %mul3A_284, %add3A_285 : i32
          %swap3A_287 = arith.index_cast %add3A_286 : i32 to index
          %swap3A_288 = tpu.vector_load %arg9[%swap3A_287] {strides = array<i32>} : memref<128xi32, #tpu.memory_space<vmem>>, vector<16xi32>,
          tpu.vector_store %arg9[%swap3A_287], %and3A_282 {strides = array<i32>} : memref<128xi32, #tpu.memory_space<vmem>>, vector<16xi32>,
          %mul3A_289 = arith.constant 64 : i32
          %mul3A_290 = arith.muli %rem3A_228, %mul3A_289 : i32
          %mul3A_291 = arith.constant 64 : i32
          %mul3A_292 = arith.muli %rem3A_228, %mul3A_291 : i32
          %dma_start3A_293 = arith.constant 0 : i32
          %dma_start3A_294 = tpu.memref_slice %arg6[%mul3A_292, %dma_start3A_293] : memref<128x256xf32, #tpu.memory_space<vmem>> -> memref<64x256xf32, #tpu.memory_space<vmem>>
          %dma_start3A_295 = tpu.memref_slice %arg9[%mul3A_290] : memref<128xi32, #tpu.memory_space<vmem>> -> memref<64xi32, #tpu.memory_space<vmem>>
          %dma_start3A_296 = arith.constant 0 : i32
          %dma_start3A_297 = arith.constant 0 : i32
          %dma_start3A_298 = tpu.memref_slice %arg3[%dma_start3A_296, %dma_start3A_297] : memref<10000x256xf32, #tpu.memory_space<hbm>> -> memref<10000x256xf32, #tpu.memory_space<hbm>>
          tpu.enqueue_indirect_dma source(%dma_start3A_298 : memref<10000x256xf32, #tpu.memory_space<hbm>>) target(%dma_start3A_294 : memref<64x256xf32, #tpu.memory_space<vmem>>) offsets(%dma_start3A_295 : memref<64xi32, #tpu.memory_space<vmem>>) semaphore(%arg10 : memref<!tpu.dma_semaphore, #tpu.memory_space<semaphore_mem>>)
        } else {
        }
        %mul3A_213 = arith.constant 64 : i32
        %mul3A_214 = arith.muli %rem3A_196, %mul3A_213 : i32
        %scan3A_215 = arith.constant 0 : i32
        %scan3A_216 = arith.constant 0 : i32
        %scan3A_217 = arith.constant 64 : i32
        %scan3A_218 = arith.addi %scan3A_216, %scan3A_217 : i32
        %scan3A_219 = arith.constant 1 : i32
        %scan3A_220 = scf.for %scan3A_223 = %scan3A_216 to %scan3A_218 step %scan3A_219 iter_args(%scan3A_224 = %scan3A_215) -> (i32)  : i32 {
          %mul3A_225 = arith.constant 64 : i32
          %mul3A_226 = arith.muli %while3A_193, %mul3A_225 : i32
          %add3A_227 = arith.addi %mul3A_226, %scan3A_223 : i32
          %get3A_228 = arith.index_cast %add3A_227 : i32 to index
          %get3A_229 = tpu.vector_load %arg8[%get3A_228] {strides = array<i32>} : memref<4352xi32, #tpu.memory_space<vmem>>, vector<16xi32>,
          %slice3A = vector.extract_strided_slice %get3A_229 {offsets = [0], sizes = [1], strides = [1]} : vector<16xi32> to vector<1xi32>
          %squeeze3A = vector.extract %slice3A[0] : i32 from vector<1xi32>
          %shift_right_arithmetic3A = arith.constant 14 : i32
          %shift_right_arithmetic3A_230 = arith.shrsi %squeeze3A, %shift_right_arithmetic3A : i32
          %sub3A_231 = arith.subi %shift_right_arithmetic3A_230, %mul3A_2 : i32
          %add3A_232 = arith.addi %mul3A_214, %scan3A_223 : i32
          %get3A_233 = arith.index_cast %add3A_232 : i32 to index
          %get3A_234 = arith.constant 0 : index
          %get3A_235 = tpu.vector_load %arg6[%get3A_233, %get3A_234] {strides = array<i32>} : memref<128x256xf32, #tpu.memory_space<vmem>>, vector<16xf32>,
          %add3A_236 = arith.addi %mul3A_214, %scan3A_223 : i32
          %get3A_237 = arith.index_cast %add3A_236 : i32 to index
          %get3A_238 = arith.constant 16 : index
          %get3A_239 = tpu.vector_load %arg6[%get3A_237, %get3A_238] {strides = array<i32>} : memref<128x256xf32, #tpu.memory_space<vmem>>, vector<16xf32>,
          %add3A_240 = arith.addi %mul3A_214, %scan3A_223 : i32
          %get3A_241 = arith.index_cast %add3A_240 : i32 to index
          %get3A_242 = arith.constant 32 : index
          %get3A_243 = tpu.vector_load %arg6[%get3A_241, %get3A_242] {strides = array<i32>} : memref<128x256xf32, #tpu.memory_space<vmem>>, vector<16xf32>,
          %add3A_244 = arith.addi %mul3A_214, %scan3A_223 : i32
          %get3A_245 = arith.index_cast %add3A_244 : i32 to index
          %get3A_246 = arith.constant 48 : index
          %get3A_247 = tpu.vector_load %arg6[%get3A_245, %get3A_246] {strides = array<i32>} : memref<128x256xf32, #tpu.memory_space<vmem>>, vector<16xf32>,
          %add3A_248 = arith.addi %mul3A_214, %scan3A_223 : i32
          %get3A_249 = arith.index_cast %add3A_248 : i32 to index
          %get3A_250 = arith.constant 64 : index
          %get3A_251 = tpu.vector_load %arg6[%get3A_249, %get3A_250] {strides = array<i32>} : memref<128x256xf32, #tpu.memory_space<vmem>>, vector<16xf32>,
          %add3A_252 = arith.addi %mul3A_214, %scan3A_223 : i32
          %get3A_253 = arith.index_cast %add3A_252 : i32 to index
          %get3A_254 = arith.constant 80 : index
          %get3A_255 = tpu.vector_load %arg6[%get3A_253, %get3A_254] {strides = array<i32>} : memref<128x256xf32, #tpu.memory_space<vmem>>, vector<16xf32>,
          %add3A_256 = arith.addi %mul3A_214, %scan3A_223 : i32
          %get3A_257 = arith.index_cast %add3A_256 : i32 to index
          %get3A_258 = arith.constant 96 : index
          %get3A_259 = tpu.vector_load %arg6[%get3A_257, %get3A_258] {strides = array<i32>} : memref<128x256xf32, #tpu.memory_space<vmem>>, vector<16xf32>,
          %add3A_260 = arith.addi %mul3A_214, %scan3A_223 : i32
          %get3A_261 = arith.index_cast %add3A_260 : i32 to index
          %get3A_262 = arith.constant 112 : index
          %get3A_263 = tpu.vector_load %arg6[%get3A_261, %get3A_262] {strides = array<i32>} : memref<128x256xf32, #tpu.memory_space<vmem>>, vector<16xf32>,
          %add3A_264 = arith.addi %mul3A_214, %scan3A_223 : i32
          %get3A_265 = arith.index_cast %add3A_264 : i32 to index
          %get3A_266 = arith.constant 128 : index
          %get3A_267 = tpu.vector_load %arg6[%get3A_265, %get3A_266] {strides = array<i32>} : memref<128x256xf32, #tpu.memory_space<vmem>>, vector<16xf32>,
          %add3A_268 = arith.addi %mul3A_214, %scan3A_223 : i32
          %get3A_269 = arith.index_cast %add3A_268 : i32 to index
          %get3A_270 = arith.constant 144 : index
          %get3A_271 = tpu.vector_load %arg6[%get3A_269, %get3A_270] {strides = array<i32>} : memref<128x256xf32, #tpu.memory_space<vmem>>, vector<16xf32>,
          %add3A_272 = arith.addi %mul3A_214, %scan3A_223 : i32
          %get3A_273 = arith.index_cast %add3A_272 : i32 to index
          %get3A_274 = arith.constant 160 : index
          %get3A_275 = tpu.vector_load %arg6[%get3A_273, %get3A_274] {strides = array<i32>} : memref<128x256xf32, #tpu.memory_space<vmem>>, vector<16xf32>,
          %add3A_276 = arith.addi %mul3A_214, %scan3A_223 : i32
          %get3A_277 = arith.index_cast %add3A_276 : i32 to index
          %get3A_278 = arith.constant 176 : index
          %get3A_279 = tpu.vector_load %arg6[%get3A_277, %get3A_278] {strides = array<i32>} : memref<128x256xf32, #tpu.memory_space<vmem>>, vector<16xf32>,
          %add3A_280 = arith.addi %mul3A_214, %scan3A_223 : i32
          %get3A_281 = arith.index_cast %add3A_280 : i32 to index
          %get3A_282 = arith.constant 192 : index
          %get3A_283 = tpu.vector_load %arg6[%get3A_281, %get3A_282] {strides = array<i32>} : memref<128x256xf32, #tpu.memory_space<vmem>>, vector<16xf32>,
          %add3A_284 = arith.addi %mul3A_214, %scan3A_223 : i32
          %get3A_285 = arith.index_cast %add3A_284 : i32 to index
          %get3A_286 = arith.constant 208 : index
          %get3A_287 = tpu.vector_load %arg6[%get3A_285, %get3A_286] {strides = array<i32>} : memref<128x256xf32, #tpu.memory_space<vmem>>, vector<16xf32>,
          %add3A_288 = arith.addi %mul3A_214, %scan3A_223 : i32
          %get3A_289 = arith.index_cast %add3A_288 : i32 to index
          %get3A_290 = arith.constant 224 : index
          %get3A_291 = tpu.vector_load %arg6[%get3A_289, %get3A_290] {strides = array<i32>} : memref<128x256xf32, #tpu.memory_space<vmem>>, vector<16xf32>,
          %add3A_292 = arith.addi %mul3A_214, %scan3A_223 : i32
          %get3A_293 = arith.index_cast %add3A_292 : i32 to index
          %get3A_294 = arith.constant 240 : index
          %get3A_295 = tpu.vector_load %arg6[%get3A_293, %get3A_294] {strides = array<i32>} : memref<128x256xf32, #tpu.memory_space<vmem>>, vector<16xf32>,
          %swap3A_296 = arith.index_cast %sub3A_231 : i32 to index
          %swap3A_297 = arith.constant 0 : index
          %swap3A_298 = tpu.vector_load %arg5[%swap3A_296, %swap3A_297] {strides = array<i32>} : memref<321x256xf32, #tpu.memory_space<vmem>>, vector<16xf32>,
          tpu.vector_store %arg5[%swap3A_296, %swap3A_297], %get3A_235 {add = true, strides = array<i32>} : memref<321x256xf32, #tpu.memory_space<vmem>>, vector<16xf32>,
          %swap3A_299 = arith.index_cast %sub3A_231 : i32 to index
          %swap3A_300 = arith.constant 16 : index
          %swap3A_301 = tpu.vector_load %arg5[%swap3A_299, %swap3A_300] {strides = array<i32>} : memref<321x256xf32, #tpu.memory_space<vmem>>, vector<16xf32>,
          tpu.vector_store %arg5[%swap3A_299, %swap3A_300], %get3A_239 {add = true, strides = array<i32>} : memref<321x256xf32, #tpu.memory_space<vmem>>, vector<16xf32>,
          %swap3A_302 = arith.index_cast %sub3A_231 : i32 to index
          %swap3A_303 = arith.constant 32 : index
          %swap3A_304 = tpu.vector_load %arg5[%swap3A_302, %swap3A_303] {strides = array<i32>} : memref<321x256xf32, #tpu.memory_space<vmem>>, vector<16xf32>,
          tpu.vector_store %arg5[%swap3A_302, %swap3A_303], %get3A_243 {add = true, strides = array<i32>} : memref<321x256xf32, #tpu.memory_space<vmem>>, vector<16xf32>,
          %swap3A_305 = arith.index_cast %sub3A_231 : i32 to index
          %swap3A_306 = arith.constant 48 : index
          %swap3A_307 = tpu.vector_load %arg5[%swap3A_305, %swap3A_306] {strides = array<i32>} : memref<321x256xf32, #tpu.memory_space<vmem>>, vector<16xf32>,
          tpu.vector_store %arg5[%swap3A_305, %swap3A_306], %get3A_247 {add = true, strides = array<i32>} : memref<321x256xf32, #tpu.memory_space<vmem>>, vector<16xf32>,
          %swap3A_308 = arith.index_cast %sub3A_231 : i32 to index
          %swap3A_309 = arith.constant 64 : index
          %swap3A_310 = tpu.vector_load %arg5[%swap3A_308, %swap3A_309] {strides = array<i32>} : memref<321x256xf32, #tpu.memory_space<vmem>>, vector<16xf32>,
          tpu.vector_store %arg5[%swap3A_308, %swap3A_309], %get3A_251 {add = true, strides = array<i32>} : memref<321x256xf32, #tpu.memory_space<vmem>>, vector<16xf32>,
          %swap3A_311 = arith.index_cast %sub3A_231 : i32 to index
          %swap3A_312 = arith.constant 80 : index
          %swap3A_313 = tpu.vector_load %arg5[%swap3A_311, %swap3A_312] {strides = array<i32>} : memref<321x256xf32, #tpu.memory_space<vmem>>, vector<16xf32>,
          tpu.vector_store %arg5[%swap3A_311, %swap3A_312], %get3A_255 {add = true, strides = array<i32>} : memref<321x256xf32, #tpu.memory_space<vmem>>, vector<16xf32>,
          %swap3A_314 = arith.index_cast %sub3A_231 : i32 to index
          %swap3A_315 = arith.constant 96 : index
          %swap3A_316 = tpu.vector_load %arg5[%swap3A_314, %swap3A_315] {strides = array<i32>} : memref<321x256xf32, #tpu.memory_space<vmem>>, vector<16xf32>,
          tpu.vector_store %arg5[%swap3A_314, %swap3A_315], %get3A_259 {add = true, strides = array<i32>} : memref<321x256xf32, #tpu.memory_space<vmem>>, vector<16xf32>,
          %swap3A_317 = arith.index_cast %sub3A_231 : i32 to index
          %swap3A_318 = arith.constant 112 : index
          %swap3A_319 = tpu.vector_load %arg5[%swap3A_317, %swap3A_318] {strides = array<i32>} : memref<321x256xf32, #tpu.memory_space<vmem>>, vector<16xf32>,
          tpu.vector_store %arg5[%swap3A_317, %swap3A_318], %get3A_263 {add = true, strides = array<i32>} : memref<321x256xf32, #tpu.memory_space<vmem>>, vector<16xf32>,
          %swap3A_320 = arith.index_cast %sub3A_231 : i32 to index
          %swap3A_321 = arith.constant 128 : index
          %swap3A_322 = tpu.vector_load %arg5[%swap3A_320, %swap3A_321] {strides = array<i32>} : memref<321x256xf32, #tpu.memory_space<vmem>>, vector<16xf32>,
          tpu.vector_store %arg5[%swap3A_320, %swap3A_321], %get3A_267 {add = true, strides = array<i32>} : memref<321x256xf32, #tpu.memory_space<vmem>>, vector<16xf32>,
          %swap3A_323 = arith.index_cast %sub3A_231 : i32 to index
          %swap3A_324 = arith.constant 144 : index
          %swap3A_325 = tpu.vector_load %arg5[%swap3A_323, %swap3A_324] {strides = array<i32>} : memref<321x256xf32, #tpu.memory_space<vmem>>, vector<16xf32>,
          tpu.vector_store %arg5[%swap3A_323, %swap3A_324], %get3A_271 {add = true, strides = array<i32>} : memref<321x256xf32, #tpu.memory_space<vmem>>, vector<16xf32>,
          %swap3A_326 = arith.index_cast %sub3A_231 : i32 to index
          %swap3A_327 = arith.constant 160 : index
          %swap3A_328 = tpu.vector_load %arg5[%swap3A_326, %swap3A_327] {strides = array<i32>} : memref<321x256xf32, #tpu.memory_space<vmem>>, vector<16xf32>,
          tpu.vector_store %arg5[%swap3A_326, %swap3A_327], %get3A_275 {add = true, strides = array<i32>} : memref<321x256xf32, #tpu.memory_space<vmem>>, vector<16xf32>,
          %swap3A_329 = arith.index_cast %sub3A_231 : i32 to index
          %swap3A_330 = arith.constant 176 : index
          %swap3A_331 = tpu.vector_load %arg5[%swap3A_329, %swap3A_330] {strides = array<i32>} : memref<321x256xf32, #tpu.memory_space<vmem>>, vector<16xf32>,
          tpu.vector_store %arg5[%swap3A_329, %swap3A_330], %get3A_279 {add = true, strides = array<i32>} : memref<321x256xf32, #tpu.memory_space<vmem>>, vector<16xf32>,
          %swap3A_332 = arith.index_cast %sub3A_231 : i32 to index
          %swap3A_333 = arith.constant 192 : index
          %swap3A_334 = tpu.vector_load %arg5[%swap3A_332, %swap3A_333] {strides = array<i32>} : memref<321x256xf32, #tpu.memory_space<vmem>>, vector<16xf32>,
          tpu.vector_store %arg5[%swap3A_332, %swap3A_333], %get3A_283 {add = true, strides = array<i32>} : memref<321x256xf32, #tpu.memory_space<vmem>>, vector<16xf32>,
          %swap3A_335 = arith.index_cast %sub3A_231 : i32 to index
          %swap3A_336 = arith.constant 208 : index
          %swap3A_337 = tpu.vector_load %arg5[%swap3A_335, %swap3A_336] {strides = array<i32>} : memref<321x256xf32, #tpu.memory_space<vmem>>, vector<16xf32>,
          tpu.vector_store %arg5[%swap3A_335, %swap3A_336], %get3A_287 {add = true, strides = array<i32>} : memref<321x256xf32, #tpu.memory_space<vmem>>, vector<16xf32>,
          %swap3A_338 = arith.index_cast %sub3A_231 : i32 to index
          %swap3A_339 = arith.constant 224 : index
          %swap3A_340 = tpu.vector_load %arg5[%swap3A_338, %swap3A_339] {strides = array<i32>} : memref<321x256xf32, #tpu.memory_space<vmem>>, vector<16xf32>,
          tpu.vector_store %arg5[%swap3A_338, %swap3A_339], %get3A_291 {add = true, strides = array<i32>} : memref<321x256xf32, #tpu.memory_space<vmem>>, vector<16xf32>,
          %swap3A_341 = arith.index_cast %sub3A_231 : i32 to index
          %swap3A_342 = arith.constant 240 : index
          %swap3A_343 = tpu.vector_load %arg5[%swap3A_341, %swap3A_342] {strides = array<i32>} : memref<321x256xf32, #tpu.memory_space<vmem>>, vector<16xf32>,
          tpu.vector_store %arg5[%swap3A_341, %swap3A_342], %get3A_295 {add = true, strides = array<i32>} : memref<321x256xf32, #tpu.memory_space<vmem>>, vector<16xf32>,
          %scan3A_344 = arith.constant 0 : i32
          scf.yield %scan3A_344 : i32
        }
        %scan3A_221 = arith.constant 64 : i32
        %while3A_222 = arith.constant 0 : i32
        scf.yield %while3A_222 : i32
      }
      %while3A_163 = arith.constant 1 : i32
      %while3A_164 = scf.for %while3A_193 = %while3A_160 to %while3A_156 step %while3A_163 iter_args(%while3A_194 = %while3A_162) -> (i32)  : i32 {
        %rem3A_195 = arith.constant 2 : i32
        %rem3A_196 = arith.remsi %while3A_193, %rem3A_195 : i32
        %mul3A_197 = arith.constant 64 : i32
        %mul3A_198 = arith.muli %rem3A_196, %mul3A_197 : i32
        %mul3A_199 = arith.constant 64 : i32
        %mul3A_200 = arith.muli %rem3A_196, %mul3A_199 : i32
        %dma_wait3A_201 = arith.constant 0 : i32
        %dma_wait3A_202 = tpu.memref_slice %arg6[%mul3A_200, %dma_wait3A_201] : memref<128x256xf32, #tpu.memory_space<vmem>> -> memref<64x256xf32, #tpu.memory_space<vmem>>
        %dma_wait3A_203 = tpu.memref_slice %arg9[%mul3A_198] : memref<128xi32, #tpu.memory_space<vmem>> -> memref<64xi32, #tpu.memory_space<vmem>>
        %dma_wait3A_204 = arith.constant 0 : i32
        %dma_wait3A_205 = arith.constant 0 : i32
        %dma_wait3A_206 = tpu.memref_slice %arg3[%dma_wait3A_204, %dma_wait3A_205] : memref<10000x256xf32, #tpu.memory_space<hbm>> -> memref<10000x256xf32, #tpu.memory_space<hbm>>
        tpu.wait_indirect_dma semaphore(%arg10 : memref<!tpu.dma_semaphore, #tpu.memory_space<semaphore_mem>>) src(%dma_wait3A_206 : memref<10000x256xf32, #tpu.memory_space<hbm>>) dst(%dma_wait3A_202 : memref<64x256xf32, #tpu.memory_space<vmem>>)
        %add3A_207 = arith.constant 1 : i32
        %add3A_208 = arith.addi %while3A_193, %add3A_207 : i32
        %lt3A_209 = arith.cmpi slt, %add3A_208, %select_n3A_147 : i32
        %convert_element_type3A_210 = arith.extui %lt3A_209 : i1 to i32
        %cond3A_211 = arith.constant 0 : i32
        %cond3A_212 = arith.cmpi ne, %convert_element_type3A_210, %cond3A_211 : i32
        scf.if %cond3A_212 {
          %add3A_223 = arith.constant 1 : i32
          %add3A_224 = arith.addi %while3A_193, %add3A_223 : i32
          %add3A_225 = arith.constant 1 : i32
          %add3A_226 = arith.addi %while3A_193, %add3A_225 : i32
          %rem3A_227 = arith.constant 2 : i32
          %rem3A_228 = arith.remsi %add3A_226, %rem3A_227 : i32
          %mul3A_229 = arith.constant 64 : i32
          %mul3A_230 = arith.muli %add3A_224, %mul3A_229 : i32
          %add3A_231 = arith.constant 0 : i32
          %add3A_232 = arith.addi %mul3A_230, %add3A_231 : i32
          %get3A_233 = arith.index_cast %add3A_232 : i32 to index
          %get3A_234 = tpu.vector_load %arg8[%get3A_233] {strides = array<i32>} : memref<4352xi32, #tpu.memory_space<vmem>>, vector<16xi32>,
          %and3A_235 = arith.constant 16383 : i32
          %and3A_236 = vector.broadcast %and3A_235 : i32 to vector<16xi32>
          %and3A_237 = arith.andi %get3A_234, %and3A_236 : vector<16xi32>
          %mul3A_238 = arith.constant 64 : i32
          %mul3A_239 = arith.muli %rem3A_228, %mul3A_238 : i32
          %add3A_240 = arith.constant 0 : i32
          %add3A_241 = arith.addi %mul3A_239, %add3A_240 : i32
          %swap3A_242 = arith.index_cast %add3A_241 : i32 to index
          %swap3A_243 = tpu.vector_load %arg9[%swap3A_242] {strides = array<i32>} : memref<128xi32, #tpu.memory_space<vmem>>, vector<16xi32>,
          tpu.vector_store %arg9[%swap3A_242], %and3A_237 {strides = array<i32>} : memref<128xi32, #tpu.memory_space<vmem>>, vector<16xi32>,
          %mul3A_244 = arith.constant 64 : i32
          %mul3A_245 = arith.muli %add3A_224, %mul3A_244 : i32
          %add3A_246 = arith.constant 16 : i32
          %add3A_247 = arith.addi %mul3A_245, %add3A_246 : i32
          %get3A_248 = arith.index_cast %add3A_247 : i32 to index
          %get3A_249 = tpu.vector_load %arg8[%get3A_248] {strides = array<i32>} : memref<4352xi32, #tpu.memory_space<vmem>>, vector<16xi32>,
          %and3A_250 = arith.constant 16383 : i32
          %and3A_251 = vector.broadcast %and3A_250 : i32 to vector<16xi32>
          %and3A_252 = arith.andi %get3A_249, %and3A_251 : vector<16xi32>
          %mul3A_253 = arith.constant 64 : i32
          %mul3A_254 = arith.muli %rem3A_228, %mul3A_253 : i32
          %add3A_255 = arith.constant 16 : i32
          %add3A_256 = arith.addi %mul3A_254, %add3A_255 : i32
          %swap3A_257 = arith.index_cast %add3A_256 : i32 to index
          %swap3A_258 = tpu.vector_load %arg9[%swap3A_257] {strides = array<i32>} : memref<128xi32, #tpu.memory_space<vmem>>, vector<16xi32>,
          tpu.vector_store %arg9[%swap3A_257], %and3A_252 {strides = array<i32>} : memref<128xi32, #tpu.memory_space<vmem>>, vector<16xi32>,
          %mul3A_259 = arith.constant 64 : i32
          %mul3A_260 = arith.muli %add3A_224, %mul3A_259 : i32
          %add3A_261 = arith.constant 32 : i32
          %add3A_262 = arith.addi %mul3A_260, %add3A_261 : i32
          %get3A_263 = arith.index_cast %add3A_262 : i32 to index
          %get3A_264 = tpu.vector_load %arg8[%get3A_263] {strides = array<i32>} : memref<4352xi32, #tpu.memory_space<vmem>>, vector<16xi32>,
          %and3A_265 = arith.constant 16383 : i32
          %and3A_266 = vector.broadcast %and3A_265 : i32 to vector<16xi32>
          %and3A_267 = arith.andi %get3A_264, %and3A_266 : vector<16xi32>
          %mul3A_268 = arith.constant 64 : i32
          %mul3A_269 = arith.muli %rem3A_228, %mul3A_268 : i32
          %add3A_270 = arith.constant 32 : i32
          %add3A_271 = arith.addi %mul3A_269, %add3A_270 : i32
          %swap3A_272 = arith.index_cast %add3A_271 : i32 to index
          %swap3A_273 = tpu.vector_load %arg9[%swap3A_272] {strides = array<i32>} : memref<128xi32, #tpu.memory_space<vmem>>, vector<16xi32>,
          tpu.vector_store %arg9[%swap3A_272], %and3A_267 {strides = array<i32>} : memref<128xi32, #tpu.memory_space<vmem>>, vector<16xi32>,
          %mul3A_274 = arith.constant 64 : i32
          %mul3A_275 = arith.muli %add3A_224, %mul3A_274 : i32
          %add3A_276 = arith.constant 48 : i32
          %add3A_277 = arith.addi %mul3A_275, %add3A_276 : i32
          %get3A_278 = arith.index_cast %add3A_277 : i32 to index
          %get3A_279 = tpu.vector_load %arg8[%get3A_278] {strides = array<i32>} : memref<4352xi32, #tpu.memory_space<vmem>>, vector<16xi32>,
          %and3A_280 = arith.constant 16383 : i32
          %and3A_281 = vector.broadcast %and3A_280 : i32 to vector<16xi32>
          %and3A_282 = arith.andi %get3A_279, %and3A_281 : vector<16xi32>
          %mul3A_283 = arith.constant 64 : i32
          %mul3A_284 = arith.muli %rem3A_228, %mul3A_283 : i32
          %add3A_285 = arith.constant 48 : i32
          %add3A_286 = arith.addi %mul3A_284, %add3A_285 : i32
          %swap3A_287 = arith.index_cast %add3A_286 : i32 to index
          %swap3A_288 = tpu.vector_load %arg9[%swap3A_287] {strides = array<i32>} : memref<128xi32, #tpu.memory_space<vmem>>, vector<16xi32>,
          tpu.vector_store %arg9[%swap3A_287], %and3A_282 {strides = array<i32>} : memref<128xi32, #tpu.memory_space<vmem>>, vector<16xi32>,
          %mul3A_289 = arith.constant 64 : i32
          %mul3A_290 = arith.muli %rem3A_228, %mul3A_289 : i32
          %mul3A_291 = arith.constant 64 : i32
          %mul3A_292 = arith.muli %rem3A_228, %mul3A_291 : i32
          %dma_start3A_293 = arith.constant 0 : i32
          %dma_start3A_294 = tpu.memref_slice %arg6[%mul3A_292, %dma_start3A_293] : memref<128x256xf32, #tpu.memory_space<vmem>> -> memref<64x256xf32, #tpu.memory_space<vmem>>
          %dma_start3A_295 = tpu.memref_slice %arg9[%mul3A_290] : memref<128xi32, #tpu.memory_space<vmem>> -> memref<64xi32, #tpu.memory_space<vmem>>
          %dma_start3A_296 = arith.constant 0 : i32
          %dma_start3A_297 = arith.constant 0 : i32
          %dma_start3A_298 = tpu.memref_slice %arg3[%dma_start3A_296, %dma_start3A_297] : memref<10000x256xf32, #tpu.memory_space<hbm>> -> memref<10000x256xf32, #tpu.memory_space<hbm>>
          tpu.enqueue_indirect_dma source(%dma_start3A_298 : memref<10000x256xf32, #tpu.memory_space<hbm>>) target(%dma_start3A_294 : memref<64x256xf32, #tpu.memory_space<vmem>>) offsets(%dma_start3A_295 : memref<64xi32, #tpu.memory_space<vmem>>) semaphore(%arg10 : memref<!tpu.dma_semaphore, #tpu.memory_space<semaphore_mem>>)
        } else {
        }
        %mul3A_213 = arith.constant 64 : i32
        %mul3A_214 = arith.muli %rem3A_196, %mul3A_213 : i32
        %scan3A_215 = arith.constant 0 : i32
        %scan3A_216 = arith.constant 0 : i32
        %scan3A_217 = arith.constant 64 : i32
        %scan3A_218 = arith.addi %scan3A_216, %scan3A_217 : i32
        %scan3A_219 = arith.constant 1 : i32
        %scan3A_220 = scf.for %scan3A_223 = %scan3A_216 to %scan3A_218 step %scan3A_219 iter_args(%scan3A_224 = %scan3A_215) -> (i32)  : i32 {
          %mul3A_225 = arith.constant 64 : i32
          %mul3A_226 = arith.muli %while3A_193, %mul3A_225 : i32
          %add3A_227 = arith.addi %mul3A_226, %scan3A_223 : i32
          %get3A_228 = arith.index_cast %add3A_227 : i32 to index
          %get3A_229 = tpu.vector_load %arg8[%get3A_228] {strides = array<i32>} : memref<4352xi32, #tpu.memory_space<vmem>>, vector<16xi32>,
          %slice3A = vector.extract_strided_slice %get3A_229 {offsets = [0], sizes = [1], strides = [1]} : vector<16xi32> to vector<1xi32>
          %squeeze3A = vector.extract %slice3A[0] : i32 from vector<1xi32>
          %shift_right_arithmetic3A = arith.constant 14 : i32
          %shift_right_arithmetic3A_230 = arith.shrsi %squeeze3A, %shift_right_arithmetic3A : i32
          %sub3A_231 = arith.subi %shift_right_arithmetic3A_230, %mul3A_2 : i32
          %add3A_232 = arith.addi %mul3A_214, %scan3A_223 : i32
          %get3A_233 = arith.index_cast %add3A_232 : i32 to index
          %get3A_234 = arith.constant 0 : index
          %get3A_235 = tpu.vector_load %arg6[%get3A_233, %get3A_234] {strides = array<i32>} : memref<128x256xf32, #tpu.memory_space<vmem>>, vector<16xf32>,
          %add3A_236 = arith.addi %mul3A_214, %scan3A_223 : i32
          %get3A_237 = arith.index_cast %add3A_236 : i32 to index
          %get3A_238 = arith.constant 16 : index
          %get3A_239 = tpu.vector_load %arg6[%get3A_237, %get3A_238] {strides = array<i32>} : memref<128x256xf32, #tpu.memory_space<vmem>>, vector<16xf32>,
          %add3A_240 = arith.addi %mul3A_214, %scan3A_223 : i32
          %get3A_241 = arith.index_cast %add3A_240 : i32 to index
          %get3A_242 = arith.constant 32 : index
          %get3A_243 = tpu.vector_load %arg6[%get3A_241, %get3A_242] {strides = array<i32>} : memref<128x256xf32, #tpu.memory_space<vmem>>, vector<16xf32>,
          %add3A_244 = arith.addi %mul3A_214, %scan3A_223 : i32
          %get3A_245 = arith.index_cast %add3A_244 : i32 to index
          %get3A_246 = arith.constant 48 : index
          %get3A_247 = tpu.vector_load %arg6[%get3A_245, %get3A_246] {strides = array<i32>} : memref<128x256xf32, #tpu.memory_space<vmem>>, vector<16xf32>,
          %add3A_248 = arith.addi %mul3A_214, %scan3A_223 : i32
          %get3A_249 = arith.index_cast %add3A_248 : i32 to index
          %get3A_250 = arith.constant 64 : index
          %get3A_251 = tpu.vector_load %arg6[%get3A_249, %get3A_250] {strides = array<i32>} : memref<128x256xf32, #tpu.memory_space<vmem>>, vector<16xf32>,
          %add3A_252 = arith.addi %mul3A_214, %scan3A_223 : i32
          %get3A_253 = arith.index_cast %add3A_252 : i32 to index
          %get3A_254 = arith.constant 80 : index
          %get3A_255 = tpu.vector_load %arg6[%get3A_253, %get3A_254] {strides = array<i32>} : memref<128x256xf32, #tpu.memory_space<vmem>>, vector<16xf32>,
          %add3A_256 = arith.addi %mul3A_214, %scan3A_223 : i32
          %get3A_257 = arith.index_cast %add3A_256 : i32 to index
          %get3A_258 = arith.constant 96 : index
          %get3A_259 = tpu.vector_load %arg6[%get3A_257, %get3A_258] {strides = array<i32>} : memref<128x256xf32, #tpu.memory_space<vmem>>, vector<16xf32>,
          %add3A_260 = arith.addi %mul3A_214, %scan3A_223 : i32
          %get3A_261 = arith.index_cast %add3A_260 : i32 to index
          %get3A_262 = arith.constant 112 : index
          %get3A_263 = tpu.vector_load %arg6[%get3A_261, %get3A_262] {strides = array<i32>} : memref<128x256xf32, #tpu.memory_space<vmem>>, vector<16xf32>,
          %add3A_264 = arith.addi %mul3A_214, %scan3A_223 : i32
          %get3A_265 = arith.index_cast %add3A_264 : i32 to index
          %get3A_266 = arith.constant 128 : index
          %get3A_267 = tpu.vector_load %arg6[%get3A_265, %get3A_266] {strides = array<i32>} : memref<128x256xf32, #tpu.memory_space<vmem>>, vector<16xf32>,
          %add3A_268 = arith.addi %mul3A_214, %scan3A_223 : i32
          %get3A_269 = arith.index_cast %add3A_268 : i32 to index
          %get3A_270 = arith.constant 144 : index
          %get3A_271 = tpu.vector_load %arg6[%get3A_269, %get3A_270] {strides = array<i32>} : memref<128x256xf32, #tpu.memory_space<vmem>>, vector<16xf32>,
          %add3A_272 = arith.addi %mul3A_214, %scan3A_223 : i32
          %get3A_273 = arith.index_cast %add3A_272 : i32 to index
          %get3A_274 = arith.constant 160 : index
          %get3A_275 = tpu.vector_load %arg6[%get3A_273, %get3A_274] {strides = array<i32>} : memref<128x256xf32, #tpu.memory_space<vmem>>, vector<16xf32>,
          %add3A_276 = arith.addi %mul3A_214, %scan3A_223 : i32
          %get3A_277 = arith.index_cast %add3A_276 : i32 to index
          %get3A_278 = arith.constant 176 : index
          %get3A_279 = tpu.vector_load %arg6[%get3A_277, %get3A_278] {strides = array<i32>} : memref<128x256xf32, #tpu.memory_space<vmem>>, vector<16xf32>,
          %add3A_280 = arith.addi %mul3A_214, %scan3A_223 : i32
          %get3A_281 = arith.index_cast %add3A_280 : i32 to index
          %get3A_282 = arith.constant 192 : index
          %get3A_283 = tpu.vector_load %arg6[%get3A_281, %get3A_282] {strides = array<i32>} : memref<128x256xf32, #tpu.memory_space<vmem>>, vector<16xf32>,
          %add3A_284 = arith.addi %mul3A_214, %scan3A_223 : i32
          %get3A_285 = arith.index_cast %add3A_284 : i32 to index
          %get3A_286 = arith.constant 208 : index
          %get3A_287 = tpu.vector_load %arg6[%get3A_285, %get3A_286] {strides = array<i32>} : memref<128x256xf32, #tpu.memory_space<vmem>>, vector<16xf32>,
          %add3A_288 = arith.addi %mul3A_214, %scan3A_223 : i32
          %get3A_289 = arith.index_cast %add3A_288 : i32 to index
          %get3A_290 = arith.constant 224 : index
          %get3A_291 = tpu.vector_load %arg6[%get3A_289, %get3A_290] {strides = array<i32>} : memref<128x256xf32, #tpu.memory_space<vmem>>, vector<16xf32>,
          %add3A_292 = arith.addi %mul3A_214, %scan3A_223 : i32
          %get3A_293 = arith.index_cast %add3A_292 : i32 to index
          %get3A_294 = arith.constant 240 : index
          %get3A_295 = tpu.vector_load %arg6[%get3A_293, %get3A_294] {strides = array<i32>} : memref<128x256xf32, #tpu.memory_space<vmem>>, vector<16xf32>,
          %swap3A_296 = arith.index_cast %sub3A_231 : i32 to index
          %swap3A_297 = arith.constant 0 : index
          %swap3A_298 = tpu.vector_load %arg5[%swap3A_296, %swap3A_297] {strides = array<i32>} : memref<321x256xf32, #tpu.memory_space<vmem>>, vector<16xf32>,
          tpu.vector_store %arg5[%swap3A_296, %swap3A_297], %get3A_235 {add = true, strides = array<i32>} : memref<321x256xf32, #tpu.memory_space<vmem>>, vector<16xf32>,
          %swap3A_299 = arith.index_cast %sub3A_231 : i32 to index
          %swap3A_300 = arith.constant 16 : index
          %swap3A_301 = tpu.vector_load %arg5[%swap3A_299, %swap3A_300] {strides = array<i32>} : memref<321x256xf32, #tpu.memory_space<vmem>>, vector<16xf32>,
          tpu.vector_store %arg5[%swap3A_299, %swap3A_300], %get3A_239 {add = true, strides = array<i32>} : memref<321x256xf32, #tpu.memory_space<vmem>>, vector<16xf32>,
          %swap3A_302 = arith.index_cast %sub3A_231 : i32 to index
          %swap3A_303 = arith.constant 32 : index
          %swap3A_304 = tpu.vector_load %arg5[%swap3A_302, %swap3A_303] {strides = array<i32>} : memref<321x256xf32, #tpu.memory_space<vmem>>, vector<16xf32>,
          tpu.vector_store %arg5[%swap3A_302, %swap3A_303], %get3A_243 {add = true, strides = array<i32>} : memref<321x256xf32, #tpu.memory_space<vmem>>, vector<16xf32>,
          %swap3A_305 = arith.index_cast %sub3A_231 : i32 to index
          %swap3A_306 = arith.constant 48 : index
          %swap3A_307 = tpu.vector_load %arg5[%swap3A_305, %swap3A_306] {strides = array<i32>} : memref<321x256xf32, #tpu.memory_space<vmem>>, vector<16xf32>,
          tpu.vector_store %arg5[%swap3A_305, %swap3A_306], %get3A_247 {add = true, strides = array<i32>} : memref<321x256xf32, #tpu.memory_space<vmem>>, vector<16xf32>,
          %swap3A_308 = arith.index_cast %sub3A_231 : i32 to index
          %swap3A_309 = arith.constant 64 : index
          %swap3A_310 = tpu.vector_load %arg5[%swap3A_308, %swap3A_309] {strides = array<i32>} : memref<321x256xf32, #tpu.memory_space<vmem>>, vector<16xf32>,
          tpu.vector_store %arg5[%swap3A_308, %swap3A_309], %get3A_251 {add = true, strides = array<i32>} : memref<321x256xf32, #tpu.memory_space<vmem>>, vector<16xf32>,
          %swap3A_311 = arith.index_cast %sub3A_231 : i32 to index
          %swap3A_312 = arith.constant 80 : index
          %swap3A_313 = tpu.vector_load %arg5[%swap3A_311, %swap3A_312] {strides = array<i32>} : memref<321x256xf32, #tpu.memory_space<vmem>>, vector<16xf32>,
          tpu.vector_store %arg5[%swap3A_311, %swap3A_312], %get3A_255 {add = true, strides = array<i32>} : memref<321x256xf32, #tpu.memory_space<vmem>>, vector<16xf32>,
          %swap3A_314 = arith.index_cast %sub3A_231 : i32 to index
          %swap3A_315 = arith.constant 96 : index
          %swap3A_316 = tpu.vector_load %arg5[%swap3A_314, %swap3A_315] {strides = array<i32>} : memref<321x256xf32, #tpu.memory_space<vmem>>, vector<16xf32>,
          tpu.vector_store %arg5[%swap3A_314, %swap3A_315], %get3A_259 {add = true, strides = array<i32>} : memref<321x256xf32, #tpu.memory_space<vmem>>, vector<16xf32>,
          %swap3A_317 = arith.index_cast %sub3A_231 : i32 to index
          %swap3A_318 = arith.constant 112 : index
          %swap3A_319 = tpu.vector_load %arg5[%swap3A_317, %swap3A_318] {strides = array<i32>} : memref<321x256xf32, #tpu.memory_space<vmem>>, vector<16xf32>,
          tpu.vector_store %arg5[%swap3A_317, %swap3A_318], %get3A_263 {add = true, strides = array<i32>} : memref<321x256xf32, #tpu.memory_space<vmem>>, vector<16xf32>,
          %swap3A_320 = arith.index_cast %sub3A_231 : i32 to index
          %swap3A_321 = arith.constant 128 : index
          %swap3A_322 = tpu.vector_load %arg5[%swap3A_320, %swap3A_321] {strides = array<i32>} : memref<321x256xf32, #tpu.memory_space<vmem>>, vector<16xf32>,
          tpu.vector_store %arg5[%swap3A_320, %swap3A_321], %get3A_267 {add = true, strides = array<i32>} : memref<321x256xf32, #tpu.memory_space<vmem>>, vector<16xf32>,
          %swap3A_323 = arith.index_cast %sub3A_231 : i32 to index
          %swap3A_324 = arith.constant 144 : index
          %swap3A_325 = tpu.vector_load %arg5[%swap3A_323, %swap3A_324] {strides = array<i32>} : memref<321x256xf32, #tpu.memory_space<vmem>>, vector<16xf32>,
          tpu.vector_store %arg5[%swap3A_323, %swap3A_324], %get3A_271 {add = true, strides = array<i32>} : memref<321x256xf32, #tpu.memory_space<vmem>>, vector<16xf32>,
          %swap3A_326 = arith.index_cast %sub3A_231 : i32 to index
          %swap3A_327 = arith.constant 160 : index
          %swap3A_328 = tpu.vector_load %arg5[%swap3A_326, %swap3A_327] {strides = array<i32>} : memref<321x256xf32, #tpu.memory_space<vmem>>, vector<16xf32>,
          tpu.vector_store %arg5[%swap3A_326, %swap3A_327], %get3A_275 {add = true, strides = array<i32>} : memref<321x256xf32, #tpu.memory_space<vmem>>, vector<16xf32>,
          %swap3A_329 = arith.index_cast %sub3A_231 : i32 to index
          %swap3A_330 = arith.constant 176 : index
          %swap3A_331 = tpu.vector_load %arg5[%swap3A_329, %swap3A_330] {strides = array<i32>} : memref<321x256xf32, #tpu.memory_space<vmem>>, vector<16xf32>,
          tpu.vector_store %arg5[%swap3A_329, %swap3A_330], %get3A_279 {add = true, strides = array<i32>} : memref<321x256xf32, #tpu.memory_space<vmem>>, vector<16xf32>,
          %swap3A_332 = arith.index_cast %sub3A_231 : i32 to index
          %swap3A_333 = arith.constant 192 : index
          %swap3A_334 = tpu.vector_load %arg5[%swap3A_332, %swap3A_333] {strides = array<i32>} : memref<321x256xf32, #tpu.memory_space<vmem>>, vector<16xf32>,
          tpu.vector_store %arg5[%swap3A_332, %swap3A_333], %get3A_283 {add = true, strides = array<i32>} : memref<321x256xf32, #tpu.memory_space<vmem>>, vector<16xf32>,
          %swap3A_335 = arith.index_cast %sub3A_231 : i32 to index
          %swap3A_336 = arith.constant 208 : index
          %swap3A_337 = tpu.vector_load %arg5[%swap3A_335, %swap3A_336] {strides = array<i32>} : memref<321x256xf32, #tpu.memory_space<vmem>>, vector<16xf32>,
          tpu.vector_store %arg5[%swap3A_335, %swap3A_336], %get3A_287 {add = true, strides = array<i32>} : memref<321x256xf32, #tpu.memory_space<vmem>>, vector<16xf32>,
          %swap3A_338 = arith.index_cast %sub3A_231 : i32 to index
          %swap3A_339 = arith.constant 224 : index
          %swap3A_340 = tpu.vector_load %arg5[%swap3A_338, %swap3A_339] {strides = array<i32>} : memref<321x256xf32, #tpu.memory_space<vmem>>, vector<16xf32>,
          tpu.vector_store %arg5[%swap3A_338, %swap3A_339], %get3A_291 {add = true, strides = array<i32>} : memref<321x256xf32, #tpu.memory_space<vmem>>, vector<16xf32>,
          %swap3A_341 = arith.index_cast %sub3A_231 : i32 to index
          %swap3A_342 = arith.constant 240 : index
          %swap3A_343 = tpu.vector_load %arg5[%swap3A_341, %swap3A_342] {strides = array<i32>} : memref<321x256xf32, #tpu.memory_space<vmem>>, vector<16xf32>,
          tpu.vector_store %arg5[%swap3A_341, %swap3A_342], %get3A_295 {add = true, strides = array<i32>} : memref<321x256xf32, #tpu.memory_space<vmem>>, vector<16xf32>,
          %scan3A_344 = arith.constant 0 : i32
          scf.yield %scan3A_344 : i32
        }
        %scan3A_221 = arith.constant 64 : i32
        %while3A_222 = arith.constant 0 : i32
        scf.yield %while3A_222 : i32
      }
      %mul3A_165 = arith.constant 64 : i32
      %mul3A_166 = arith.muli %select_n3A_147, %mul3A_165 : i32
      %sub3A_167 = arith.subi %scan3A_122, %mul3A_166 : i32
      %mul3A_168 = arith.constant 64 : i32
      %mul3A_169 = arith.muli %select_n3A_147, %mul3A_168 : i32
      %add3A_170 = arith.constant 0 : i32
      %add3A_171 = arith.addi %mul3A_169, %add3A_170 : i32
      %get3A = arith.index_cast %add3A_171 : i32 to index
      %get3A_172 = tpu.vector_load %arg8[%get3A] {strides = array<i32>} : memref<4352xi32, #tpu.memory_space<vmem>>, vector<16xi32>,
      %swap3A_173 = arith.constant 0 : index
      %swap3A_174 = tpu.vector_load %arg8[%swap3A_173] masked %broadcast_in_dim3A_5 {strides = array<i32>} : memref<4352xi32, #tpu.memory_space<vmem>>, vector<16xi32>, vector<16xi1>
      tpu.vector_store %arg8[%swap3A_173], %get3A_172 masked %broadcast_in_dim3A_5 {strides = array<i32>} : memref<4352xi32, #tpu.memory_space<vmem>>, vector<16xi32>, vector<16xi1>
      %add3A_175 = arith.constant 16 : i32
      %add3A_176 = arith.addi %mul3A_169, %add3A_175 : i32
      %get3A_177 = arith.index_cast %add3A_176 : i32 to index
      %get3A_178 = tpu.vector_load %arg8[%get3A_177] {strides = array<i32>} : memref<4352xi32, #tpu.memory_space<vmem>>, vector<16xi32>,
      %swap3A_179 = arith.constant 16 : index
      %swap3A_180 = tpu.vector_load %arg8[%swap3A_179] masked %broadcast_in_dim3A_5 {strides = array<i32>} : memref<4352xi32, #tpu.memory_space<vmem>>, vector<16xi32>, vector<16xi1>
      tpu.vector_store %arg8[%swap3A_179], %get3A_178 masked %broadcast_in_dim3A_5 {strides = array<i32>} : memref<4352xi32, #tpu.memory_space<vmem>>, vector<16xi32>, vector<16xi1>
      %add3A_181 = arith.constant 32 : i32
      %add3A_182 = arith.addi %mul3A_169, %add3A_181 : i32
      %get3A_183 = arith.index_cast %add3A_182 : i32 to index
      %get3A_184 = tpu.vector_load %arg8[%get3A_183] {strides = array<i32>} : memref<4352xi32, #tpu.memory_space<vmem>>, vector<16xi32>,
      %swap3A_185 = arith.constant 32 : index
      %swap3A_186 = tpu.vector_load %arg8[%swap3A_185] masked %broadcast_in_dim3A_5 {strides = array<i32>} : memref<4352xi32, #tpu.memory_space<vmem>>, vector<16xi32>, vector<16xi1>
      tpu.vector_store %arg8[%swap3A_185], %get3A_184 masked %broadcast_in_dim3A_5 {strides = array<i32>} : memref<4352xi32, #tpu.memory_space<vmem>>, vector<16xi32>, vector<16xi1>
      %add3A_187 = arith.constant 48 : i32
      %add3A_188 = arith.addi %mul3A_169, %add3A_187 : i32
      %get3A_189 = arith.index_cast %add3A_188 : i32 to index
      %get3A_190 = tpu.vector_load %arg8[%get3A_189] {strides = array<i32>} : memref<4352xi32, #tpu.memory_space<vmem>>, vector<16xi32>,
      %swap3A_191 = arith.constant 48 : index
      %swap3A_192 = tpu.vector_load %arg8[%swap3A_191] masked %broadcast_in_dim3A_5 {strides = array<i32>} : memref<4352xi32, #tpu.memory_space<vmem>>, vector<16xi32>, vector<16xi1>
      tpu.vector_store %arg8[%swap3A_191], %get3A_190 masked %broadcast_in_dim3A_5 {strides = array<i32>} : memref<4352xi32, #tpu.memory_space<vmem>>, vector<16xi32>, vector<16xi1>
      scf.yield %sub3A_167 : i32
    }
    %scan3A_35 = arith.constant 41 : i32
    %broadcast_in_dim3A_36 = arith.constant 0 : i32
    %broadcast_in_dim3A_37 = vector.broadcast %broadcast_in_dim3A_36 : i32 to vector<16xi32>
    %add3A_38 = arith.constant 320 : i32
    %add3A_39 = arith.addi %mul3A_2, %add3A_38 : i32
    %mul3A_40 = arith.constant 16384 : i32
    %mul3A_41 = arith.muli %add3A_39, %mul3A_40 : i32
    %add3A_42 = vector.broadcast %mul3A_41 : i32 to vector<16xi32>
    %add3A_43 = arith.addi %broadcast_in_dim3A_37, %add3A_42 : vector<16xi32>
    %add3A_44 = arith.constant 0 : i32
    %add3A_45 = arith.addi %scan3A_34, %add3A_44 : i32
    %swap3A = arith.index_cast %add3A_45 : i32 to index
    %swap3A_46 = tpu.vector_load %arg8[%swap3A] masked %broadcast_in_dim3A_5 {strides = array<i32>} : memref<4352xi32, #tpu.memory_space<vmem>>, vector<16xi32>, vector<16xi1>
    tpu.vector_store %arg8[%swap3A], %add3A_43 masked %broadcast_in_dim3A_5 {strides = array<i32>} : memref<4352xi32, #tpu.memory_space<vmem>>, vector<16xi32>, vector<16xi1>
    %add3A_47 = arith.constant 16 : i32
    %add3A_48 = arith.addi %scan3A_34, %add3A_47 : i32
    %swap3A_49 = arith.index_cast %add3A_48 : i32 to index
    %swap3A_50 = tpu.vector_load %arg8[%swap3A_49] masked %broadcast_in_dim3A_5 {strides = array<i32>} : memref<4352xi32, #tpu.memory_space<vmem>>, vector<16xi32>, vector<16xi1>
    tpu.vector_store %arg8[%swap3A_49], %add3A_43 masked %broadcast_in_dim3A_5 {strides = array<i32>} : memref<4352xi32, #tpu.memory_space<vmem>>, vector<16xi32>, vector<16xi1>
    %add3A_51 = arith.constant 32 : i32
    %add3A_52 = arith.addi %scan3A_34, %add3A_51 : i32
    %swap3A_53 = arith.index_cast %add3A_52 : i32 to index
    %swap3A_54 = tpu.vector_load %arg8[%swap3A_53] masked %broadcast_in_dim3A_5 {strides = array<i32>} : memref<4352xi32, #tpu.memory_space<vmem>>, vector<16xi32>, vector<16xi1>
    tpu.vector_store %arg8[%swap3A_53], %add3A_43 masked %broadcast_in_dim3A_5 {strides = array<i32>} : memref<4352xi32, #tpu.memory_space<vmem>>, vector<16xi32>, vector<16xi1>
    %add3A_55 = arith.constant 48 : i32
    %add3A_56 = arith.addi %scan3A_34, %add3A_55 : i32
    %swap3A_57 = arith.index_cast %add3A_56 : i32 to index
    %swap3A_58 = tpu.vector_load %arg8[%swap3A_57] masked %broadcast_in_dim3A_5 {strides = array<i32>} : memref<4352xi32, #tpu.memory_space<vmem>>, vector<16xi32>, vector<16xi1>
    tpu.vector_store %arg8[%swap3A_57], %add3A_43 masked %broadcast_in_dim3A_5 {strides = array<i32>} : memref<4352xi32, #tpu.memory_space<vmem>>, vector<16xi32>, vector<16xi1>
    %add3A_59 = arith.constant 64 : i32
    %add3A_60 = arith.addi %scan3A_34, %add3A_59 : i32
    %sub3A = arith.constant 1 : i32
    %sub3A_61 = arith.subi %add3A_60, %sub3A : i32
    %jit3A = arith.constant 64 : i32
    %div3A = arith.divsi %sub3A_61, %jit3A : i32
    %sign3A = arith.constant 0 : i32
    %sign3A_62 = arith.cmpi sgt, %sub3A_61, %sign3A : i32
    %sign3A_63 = arith.extui %sign3A_62 : i1 to i32
    %sign3A_64 = arith.constant 0 : i32
    %sign3A_65 = arith.cmpi slt, %sub3A_61, %sign3A_64 : i32
    %sign3A_66 = arith.extui %sign3A_65 : i1 to i32
    %sign3A_67 = arith.subi %sign3A_63, %sign3A_66 : i32
    %sign3A_68 = arith.constant 0 : i32
    %sign3A_69 = arith.cmpi sgt, %jit3A, %sign3A_68 : i32
    %sign3A_70 = arith.extui %sign3A_69 : i1 to i32
    %sign3A_71 = arith.constant 0 : i32
    %sign3A_72 = arith.cmpi slt, %jit3A, %sign3A_71 : i32
    %sign3A_73 = arith.extui %sign3A_72 : i1 to i32
    %sign3A_74 = arith.subi %sign3A_70, %sign3A_73 : i32
    %ne3A = arith.cmpi ne, %sign3A_67, %sign3A_74 : i32
    %rem3A_75 = arith.remsi %sub3A_61, %jit3A : i32
    %ne3A_76 = arith.constant 0 : i32
    %ne3A_77 = arith.cmpi ne, %rem3A_75, %ne3A_76 : i32
    %and3A = arith.andi %ne3A, %ne3A_77 : i1
    %sub3A_78 = arith.constant 1 : i32
    %sub3A_79 = arith.subi %div3A, %sub3A_78 : i32
    %select_n3A = arith.select %and3A, %sub3A_79, %div3A : i32
    %gt3A = arith.constant 0 : i32
    %gt3A_80 = arith.cmpi sgt, %select_n3A, %gt3A : i32
    %convert_element_type3A = arith.extui %gt3A_80 : i1 to i32
    %cond3A = arith.constant 0 : i32
    %cond3A_81 = arith.cmpi ne, %convert_element_type3A, %cond3A : i32
    scf.if %cond3A_81 {
      %mul3A_96 = arith.constant 0 : i32
      %mul3A_97 = arith.constant 64 : i32
      %mul3A_98 = arith.muli %mul3A_96, %mul3A_97 : i32
      %add3A_99 = arith.constant 0 : i32
      %add3A_100 = arith.addi %mul3A_98, %add3A_99 : i32
      %get3A = arith.index_cast %add3A_100 : i32 to index
      %get3A_101 = tpu.vector_load %arg8[%get3A] {strides = array<i32>} : memref<4352xi32, #tpu.memory_space<vmem>>, vector<16xi32>,
      %and3A_102 = arith.constant 16383 : i32
      %and3A_103 = vector.broadcast %and3A_102 : i32 to vector<16xi32>
      %and3A_104 = arith.andi %get3A_101, %and3A_103 : vector<16xi32>
      %mul3A_105 = arith.constant 0 : i32
      %mul3A_106 = arith.constant 64 : i32
      %mul3A_107 = arith.muli %mul3A_105, %mul3A_106 : i32
      %add3A_108 = arith.constant 0 : i32
      %add3A_109 = arith.addi %mul3A_107, %add3A_108 : i32
      %swap3A_110 = arith.index_cast %add3A_109 : i32 to index
      %swap3A_111 = tpu.vector_load %arg9[%swap3A_110] {strides = array<i32>} : memref<128xi32, #tpu.memory_space<vmem>>, vector<16xi32>,
      tpu.vector_store %arg9[%swap3A_110], %and3A_104 {strides = array<i32>} : memref<128xi32, #tpu.memory_space<vmem>>, vector<16xi32>,
      %mul3A_112 = arith.constant 0 : i32
      %mul3A_113 = arith.constant 64 : i32
      %mul3A_114 = arith.muli %mul3A_112, %mul3A_113 : i32
      %add3A_115 = arith.constant 16 : i32
      %add3A_116 = arith.addi %mul3A_114, %add3A_115 : i32
      %get3A_117 = arith.index_cast %add3A_116 : i32 to index
      %get3A_118 = tpu.vector_load %arg8[%get3A_117] {strides = array<i32>} : memref<4352xi32, #tpu.memory_space<vmem>>, vector<16xi32>,
      %and3A_119 = arith.constant 16383 : i32
      %and3A_120 = vector.broadcast %and3A_119 : i32 to vector<16xi32>
      %and3A_121 = arith.andi %get3A_118, %and3A_120 : vector<16xi32>
      %mul3A_122 = arith.constant 0 : i32
      %mul3A_123 = arith.constant 64 : i32
      %mul3A_124 = arith.muli %mul3A_122, %mul3A_123 : i32
      %add3A_125 = arith.constant 16 : i32
      %add3A_126 = arith.addi %mul3A_124, %add3A_125 : i32
      %swap3A_127 = arith.index_cast %add3A_126 : i32 to index
      %swap3A_128 = tpu.vector_load %arg9[%swap3A_127] {strides = array<i32>} : memref<128xi32, #tpu.memory_space<vmem>>, vector<16xi32>,
      tpu.vector_store %arg9[%swap3A_127], %and3A_121 {strides = array<i32>} : memref<128xi32, #tpu.memory_space<vmem>>, vector<16xi32>,
      %mul3A_129 = arith.constant 0 : i32
      %mul3A_130 = arith.constant 64 : i32
      %mul3A_131 = arith.muli %mul3A_129, %mul3A_130 : i32
      %add3A_132 = arith.constant 32 : i32
      %add3A_133 = arith.addi %mul3A_131, %add3A_132 : i32
      %get3A_134 = arith.index_cast %add3A_133 : i32 to index
      %get3A_135 = tpu.vector_load %arg8[%get3A_134] {strides = array<i32>} : memref<4352xi32, #tpu.memory_space<vmem>>, vector<16xi32>,
      %and3A_136 = arith.constant 16383 : i32
      %and3A_137 = vector.broadcast %and3A_136 : i32 to vector<16xi32>
      %and3A_138 = arith.andi %get3A_135, %and3A_137 : vector<16xi32>
      %mul3A_139 = arith.constant 0 : i32
      %mul3A_140 = arith.constant 64 : i32
      %mul3A_141 = arith.muli %mul3A_139, %mul3A_140 : i32
      %add3A_142 = arith.constant 32 : i32
      %add3A_143 = arith.addi %mul3A_141, %add3A_142 : i32
      %swap3A_144 = arith.index_cast %add3A_143 : i32 to index
      %swap3A_145 = tpu.vector_load %arg9[%swap3A_144] {strides = array<i32>} : memref<128xi32, #tpu.memory_space<vmem>>, vector<16xi32>,
      tpu.vector_store %arg9[%swap3A_144], %and3A_138 {strides = array<i32>} : memref<128xi32, #tpu.memory_space<vmem>>, vector<16xi32>,
      %mul3A_146 = arith.constant 0 : i32
      %mul3A_147 = arith.constant 64 : i32
      %mul3A_148 = arith.muli %mul3A_146, %mul3A_147 : i32
      %add3A_149 = arith.constant 48 : i32
      %add3A_150 = arith.addi %mul3A_148, %add3A_149 : i32
      %get3A_151 = arith.index_cast %add3A_150 : i32 to index
      %get3A_152 = tpu.vector_load %arg8[%get3A_151] {strides = array<i32>} : memref<4352xi32, #tpu.memory_space<vmem>>, vector<16xi32>,
      %and3A_153 = arith.constant 16383 : i32
      %and3A_154 = vector.broadcast %and3A_153 : i32 to vector<16xi32>
      %and3A_155 = arith.andi %get3A_152, %and3A_154 : vector<16xi32>
      %mul3A_156 = arith.constant 0 : i32
      %mul3A_157 = arith.constant 64 : i32
      %mul3A_158 = arith.muli %mul3A_156, %mul3A_157 : i32
      %add3A_159 = arith.constant 48 : i32
      %add3A_160 = arith.addi %mul3A_158, %add3A_159 : i32
      %swap3A_161 = arith.index_cast %add3A_160 : i32 to index
      %swap3A_162 = tpu.vector_load %arg9[%swap3A_161] {strides = array<i32>} : memref<128xi32, #tpu.memory_space<vmem>>, vector<16xi32>,
      tpu.vector_store %arg9[%swap3A_161], %and3A_155 {strides = array<i32>} : memref<128xi32, #tpu.memory_space<vmem>>, vector<16xi32>,
      %mul3A_163 = arith.constant 0 : i32
      %mul3A_164 = arith.constant 64 : i32
      %mul3A_165 = arith.muli %mul3A_163, %mul3A_164 : i32
      %mul3A_166 = arith.constant 0 : i32
      %mul3A_167 = arith.constant 64 : i32
      %mul3A_168 = arith.muli %mul3A_166, %mul3A_167 : i32
      %dma_start3A_169 = arith.constant 0 : i32
      %dma_start3A_170 = tpu.memref_slice %arg6[%mul3A_168, %dma_start3A_169] : memref<128x256xf32, #tpu.memory_space<vmem>> -> memref<64x256xf32, #tpu.memory_space<vmem>>
      %dma_start3A_171 = tpu.memref_slice %arg9[%mul3A_165] : memref<128xi32, #tpu.memory_space<vmem>> -> memref<64xi32, #tpu.memory_space<vmem>>
      %dma_start3A_172 = arith.constant 0 : i32
      %dma_start3A_173 = arith.constant 0 : i32
      %dma_start3A_174 = tpu.memref_slice %arg3[%dma_start3A_172, %dma_start3A_173] : memref<10000x256xf32, #tpu.memory_space<hbm>> -> memref<10000x256xf32, #tpu.memory_space<hbm>>
      tpu.enqueue_indirect_dma source(%dma_start3A_174 : memref<10000x256xf32, #tpu.memory_space<hbm>>) target(%dma_start3A_170 : memref<64x256xf32, #tpu.memory_space<vmem>>) offsets(%dma_start3A_171 : memref<64xi32, #tpu.memory_space<vmem>>) semaphore(%arg10 : memref<!tpu.dma_semaphore, #tpu.memory_space<semaphore_mem>>)
    } else {
    }
    %while3A = arith.constant 0 : i32
    %while3A_82 = arith.constant 0 : i32
    %while3A_83 = arith.subi %select_n3A, %while3A : i32
    %while3A_84 = arith.addi %while3A, %while3A_83 : i32
    %while3A_85 = arith.constant 1 : i32
    %while3A_86 = arith.divsi %while3A_83, %while3A_85 : i32
    %while3A_87 = arith.muli %while3A_86, %while3A_85 : i32
    %while3A_88 = arith.addi %while3A, %while3A_87 : i32
    %while3A_89 = arith.constant 1 : i32
    %while3A_90 = scf.for %while3A_96 = %while3A to %while3A_88 step %while3A_89 iter_args(%while3A_97 = %while3A_82) -> (i32)  : i32 {
      %rem3A_98 = arith.constant 2 : i32
      %rem3A_99 = arith.remsi %while3A_96, %rem3A_98 : i32
      %mul3A_100 = arith.constant 64 : i32
      %mul3A_101 = arith.muli %rem3A_99, %mul3A_100 : i32
      %mul3A_102 = arith.constant 64 : i32
      %mul3A_103 = arith.muli %rem3A_99, %mul3A_102 : i32
      %dma_wait3A = arith.constant 0 : i32
      %dma_wait3A_104 = tpu.memref_slice %arg6[%mul3A_103, %dma_wait3A] : memref<128x256xf32, #tpu.memory_space<vmem>> -> memref<64x256xf32, #tpu.memory_space<vmem>>
      %dma_wait3A_105 = tpu.memref_slice %arg9[%mul3A_101] : memref<128xi32, #tpu.memory_space<vmem>> -> memref<64xi32, #tpu.memory_space<vmem>>
      %dma_wait3A_106 = arith.constant 0 : i32
      %dma_wait3A_107 = arith.constant 0 : i32
      %dma_wait3A_108 = tpu.memref_slice %arg3[%dma_wait3A_106, %dma_wait3A_107] : memref<10000x256xf32, #tpu.memory_space<hbm>> -> memref<10000x256xf32, #tpu.memory_space<hbm>>
      tpu.wait_indirect_dma semaphore(%arg10 : memref<!tpu.dma_semaphore, #tpu.memory_space<semaphore_mem>>) src(%dma_wait3A_108 : memref<10000x256xf32, #tpu.memory_space<hbm>>) dst(%dma_wait3A_104 : memref<64x256xf32, #tpu.memory_space<vmem>>)
      %add3A_109 = arith.constant 1 : i32
      %add3A_110 = arith.addi %while3A_96, %add3A_109 : i32
      %lt3A = arith.cmpi slt, %add3A_110, %select_n3A : i32
      %convert_element_type3A_111 = arith.extui %lt3A : i1 to i32
      %cond3A_112 = arith.constant 0 : i32
      %cond3A_113 = arith.cmpi ne, %convert_element_type3A_111, %cond3A_112 : i32
      scf.if %cond3A_113 {
        %add3A_124 = arith.constant 1 : i32
        %add3A_125 = arith.addi %while3A_96, %add3A_124 : i32
        %add3A_126 = arith.constant 1 : i32
        %add3A_127 = arith.addi %while3A_96, %add3A_126 : i32
        %rem3A_128 = arith.constant 2 : i32
        %rem3A_129 = arith.remsi %add3A_127, %rem3A_128 : i32
        %mul3A_130 = arith.constant 64 : i32
        %mul3A_131 = arith.muli %add3A_125, %mul3A_130 : i32
        %add3A_132 = arith.constant 0 : i32
        %add3A_133 = arith.addi %mul3A_131, %add3A_132 : i32
        %get3A = arith.index_cast %add3A_133 : i32 to index
        %get3A_134 = tpu.vector_load %arg8[%get3A] {strides = array<i32>} : memref<4352xi32, #tpu.memory_space<vmem>>, vector<16xi32>,
        %and3A_135 = arith.constant 16383 : i32
        %and3A_136 = vector.broadcast %and3A_135 : i32 to vector<16xi32>
        %and3A_137 = arith.andi %get3A_134, %and3A_136 : vector<16xi32>
        %mul3A_138 = arith.constant 64 : i32
        %mul3A_139 = arith.muli %rem3A_129, %mul3A_138 : i32
        %add3A_140 = arith.constant 0 : i32
        %add3A_141 = arith.addi %mul3A_139, %add3A_140 : i32
        %swap3A_142 = arith.index_cast %add3A_141 : i32 to index
        %swap3A_143 = tpu.vector_load %arg9[%swap3A_142] {strides = array<i32>} : memref<128xi32, #tpu.memory_space<vmem>>, vector<16xi32>,
        tpu.vector_store %arg9[%swap3A_142], %and3A_137 {strides = array<i32>} : memref<128xi32, #tpu.memory_space<vmem>>, vector<16xi32>,
        %mul3A_144 = arith.constant 64 : i32
        %mul3A_145 = arith.muli %add3A_125, %mul3A_144 : i32
        %add3A_146 = arith.constant 16 : i32
        %add3A_147 = arith.addi %mul3A_145, %add3A_146 : i32
        %get3A_148 = arith.index_cast %add3A_147 : i32 to index
        %get3A_149 = tpu.vector_load %arg8[%get3A_148] {strides = array<i32>} : memref<4352xi32, #tpu.memory_space<vmem>>, vector<16xi32>,
        %and3A_150 = arith.constant 16383 : i32
        %and3A_151 = vector.broadcast %and3A_150 : i32 to vector<16xi32>
        %and3A_152 = arith.andi %get3A_149, %and3A_151 : vector<16xi32>
        %mul3A_153 = arith.constant 64 : i32
        %mul3A_154 = arith.muli %rem3A_129, %mul3A_153 : i32
        %add3A_155 = arith.constant 16 : i32
        %add3A_156 = arith.addi %mul3A_154, %add3A_155 : i32
        %swap3A_157 = arith.index_cast %add3A_156 : i32 to index
        %swap3A_158 = tpu.vector_load %arg9[%swap3A_157] {strides = array<i32>} : memref<128xi32, #tpu.memory_space<vmem>>, vector<16xi32>,
        tpu.vector_store %arg9[%swap3A_157], %and3A_152 {strides = array<i32>} : memref<128xi32, #tpu.memory_space<vmem>>, vector<16xi32>,
        %mul3A_159 = arith.constant 64 : i32
        %mul3A_160 = arith.muli %add3A_125, %mul3A_159 : i32
        %add3A_161 = arith.constant 32 : i32
        %add3A_162 = arith.addi %mul3A_160, %add3A_161 : i32
        %get3A_163 = arith.index_cast %add3A_162 : i32 to index
        %get3A_164 = tpu.vector_load %arg8[%get3A_163] {strides = array<i32>} : memref<4352xi32, #tpu.memory_space<vmem>>, vector<16xi32>,
        %and3A_165 = arith.constant 16383 : i32
        %and3A_166 = vector.broadcast %and3A_165 : i32 to vector<16xi32>
        %and3A_167 = arith.andi %get3A_164, %and3A_166 : vector<16xi32>
        %mul3A_168 = arith.constant 64 : i32
        %mul3A_169 = arith.muli %rem3A_129, %mul3A_168 : i32
        %add3A_170 = arith.constant 32 : i32
        %add3A_171 = arith.addi %mul3A_169, %add3A_170 : i32
        %swap3A_172 = arith.index_cast %add3A_171 : i32 to index
        %swap3A_173 = tpu.vector_load %arg9[%swap3A_172] {strides = array<i32>} : memref<128xi32, #tpu.memory_space<vmem>>, vector<16xi32>,
        tpu.vector_store %arg9[%swap3A_172], %and3A_167 {strides = array<i32>} : memref<128xi32, #tpu.memory_space<vmem>>, vector<16xi32>,
        %mul3A_174 = arith.constant 64 : i32
        %mul3A_175 = arith.muli %add3A_125, %mul3A_174 : i32
        %add3A_176 = arith.constant 48 : i32
        %add3A_177 = arith.addi %mul3A_175, %add3A_176 : i32
        %get3A_178 = arith.index_cast %add3A_177 : i32 to index
        %get3A_179 = tpu.vector_load %arg8[%get3A_178] {strides = array<i32>} : memref<4352xi32, #tpu.memory_space<vmem>>, vector<16xi32>,
        %and3A_180 = arith.constant 16383 : i32
        %and3A_181 = vector.broadcast %and3A_180 : i32 to vector<16xi32>
        %and3A_182 = arith.andi %get3A_179, %and3A_181 : vector<16xi32>
        %mul3A_183 = arith.constant 64 : i32
        %mul3A_184 = arith.muli %rem3A_129, %mul3A_183 : i32
        %add3A_185 = arith.constant 48 : i32
        %add3A_186 = arith.addi %mul3A_184, %add3A_185 : i32
        %swap3A_187 = arith.index_cast %add3A_186 : i32 to index
        %swap3A_188 = tpu.vector_load %arg9[%swap3A_187] {strides = array<i32>} : memref<128xi32, #tpu.memory_space<vmem>>, vector<16xi32>,
        tpu.vector_store %arg9[%swap3A_187], %and3A_182 {strides = array<i32>} : memref<128xi32, #tpu.memory_space<vmem>>, vector<16xi32>,
        %mul3A_189 = arith.constant 64 : i32
        %mul3A_190 = arith.muli %rem3A_129, %mul3A_189 : i32
        %mul3A_191 = arith.constant 64 : i32
        %mul3A_192 = arith.muli %rem3A_129, %mul3A_191 : i32
        %dma_start3A_193 = arith.constant 0 : i32
        %dma_start3A_194 = tpu.memref_slice %arg6[%mul3A_192, %dma_start3A_193] : memref<128x256xf32, #tpu.memory_space<vmem>> -> memref<64x256xf32, #tpu.memory_space<vmem>>
        %dma_start3A_195 = tpu.memref_slice %arg9[%mul3A_190] : memref<128xi32, #tpu.memory_space<vmem>> -> memref<64xi32, #tpu.memory_space<vmem>>
        %dma_start3A_196 = arith.constant 0 : i32
        %dma_start3A_197 = arith.constant 0 : i32
        %dma_start3A_198 = tpu.memref_slice %arg3[%dma_start3A_196, %dma_start3A_197] : memref<10000x256xf32, #tpu.memory_space<hbm>> -> memref<10000x256xf32, #tpu.memory_space<hbm>>
        tpu.enqueue_indirect_dma source(%dma_start3A_198 : memref<10000x256xf32, #tpu.memory_space<hbm>>) target(%dma_start3A_194 : memref<64x256xf32, #tpu.memory_space<vmem>>) offsets(%dma_start3A_195 : memref<64xi32, #tpu.memory_space<vmem>>) semaphore(%arg10 : memref<!tpu.dma_semaphore, #tpu.memory_space<semaphore_mem>>)
      } else {
      }
      %mul3A_114 = arith.constant 64 : i32
      %mul3A_115 = arith.muli %rem3A_99, %mul3A_114 : i32
      %scan3A_116 = arith.constant 0 : i32
      %scan3A_117 = arith.constant 0 : i32
      %scan3A_118 = arith.constant 64 : i32
      %scan3A_119 = arith.addi %scan3A_117, %scan3A_118 : i32
      %scan3A_120 = arith.constant 1 : i32
      %scan3A_121 = scf.for %scan3A_124 = %scan3A_117 to %scan3A_119 step %scan3A_120 iter_args(%scan3A_125 = %scan3A_116) -> (i32)  : i32 {
        %mul3A_126 = arith.constant 64 : i32
        %mul3A_127 = arith.muli %while3A_96, %mul3A_126 : i32
        %add3A_128 = arith.addi %mul3A_127, %scan3A_124 : i32
        %get3A = arith.index_cast %add3A_128 : i32 to index
        %get3A_129 = tpu.vector_load %arg8[%get3A] {strides = array<i32>} : memref<4352xi32, #tpu.memory_space<vmem>>, vector<16xi32>,
        %slice3A = vector.extract_strided_slice %get3A_129 {offsets = [0], sizes = [1], strides = [1]} : vector<16xi32> to vector<1xi32>
        %squeeze3A = vector.extract %slice3A[0] : i32 from vector<1xi32>
        %shift_right_arithmetic3A = arith.constant 14 : i32
        %shift_right_arithmetic3A_130 = arith.shrsi %squeeze3A, %shift_right_arithmetic3A : i32
        %sub3A_131 = arith.subi %shift_right_arithmetic3A_130, %mul3A_2 : i32
        %add3A_132 = arith.addi %mul3A_115, %scan3A_124 : i32
        %get3A_133 = arith.index_cast %add3A_132 : i32 to index
        %get3A_134 = arith.constant 0 : index
        %get3A_135 = tpu.vector_load %arg6[%get3A_133, %get3A_134] {strides = array<i32>} : memref<128x256xf32, #tpu.memory_space<vmem>>, vector<16xf32>,
        %add3A_136 = arith.addi %mul3A_115, %scan3A_124 : i32
        %get3A_137 = arith.index_cast %add3A_136 : i32 to index
        %get3A_138 = arith.constant 16 : index
        %get3A_139 = tpu.vector_load %arg6[%get3A_137, %get3A_138] {strides = array<i32>} : memref<128x256xf32, #tpu.memory_space<vmem>>, vector<16xf32>,
        %add3A_140 = arith.addi %mul3A_115, %scan3A_124 : i32
        %get3A_141 = arith.index_cast %add3A_140 : i32 to index
        %get3A_142 = arith.constant 32 : index
        %get3A_143 = tpu.vector_load %arg6[%get3A_141, %get3A_142] {strides = array<i32>} : memref<128x256xf32, #tpu.memory_space<vmem>>, vector<16xf32>,
        %add3A_144 = arith.addi %mul3A_115, %scan3A_124 : i32
        %get3A_145 = arith.index_cast %add3A_144 : i32 to index
        %get3A_146 = arith.constant 48 : index
        %get3A_147 = tpu.vector_load %arg6[%get3A_145, %get3A_146] {strides = array<i32>} : memref<128x256xf32, #tpu.memory_space<vmem>>, vector<16xf32>,
        %add3A_148 = arith.addi %mul3A_115, %scan3A_124 : i32
        %get3A_149 = arith.index_cast %add3A_148 : i32 to index
        %get3A_150 = arith.constant 64 : index
        %get3A_151 = tpu.vector_load %arg6[%get3A_149, %get3A_150] {strides = array<i32>} : memref<128x256xf32, #tpu.memory_space<vmem>>, vector<16xf32>,
        %add3A_152 = arith.addi %mul3A_115, %scan3A_124 : i32
        %get3A_153 = arith.index_cast %add3A_152 : i32 to index
        %get3A_154 = arith.constant 80 : index
        %get3A_155 = tpu.vector_load %arg6[%get3A_153, %get3A_154] {strides = array<i32>} : memref<128x256xf32, #tpu.memory_space<vmem>>, vector<16xf32>,
        %add3A_156 = arith.addi %mul3A_115, %scan3A_124 : i32
        %get3A_157 = arith.index_cast %add3A_156 : i32 to index
        %get3A_158 = arith.constant 96 : index
        %get3A_159 = tpu.vector_load %arg6[%get3A_157, %get3A_158] {strides = array<i32>} : memref<128x256xf32, #tpu.memory_space<vmem>>, vector<16xf32>,
        %add3A_160 = arith.addi %mul3A_115, %scan3A_124 : i32
        %get3A_161 = arith.index_cast %add3A_160 : i32 to index
        %get3A_162 = arith.constant 112 : index
        %get3A_163 = tpu.vector_load %arg6[%get3A_161, %get3A_162] {strides = array<i32>} : memref<128x256xf32, #tpu.memory_space<vmem>>, vector<16xf32>,
        %add3A_164 = arith.addi %mul3A_115, %scan3A_124 : i32
        %get3A_165 = arith.index_cast %add3A_164 : i32 to index
        %get3A_166 = arith.constant 128 : index
        %get3A_167 = tpu.vector_load %arg6[%get3A_165, %get3A_166] {strides = array<i32>} : memref<128x256xf32, #tpu.memory_space<vmem>>, vector<16xf32>,
        %add3A_168 = arith.addi %mul3A_115, %scan3A_124 : i32
        %get3A_169 = arith.index_cast %add3A_168 : i32 to index
        %get3A_170 = arith.constant 144 : index
        %get3A_171 = tpu.vector_load %arg6[%get3A_169, %get3A_170] {strides = array<i32>} : memref<128x256xf32, #tpu.memory_space<vmem>>, vector<16xf32>,
        %add3A_172 = arith.addi %mul3A_115, %scan3A_124 : i32
        %get3A_173 = arith.index_cast %add3A_172 : i32 to index
        %get3A_174 = arith.constant 160 : index
        %get3A_175 = tpu.vector_load %arg6[%get3A_173, %get3A_174] {strides = array<i32>} : memref<128x256xf32, #tpu.memory_space<vmem>>, vector<16xf32>,
        %add3A_176 = arith.addi %mul3A_115, %scan3A_124 : i32
        %get3A_177 = arith.index_cast %add3A_176 : i32 to index
        %get3A_178 = arith.constant 176 : index
        %get3A_179 = tpu.vector_load %arg6[%get3A_177, %get3A_178] {strides = array<i32>} : memref<128x256xf32, #tpu.memory_space<vmem>>, vector<16xf32>,
        %add3A_180 = arith.addi %mul3A_115, %scan3A_124 : i32
        %get3A_181 = arith.index_cast %add3A_180 : i32 to index
        %get3A_182 = arith.constant 192 : index
        %get3A_183 = tpu.vector_load %arg6[%get3A_181, %get3A_182] {strides = array<i32>} : memref<128x256xf32, #tpu.memory_space<vmem>>, vector<16xf32>,
        %add3A_184 = arith.addi %mul3A_115, %scan3A_124 : i32
        %get3A_185 = arith.index_cast %add3A_184 : i32 to index
        %get3A_186 = arith.constant 208 : index
        %get3A_187 = tpu.vector_load %arg6[%get3A_185, %get3A_186] {strides = array<i32>} : memref<128x256xf32, #tpu.memory_space<vmem>>, vector<16xf32>,
        %add3A_188 = arith.addi %mul3A_115, %scan3A_124 : i32
        %get3A_189 = arith.index_cast %add3A_188 : i32 to index
        %get3A_190 = arith.constant 224 : index
        %get3A_191 = tpu.vector_load %arg6[%get3A_189, %get3A_190] {strides = array<i32>} : memref<128x256xf32, #tpu.memory_space<vmem>>, vector<16xf32>,
        %add3A_192 = arith.addi %mul3A_115, %scan3A_124 : i32
        %get3A_193 = arith.index_cast %add3A_192 : i32 to index
        %get3A_194 = arith.constant 240 : index
        %get3A_195 = tpu.vector_load %arg6[%get3A_193, %get3A_194] {strides = array<i32>} : memref<128x256xf32, #tpu.memory_space<vmem>>, vector<16xf32>,
        %swap3A_196 = arith.index_cast %sub3A_131 : i32 to index
        %swap3A_197 = arith.constant 0 : index
        %swap3A_198 = tpu.vector_load %arg5[%swap3A_196, %swap3A_197] {strides = array<i32>} : memref<321x256xf32, #tpu.memory_space<vmem>>, vector<16xf32>,
        tpu.vector_store %arg5[%swap3A_196, %swap3A_197], %get3A_135 {add = true, strides = array<i32>} : memref<321x256xf32, #tpu.memory_space<vmem>>, vector<16xf32>,
        %swap3A_199 = arith.index_cast %sub3A_131 : i32 to index
        %swap3A_200 = arith.constant 16 : index
        %swap3A_201 = tpu.vector_load %arg5[%swap3A_199, %swap3A_200] {strides = array<i32>} : memref<321x256xf32, #tpu.memory_space<vmem>>, vector<16xf32>,
        tpu.vector_store %arg5[%swap3A_199, %swap3A_200], %get3A_139 {add = true, strides = array<i32>} : memref<321x256xf32, #tpu.memory_space<vmem>>, vector<16xf32>,
        %swap3A_202 = arith.index_cast %sub3A_131 : i32 to index
        %swap3A_203 = arith.constant 32 : index
        %swap3A_204 = tpu.vector_load %arg5[%swap3A_202, %swap3A_203] {strides = array<i32>} : memref<321x256xf32, #tpu.memory_space<vmem>>, vector<16xf32>,
        tpu.vector_store %arg5[%swap3A_202, %swap3A_203], %get3A_143 {add = true, strides = array<i32>} : memref<321x256xf32, #tpu.memory_space<vmem>>, vector<16xf32>,
        %swap3A_205 = arith.index_cast %sub3A_131 : i32 to index
        %swap3A_206 = arith.constant 48 : index
        %swap3A_207 = tpu.vector_load %arg5[%swap3A_205, %swap3A_206] {strides = array<i32>} : memref<321x256xf32, #tpu.memory_space<vmem>>, vector<16xf32>,
        tpu.vector_store %arg5[%swap3A_205, %swap3A_206], %get3A_147 {add = true, strides = array<i32>} : memref<321x256xf32, #tpu.memory_space<vmem>>, vector<16xf32>,
        %swap3A_208 = arith.index_cast %sub3A_131 : i32 to index
        %swap3A_209 = arith.constant 64 : index
        %swap3A_210 = tpu.vector_load %arg5[%swap3A_208, %swap3A_209] {strides = array<i32>} : memref<321x256xf32, #tpu.memory_space<vmem>>, vector<16xf32>,
        tpu.vector_store %arg5[%swap3A_208, %swap3A_209], %get3A_151 {add = true, strides = array<i32>} : memref<321x256xf32, #tpu.memory_space<vmem>>, vector<16xf32>,
        %swap3A_211 = arith.index_cast %sub3A_131 : i32 to index
        %swap3A_212 = arith.constant 80 : index
        %swap3A_213 = tpu.vector_load %arg5[%swap3A_211, %swap3A_212] {strides = array<i32>} : memref<321x256xf32, #tpu.memory_space<vmem>>, vector<16xf32>,
        tpu.vector_store %arg5[%swap3A_211, %swap3A_212], %get3A_155 {add = true, strides = array<i32>} : memref<321x256xf32, #tpu.memory_space<vmem>>, vector<16xf32>,
        %swap3A_214 = arith.index_cast %sub3A_131 : i32 to index
        %swap3A_215 = arith.constant 96 : index
        %swap3A_216 = tpu.vector_load %arg5[%swap3A_214, %swap3A_215] {strides = array<i32>} : memref<321x256xf32, #tpu.memory_space<vmem>>, vector<16xf32>,
        tpu.vector_store %arg5[%swap3A_214, %swap3A_215], %get3A_159 {add = true, strides = array<i32>} : memref<321x256xf32, #tpu.memory_space<vmem>>, vector<16xf32>,
        %swap3A_217 = arith.index_cast %sub3A_131 : i32 to index
        %swap3A_218 = arith.constant 112 : index
        %swap3A_219 = tpu.vector_load %arg5[%swap3A_217, %swap3A_218] {strides = array<i32>} : memref<321x256xf32, #tpu.memory_space<vmem>>, vector<16xf32>,
        tpu.vector_store %arg5[%swap3A_217, %swap3A_218], %get3A_163 {add = true, strides = array<i32>} : memref<321x256xf32, #tpu.memory_space<vmem>>, vector<16xf32>,
        %swap3A_220 = arith.index_cast %sub3A_131 : i32 to index
        %swap3A_221 = arith.constant 128 : index
        %swap3A_222 = tpu.vector_load %arg5[%swap3A_220, %swap3A_221] {strides = array<i32>} : memref<321x256xf32, #tpu.memory_space<vmem>>, vector<16xf32>,
        tpu.vector_store %arg5[%swap3A_220, %swap3A_221], %get3A_167 {add = true, strides = array<i32>} : memref<321x256xf32, #tpu.memory_space<vmem>>, vector<16xf32>,
        %swap3A_223 = arith.index_cast %sub3A_131 : i32 to index
        %swap3A_224 = arith.constant 144 : index
        %swap3A_225 = tpu.vector_load %arg5[%swap3A_223, %swap3A_224] {strides = array<i32>} : memref<321x256xf32, #tpu.memory_space<vmem>>, vector<16xf32>,
        tpu.vector_store %arg5[%swap3A_223, %swap3A_224], %get3A_171 {add = true, strides = array<i32>} : memref<321x256xf32, #tpu.memory_space<vmem>>, vector<16xf32>,
        %swap3A_226 = arith.index_cast %sub3A_131 : i32 to index
        %swap3A_227 = arith.constant 160 : index
        %swap3A_228 = tpu.vector_load %arg5[%swap3A_226, %swap3A_227] {strides = array<i32>} : memref<321x256xf32, #tpu.memory_space<vmem>>, vector<16xf32>,
        tpu.vector_store %arg5[%swap3A_226, %swap3A_227], %get3A_175 {add = true, strides = array<i32>} : memref<321x256xf32, #tpu.memory_space<vmem>>, vector<16xf32>,
        %swap3A_229 = arith.index_cast %sub3A_131 : i32 to index
        %swap3A_230 = arith.constant 176 : index
        %swap3A_231 = tpu.vector_load %arg5[%swap3A_229, %swap3A_230] {strides = array<i32>} : memref<321x256xf32, #tpu.memory_space<vmem>>, vector<16xf32>,
        tpu.vector_store %arg5[%swap3A_229, %swap3A_230], %get3A_179 {add = true, strides = array<i32>} : memref<321x256xf32, #tpu.memory_space<vmem>>, vector<16xf32>,
        %swap3A_232 = arith.index_cast %sub3A_131 : i32 to index
        %swap3A_233 = arith.constant 192 : index
        %swap3A_234 = tpu.vector_load %arg5[%swap3A_232, %swap3A_233] {strides = array<i32>} : memref<321x256xf32, #tpu.memory_space<vmem>>, vector<16xf32>,
        tpu.vector_store %arg5[%swap3A_232, %swap3A_233], %get3A_183 {add = true, strides = array<i32>} : memref<321x256xf32, #tpu.memory_space<vmem>>, vector<16xf32>,
        %swap3A_235 = arith.index_cast %sub3A_131 : i32 to index
        %swap3A_236 = arith.constant 208 : index
        %swap3A_237 = tpu.vector_load %arg5[%swap3A_235, %swap3A_236] {strides = array<i32>} : memref<321x256xf32, #tpu.memory_space<vmem>>, vector<16xf32>,
        tpu.vector_store %arg5[%swap3A_235, %swap3A_236], %get3A_187 {add = true, strides = array<i32>} : memref<321x256xf32, #tpu.memory_space<vmem>>, vector<16xf32>,
        %swap3A_238 = arith.index_cast %sub3A_131 : i32 to index
        %swap3A_239 = arith.constant 224 : index
        %swap3A_240 = tpu.vector_load %arg5[%swap3A_238, %swap3A_239] {strides = array<i32>} : memref<321x256xf32, #tpu.memory_space<vmem>>, vector<16xf32>,
        tpu.vector_store %arg5[%swap3A_238, %swap3A_239], %get3A_191 {add = true, strides = array<i32>} : memref<321x256xf32, #tpu.memory_space<vmem>>, vector<16xf32>,
        %swap3A_241 = arith.index_cast %sub3A_131 : i32 to index
        %swap3A_242 = arith.constant 240 : index
        %swap3A_243 = tpu.vector_load %arg5[%swap3A_241, %swap3A_242] {strides = array<i32>} : memref<321x256xf32, #tpu.memory_space<vmem>>, vector<16xf32>,
        tpu.vector_store %arg5[%swap3A_241, %swap3A_242], %get3A_195 {add = true, strides = array<i32>} : memref<321x256xf32, #tpu.memory_space<vmem>>, vector<16xf32>,
        %scan3A_244 = arith.constant 0 : i32
        scf.yield %scan3A_244 : i32
      }
      %scan3A_122 = arith.constant 64 : i32
      %while3A_123 = arith.constant 0 : i32
      scf.yield %while3A_123 : i32
    }
    %while3A_91 = arith.constant 1 : i32
    %while3A_92 = scf.for %while3A_96 = %while3A_88 to %while3A_84 step %while3A_91 iter_args(%while3A_97 = %while3A_90) -> (i32)  : i32 {
      %rem3A_98 = arith.constant 2 : i32
      %rem3A_99 = arith.remsi %while3A_96, %rem3A_98 : i32
      %mul3A_100 = arith.constant 64 : i32
      %mul3A_101 = arith.muli %rem3A_99, %mul3A_100 : i32
      %mul3A_102 = arith.constant 64 : i32
      %mul3A_103 = arith.muli %rem3A_99, %mul3A_102 : i32
      %dma_wait3A = arith.constant 0 : i32
      %dma_wait3A_104 = tpu.memref_slice %arg6[%mul3A_103, %dma_wait3A] : memref<128x256xf32, #tpu.memory_space<vmem>> -> memref<64x256xf32, #tpu.memory_space<vmem>>
      %dma_wait3A_105 = tpu.memref_slice %arg9[%mul3A_101] : memref<128xi32, #tpu.memory_space<vmem>> -> memref<64xi32, #tpu.memory_space<vmem>>
      %dma_wait3A_106 = arith.constant 0 : i32
      %dma_wait3A_107 = arith.constant 0 : i32
      %dma_wait3A_108 = tpu.memref_slice %arg3[%dma_wait3A_106, %dma_wait3A_107] : memref<10000x256xf32, #tpu.memory_space<hbm>> -> memref<10000x256xf32, #tpu.memory_space<hbm>>
      tpu.wait_indirect_dma semaphore(%arg10 : memref<!tpu.dma_semaphore, #tpu.memory_space<semaphore_mem>>) src(%dma_wait3A_108 : memref<10000x256xf32, #tpu.memory_space<hbm>>) dst(%dma_wait3A_104 : memref<64x256xf32, #tpu.memory_space<vmem>>)
      %add3A_109 = arith.constant 1 : i32
      %add3A_110 = arith.addi %while3A_96, %add3A_109 : i32
      %lt3A = arith.cmpi slt, %add3A_110, %select_n3A : i32
      %convert_element_type3A_111 = arith.extui %lt3A : i1 to i32
      %cond3A_112 = arith.constant 0 : i32
      %cond3A_113 = arith.cmpi ne, %convert_element_type3A_111, %cond3A_112 : i32
      scf.if %cond3A_113 {
        %add3A_124 = arith.constant 1 : i32
        %add3A_125 = arith.addi %while3A_96, %add3A_124 : i32
        %add3A_126 = arith.constant 1 : i32
        %add3A_127 = arith.addi %while3A_96, %add3A_126 : i32
        %rem3A_128 = arith.constant 2 : i32
        %rem3A_129 = arith.remsi %add3A_127, %rem3A_128 : i32
        %mul3A_130 = arith.constant 64 : i32
        %mul3A_131 = arith.muli %add3A_125, %mul3A_130 : i32
        %add3A_132 = arith.constant 0 : i32
        %add3A_133 = arith.addi %mul3A_131, %add3A_132 : i32
        %get3A = arith.index_cast %add3A_133 : i32 to index
        %get3A_134 = tpu.vector_load %arg8[%get3A] {strides = array<i32>} : memref<4352xi32, #tpu.memory_space<vmem>>, vector<16xi32>,
        %and3A_135 = arith.constant 16383 : i32
        %and3A_136 = vector.broadcast %and3A_135 : i32 to vector<16xi32>
        %and3A_137 = arith.andi %get3A_134, %and3A_136 : vector<16xi32>
        %mul3A_138 = arith.constant 64 : i32
        %mul3A_139 = arith.muli %rem3A_129, %mul3A_138 : i32
        %add3A_140 = arith.constant 0 : i32
        %add3A_141 = arith.addi %mul3A_139, %add3A_140 : i32
        %swap3A_142 = arith.index_cast %add3A_141 : i32 to index
        %swap3A_143 = tpu.vector_load %arg9[%swap3A_142] {strides = array<i32>} : memref<128xi32, #tpu.memory_space<vmem>>, vector<16xi32>,
        tpu.vector_store %arg9[%swap3A_142], %and3A_137 {strides = array<i32>} : memref<128xi32, #tpu.memory_space<vmem>>, vector<16xi32>,
        %mul3A_144 = arith.constant 64 : i32
        %mul3A_145 = arith.muli %add3A_125, %mul3A_144 : i32
        %add3A_146 = arith.constant 16 : i32
        %add3A_147 = arith.addi %mul3A_145, %add3A_146 : i32
        %get3A_148 = arith.index_cast %add3A_147 : i32 to index
        %get3A_149 = tpu.vector_load %arg8[%get3A_148] {strides = array<i32>} : memref<4352xi32, #tpu.memory_space<vmem>>, vector<16xi32>,
        %and3A_150 = arith.constant 16383 : i32
        %and3A_151 = vector.broadcast %and3A_150 : i32 to vector<16xi32>
        %and3A_152 = arith.andi %get3A_149, %and3A_151 : vector<16xi32>
        %mul3A_153 = arith.constant 64 : i32
        %mul3A_154 = arith.muli %rem3A_129, %mul3A_153 : i32
        %add3A_155 = arith.constant 16 : i32
        %add3A_156 = arith.addi %mul3A_154, %add3A_155 : i32
        %swap3A_157 = arith.index_cast %add3A_156 : i32 to index
        %swap3A_158 = tpu.vector_load %arg9[%swap3A_157] {strides = array<i32>} : memref<128xi32, #tpu.memory_space<vmem>>, vector<16xi32>,
        tpu.vector_store %arg9[%swap3A_157], %and3A_152 {strides = array<i32>} : memref<128xi32, #tpu.memory_space<vmem>>, vector<16xi32>,
        %mul3A_159 = arith.constant 64 : i32
        %mul3A_160 = arith.muli %add3A_125, %mul3A_159 : i32
        %add3A_161 = arith.constant 32 : i32
        %add3A_162 = arith.addi %mul3A_160, %add3A_161 : i32
        %get3A_163 = arith.index_cast %add3A_162 : i32 to index
        %get3A_164 = tpu.vector_load %arg8[%get3A_163] {strides = array<i32>} : memref<4352xi32, #tpu.memory_space<vmem>>, vector<16xi32>,
        %and3A_165 = arith.constant 16383 : i32
        %and3A_166 = vector.broadcast %and3A_165 : i32 to vector<16xi32>
        %and3A_167 = arith.andi %get3A_164, %and3A_166 : vector<16xi32>
        %mul3A_168 = arith.constant 64 : i32
        %mul3A_169 = arith.muli %rem3A_129, %mul3A_168 : i32
        %add3A_170 = arith.constant 32 : i32
        %add3A_171 = arith.addi %mul3A_169, %add3A_170 : i32
        %swap3A_172 = arith.index_cast %add3A_171 : i32 to index
        %swap3A_173 = tpu.vector_load %arg9[%swap3A_172] {strides = array<i32>} : memref<128xi32, #tpu.memory_space<vmem>>, vector<16xi32>,
        tpu.vector_store %arg9[%swap3A_172], %and3A_167 {strides = array<i32>} : memref<128xi32, #tpu.memory_space<vmem>>, vector<16xi32>,
        %mul3A_174 = arith.constant 64 : i32
        %mul3A_175 = arith.muli %add3A_125, %mul3A_174 : i32
        %add3A_176 = arith.constant 48 : i32
        %add3A_177 = arith.addi %mul3A_175, %add3A_176 : i32
        %get3A_178 = arith.index_cast %add3A_177 : i32 to index
        %get3A_179 = tpu.vector_load %arg8[%get3A_178] {strides = array<i32>} : memref<4352xi32, #tpu.memory_space<vmem>>, vector<16xi32>,
        %and3A_180 = arith.constant 16383 : i32
        %and3A_181 = vector.broadcast %and3A_180 : i32 to vector<16xi32>
        %and3A_182 = arith.andi %get3A_179, %and3A_181 : vector<16xi32>
        %mul3A_183 = arith.constant 64 : i32
        %mul3A_184 = arith.muli %rem3A_129, %mul3A_183 : i32
        %add3A_185 = arith.constant 48 : i32
        %add3A_186 = arith.addi %mul3A_184, %add3A_185 : i32
        %swap3A_187 = arith.index_cast %add3A_186 : i32 to index
        %swap3A_188 = tpu.vector_load %arg9[%swap3A_187] {strides = array<i32>} : memref<128xi32, #tpu.memory_space<vmem>>, vector<16xi32>,
        tpu.vector_store %arg9[%swap3A_187], %and3A_182 {strides = array<i32>} : memref<128xi32, #tpu.memory_space<vmem>>, vector<16xi32>,
        %mul3A_189 = arith.constant 64 : i32
        %mul3A_190 = arith.muli %rem3A_129, %mul3A_189 : i32
        %mul3A_191 = arith.constant 64 : i32
        %mul3A_192 = arith.muli %rem3A_129, %mul3A_191 : i32
        %dma_start3A_193 = arith.constant 0 : i32
        %dma_start3A_194 = tpu.memref_slice %arg6[%mul3A_192, %dma_start3A_193] : memref<128x256xf32, #tpu.memory_space<vmem>> -> memref<64x256xf32, #tpu.memory_space<vmem>>
        %dma_start3A_195 = tpu.memref_slice %arg9[%mul3A_190] : memref<128xi32, #tpu.memory_space<vmem>> -> memref<64xi32, #tpu.memory_space<vmem>>
        %dma_start3A_196 = arith.constant 0 : i32
        %dma_start3A_197 = arith.constant 0 : i32
        %dma_start3A_198 = tpu.memref_slice %arg3[%dma_start3A_196, %dma_start3A_197] : memref<10000x256xf32, #tpu.memory_space<hbm>> -> memref<10000x256xf32, #tpu.memory_space<hbm>>
        tpu.enqueue_indirect_dma source(%dma_start3A_198 : memref<10000x256xf32, #tpu.memory_space<hbm>>) target(%dma_start3A_194 : memref<64x256xf32, #tpu.memory_space<vmem>>) offsets(%dma_start3A_195 : memref<64xi32, #tpu.memory_space<vmem>>) semaphore(%arg10 : memref<!tpu.dma_semaphore, #tpu.memory_space<semaphore_mem>>)
      } else {
      }
      %mul3A_114 = arith.constant 64 : i32
      %mul3A_115 = arith.muli %rem3A_99, %mul3A_114 : i32
      %scan3A_116 = arith.constant 0 : i32
      %scan3A_117 = arith.constant 0 : i32
      %scan3A_118 = arith.constant 64 : i32
      %scan3A_119 = arith.addi %scan3A_117, %scan3A_118 : i32
      %scan3A_120 = arith.constant 1 : i32
      %scan3A_121 = scf.for %scan3A_124 = %scan3A_117 to %scan3A_119 step %scan3A_120 iter_args(%scan3A_125 = %scan3A_116) -> (i32)  : i32 {
        %mul3A_126 = arith.constant 64 : i32
        %mul3A_127 = arith.muli %while3A_96, %mul3A_126 : i32
        %add3A_128 = arith.addi %mul3A_127, %scan3A_124 : i32
        %get3A = arith.index_cast %add3A_128 : i32 to index
        %get3A_129 = tpu.vector_load %arg8[%get3A] {strides = array<i32>} : memref<4352xi32, #tpu.memory_space<vmem>>, vector<16xi32>,
        %slice3A = vector.extract_strided_slice %get3A_129 {offsets = [0], sizes = [1], strides = [1]} : vector<16xi32> to vector<1xi32>
        %squeeze3A = vector.extract %slice3A[0] : i32 from vector<1xi32>
        %shift_right_arithmetic3A = arith.constant 14 : i32
        %shift_right_arithmetic3A_130 = arith.shrsi %squeeze3A, %shift_right_arithmetic3A : i32
        %sub3A_131 = arith.subi %shift_right_arithmetic3A_130, %mul3A_2 : i32
        %add3A_132 = arith.addi %mul3A_115, %scan3A_124 : i32
        %get3A_133 = arith.index_cast %add3A_132 : i32 to index
        %get3A_134 = arith.constant 0 : index
        %get3A_135 = tpu.vector_load %arg6[%get3A_133, %get3A_134] {strides = array<i32>} : memref<128x256xf32, #tpu.memory_space<vmem>>, vector<16xf32>,
        %add3A_136 = arith.addi %mul3A_115, %scan3A_124 : i32
        %get3A_137 = arith.index_cast %add3A_136 : i32 to index
        %get3A_138 = arith.constant 16 : index
        %get3A_139 = tpu.vector_load %arg6[%get3A_137, %get3A_138] {strides = array<i32>} : memref<128x256xf32, #tpu.memory_space<vmem>>, vector<16xf32>,
        %add3A_140 = arith.addi %mul3A_115, %scan3A_124 : i32
        %get3A_141 = arith.index_cast %add3A_140 : i32 to index
        %get3A_142 = arith.constant 32 : index
        %get3A_143 = tpu.vector_load %arg6[%get3A_141, %get3A_142] {strides = array<i32>} : memref<128x256xf32, #tpu.memory_space<vmem>>, vector<16xf32>,
        %add3A_144 = arith.addi %mul3A_115, %scan3A_124 : i32
        %get3A_145 = arith.index_cast %add3A_144 : i32 to index
        %get3A_146 = arith.constant 48 : index
        %get3A_147 = tpu.vector_load %arg6[%get3A_145, %get3A_146] {strides = array<i32>} : memref<128x256xf32, #tpu.memory_space<vmem>>, vector<16xf32>,
        %add3A_148 = arith.addi %mul3A_115, %scan3A_124 : i32
        %get3A_149 = arith.index_cast %add3A_148 : i32 to index
        %get3A_150 = arith.constant 64 : index
        %get3A_151 = tpu.vector_load %arg6[%get3A_149, %get3A_150] {strides = array<i32>} : memref<128x256xf32, #tpu.memory_space<vmem>>, vector<16xf32>,
        %add3A_152 = arith.addi %mul3A_115, %scan3A_124 : i32
        %get3A_153 = arith.index_cast %add3A_152 : i32 to index
        %get3A_154 = arith.constant 80 : index
        %get3A_155 = tpu.vector_load %arg6[%get3A_153, %get3A_154] {strides = array<i32>} : memref<128x256xf32, #tpu.memory_space<vmem>>, vector<16xf32>,
        %add3A_156 = arith.addi %mul3A_115, %scan3A_124 : i32
        %get3A_157 = arith.index_cast %add3A_156 : i32 to index
        %get3A_158 = arith.constant 96 : index
        %get3A_159 = tpu.vector_load %arg6[%get3A_157, %get3A_158] {strides = array<i32>} : memref<128x256xf32, #tpu.memory_space<vmem>>, vector<16xf32>,
        %add3A_160 = arith.addi %mul3A_115, %scan3A_124 : i32
        %get3A_161 = arith.index_cast %add3A_160 : i32 to index
        %get3A_162 = arith.constant 112 : index
        %get3A_163 = tpu.vector_load %arg6[%get3A_161, %get3A_162] {strides = array<i32>} : memref<128x256xf32, #tpu.memory_space<vmem>>, vector<16xf32>,
        %add3A_164 = arith.addi %mul3A_115, %scan3A_124 : i32
        %get3A_165 = arith.index_cast %add3A_164 : i32 to index
        %get3A_166 = arith.constant 128 : index
        %get3A_167 = tpu.vector_load %arg6[%get3A_165, %get3A_166] {strides = array<i32>} : memref<128x256xf32, #tpu.memory_space<vmem>>, vector<16xf32>,
        %add3A_168 = arith.addi %mul3A_115, %scan3A_124 : i32
        %get3A_169 = arith.index_cast %add3A_168 : i32 to index
        %get3A_170 = arith.constant 144 : index
        %get3A_171 = tpu.vector_load %arg6[%get3A_169, %get3A_170] {strides = array<i32>} : memref<128x256xf32, #tpu.memory_space<vmem>>, vector<16xf32>,
        %add3A_172 = arith.addi %mul3A_115, %scan3A_124 : i32
        %get3A_173 = arith.index_cast %add3A_172 : i32 to index
        %get3A_174 = arith.constant 160 : index
        %get3A_175 = tpu.vector_load %arg6[%get3A_173, %get3A_174] {strides = array<i32>} : memref<128x256xf32, #tpu.memory_space<vmem>>, vector<16xf32>,
        %add3A_176 = arith.addi %mul3A_115, %scan3A_124 : i32
        %get3A_177 = arith.index_cast %add3A_176 : i32 to index
        %get3A_178 = arith.constant 176 : index
        %get3A_179 = tpu.vector_load %arg6[%get3A_177, %get3A_178] {strides = array<i32>} : memref<128x256xf32, #tpu.memory_space<vmem>>, vector<16xf32>,
        %add3A_180 = arith.addi %mul3A_115, %scan3A_124 : i32
        %get3A_181 = arith.index_cast %add3A_180 : i32 to index
        %get3A_182 = arith.constant 192 : index
        %get3A_183 = tpu.vector_load %arg6[%get3A_181, %get3A_182] {strides = array<i32>} : memref<128x256xf32, #tpu.memory_space<vmem>>, vector<16xf32>,
        %add3A_184 = arith.addi %mul3A_115, %scan3A_124 : i32
        %get3A_185 = arith.index_cast %add3A_184 : i32 to index
        %get3A_186 = arith.constant 208 : index
        %get3A_187 = tpu.vector_load %arg6[%get3A_185, %get3A_186] {strides = array<i32>} : memref<128x256xf32, #tpu.memory_space<vmem>>, vector<16xf32>,
        %add3A_188 = arith.addi %mul3A_115, %scan3A_124 : i32
        %get3A_189 = arith.index_cast %add3A_188 : i32 to index
        %get3A_190 = arith.constant 224 : index
        %get3A_191 = tpu.vector_load %arg6[%get3A_189, %get3A_190] {strides = array<i32>} : memref<128x256xf32, #tpu.memory_space<vmem>>, vector<16xf32>,
        %add3A_192 = arith.addi %mul3A_115, %scan3A_124 : i32
        %get3A_193 = arith.index_cast %add3A_192 : i32 to index
        %get3A_194 = arith.constant 240 : index
        %get3A_195 = tpu.vector_load %arg6[%get3A_193, %get3A_194] {strides = array<i32>} : memref<128x256xf32, #tpu.memory_space<vmem>>, vector<16xf32>,
        %swap3A_196 = arith.index_cast %sub3A_131 : i32 to index
        %swap3A_197 = arith.constant 0 : index
        %swap3A_198 = tpu.vector_load %arg5[%swap3A_196, %swap3A_197] {strides = array<i32>} : memref<321x256xf32, #tpu.memory_space<vmem>>, vector<16xf32>,
        tpu.vector_store %arg5[%swap3A_196, %swap3A_197], %get3A_135 {add = true, strides = array<i32>} : memref<321x256xf32, #tpu.memory_space<vmem>>, vector<16xf32>,
        %swap3A_199 = arith.index_cast %sub3A_131 : i32 to index
        %swap3A_200 = arith.constant 16 : index
        %swap3A_201 = tpu.vector_load %arg5[%swap3A_199, %swap3A_200] {strides = array<i32>} : memref<321x256xf32, #tpu.memory_space<vmem>>, vector<16xf32>,
        tpu.vector_store %arg5[%swap3A_199, %swap3A_200], %get3A_139 {add = true, strides = array<i32>} : memref<321x256xf32, #tpu.memory_space<vmem>>, vector<16xf32>,
        %swap3A_202 = arith.index_cast %sub3A_131 : i32 to index
        %swap3A_203 = arith.constant 32 : index
        %swap3A_204 = tpu.vector_load %arg5[%swap3A_202, %swap3A_203] {strides = array<i32>} : memref<321x256xf32, #tpu.memory_space<vmem>>, vector<16xf32>,
        tpu.vector_store %arg5[%swap3A_202, %swap3A_203], %get3A_143 {add = true, strides = array<i32>} : memref<321x256xf32, #tpu.memory_space<vmem>>, vector<16xf32>,
        %swap3A_205 = arith.index_cast %sub3A_131 : i32 to index
        %swap3A_206 = arith.constant 48 : index
        %swap3A_207 = tpu.vector_load %arg5[%swap3A_205, %swap3A_206] {strides = array<i32>} : memref<321x256xf32, #tpu.memory_space<vmem>>, vector<16xf32>,
        tpu.vector_store %arg5[%swap3A_205, %swap3A_206], %get3A_147 {add = true, strides = array<i32>} : memref<321x256xf32, #tpu.memory_space<vmem>>, vector<16xf32>,
        %swap3A_208 = arith.index_cast %sub3A_131 : i32 to index
        %swap3A_209 = arith.constant 64 : index
        %swap3A_210 = tpu.vector_load %arg5[%swap3A_208, %swap3A_209] {strides = array<i32>} : memref<321x256xf32, #tpu.memory_space<vmem>>, vector<16xf32>,
        tpu.vector_store %arg5[%swap3A_208, %swap3A_209], %get3A_151 {add = true, strides = array<i32>} : memref<321x256xf32, #tpu.memory_space<vmem>>, vector<16xf32>,
        %swap3A_211 = arith.index_cast %sub3A_131 : i32 to index
        %swap3A_212 = arith.constant 80 : index
        %swap3A_213 = tpu.vector_load %arg5[%swap3A_211, %swap3A_212] {strides = array<i32>} : memref<321x256xf32, #tpu.memory_space<vmem>>, vector<16xf32>,
        tpu.vector_store %arg5[%swap3A_211, %swap3A_212], %get3A_155 {add = true, strides = array<i32>} : memref<321x256xf32, #tpu.memory_space<vmem>>, vector<16xf32>,
        %swap3A_214 = arith.index_cast %sub3A_131 : i32 to index
        %swap3A_215 = arith.constant 96 : index
        %swap3A_216 = tpu.vector_load %arg5[%swap3A_214, %swap3A_215] {strides = array<i32>} : memref<321x256xf32, #tpu.memory_space<vmem>>, vector<16xf32>,
        tpu.vector_store %arg5[%swap3A_214, %swap3A_215], %get3A_159 {add = true, strides = array<i32>} : memref<321x256xf32, #tpu.memory_space<vmem>>, vector<16xf32>,
        %swap3A_217 = arith.index_cast %sub3A_131 : i32 to index
        %swap3A_218 = arith.constant 112 : index
        %swap3A_219 = tpu.vector_load %arg5[%swap3A_217, %swap3A_218] {strides = array<i32>} : memref<321x256xf32, #tpu.memory_space<vmem>>, vector<16xf32>,
        tpu.vector_store %arg5[%swap3A_217, %swap3A_218], %get3A_163 {add = true, strides = array<i32>} : memref<321x256xf32, #tpu.memory_space<vmem>>, vector<16xf32>,
        %swap3A_220 = arith.index_cast %sub3A_131 : i32 to index
        %swap3A_221 = arith.constant 128 : index
        %swap3A_222 = tpu.vector_load %arg5[%swap3A_220, %swap3A_221] {strides = array<i32>} : memref<321x256xf32, #tpu.memory_space<vmem>>, vector<16xf32>,
        tpu.vector_store %arg5[%swap3A_220, %swap3A_221], %get3A_167 {add = true, strides = array<i32>} : memref<321x256xf32, #tpu.memory_space<vmem>>, vector<16xf32>,
        %swap3A_223 = arith.index_cast %sub3A_131 : i32 to index
        %swap3A_224 = arith.constant 144 : index
        %swap3A_225 = tpu.vector_load %arg5[%swap3A_223, %swap3A_224] {strides = array<i32>} : memref<321x256xf32, #tpu.memory_space<vmem>>, vector<16xf32>,
        tpu.vector_store %arg5[%swap3A_223, %swap3A_224], %get3A_171 {add = true, strides = array<i32>} : memref<321x256xf32, #tpu.memory_space<vmem>>, vector<16xf32>,
        %swap3A_226 = arith.index_cast %sub3A_131 : i32 to index
        %swap3A_227 = arith.constant 160 : index
        %swap3A_228 = tpu.vector_load %arg5[%swap3A_226, %swap3A_227] {strides = array<i32>} : memref<321x256xf32, #tpu.memory_space<vmem>>, vector<16xf32>,
        tpu.vector_store %arg5[%swap3A_226, %swap3A_227], %get3A_175 {add = true, strides = array<i32>} : memref<321x256xf32, #tpu.memory_space<vmem>>, vector<16xf32>,
        %swap3A_229 = arith.index_cast %sub3A_131 : i32 to index
        %swap3A_230 = arith.constant 176 : index
        %swap3A_231 = tpu.vector_load %arg5[%swap3A_229, %swap3A_230] {strides = array<i32>} : memref<321x256xf32, #tpu.memory_space<vmem>>, vector<16xf32>,
        tpu.vector_store %arg5[%swap3A_229, %swap3A_230], %get3A_179 {add = true, strides = array<i32>} : memref<321x256xf32, #tpu.memory_space<vmem>>, vector<16xf32>,
        %swap3A_232 = arith.index_cast %sub3A_131 : i32 to index
        %swap3A_233 = arith.constant 192 : index
        %swap3A_234 = tpu.vector_load %arg5[%swap3A_232, %swap3A_233] {strides = array<i32>} : memref<321x256xf32, #tpu.memory_space<vmem>>, vector<16xf32>,
        tpu.vector_store %arg5[%swap3A_232, %swap3A_233], %get3A_183 {add = true, strides = array<i32>} : memref<321x256xf32, #tpu.memory_space<vmem>>, vector<16xf32>,
        %swap3A_235 = arith.index_cast %sub3A_131 : i32 to index
        %swap3A_236 = arith.constant 208 : index
        %swap3A_237 = tpu.vector_load %arg5[%swap3A_235, %swap3A_236] {strides = array<i32>} : memref<321x256xf32, #tpu.memory_space<vmem>>, vector<16xf32>,
        tpu.vector_store %arg5[%swap3A_235, %swap3A_236], %get3A_187 {add = true, strides = array<i32>} : memref<321x256xf32, #tpu.memory_space<vmem>>, vector<16xf32>,
        %swap3A_238 = arith.index_cast %sub3A_131 : i32 to index
        %swap3A_239 = arith.constant 224 : index
        %swap3A_240 = tpu.vector_load %arg5[%swap3A_238, %swap3A_239] {strides = array<i32>} : memref<321x256xf32, #tpu.memory_space<vmem>>, vector<16xf32>,
        tpu.vector_store %arg5[%swap3A_238, %swap3A_239], %get3A_191 {add = true, strides = array<i32>} : memref<321x256xf32, #tpu.memory_space<vmem>>, vector<16xf32>,
        %swap3A_241 = arith.index_cast %sub3A_131 : i32 to index
        %swap3A_242 = arith.constant 240 : index
        %swap3A_243 = tpu.vector_load %arg5[%swap3A_241, %swap3A_242] {strides = array<i32>} : memref<321x256xf32, #tpu.memory_space<vmem>>, vector<16xf32>,
        tpu.vector_store %arg5[%swap3A_241, %swap3A_242], %get3A_195 {add = true, strides = array<i32>} : memref<321x256xf32, #tpu.memory_space<vmem>>, vector<16xf32>,
        %scan3A_244 = arith.constant 0 : i32
        scf.yield %scan3A_244 : i32
      }
      %scan3A_122 = arith.constant 64 : i32
      %while3A_123 = arith.constant 0 : i32
      scf.yield %while3A_123 : i32
    }
    %mul3A_93 = arith.constant 64 : i32
    %mul3A_94 = arith.muli %select_n3A, %mul3A_93 : i32
    %sub3A_95 = arith.subi %scan3A_34, %mul3A_94 : i32
    "tpu.region"() ({
      %run_scoped3A = tpu.sem_alloc : memref<!tpu.dma_semaphore, #tpu.memory_space<semaphore_mem>>
      %dma_start3A_96 = arith.constant 0 : i32
      %dma_start3A_97 = arith.constant 0 : i32
      %dma_start3A_98 = tpu.memref_slice %arg5[%dma_start3A_96, %dma_start3A_97] : memref<321x256xf32, #tpu.memory_space<vmem>> -> memref<320x256xf32, #tpu.memory_space<vmem>>
      %dma_start3A_99 = arith.constant 0 : i32
      %dma_start3A_100 = tpu.memref_slice %arg4[%mul3A_2, %dma_start3A_99] : memref<10240x256xf32, #tpu.memory_space<hbm>> -> memref<320x256xf32, #tpu.memory_space<hbm>>
      %dma_start3A_101 = arith.constant 0 : i32
      %dma_start3A_102 = tpu.memref_slice %arg4[%mul3A_2, %dma_start3A_101] : memref<10240x256xf32, #tpu.memory_space<hbm>> -> memref<320x256xf32, #tpu.memory_space<hbm>>
      %dma_start3A_103 = arith.constant 0 : i32
      %dma_start3A_104 = arith.constant 0 : i32
      %dma_start3A_105 = tpu.memref_slice %arg5[%dma_start3A_103, %dma_start3A_104] : memref<321x256xf32, #tpu.memory_space<vmem>> -> memref<320x256xf32, #tpu.memory_space<vmem>>
      tpu.enqueue_dma source(%dma_start3A_105 : memref<320x256xf32, #tpu.memory_space<vmem>>) target(%dma_start3A_102 : memref<320x256xf32, #tpu.memory_space<hbm>>) target_semaphore(%run_scoped3A : memref<!tpu.dma_semaphore, #tpu.memory_space<semaphore_mem>>)
      %dma_wait3A = arith.constant 0 : i32
      %dma_wait3A_106 = arith.constant 0 : i32
      %dma_wait3A_107 = tpu.memref_slice %arg5[%dma_wait3A, %dma_wait3A_106] : memref<321x256xf32, #tpu.memory_space<vmem>> -> memref<320x256xf32, #tpu.memory_space<vmem>>
      %dma_wait3A_108 = arith.constant 0 : i32
      %dma_wait3A_109 = tpu.memref_slice %arg4[%mul3A_2, %dma_wait3A_108] : memref<10240x256xf32, #tpu.memory_space<hbm>> -> memref<320x256xf32, #tpu.memory_space<hbm>>
      %dma_wait3A_110 = arith.constant 0 : i32
      %dma_wait3A_111 = tpu.memref_slice %arg4[%mul3A_2, %dma_wait3A_110] : memref<10240x256xf32, #tpu.memory_space<hbm>> -> memref<320x256xf32, #tpu.memory_space<hbm>>
      %dma_wait3A_112 = arith.constant 0 : i32
      %dma_wait3A_113 = arith.constant 0 : i32
      %dma_wait3A_114 = tpu.memref_slice %arg5[%dma_wait3A_112, %dma_wait3A_113] : memref<321x256xf32, #tpu.memory_space<vmem>> -> memref<320x256xf32, #tpu.memory_space<vmem>>
      tpu.wait_dma2 semaphore(%run_scoped3A : memref<!tpu.dma_semaphore, #tpu.memory_space<semaphore_mem>>) src(%dma_wait3A_114 : memref<320x256xf32, #tpu.memory_space<vmem>>) dst(%dma_wait3A_111 : memref<320x256xf32, #tpu.memory_space<hbm>>)
      tpu.yield
    }) : () -> ()
    return
  }
}

module attributes {stable_mosaic.version = 14 : i64} {
  func.func @_matmul_body(%arg0: i32, %arg1: memref<1000x256xf32, #tpu.memory_space<vmem>>, %arg2: memref<256x256xf32, #tpu.memory_space<vmem>>, %arg3: memref<1000x1xf32, #tpu.memory_space<vmem>>, %arg4: memref<1000x256xf32, #tpu.memory_space<vmem>>) attributes {dimension_semantics = [#tpu.dimension_semantics<arbitrary>], iteration_bounds = array<i64: 10>, scalar_prefetch = 0 : i64, scratch_operands = 0 : i64, tpu.core_type = #tpu.core_type<tc>, window_params = [{transform_indices = @transform_0, window_bounds = array<i64: 1000, 256>}, {pipeline_mode = #tpu.pipeline_mode<synchronous>, transform_indices = @transform_1, window_bounds = array<i64: 256, 256>}, {transform_indices = @transform_2, window_bounds = array<i64: 1000, 1>}, {transform_indices = @transform_3, window_bounds = array<i64: 1000, 256>}]} {
    %get3A = arith.constant 0 : index
    %get3A_0 = arith.constant 0 : index
    %get3A_1 = vector.load %arg1[%get3A, %get3A_0] : memref<1000x256xf32, #tpu.memory_space<vmem>>, vector<1000x256xf32>
    %get3A_2 = arith.constant 0 : index
    %get3A_3 = arith.constant 0 : index
    %get3A_4 = vector.load %arg2[%get3A_2, %get3A_3] : memref<256x256xf32, #tpu.memory_space<vmem>>, vector<256x256xf32>
    %dot_general3A = arith.constant dense<0.000000e+00> : vector<1000x256xf32>
    %dot_general3A_5 = tpu.matmul %get3A_1, %get3A_4, %dot_general3A {dimension_numbers = #tpu.dot_dimension_numbers<[1], [0], [0], [1], [0, 0, 1, 1], [], []>, transpose_lhs_hint = false} : vector<1000x256xf32>, vector<256x256xf32>, vector<1000x256xf32> -> vector<1000x256xf32>
    %get3A_6 = arith.constant 0 : index
    %get3A_7 = arith.constant 0 : index
    %get3A_8 = vector.load %arg3[%get3A_6, %get3A_7] : memref<1000x1xf32, #tpu.memory_space<vmem>>, vector<1000x1xf32>
    %mul3A = vector.broadcast %get3A_8 : vector<1000x1xf32> to vector<1000x256xf32>
    %mul3A_9 = arith.mulf %dot_general3A_5, %mul3A : vector<1000x256xf32>
    %swap3A = arith.constant 0 : index
    %swap3A_10 = arith.constant 0 : index
    %swap3A_11 = vector.load %arg4[%swap3A, %swap3A_10] : memref<1000x256xf32, #tpu.memory_space<vmem>>, vector<1000x256xf32>
    tpu.vector_store %arg4[%swap3A, %swap3A_10], %mul3A_9 {strides = array<i32>} : memref<1000x256xf32, #tpu.memory_space<vmem>>, vector<1000x256xf32>,
    return
  }
  func.func @transform_0(%arg0: i32) -> (i32, i32) {
    %c0_i32 = arith.constant 0 : i32
    %c0_i32_0 = arith.constant 0 : i32
    return %arg0, %c0_i32 : i32, i32
  }
  func.func @transform_1(%arg0: i32) -> (i32, i32) {
    %c0_i32 = arith.constant 0 : i32
    %c0_i32_0 = arith.constant 0 : i32
    %c0_i32_1 = arith.constant 0 : i32
    return %c0_i32, %c0_i32_0 : i32, i32
  }
  func.func @transform_2(%arg0: i32) -> (i32, i32) {
    %c0_i32 = arith.constant 0 : i32
    %c0_i32_0 = arith.constant 0 : i32
    return %arg0, %c0_i32 : i32, i32
  }
  func.func @transform_3(%arg0: i32) -> (i32, i32) {
    %c0_i32 = arith.constant 0 : i32
    %c0_i32_0 = arith.constant 0 : i32
    return %arg0, %c0_i32 : i32, i32
  }
}

module attributes {stable_mosaic.version = 14 : i64} {
  func.func @_final_body(%arg0: i32, %arg1: memref<1000x256xf32, #tpu.memory_space<vmem>>, %arg2: memref<1000x256xf32, #tpu.memory_space<vmem>>, %arg3: memref<1000x1xf32, #tpu.memory_space<vmem>>, %arg4: memref<1x256xf32, #tpu.memory_space<vmem>>, %arg5: memref<1000x256xf32, #tpu.memory_space<vmem>>) attributes {dimension_semantics = [#tpu.dimension_semantics<arbitrary>], iteration_bounds = array<i64: 10>, scalar_prefetch = 0 : i64, scratch_operands = 0 : i64, tpu.core_type = #tpu.core_type<tc>, window_params = [{transform_indices = @transform_0, window_bounds = array<i64: 1000, 256>}, {transform_indices = @transform_1, window_bounds = array<i64: 1000, 256>}, {transform_indices = @transform_2, window_bounds = array<i64: 1000, 1>}, {pipeline_mode = #tpu.pipeline_mode<synchronous>, transform_indices = @transform_3, window_bounds = array<i64: 1, 256>}, {transform_indices = @transform_4, window_bounds = array<i64: 1000, 256>}]} {
    %get3A = arith.constant 0 : index
    %get3A_0 = arith.constant 0 : index
    %get3A_1 = vector.load %arg3[%get3A, %get3A_0] : memref<1000x1xf32, #tpu.memory_space<vmem>>, vector<1000x1xf32>
    %get3A_2 = arith.constant 0 : index
    %get3A_3 = arith.constant 0 : index
    %get3A_4 = vector.load %arg1[%get3A_2, %get3A_3] : memref<1000x256xf32, #tpu.memory_space<vmem>>, vector<1000x256xf32>
    %get3A_5 = arith.constant 0 : index
    %get3A_6 = arith.constant 0 : index
    %get3A_7 = vector.load %arg2[%get3A_5, %get3A_6] : memref<1000x256xf32, #tpu.memory_space<vmem>>, vector<1000x256xf32>
    %add3A = arith.addf %get3A_4, %get3A_7 : vector<1000x256xf32>
    %mul3A = vector.broadcast %get3A_1 : vector<1000x1xf32> to vector<1000x256xf32>
    %mul3A_8 = arith.mulf %mul3A, %add3A : vector<1000x256xf32>
    %get3A_9 = arith.constant 0 : index
    %get3A_10 = arith.constant 0 : index
    %get3A_11 = vector.load %arg4[%get3A_9, %get3A_10] : memref<1x256xf32, #tpu.memory_space<vmem>>, vector<1x256xf32>
    %add3A_12 = vector.broadcast %get3A_11 : vector<1x256xf32> to vector<1000x256xf32>
    %add3A_13 = arith.addf %mul3A_8, %add3A_12 : vector<1000x256xf32>
    %swap3A = arith.constant 0 : index
    %swap3A_14 = arith.constant 0 : index
    %swap3A_15 = vector.load %arg5[%swap3A, %swap3A_14] : memref<1000x256xf32, #tpu.memory_space<vmem>>, vector<1000x256xf32>
    tpu.vector_store %arg5[%swap3A, %swap3A_14], %add3A_13 {strides = array<i32>} : memref<1000x256xf32, #tpu.memory_space<vmem>>, vector<1000x256xf32>,
    return
  }
  func.func @transform_0(%arg0: i32) -> (i32, i32) {
    %c0_i32 = arith.constant 0 : i32
    %c0_i32_0 = arith.constant 0 : i32
    return %arg0, %c0_i32 : i32, i32
  }
  func.func @transform_1(%arg0: i32) -> (i32, i32) {
    %c0_i32 = arith.constant 0 : i32
    %c0_i32_0 = arith.constant 0 : i32
    return %arg0, %c0_i32 : i32, i32
  }
  func.func @transform_2(%arg0: i32) -> (i32, i32) {
    %c0_i32 = arith.constant 0 : i32
    %c0_i32_0 = arith.constant 0 : i32
    return %arg0, %c0_i32 : i32, i32
  }
  func.func @transform_3(%arg0: i32) -> (i32, i32) {
    %c0_i32 = arith.constant 0 : i32
    %c0_i32_0 = arith.constant 0 : i32
    %c0_i32_1 = arith.constant 0 : i32
    return %c0_i32, %c0_i32_0 : i32, i32
  }
  func.func @transform_4(%arg0: i32) -> (i32, i32) {
    %c0_i32 = arith.constant 0 : i32
    %c0_i32_0 = arith.constant 0 : i32
    return %arg0, %c0_i32 : i32, i32
  }
}

</mosaic_0001>

<sc_bundles>
// kernel: kernel.6.cloned.1.call-start
scs
__scs_entry_jumppad:
0x0: {  	(pc) =	sbr.rel $0x88, $3  }
0x1: {  	(tag) =	ssettag $0x0;
	lr =	simm.s32 $0x1  }
0x2: {  	[smem:$0x3F9D] =	sst lr;
	_ =	strace $0xD0000000  }
0x3: {  	_ = 	snop  }
0x4: {  	_ = 	snop  }
0x5: {  	_ = 	snop  }
0x6: {  	_ = 	snop  }
0x7: {  	_ = 	snop  }
__scs_overlays_trampoline_lowered:
0x8: {  	[smem:$0x3FAC] =	sst s0  }
0x9: {  	[smem:$0x3FAD] =	sst s1  }
0xa: {  	[smem:$0x3FAE] =	sst s2  }
0xb: {  	[smem:$0x3FAF] =	sst s3  }
0xc: {  	[smem:$0x3FB0] =	sst s4  }
0xd: {  	[smem:$0x3FB1] =	sst s5  }
0xe: {  	[smem:$0x3FB2] =	sst s6  }
0xf: {  	[smem:$0x3FB3] =	sst s7  }
0x10: {  	[smem:$0x3FB4] =	sst s8  }
0x11: {  	[smem:$0x3FB5] =	sst s9;
	s0 =	simm.s32 @!p0 $0x0  }
0x12: {  	s1 =	sld [smem:$0x3F9B];
	s0 =	simm.s32 @p0 $0x1  }
0x13: {  	[smem:$0x3FB6] =	sst s0;
	s0 =	simm.s32 @!p1 $0x0  }
0x14: {  	s2 =	sld [smem:$0x3F9A];
	s0 =	simm.s32 @p1 $0x1  }
0x15: {  	[smem:$0x3FB7] =	sst s0;
	s0 =	simm.s32 @!p2 $0x0  }
0x16: {  	s3 =	sld [smem:$0x3FDB];
	s0 =	simm.s32 @p2 $0x1  }
0x17: {  	s4 =	simm.s32 $0x1BF5;
	[smem:$0x3FB9] =	sst s0  }
0x18: {  	s0 =	sld [smem:$0x3F9C];
	_ =	swait.ge [sflag:s4], $0x0  }
0x19: {  	s7 =	sld [smem:$0x3F9D]  }
0x1a: {  	s8 =	sadd.s32 $0xFFFFE003, lr  }
0x1b: {  	s9 =	sadd.s32 $0xFFFFFEF7, lr;
	s5 =	simm.s32 $0xFFFFFFFF;
	p2 =	slt.u32 s8, $0xFFFFF086  }
0x1c: {  	p1 =	slt.u32 s9, $0xF7A;
	s5 =	simm.s32 @!p2 $0x0  }
0x1d: {  	s5 =	simm.s32 @p1 $0x1;
	p0 =	seq.s32 s7, s2  }
0x1e: {  	s7 =	smul.u32 @!p0 $0xF7A, s2;
	p2 =	seq.s32 @!p0 s5, $0x0  }
0x1f: {  	s9 =	smul.u32 $0xF7A, s1;
	s8 =	simm.s32 @!p0 $0x1BF5;
	p2 =	por !p2, p0  }
0x20: {  	[sflag:s8] =	ssyncset.s32 @!p0 $0xFFFFF086;
	s6 =	sadd.s32 @!p0 s3, s7;
	s7 =	simm.s32 @!p0 $0x108  }
0x21: {  	s3 =	sadd.s32 s3, s9;
	s6 =	sadd.s32 @!p0 $0x88, s6;
	s7 =	simm.s32 @p2 $0x1082  }
0x22: {  	[simem:s7], [sflag:s8] =	dma.local @!p0 [hbm:s6], $0xF7A  }
0x23: {  	s9 =	sor.u32 $0xD0000000, s2;
	s6 =	simm.s32 $0x108;
	_ =	swait.ge @!p0 [sflag:s8], $0x0  }
0x24: {  	s3 =	sadd.s32 $0x88, s3;
	s6 =	simm.s32 @!p1 $0x1082;
	[sflag:s4] =	ssyncset.s32 $0xFFFFF086  }
0x25: {  	[simem:s6], [sflag:s4] =	dma.local [hbm:s3], $0xF7A  }
0x26: {  	[smem:$0x3F9D] =	sst s1;
	(tag) =	ssettag s2;
	_ =	strace s9  }
0x27: {  	s1 =	sld [smem:$0x3FAD]  }
0x28: {  	s2 =	sld [smem:$0x3FAE]  }
0x29: {  	s4 =	sld [smem:$0x3FB0]  }
0x2a: {  	p0 =	seq.s32 s5, $0x0;
	s5 =	sld [smem:$0x3FB1]  }
0x2b: {  	s6 =	sld [smem:$0x3FB2]  }
0x2c: {  	s7 =	sld [smem:$0x3FB3]  }
0x2d: {  	s3 =	simm.s32 $0x108;
	s8 =	sld [smem:$0x3FB4]  }
0x2e: {  	s3 =	simm.s32 @!p0 $0x1082;
	s9 =	sld [smem:$0x3FB5]  }
0x2f: {  	lr =	sadd.s32 s0, s3;
	s0 =	sld [smem:$0x3FAC]  }
0x30: {  	s3 =	sld [smem:$0x3FAF]  }
0x31: {  	[smem:$0x3FB8] =	sst s10  }
0x32: {  	s10 =	sld [smem:$0x3FB6];
	_ =	sdelay $0x3  }
0x33: {  	p0 =	seq.s32 s10, $0x1;
	s10 =	sld [smem:$0x3FB8];
	_ =	sdelay $0x3  }
0x34: {  	[smem:$0x3FB8] =	sst s10  }
0x35: {  	s10 =	sld [smem:$0x3FB7];
	_ =	sdelay $0x3  }
0x36: {  	p1 =	seq.s32 s10, $0x1;
	s10 =	sld [smem:$0x3FB8];
	_ =	sdelay $0x3  }
0x37: {  	[smem:$0x3FB8] =	sst s10  }
0x38: {  	s10 =	sld [smem:$0x3FB9]  }
0x39: {  	_ = 	snop;
	(pc) =	sbr.ind lr, $3  }
0x3a: {  	_ = 	snop  }
0x3b: {  	_ = 	snop  }
0x3c: {  	p2 =	seq.s32 s10, $0x1;
	s10 =	sld [smem:$0x3FB8]  }
0x3d: {  	_ =	shalt  }
0x3e: {  	_ =	shalt  }
0x3f: {  	_ =	shalt  }
0x40: {  	_ =	shalt  }
0x41: {  	_ =	shalt  }
0x42: {  	_ =	shalt  }
0x43: {  	_ =	shalt  }
0x44: {  	_ =	shalt  }
0x45: {  	_ =	shalt  }
0x46: {  	_ =	shalt  }
0x47: {  	_ =	shalt  }
0x48: {  	_ =	shalt  }
0x49: {  	_ =	shalt  }
0x4a: {  	_ =	shalt  }
0x4b: {  	_ =	shalt  }
0x4c: {  	_ =	shalt  }
0x4d: {  	_ =	shalt  }
0x4e: {  	_ =	shalt  }
0x4f: {  	_ =	shalt  }
0x50: {  	_ =	shalt  }
0x51: {  	_ =	shalt  }
0x52: {  	_ =	shalt  }
0x53: {  	_ =	shalt  }
0x54: {  	_ =	shalt  }
0x55: {  	_ =	shalt  }
0x56: {  	_ =	shalt  }
0x57: {  	_ =	shalt  }
0x58: {  	_ =	shalt  }
0x59: {  	_ =	shalt  }
0x5a: {  	_ =	shalt  }
0x5b: {  	_ =	shalt  }
0x5c: {  	_ =	shalt  }
0x5d: {  	_ =	shalt  }
0x5e: {  	_ =	shalt  }
0x5f: {  	_ =	shalt  }
0x60: {  	_ =	shalt  }
0x61: {  	_ =	shalt  }
0x62: {  	_ =	shalt  }
0x63: {  	_ =	shalt  }
0x64: {  	_ =	shalt  }
0x65: {  	_ =	shalt  }
0x66: {  	_ =	shalt  }
0x67: {  	_ =	shalt  }
0x68: {  	_ =	shalt  }
0x69: {  	_ =	shalt  }
0x6a: {  	_ =	shalt  }
0x6b: {  	_ =	shalt  }
0x6c: {  	_ =	shalt  }
0x6d: {  	_ =	shalt  }
0x6e: {  	_ =	shalt  }
0x6f: {  	_ =	shalt  }
0x70: {  	_ =	shalt  }
0x71: {  	_ =	shalt  }
0x72: {  	_ =	shalt  }
0x73: {  	_ =	shalt  }
0x74: {  	_ =	shalt  }
0x75: {  	_ =	shalt  }
0x76: {  	_ =	shalt  }
0x77: {  	_ =	shalt  }
0x78: {  	_ =	shalt  }
0x79: {  	_ =	shalt  }
0x7a: {  	_ =	shalt  }
0x7b: {  	_ =	shalt  }
0x7c: {  	_ =	shalt  }
0x7d: {  	_ =	shalt  }
0x7e: {  	_ =	shalt  }
0x7f: {  	_ =	shalt  }
0x80: {  	_ =	shalt  }
0x81: {  	_ =	shalt  }
0x82: {  	_ =	shalt  }
0x83: {  	_ =	shalt  }
0x84: {  	_ =	shalt  }
0x85: {  	_ =	shalt  }
0x86: {  	_ =	shalt  }
0x87: {  	_ =	shalt  }
.Lfunc_end0:
.L_simem_size_0:
called_computation_lowered:
.L_overlay_start_0:
0x88: {  	s2 =	sld [smem:$0x3FD9]  }
0x89: {  	s3 =	sld [smem:$0x3FFE];
	_ =	sdelay $0x1  }
0x8a: {  	s1 =	srdreg.scid  }
0x8b: {  	s0 =	sand.u32 $0x1, s1  }
0x8c: {  	s17 =	sshll.u32 s0, $0xA;
	s2 =	sadd.s32 s3, s2  }
0x8d: {  	s2 =	sadd.s32 s2, s17  }
0x8e: {  	[smem:$0x3FC4] =	sst s2  }
0x8f: {  	_ = 	snop  }
0x90: {  	s2 =	sld [smem:$0x3FD0];
	(tm) =	ssettm $0x1  }
0x91: {  	s18 =	sld [smem:$0x3FFB];
	_ =	sdelay $0x3  }
0x92: {  	_ =	strace s18  }
0x93: {  	s3 =	sld [smem:$0x3FFC];
	_ =	sdelay $0x3  }
0x94: {  	_ =	strace s3  }
0x95: {  	s3 =	sld [smem:$0x3FFD];
	_ =	sdelay $0x3  }
0x96: {  	_ =	strace s3  }
0x97: {  	_ =	strace $0x8FFFFFFF  }
0x98: {  	s19 =	sld [smem:$0x3FDB];
	_ =	sdelay $0x1  }
0x99: {  	s4 =	simm.s32 $_scs_section_size  }
0x9a: {  	s5 =	simm.s32 $_size__tile_overlayer_lowered;
	s6 =	simm.s32 $_tile_overlayer_lowered  }
0x9b: {  	s22 =	simm.s32 $0x1BFF;
	s21 =	sshll.u32 s6, $0x1;
	s3 =	sadd.s32 s4, s19  }
0x9c: {  	s7 =	simm.s32 $0x0;
	s20 =	sshll.u32 s5, $0x1;
	s5 =	sadd.s32 s21, s3  }
0x9d: {  	[timem:s7], [sflag:s22] =	dma.local [hbm:s5], s20  }
0x9e: {  	_ =	swait.ge [sflag:s22], s20  }
0x9f: {  	s4 =	ssub.s32 $0x0, s20;
	[sflag:s22] =	ssyncset.done $0x0  }
0xa0: {  	[sflag:s22] =	ssyncadd.s32 s4;
	_ =	sdelay $0x1  }
0xa1: {  	s23 =	simm.s32 $0x1B8B  }
0xa2: {  	_ =	swait.ge [sflag:s23], $0x1  }
0xa3: {  	[sflag:s23] =	ssyncset.done $0x0  }
0xa4: {  	s25 =	simm.s32 $0x1B8E;
	s24 =	sld [smem:$0x3FFE];
	[sflag:s23] =	ssyncadd.s32 $0xFFFFFFFF  }
0xa5: {  	s26 =	simm.s32 $execute0_lowered;
	[smem:$0x3FD2] =	sst s25  }
0xa6: {  	s5 =	sshll.u32 s26, $0x1;
	_ =	strace $0x80000046;
	[dreg:$0x1] =	wrdreg $0xFFFFFFFF  }
0xa7: {  	s28 =	simm.s32 $_size_execute0_lowered;
	s3 =	sadd.s32 s3, s5;
	[dreg:$0x0] =	wrdreg $0x0  }
0xa8: {  	s5 =	sshll.u32 s28, $0x1;
	[dreg:$0x2] =	wrdreg s3  }
0xa9: {  	[dreg:$0x3] =	wrdreg s5  }
0xaa: {  	[dreg:$0x4] =	wrdreg $0xC0  }
0xab: {  	_ =	task [dreg:s7], $0x5FFFF  }
0xac: {  	[dreg:$0x1] =	wrdreg $0xFFFFFFFF  }
0xad: {  	[dreg:$0x0] =	wrdreg $0x60  }
0xae: {  	[dreg:$0x2] =	wrdreg s2  }
0xaf: {  	[dreg:$0x3] =	wrdreg s24  }
0xb0: {  	[dreg:$0x4] =	wrdreg $0x0  }
0xb1: {  	[dreg:$0x5] =	wrdreg $0x9  }
0xb2: {  	_ =	task.clear_ibuf [dreg:s7], $0x6FFFF;
	_ =	strace $0x90000046  }
0xb3: {  	s29 =	simm.s32 $0x9;
	_ =	strace $0x80000048  }
0xb4: {  	_ =	swait.ge [sflag:s29], $0x1  }
0xb5: {  	[sflag:s29] =	ssyncadd.s32 $0xFFFFFFFF  }
0xb6: {  	_ =	strace $0x90000048  }
0xb7: {  	_ =	sfence  }
0xb8: {  	s30 =	sld [smem:$0x0];
	_ =	sdelay $0x2  }
0xb9: {  	s31 =	sshll.u32 s1, $0xD;
	s1 =	sshrl.u32 s1, $0x2  }
0xba: {  	s3 =	sand.u32 $0x4000, s31;
	s1 =	sadd.s32 s1, s30  }
0xbb: {  	s0 =	sor.u32 s3, s0;
	s1 =	sshll.u32 s1, $0x11  }
0xbc: {  	s0 =	sor.u32 s1, s0  }
0xbd: {  	s0 =	sadd.s32 $0x8F2B, s0  }
0xbe: {  	[sflag:s0] =	ssyncadd.remote.s32 $0x1  }
0xbf: {  	_ =	sfence.sel $0xFFFF  }
0xc0: {  	[dreg:$0x0] =	wrdreg $0xFFFFFFFF;
	(pc) =	sbr.abs _section_cstart, $3  }
0xc1: {  	[dreg:$0x1] =	wrdreg $0xFFFFFFFF  }
0xc2: {  	_ =	task.clear_ibuf [dreg:s7], $0x2FFFF;
	_ =	strace $0x9FFFFFFF  }
0xc3: {  	(tm) =	ssettm $0x7FFFFFFF  }
tec
execute0_lowered:
.L_overlay_start_1:
0x0: {  	(tag) =	ssettag $0x1  }
0x1: {  	s0 =	rddreg [dreg:$0x0]  }
0x2: {  	s1 =	rddreg [dreg:$0x1]  }
0x3: {  	s2 =	srdreg.scid;
	s8 =	stileid.u32  }
0x4: {  	s5 =	rddreg [dreg:$0x2];
	s6 =	simm.s32 $0x0;
	s4 =	smul.u32 $0x140, s8  }
0x5: {  	s24 =	simm.s32 $0x1;
	s29 =	simm.s32 $0x9FC0;
	s25 =	smul.u32 $0x520, s8  }
0x6: {  	s30 =	simm.s32 $0xA100;
	s2 =	sand.u32 $0x1, s2;
	s8 =	smul.u32 $0xA000, s8  }
0x7: {  	s31 =	simm.s32 $0xA240;
	[smem:$0x7FF] =	sst s6;
	s3 =	smul.u32 $0x1400, s2  }
0x8: {  	s23 =	simm.s32 $0xA600;
	s2 =	ssub.s32 $0x2, s2;
	_ =	strace $0x80000047  }
0x9: {  	s7 =	sshrl.u32 s2, $0x1;
	s28 =	sshrl.u32 s8, $0x2;
	s4 =	sadd.s32 s4, s3  }
0xa: {  	s2 =	ssub.s32 s2, s7;
	s3 =	sadd.s32 s0, s25;
	s25 =	simm.s32 $0x2800  }
0xb: {  	s0 =	simm.s32 $0xA380;
	s26 =	sshrl.u32 s4, $0x3;
	s4 =	sadd.s32 s4, s5  }
0xc: {  	s5 =	sadd.s32 s28, s5;
	s22 =	smax.u32 s2, $0x1;
	s2 =	simm.s32 $0x0  }
0xd: {  	s1 =	sadd.s32 s26, s1;
	s6 =	sadd.s32 $0x2800, s4;
	s7 =	sadd.s32 $0x5000, s4  }
0xe: {  	s8 =	sadd.s32 $0x7800, s4;
	s9 =	sadd.s32 $0xA000, s4;
	s10 =	sadd.s32 $0xC800, s4  }
0xf: {  	s11 =	sadd.s32 $0xF000, s4;
	s12 =	sadd.s32 $0x11800, s4;
	s13 =	sadd.s32 $0x14000, s4  }
0x10: {  	s14 =	sadd.s32 $0x16800, s4;
	s15 =	sadd.s32 $0x19000, s4;
	s16 =	sadd.s32 $0x1B800, s4  }
0x11: {  	s17 =	sadd.s32 $0x1E000, s4;
	s18 =	sadd.s32 $0x20800, s4;
	s19 =	sadd.s32 $0x23000, s4  }
0x12: {  	v0 =	vimm.f32 $0.0e+00;
	s20 =	sadd.s32 $0x25800, s4;
	s21 =	sadd.s32 $0x5C00, s1;
	s1 =	simm.s32 $0xA4C0  }
.LBB2_1:
0x13: {  	s26 =	simm.s32 $0x40;
	s28 =	simm.s32 $0x0  }
.LBB2_2:
0x14: {  	p0 =	sne.s32 s26, $0x100C0;
	[tilespmem:s28+$0x2800] =	vst v0;
	s28 =	smov.u32 s26;
	s26 =	sadd.s32 $0x40, s26  }
.Ltmp0:
0x15: {  	(pc) =	sbr.rel @p0 .LBB2_2-.Ltmp0, $2  }
0x16: {  	_ =	sdelay $0x2  }
0x17: {  	s28 =	sshra.s32 s28, $0x2  }
0x18: {  	[tilespmem:s28+$0x2800] =	vst v0;
	s26 =	simm.s32 $0x0;
	s28 =	simm.s32 $0x6880  }
0x19: {  	[tilespmem:s28], [sflag:$0x1] =	stream.linear.gather [hbm4b:s3+s26], $0x2900, $0x38;
	[tilespmem:$0xA780] =	vst v63  }
0x1a: {  	_ =	swait.ge [sflag:s24], $0x2900  }
0x1b: {  	[sflag:s24] =	ssyncset.done $0x0  }
0x1c: {  	[sflag:s24] =	ssyncadd.s32 $0xFFFFD700  }
.LBB2_4:
0x1d: {  	s28 =	sshra.s32 s26, $0x2  }
0x1e: {  	v1 =	vld [tilespmem:s28+$0x6880];
	_ =	sdelay $0x4  }
0x1f: {  	(xrf1) =	vunique.msk.u32 $0xffff, v1;
	_ =	sdelay $0xd  }
0x20: {  	_, v2, vm0 =	vpop (xrf1);
	_ =	sdelay $0x3  }
0x21: {  	v2 =	vcvt.s32.f32 v2;
	_ =	sdelay $0x1  }
0x22: {  	[tilespmem:v1+s25+$0x0] =	vst.idx.add.f32.msk vm0, v2  }
0x23: {  	v1 =	vld [tilespmem:s28+$0x6890];
	_ =	sdelay $0x4  }
0x24: {  	(xrf1) =	vunique.msk.u32 $0xffff, v1;
	_ =	sdelay $0xd  }
0x25: {  	_, v2, vm0 =	vpop (xrf1);
	_ =	sdelay $0x3  }
0x26: {  	v2 =	vcvt.s32.f32 v2;
	_ =	sdelay $0x1  }
0x27: {  	[tilespmem:v1+s25+$0x0] =	vst.idx.add.f32.msk vm0, v2  }
0x28: {  	v1 =	vld [tilespmem:s28+$0x68A0];
	_ =	sdelay $0x4  }
0x29: {  	(xrf1) =	vunique.msk.u32 $0xffff, v1;
	_ =	sdelay $0xd  }
0x2a: {  	_, v2, vm0 =	vpop (xrf1);
	_ =	sdelay $0x3  }
0x2b: {  	v2 =	vcvt.s32.f32 v2;
	_ =	sdelay $0x1  }
0x2c: {  	[tilespmem:v1+s25+$0x0] =	vst.idx.add.f32.msk vm0, v2  }
0x2d: {  	v1 =	vld [tilespmem:s28+$0x68B0];
	_ =	sdelay $0x4  }
0x2e: {  	(xrf1) =	vunique.msk.u32 $0xffff, v1;
	_ =	sdelay $0xd  }
0x2f: {  	_, v2, vm0 =	vpop (xrf1)  }
0x30: {  	p0 =	sne.s32 s26, $0xA300  }
.Ltmp1:
0x31: {  	_ = 	snop;
	(pc) =	sbr.rel @p0 .LBB2_4-.Ltmp1, $3  }
0x32: {  	_ = 	snop  }
0x33: {  	v2 =	vcvt.s32.f32 v2;
	_ =	sdelay $0x1  }
0x34: {  	s26 =	sadd.s32 $0x100, s26;
	[tilespmem:v1+s25+$0x0] =	vst.idx.add.f32.msk vm0, v2  }
0x35: {  	[spmem:s5] =	stream.linear.scatter [tilespmem:s25], [sflag:$0x1], $0x2800, $0x38;
	[tilespmem:$0xA780] =	vst v63  }
0x36: {  	_ =	swait.ge [sflag:s24], $0x2800  }
0x37: {  	[sflag:s24] =	ssyncset.done $0x0  }
0x38: {  	[sflag:s24] =	ssyncadd.s32 $0xFFFFD800  }
0x39: {  	s26 =	simm.s32 $0x9200;
	[bflag:$0x0] =	sbarrier.arrive $0xFFFF  }
0x3a: {  	[tilespmem:s26], [sflag:$0x1] =	stream.linear.gather [spmem:s4], $0x140, $0x38;
	[tilespmem:$0xA780] =	vst v63  }
0x3b: {  	_ =	swait.ge [sflag:s24], $0x140  }
0x3c: {  	[sflag:s24] =	ssyncset.done $0x0  }
0x3d: {  	s28 =	simm.s32 $0x9340;
	[sflag:s24] =	ssyncadd.s32 $0xFFFFFEC0  }
0x3e: {  	[tilespmem:s28], [sflag:$0x1] =	stream.linear.gather [spmem:s6], $0x140, $0x38;
	[tilespmem:$0xA780] =	vst v63  }
0x3f: {  	_ =	swait.ge [sflag:s24], $0x140  }
0x40: {  	[sflag:s24] =	ssyncset.done $0x0  }
0x41: {  	s28 =	simm.s32 $0x9480;
	[sflag:s24] =	ssyncadd.s32 $0xFFFFFEC0  }
0x42: {  	[tilespmem:s28], [sflag:$0x1] =	stream.linear.gather [spmem:s7], $0x140, $0x38;
	[tilespmem:$0xA780] =	vst v63  }
0x43: {  	_ =	swait.ge [sflag:s24], $0x140  }
0x44: {  	[sflag:s24] =	ssyncset.done $0x0  }
0x45: {  	s28 =	simm.s32 $0x95C0;
	[sflag:s24] =	ssyncadd.s32 $0xFFFFFEC0  }
0x46: {  	[tilespmem:s28], [sflag:$0x1] =	stream.linear.gather [spmem:s8], $0x140, $0x38;
	[tilespmem:$0xA780] =	vst v63  }
0x47: {  	_ =	swait.ge [sflag:s24], $0x140  }
0x48: {  	[sflag:s24] =	ssyncset.done $0x0  }
0x49: {  	s28 =	simm.s32 $0x9700;
	[sflag:s24] =	ssyncadd.s32 $0xFFFFFEC0  }
0x4a: {  	[tilespmem:s28], [sflag:$0x1] =	stream.linear.gather [spmem:s9], $0x140, $0x38;
	[tilespmem:$0xA780] =	vst v63  }
0x4b: {  	_ =	swait.ge [sflag:s24], $0x140  }
0x4c: {  	[sflag:s24] =	ssyncset.done $0x0  }
0x4d: {  	s28 =	simm.s32 $0x9840;
	[sflag:s24] =	ssyncadd.s32 $0xFFFFFEC0  }
0x4e: {  	[tilespmem:s28], [sflag:$0x1] =	stream.linear.gather [spmem:s10], $0x140, $0x38;
	[tilespmem:$0xA780] =	vst v63  }
0x4f: {  	_ =	swait.ge [sflag:s24], $0x140  }
0x50: {  	[sflag:s24] =	ssyncset.done $0x0  }
0x51: {  	s28 =	simm.s32 $0x9980;
	[sflag:s24] =	ssyncadd.s32 $0xFFFFFEC0  }
0x52: {  	[tilespmem:s28], [sflag:$0x1] =	stream.linear.gather [spmem:s11], $0x140, $0x38;
	[tilespmem:$0xA780] =	vst v63  }
0x53: {  	_ =	swait.ge [sflag:s24], $0x140  }
0x54: {  	[sflag:s24] =	ssyncset.done $0x0  }
0x55: {  	s28 =	simm.s32 $0x9AC0;
	[sflag:s24] =	ssyncadd.s32 $0xFFFFFEC0  }
0x56: {  	[tilespmem:s28], [sflag:$0x1] =	stream.linear.gather [spmem:s12], $0x140, $0x38;
	[tilespmem:$0xA780] =	vst v63  }
0x57: {  	_ =	swait.ge [sflag:s24], $0x140  }
0x58: {  	[sflag:s24] =	ssyncset.done $0x0  }
0x59: {  	s28 =	simm.s32 $0x9C00;
	[sflag:s24] =	ssyncadd.s32 $0xFFFFFEC0  }
0x5a: {  	[tilespmem:s28], [sflag:$0x1] =	stream.linear.gather [spmem:s13], $0x140, $0x38;
	[tilespmem:$0xA780] =	vst v63  }
0x5b: {  	_ =	swait.ge [sflag:s24], $0x140  }
0x5c: {  	[sflag:s24] =	ssyncset.done $0x0  }
0x5d: {  	s28 =	simm.s32 $0x9D40;
	[sflag:s24] =	ssyncadd.s32 $0xFFFFFEC0  }
0x5e: {  	[tilespmem:s28], [sflag:$0x1] =	stream.linear.gather [spmem:s14], $0x140, $0x38;
	[tilespmem:$0xA780] =	vst v63  }
0x5f: {  	_ =	swait.ge [sflag:s24], $0x140  }
0x60: {  	[sflag:s24] =	ssyncset.done $0x0  }
0x61: {  	s28 =	simm.s32 $0x9E80;
	[sflag:s24] =	ssyncadd.s32 $0xFFFFFEC0  }
0x62: {  	[tilespmem:s28], [sflag:$0x1] =	stream.linear.gather [spmem:s15], $0x140, $0x38;
	[tilespmem:$0xA780] =	vst v63  }
0x63: {  	_ =	swait.ge [sflag:s24], $0x140  }
0x64: {  	[sflag:s24] =	ssyncset.done $0x0  }
0x65: {  	[sflag:s24] =	ssyncadd.s32 $0xFFFFFEC0  }
0x66: {  	[tilespmem:s29], [sflag:$0x1] =	stream.linear.gather [spmem:s16], $0x140, $0x38;
	[tilespmem:$0xA780] =	vst v63  }
0x67: {  	_ =	swait.ge [sflag:s24], $0x140  }
0x68: {  	[sflag:s24] =	ssyncset.done $0x0  }
0x69: {  	[sflag:s24] =	ssyncadd.s32 $0xFFFFFEC0  }
0x6a: {  	[tilespmem:s30], [sflag:$0x1] =	stream.linear.gather [spmem:s17], $0x140, $0x38;
	[tilespmem:$0xA780] =	vst v63  }
0x6b: {  	_ =	swait.ge [sflag:s24], $0x140  }
0x6c: {  	[sflag:s24] =	ssyncset.done $0x0  }
0x6d: {  	[sflag:s24] =	ssyncadd.s32 $0xFFFFFEC0  }
0x6e: {  	[tilespmem:s31], [sflag:$0x1] =	stream.linear.gather [spmem:s18], $0x140, $0x38;
	[tilespmem:$0xA780] =	vst v63  }
0x6f: {  	_ =	swait.ge [sflag:s24], $0x140  }
0x70: {  	[sflag:s24] =	ssyncset.done $0x0  }
0x71: {  	[sflag:s24] =	ssyncadd.s32 $0xFFFFFEC0  }
0x72: {  	[tilespmem:s0], [sflag:$0x1] =	stream.linear.gather [spmem:s19], $0x140, $0x38;
	[tilespmem:$0xA780] =	vst v63  }
0x73: {  	_ =	swait.ge [sflag:s24], $0x140  }
0x74: {  	[sflag:s24] =	ssyncset.done $0x0  }
0x75: {  	[sflag:s24] =	ssyncadd.s32 $0xFFFFFEC0  }
0x76: {  	[tilespmem:s1], [sflag:$0x1] =	stream.linear.gather [spmem:s20], $0x140, $0x38;
	[tilespmem:$0xA780] =	vst v63  }
0x77: {  	_ =	swait.ge [sflag:s24], $0x140  }
0x78: {  	[sflag:s24] =	ssyncset.done $0x0  }
0x79: {  	[sflag:s24] =	ssyncadd.s32 $0xFFFFFEC0  }
0x7a: {  	v34 =	vld [tilespmem:$0x9200]  }
0x7b: {  	v54 =	vld [tilespmem:$0x9340]  }
0x7c: {  	v55 =	vld [tilespmem:$0x9480]  }
0x7d: {  	v63 =	vld [tilespmem:$0x95C0]  }
0x7e: {  	v1 =	vld [tilespmem:$0x9FC0];
	_ =	sdelay $0x4  }
0x7f: {  	[tilespmem:$0x1FB00] =	vst v1;
	v1 =	vld [tilespmem:$0xA100];
	_ =	sdelay $0x4  }
0x80: {  	[tilespmem:$0x1FB10] =	vst v1;
	v1 =	vld [tilespmem:$0xA240];
	_ =	sdelay $0x4  }
0x81: {  	[tilespmem:$0x1FB20] =	vst v1;
	v1 =	vld [tilespmem:$0xA380];
	_ =	sdelay $0x4  }
0x82: {  	[tilespmem:$0x1FB30] =	vst v1;
	v1 =	vld [tilespmem:$0xA4C0];
	_ =	sdelay $0x4  }
0x83: {  	[tilespmem:$0x1FB50] =	vst v1;
	v1 =	vld [tilespmem:$0xA250];
	_ =	sdelay $0x4  }
0x84: {  	[tilespmem:$0x1FB40] =	vst v1;
	v1 =	vld [tilespmem:$0xA390];
	_ =	sdelay $0x4  }
0x85: {  	[tilespmem:$0x1FB60] =	vst v1;
	v1 =	vld [tilespmem:$0xA4D0];
	_ =	sdelay $0x4  }
0x86: {  	[tilespmem:$0x1FB80] =	vst v1;
	v1 =	vld [tilespmem:$0x9EA0];
	_ =	sdelay $0x4  }
0x87: {  	[tilespmem:$0x1FB70] =	vst v1;
	v1 =	vld [tilespmem:$0x9FE0];
	_ =	sdelay $0x4  }
0x88: {  	[tilespmem:$0x1FB90] =	vst v1;
	v1 =	vld [tilespmem:$0xA120];
	_ =	sdelay $0x4  }
0x89: {  	[tilespmem:$0x1FBA0] =	vst v1;
	v1 =	vld [tilespmem:$0xA260];
	_ =	sdelay $0x4  }
0x8a: {  	[tilespmem:$0x1FBC0] =	vst v1;
	v1 =	vld [tilespmem:$0xA3A0];
	_ =	sdelay $0x4  }
0x8b: {  	[tilespmem:$0x1FBE0] =	vst v1;
	v1 =	vld [tilespmem:$0xA4E0];
	_ =	sdelay $0x4  }
0x8c: {  	[tilespmem:$0x1FC10] =	vst v1;
	v1 =	vld [tilespmem:$0x9C30];
	_ =	sdelay $0x4  }
0x8d: {  	[tilespmem:$0x1FBB0] =	vst v1;
	v1 =	vld [tilespmem:$0x9D70];
	_ =	sdelay $0x4  }
0x8e: {  	[tilespmem:$0x1FBD0] =	vst v1;
	v1 =	vld [tilespmem:$0x9EB0];
	_ =	sdelay $0x4  }
0x8f: {  	[tilespmem:$0x1FBF0] =	vst v1;
	v1 =	vld [tilespmem:$0x9FF0];
	_ =	sdelay $0x4  }
0x90: {  	[tilespmem:$0x1FC20] =	vst v1;
	v1 =	vld [tilespmem:$0xA130];
	_ =	sdelay $0x4  }
0x91: {  	[tilespmem:$0x1FC40] =	vst v1;
	v1 =	vld [tilespmem:$0xA270];
	_ =	sdelay $0x4  }
0x92: {  	[tilespmem:$0x1FC60] =	vst v1;
	v1 =	vld [tilespmem:$0xA3B0];
	_ =	sdelay $0x4  }
0x93: {  	[tilespmem:$0x1FC90] =	vst v1;
	v1 =	vld [tilespmem:$0xA4F0];
	_ =	sdelay $0x4  }
0x94: {  	[tilespmem:$0x1FCC0] =	vst v1;
	v1 =	vld [tilespmem:$0x9880];
	_ =	sdelay $0x4  }
0x95: {  	[tilespmem:$0x1FC00] =	vst v1;
	v1 =	vld [tilespmem:$0x99C0];
	_ =	sdelay $0x4  }
0x96: {  	[tilespmem:$0x1FC30] =	vst v1;
	v1 =	vld [tilespmem:$0x9B00];
	_ =	sdelay $0x4  }
0x97: {  	[tilespmem:$0x1FC50] =	vst v1;
	v1 =	vld [tilespmem:$0x9C40];
	_ =	sdelay $0x4  }
0x98: {  	[tilespmem:$0x1FC70] =	vst v1;
	v1 =	vld [tilespmem:$0x9D80];
	_ =	sdelay $0x4  }
0x99: {  	[tilespmem:$0x1FCA0] =	vst v1;
	v1 =	vld [tilespmem:$0x9EC0];
	_ =	sdelay $0x4  }
0x9a: {  	[tilespmem:$0x1FCD0] =	vst v1;
	v1 =	vld [tilespmem:$0xA000];
	_ =	sdelay $0x4  }
0x9b: {  	[tilespmem:$0x1FD00] =	vst v1;
	v1 =	vld [tilespmem:$0xA140];
	_ =	sdelay $0x4  }
0x9c: {  	[tilespmem:$0x1FD30] =	vst v1;
	v1 =	vld [tilespmem:$0xA280];
	_ =	sdelay $0x4  }
0x9d: {  	[tilespmem:$0x1FD70] =	vst v1;
	v1 =	vld [tilespmem:$0xA3C0];
	_ =	sdelay $0x4  }
0x9e: {  	[tilespmem:$0x1FDA0] =	vst v1;
	v1 =	vld [tilespmem:$0xA500];
	_ =	sdelay $0x4  }
0x9f: {  	[tilespmem:$0x1FDD0] =	vst v1;
	v1 =	vld [tilespmem:$0x9B10];
	_ =	sdelay $0x4  }
0xa0: {  	[tilespmem:$0x1FC80] =	vst v1;
	v1 =	vld [tilespmem:$0x9C50];
	_ =	sdelay $0x4  }
0xa1: {  	[tilespmem:$0x1FCB0] =	vst v1;
	v1 =	vld [tilespmem:$0x9D90];
	_ =	sdelay $0x4  }
0xa2: {  	[tilespmem:$0x1FCE0] =	vst v1;
	v1 =	vld [tilespmem:$0x9ED0];
	_ =	sdelay $0x4  }
0xa3: {  	[tilespmem:$0x1FD10] =	vst v1;
	v1 =	vld [tilespmem:$0xA010];
	_ =	sdelay $0x2  }
0xa4: {  	v19 =	vld [tilespmem:$0x9700]  }
0xa5: {  	v24 =	vld [tilespmem:$0x9840]  }
0xa6: {  	[tilespmem:$0x1FD40] =	vst v1;
	v1 =	vld [tilespmem:$0xA150]  }
0xa7: {  	v31 =	vld [tilespmem:$0x9980]  }
0xa8: {  	v37 =	vld [tilespmem:$0x9AC0]  }
0xa9: {  	v46 =	vld [tilespmem:$0x9C00]  }
0xaa: {  	v57 =	vld [tilespmem:$0x9D40]  }
0xab: {  	[tilespmem:$0x1FD80] =	vst v1;
	v1 =	vld [tilespmem:$0xA290]  }
0xac: {  	v61 =	vld [tilespmem:$0x9E80]  }
0xad: {  	v59 =	vld [tilespmem:$0x9210]  }
0xae: {  	v2 =	vld [tilespmem:$0x9350]  }
0xaf: {  	v4 =	vld [tilespmem:$0x9490]  }
0xb0: {  	[tilespmem:$0x1FDB0] =	vst v1;
	v1 =	vld [tilespmem:$0xA3D0]  }
0xb1: {  	v6 =	vld [tilespmem:$0x95D0]  }
0xb2: {  	v9 =	vld [tilespmem:$0x9710]  }
0xb3: {  	v12 =	vld [tilespmem:$0x9850]  }
0xb4: {  	v16 =	vld [tilespmem:$0x9990]  }
0xb5: {  	[tilespmem:$0x1FDE0] =	vst v1;
	v1 =	vld [tilespmem:$0xA510]  }
0xb6: {  	v21 =	vld [tilespmem:$0x9AD0]  }
0xb7: {  	v25 =	vld [tilespmem:$0x9C10]  }
0xb8: {  	v51 =	vld [tilespmem:$0x9D50]  }
0xb9: {  	v41 =	vld [tilespmem:$0x9E90]  }
0xba: {  	[tilespmem:$0x1FE20] =	vst v1;
	v1 =	vld [tilespmem:$0x98A0]  }
0xbb: {  	v56 =	vld [tilespmem:$0x9FD0]  }
0xbc: {  	v62 =	vld [tilespmem:$0xA110]  }
0xbd: {  	v38 =	vld [tilespmem:$0x9220]  }
0xbe: {  	v3 =	vld [tilespmem:$0x9360]  }
0xbf: {  	[tilespmem:$0x1FCF0] =	vst v1;
	v1 =	vld [tilespmem:$0x99E0]  }
0xc0: {  	v5 =	vld [tilespmem:$0x94A0]  }
0xc1: {  	v10 =	vld [tilespmem:$0x95E0]  }
0xc2: {  	v14 =	vld [tilespmem:$0x9720]  }
0xc3: {  	v18 =	vld [tilespmem:$0x9860]  }
0xc4: {  	[tilespmem:$0x1FD20] =	vst v1;
	v1 =	vld [tilespmem:$0x9B20]  }
0xc5: {  	v23 =	vld [tilespmem:$0x99A0]  }
0xc6: {  	v35 =	vld [tilespmem:$0x9AE0]  }
0xc7: {  	v42 =	vld [tilespmem:$0x9C20]  }
0xc8: {  	v50 =	vld [tilespmem:$0x9D60]  }
0xc9: {  	[tilespmem:$0x1FD50] =	vst v1;
	v1 =	vld [tilespmem:$0x9C60]  }
0xca: {  	v8 =	vld [tilespmem:$0x9230]  }
0xcb: {  	v7 =	vld [tilespmem:$0x9370]  }
0xcc: {  	v11 =	vld [tilespmem:$0x94B0]  }
0xcd: {  	v17 =	vld [tilespmem:$0x95F0]  }
0xce: {  	[tilespmem:$0x1FD90] =	vst v1;
	v1 =	vld [tilespmem:$0x9DA0]  }
0xcf: {  	v22 =	vld [tilespmem:$0x9730]  }
0xd0: {  	v32 =	vld [tilespmem:$0x9870]  }
0xd1: {  	v40 =	vld [tilespmem:$0x99B0]  }
0xd2: {  	v49 =	vld [tilespmem:$0x9AF0]  }
0xd3: {  	[tilespmem:$0x1FDC0] =	vst v1;
	v1 =	vld [tilespmem:$0x9EE0]  }
0xd4: {  	v29 =	vld [tilespmem:$0x9240]  }
0xd5: {  	v27 =	vld [tilespmem:$0x9380]  }
0xd6: {  	v33 =	vld [tilespmem:$0x94C0]  }
0xd7: {  	v43 =	vld [tilespmem:$0x9600]  }
0xd8: {  	[tilespmem:$0x1FDF0] =	vst v1;
	v1 =	vld [tilespmem:$0xA020]  }
0xd9: {  	v53 =	vld [tilespmem:$0x9740]  }
0xda: {  	v15 =	vld [tilespmem:$0x9250]  }
0xdb: {  	v13 =	vld [tilespmem:$0x9390]  }
0xdc: {  	v20 =	vld [tilespmem:$0x94D0]  }
0xdd: {  	[tilespmem:$0x1FE10] =	vst v1;
	v1 =	vld [tilespmem:$0xA160]  }
0xde: {  	v26 =	vld [tilespmem:$0x9610]  }
0xdf: {  	v36 =	vld [tilespmem:$0x9750]  }
0xe0: {  	v47 =	vld [tilespmem:$0x9890]  }
0xe1: {  	v58 =	vld [tilespmem:$0x99D0]  }
0xe2: {  	[tilespmem:$0x1FE40] =	vst v1;
	v1 =	vld [tilespmem:$0xA2A0]  }
0xe3: {  	v30 =	vld [tilespmem:$0x9260]  }
0xe4: {  	v28 =	vld [tilespmem:$0x93A0];
	v3 =	vadd.f32 v3, v38  }
0xe5: {  	v39 =	vld [tilespmem:$0x94E0]  }
0xe6: {  	v48 =	vld [tilespmem:$0x9620];
	v3 =	vadd.f32 v5, v3  }
0xe7: {  	[tilespmem:$0x1FE60] =	vst v1;
	v1 =	vld [tilespmem:$0xA3E0]  }
0xe8: {  	v60 =	vld [tilespmem:$0x9760];
	v3 =	vadd.f32 v10, v3  }
0xe9: {  	v45 =	vld [tilespmem:$0x9270]  }
0xea: {  	v38 =	vld [tilespmem:$0xA530];
	v3 =	vadd.f32 v14, v3  }
0xeb: {  	v44 =	vld [tilespmem:$0x93B0]  }
0xec: {  	v3 =	vadd.f32 v18, v3;
	[tilespmem:$0x1FEA0] =	vst v1;
	v1 =	vld [tilespmem:$0xA520]  }
0xed: {  	v52 =	vld [tilespmem:$0x94F0]  }
0xee: {  	v2 =	vadd.f32 v2, v59;
	v59 =	vld [tilespmem:$0x99F0];
	v3 =	vadd.f32 v23, v3  }
0xef: {  	[tilespmem:$0x1FEF0] =	vst v38;
	v38 =	vld [tilespmem:$0x9640]  }
0xf0: {  	v3 =	vadd.f32 v35, v3;
	v35 =	vld [tilespmem:$0xA2C0]  }
0xf1: {  	[tilespmem:$0x1FEC0] =	vst v1;
	v1 =	vld [tilespmem:$0x9630]  }
0xf2: {  	v7 =	vadd.f32 v7, v8;
	v3 =	vadd.f32 v42, v3;
	v42 =	vld [tilespmem:$0xA400]  }
0xf3: {  	v14 =	vld [tilespmem:$0x1FB00]  }
0xf4: {  	v18 =	vadd.f32 v11, v7;
	v7 =	vld [tilespmem:$0x9F00]  }
0xf5: {  	v23 =	vld [tilespmem:$0x1FB10];
	[tilespmem:$0x1FF20] =	vst v35  }
0xf6: {  	v35 =	vld [tilespmem:$0x9510];
	[tilespmem:$0x1FD60] =	vst v1;
	v1 =	vadd.f32 v54, v34  }
0xf7: {  	[tilespmem:$0x1FF40] =	vst v42;
	v42 =	vld [tilespmem:$0x93D0]  }
0xf8: {  	v3 =	vadd.f32 v50, v3;
	v50 =	vld [tilespmem:$0x1FB50];
	v1 =	vadd.f32 v55, v1  }
0xf9: {  	v34 =	vld [tilespmem:$0x9770]  }
0xfa: {  	v1 =	vadd.f32 v63, v1;
	v63 =	vld [tilespmem:$0x9C70]  }
0xfb: {  	v54 =	vld [tilespmem:$0x98B0]  }
0xfc: {  	v1 =	vadd.f32 v19, v1;
	v19 =	vld [tilespmem:$0x9EF0]  }
0xfd: {  	v55 =	vld [tilespmem:$0x9B30]  }
0xfe: {  	v1 =	vadd.f32 v24, v1;
	v24 =	vld [tilespmem:$0xA2B0]  }
0xff: {  	[tilespmem:$0x1FE00] =	vst v63;
	v63 =	vld [tilespmem:$0x9DB0]  }
0x100: {  	v1 =	vadd.f32 v31, v1;
	v31 =	vld [tilespmem:$0xA3F0]  }
0x101: {  	v2 =	vadd.f32 v4, v2;
	[tilespmem:$0x1FE50] =	vst v19;
	v19 =	vld [tilespmem:$0xA170]  }
0x102: {  	v1 =	vadd.f32 v37, v1;
	v37 =	vld [tilespmem:$0x1FB30]  }
0x103: {  	v2 =	vadd.f32 v6, v2;
	[tilespmem:$0x1FEB0] =	vst v24;
	v24 =	vld [tilespmem:$0xA040]  }
0x104: {  	[tilespmem:$0x1FE30] =	vst v63;
	v63 =	vld [tilespmem:$0xA030]  }
0x105: {  	v2 =	vadd.f32 v9, v2;
	v9 =	vadd.f32 v46, v1;
	v1 =	vld [tilespmem:$0x9500]  }
0x106: {  	v46 =	vld [tilespmem:$0xA540]  }
0x107: {  	[tilespmem:$0x1FED0] =	vst v31;
	v31 =	vld [tilespmem:$0xA180]  }
0x108: {  	[tilespmem:$0x1FE80] =	vst v19;
	v19 =	vld [tilespmem:$0x9280]  }
0x109: {  	v5 =	vadd.f32 v57, v9;
	v57 =	vld [tilespmem:$0x98C0]  }
0x10a: {  	v9 =	vadd.f32 v17, v18;
	v17 =	vld [tilespmem:$0x1FB90]  }
0x10b: {  	v2 =	vadd.f32 v12, v2;
	v12 =	vadd.f32 v61, v5;
	v5 =	vld [tilespmem:$0x9B40]  }
0x10c: {  	v61 =	vld [tilespmem:$0x1FB70]  }
0x10d: {  	[tilespmem:$0x1FEE0] =	vst v24;
	v24 =	vld [tilespmem:$0x1FBA0]  }
0x10e: {  	v9 =	vadd.f32 v22, v9;
	v22 =	vadd.f32 v13, v15;
	v13 =	vld [tilespmem:$0xA2D0]  }
0x10f: {  	v15 =	vld [tilespmem:$0x1FC50]  }
0x110: {  	[tilespmem:$0x1FE70] =	vst v63;
	v63 =	vadd.f32 v16, v2;
	v2 =	vld [tilespmem:$0x93C0]  }
0x111: {  	[tilespmem:$0x1FF70] =	vst v46;
	v46 =	vld [tilespmem:$0x1FC30]  }
0x112: {  	v6 =	vadd.f32 v14, v12;
	v14 =	vld [tilespmem:$0x1FB80]  }
0x113: {  	v9 =	vadd.f32 v32, v9;
	v32 =	vld [tilespmem:$0x9650]  }
0x114: {  	[tilespmem:$0x1FF00] =	vst v31;
	v31 =	vld [tilespmem:$0x1FBD0]  }
0x115: {  	v10 =	vadd.f32 v20, v22;
	v20 =	vld [tilespmem:$0x1FC70]  }
0x116: {  	v22 =	vld [tilespmem:$0x1FC80]  }
0x117: {  	v4 =	vadd.f32 v21, v63;
	v63 =	vld [tilespmem:$0x9780]  }
0x118: {  	v21 =	vld [tilespmem:$0x9DC0]  }
0x119: {  	v12 =	vadd.f32 v40, v9;
	v40 =	vld [tilespmem:$0x1FBF0]  }
0x11a: {  	v4 =	vadd.f32 v25, v4;
	v25 =	vld [tilespmem:$0x1FB20]  }
0x11b: {  	v3 =	vadd.f32 v61, v3;
	v61 =	vld [tilespmem:$0xA050]  }
0x11c: {  	v4 =	vadd.f32 v51, v4;
	v51 =	vld [tilespmem:$0x9A00]  }
0x11d: {  	v2 =	vadd.f32 v2, v19;
	v3 =	vadd.f32 v17, v3;
	v17 =	vld [tilespmem:$0x1FC60]  }
0x11e: {  	v6 =	vadd.f32 v23, v6;
	v16 =	vadd.f32 v41, v4;
	v4 =	vld [tilespmem:$0x9C80]  }
0x11f: {  	v1 =	vadd.f32 v1, v2;
	v41 =	vld [tilespmem:$0x1FB40]  }
0x120: {  	v6 =	vadd.f32 v25, v6;
	v25 =	vld [tilespmem:$0x1FBB0]  }
0x121: {  	v1 =	vadd.f32 v38, v1;
	v38 =	vld [tilespmem:$0x9A30]  }
0x122: {  	v8 =	vadd.f32 v56, v16;
	v56 =	vld [tilespmem:$0x1FB60]  }
0x123: {  	v16 =	vadd.f32 v27, v29;
	v29 =	vld [tilespmem:$0x9A10]  }
0x124: {  	v27 =	vld [tilespmem:$0x1FBC0]  }
0x125: {  	v6 =	vadd.f32 v37, v6;
	v37 =	vld [tilespmem:$0x1FBE0]  }
0x126: {  	v1 =	vadd.f32 v63, v1;
	v63 =	vld [tilespmem:$0x1FE50]  }
0x127: {  	v8 =	vadd.f32 v62, v8;
	v62 =	vld [tilespmem:$0x9290]  }
0x128: {  	v18 =	vadd.f32 v33, v16;
	v16 =	vld [tilespmem:$0xA410]  }
0x129: {  	[tilespmem:$0x1FE90] =	vst v21;
	v33 =	vadd.f32 v26, v10;
	v21 =	vadd.f32 v50, v6;
	v50 =	vld [tilespmem:$0x1FC40]  }
0x12a: {  	v8 =	vadd.f32 v41, v8;
	v41 =	vld [tilespmem:$0x1FC00]  }
0x12b: {  	v11 =	vadd.f32 v36, v33;
	v33 =	vld [tilespmem:$0x9F10]  }
0x12c: {  	v9 =	vadd.f32 v43, v18;
	v43 =	vld [tilespmem:$0x1FC10]  }
0x12d: {  	v3 =	vadd.f32 v24, v3;
	v18 =	vld [tilespmem:$0xA550]  }
0x12e: {  	v1 =	vadd.f32 v57, v1;
	v36 =	vld [tilespmem:$0x1FCC0]  }
0x12f: {  	v3 =	vadd.f32 v27, v3;
	v27 =	vld [tilespmem:$0x1FCA0]  }
0x130: {  	v1 =	vadd.f32 v51, v1;
	v51 =	vld [tilespmem:$0x1FE90]  }
0x131: {  	v9 =	vadd.f32 v53, v9;
	v53 =	vld [tilespmem:$0x9C90]  }
0x132: {  	v6 =	vadd.f32 v56, v8;
	v8 =	vadd.f32 v49, v12;
	v12 =	vld [tilespmem:$0x9DD0]  }
0x133: {  	v49 =	vld [tilespmem:$0xA190]  }
0x134: {  	v56 =	vadd.f32 v28, v30;
	v30 =	vld [tilespmem:$0x1FCB0]  }
0x135: {  	v3 =	vadd.f32 v37, v3;
	v37 =	vld [tilespmem:$0x93E0]  }
0x136: {  	[tilespmem:$0x1FF50] =	vst v16;
	v16 =	vld [tilespmem:$0x97A0]  }
0x137: {  	v42 =	vadd.f32 v42, v62;
	v62 =	vld [tilespmem:$0xA570]  }
0x138: {  	v23 =	vadd.f32 v14, v6;
	v6 =	vld [tilespmem:$0x9790]  }
0x139: {  	v14 =	vld [tilespmem:$0x98D0]  }
0x13a: {  	v8 =	vadd.f32 v25, v8;
	v25 =	vld [tilespmem:$0x1FC90]  }
0x13b: {  	v47 =	vadd.f32 v47, v11;
	v11 =	vadd.f32 v39, v56;
	v39 =	vld [tilespmem:$0x1FCD0]  }
0x13c: {  	v24 =	vadd.f32 v43, v3;
	v3 =	vld [tilespmem:$0x1FC20]  }
0x13d: {  	[tilespmem:$0x1FF80] =	vst v18;
	v18 =	vld [tilespmem:$0x92A0]  }
0x13e: {  	v43 =	vld [tilespmem:$0x1FCF0]  }
0x13f: {  	v8 =	vadd.f32 v31, v8;
	v31 =	vld [tilespmem:$0x9B50]  }
0x140: {  	v1 =	vadd.f32 v5, v1;
	v26 =	vadd.f32 v48, v11;
	v11 =	vld [tilespmem:$0x9520]  }
0x141: {  	v35 =	vadd.f32 v35, v42;
	v48 =	vld [tilespmem:$0x1FD00]  }
0x142: {  	v1 =	vadd.f32 v4, v1;
	[tilespmem:$0x1FF10] =	vst v49;
	v49 =	vld [tilespmem:$0x1FD10]  }
0x143: {  	v32 =	vadd.f32 v32, v35;
	v35 =	vld [tilespmem:$0x1FED0]  }
0x144: {  	v1 =	vadd.f32 v51, v1;
	v51 =	vld [tilespmem:$0x1FEE0]  }
0x145: {  	v8 =	vadd.f32 v40, v8;
	v40 =	vld [tilespmem:$0x1FCE0]  }
0x146: {  	[tilespmem:$0x1FF30] =	vst v13;
	v9 =	vadd.f32 v41, v9;
	v13 =	vadd.f32 v60, v26;
	v26 =	vld [tilespmem:$0x98E0]  }
0x147: {  	v60 =	vld [tilespmem:$0x1FD40];
	v3 =	vadd.f32 v3, v8  }
0x148: {  	v8 =	vadd.f32 v46, v9;
	v9 =	vadd.f32 v58, v47;
	v58 =	vld [tilespmem:$0x1FD30]  }
0x149: {  	v46 =	vadd.f32 v43, v13;
	v13 =	vld [tilespmem:$0x1FD50]  }
0x14a: {  	v43 =	vld [tilespmem:$0x1FD90]  }
0x14b: {  	v47 =	vadd.f32 v44, v45;
	v44 =	vld [tilespmem:$0xA060]  }
0x14c: {  	v45 =	vld [tilespmem:$0x1FDA0]  }
0x14d: {  	v3 =	vadd.f32 v50, v3;
	v50 =	vld [tilespmem:$0x1FD20]  }
0x14e: {  	v6 =	vadd.f32 v6, v32;
	v9 =	vadd.f32 v22, v9;
	v22 =	vld [tilespmem:$0x9B60]  }
0x14f: {  	v1 =	vadd.f32 v7, v1;
	v56 =	vadd.f32 v52, v47;
	v47 =	vld [tilespmem:$0x1FDB0]  }
0x150: {  	v6 =	vadd.f32 v14, v6;
	v52 =	vld [tilespmem:$0x1FDD0]  }
0x151: {  	v8 =	vadd.f32 v15, v8;
	v1 =	vadd.f32 v51, v1;
	v51 =	vld [tilespmem:$0x9A40]  }
0x152: {  	v6 =	vadd.f32 v29, v6;
	v29 =	vld [tilespmem:$0x97D0]  }
0x153: {  	v8 =	vadd.f32 v20, v8;
	v9 =	vadd.f32 v30, v9;
	v30 =	vld [tilespmem:$0x1FD60]  }
0x154: {  	[tilespmem:$0x1FF60] =	vst v44;
	v44 =	vld [tilespmem:$0x1FE10]  }
0x155: {  	v3 =	vadd.f32 v17, v3;
	v28 =	vadd.f32 v27, v8;
	v8 =	vld [tilespmem:$0x9660]  }
0x156: {  	v41 =	vadd.f32 v40, v9;
	v40 =	vld [tilespmem:$0x9A20]  }
0x157: {  	v3 =	vadd.f32 v25, v3;
	v27 =	vld [tilespmem:$0x9CA0]  }
0x158: {  	v20 =	vadd.f32 v50, v46;
	v50 =	vld [tilespmem:$0xA2E0]  }
0x159: {  	v3 =	vadd.f32 v36, v3;
	v36 =	vld [tilespmem:$0x1FD70]  }
0x15a: {  	v15 =	vadd.f32 v39, v28;
	v39 =	vld [tilespmem:$0x1FD80]  }
0x15b: {  	v17 =	vadd.f32 v49, v41;
	v49 =	vld [tilespmem:$0x1FDC0]  }
0x15c: {  	v25 =	vadd.f32 v30, v56;
	v56 =	vld [tilespmem:$0xA420]  }
0x15d: {  	v20 =	vadd.f32 v13, v20;
	v17 =	vadd.f32 v60, v17;
	v60 =	vld [tilespmem:$0x9DE0]  }
0x15e: {  	v15 =	vadd.f32 v48, v15;
	v48 =	vld [tilespmem:$0xA1A0]  }
0x15f: {  	v28 =	vadd.f32 v43, v20;
	v43 =	vld [tilespmem:$0x97B0]  }
0x160: {  	v25 =	vadd.f32 v34, v25;
	v15 =	vadd.f32 v58, v15;
	v58 =	vld [tilespmem:$0x1FDF0]  }
0x161: {  	v10 =	vadd.f32 $1.000000000e+00, v21;
	v41 =	vadd.f32 v39, v17;
	v17 =	vld [tilespmem:$0x9F20]  }
0x162: {  	v23 =	vadd.f32 $1.000000000e+00, v23;
	v25 =	vadd.f32 v54, v25;
	v54 =	vld [tilespmem:$0x1FDE0]  }
0x163: {  	v28 =	vadd.f32 v49, v28;
	v49 =	vld [tilespmem:$0x9530];
	v15 =	vadd.f32 v36, v15  }
0x164: {  	v2 =	vshra.s32 v10, $0x1;
	v19 =	vmul.f32 $5.000000000e-01, v10;
	[tilespmem:$0x1FFB0] =	vst v56;
	v56 =	vld [tilespmem:$0x92B0]  }
0x165: {  	v34 =	vmul.f32 $5.000000000e-01, v23;
	v46 =	vadd.f32 v45, v15;
	v15 =	vshra.s32 v23, $0x1;
	v23 =	vld [tilespmem:$0x1FE00]  }
0x166: {  	v2 =	vsub.s32 $0x5F3759DF, v2;
	v30 =	vadd.f32 v47, v41;
	v25 =	vadd.f32 v59, v25;
	v59 =	vld [tilespmem:$0xA560]  }
0x167: {  	v36 =	vmul.f32 v2, v19;
	v41 =	vld [tilespmem:$0x98F0]  }
0x168: {  	v13 =	vadd.f32 v55, v25;
	v39 =	vsub.s32 $0x5F3759DF, v15;
	v30 =	vadd.f32 v54, v30;
	v54 =	vld [tilespmem:$0x1FE20]  }
0x169: {  	v28 =	vadd.f32 v58, v28;
	v58 =	vld [tilespmem:$0x1FE30];
	v47 =	vadd.f32 v52, v46;
	v52 =	vmul.f32 v39, v34  }
0x16a: {  	[tilespmem:$0x1FF90] =	vst v48;
	v48 =	vld [tilespmem:$0x1FE60];
	v21 =	vadd.f32 v23, v13;
	v23 =	vmul.f32 v2, v36  }
0x16b: {  	v46 =	vadd.f32 v44, v28;
	[tilespmem:$0x1FFD0] =	vst v59;
	v59 =	vld [tilespmem:$0x1FE40];
	v28 =	vmul.f32 v39, v52  }
0x16c: {  	v45 =	vld [tilespmem:$0x9670];
	v15 =	vsub.f32 $1.500000000e+00, v23  }
0x16d: {  	[tilespmem:$0x1FFA0] =	vst v50;
	v28 =	vsub.f32 $1.500000000e+00, v28;
	v50 =	vadd.f32 v54, v30;
	v54 =	vld [tilespmem:$0x1FE70]  }
0x16e: {  	v55 =	vld [tilespmem:$0x93F0];
	v21 =	vadd.f32 v58, v21;
	v2 =	vmul.f32 v2, v15  }
0x16f: {  	v52 =	vadd.f32 $1.000000000e+00, v24;
	v24 =	vld [tilespmem:$0xA070];
	v28 =	vmul.f32 v39, v28  }
0x170: {  	v36 =	vld [tilespmem:$0x9B70];
	v25 =	vadd.f32 v59, v46;
	v13 =	vadd.f32 v63, v21;
	v59 =	vmul.f32 v2, v19  }
0x171: {  	v57 =	vshra.s32 v52, $0x1;
	v23 =	vld [tilespmem:$0x9CB0]  }
0x172: {  	v58 =	vld [tilespmem:$0x9DF0];
	v30 =	vadd.f32 v54, v13;
	v13 =	vmul.f32 v28, v34;
	v20 =	vmul.f32 v59, v2  }
0x173: {  	v39 =	vsub.s32 $0x5F3759DF, v57;
	v57 =	vld [tilespmem:$0x1FE80]  }
0x174: {  	v10 =	vmul.f32 $5.000000000e-01, v52;
	v63 =	vld [tilespmem:$0xA1B0];
	v59 =	vmul.f32 v13, v28;
	v13 =	vsub.f32 $1.500000000e+00, v20  }
0x175: {  	v15 =	vld [tilespmem:$0xA2F0]  }
0x176: {  	v21 =	vmul.f32 v39, v10;
	v2 =	vmul.f32 v13, v2;
	v13 =	vld [tilespmem:$0x1FEB0]  }
0x177: {  	v46 =	vadd.f32 v48, v25;
	v25 =	vld [tilespmem:$0x9F30]  }
0x178: {  	v48 =	vld [tilespmem:$0xA430];
	v52 =	vmul.f32 v39, v21  }
0x179: {  	v21 =	vld [tilespmem:$0x92C0];
	v30 =	vadd.f32 v57, v30  }
0x17a: {  	v54 =	vsub.f32 $1.500000000e+00, v52;
	v52 =	vld [tilespmem:$0x9900];
	[tilespmem:$0x1FFC0] =	vst v15;
	v15 =	vsub.f32 $1.500000000e+00, v59  }
0x17b: {  	v57 =	vld [tilespmem:$0x1FEA0];
	v30 =	vadd.f32 v13, v30  }
0x17c: {  	[tilespmem:$0x1FFE0] =	vst v62;
	v62 =	vmul.f32 v15, v28;
	v15 =	vld [tilespmem:$0x1FEC0]  }
0x17d: {  	v32 =	vmul.f32 v39, v54;
	v39 =	vadd.f32 v35, v30;
	v35 =	vld [tilespmem:$0x1FEF0]  }
0x17e: {  	v20 =	vld [tilespmem:$0x9400]  }
0x17f: {  	v54 =	vld [tilespmem:$0x97C0]  }
0x180: {  	v59 =	vld [tilespmem:$0x9540];
	v9 =	vadd.f32 v57, v46;
	v28 =	vmul.f32 v2, v19;
	v19 =	vmul.f32 v32, v10  }
0x181: {  	v18 =	vadd.f32 v37, v18;
	v57 =	vld [tilespmem:$0x9680]  }
0x182: {  	v44 =	vmul.f32 v19, v32;
	v42 =	vadd.f32 v15, v9;
	v15 =	vadd.f32 v35, v39;
	v39 =	vld [tilespmem:$0x1FF00]  }
0x183: {  	v11 =	vadd.f32 v11, v18;
	v46 =	vld [tilespmem:$0x9B80];
	v34 =	vmul.f32 v62, v34;
	v9 =	vmul.f32 v28, v2  }
0x184: {  	v6 =	vadd.f32 v31, v6;
	v14 =	vsub.f32 $1.500000000e+00, v44;
	v28 =	vld [tilespmem:$0xA1C0]  }
0x185: {  	v3 =	vadd.f32 $1.000000000e+00, v3;
	v44 =	vld [tilespmem:$0xA300];
	v7 =	vsub.f32 $1.500000000e+00, v9;
	v9 =	vmul.f32 v34, v62  }
0x186: {  	v8 =	vadd.f32 v8, v11;
	v18 =	vadd.f32 $1.000000000e+00, v50;
	v30 =	vld [tilespmem:$0xA080];
	v19 =	vmul.f32 v14, v32  }
0x187: {  	v34 =	vld [tilespmem:$0x9F40];
	v32 =	vshra.s32 v3, $0x1;
	v13 =	vsub.f32 $1.500000000e+00, v9;
	v4 =	vadd.f32 v39, v1  }
0x188: {  	v9 =	vld [tilespmem:$0x9410];
	v1 =	vmul.f32 v7, v2;
	v2 =	vadd.f32 v53, v6;
	v7 =	vmul.f32 $5.000000000e-01, v3  }
0x189: {  	v50 =	vshra.s32 v18, $0x1;
	v11 =	vsub.s32 $0x5F3759DF, v32;
	v35 =	vld [tilespmem:$0x9E00];
	v6 =	vadd.f32 $1.000000000e+00, v47  }
0x18a: {  	v39 =	vld [tilespmem:$0x9CC0];
	v2 =	vadd.f32 v12, v2;
	v12 =	vmul.f32 $5.000000000e-01, v18;
	v18 =	vmul.f32 v11, v7  }
0x18b: {  	v47 =	vld [tilespmem:$0xA440];
	v37 =	vshra.s32 v6, $0x1;
	v32 =	vmul.f32 $5.000000000e-01, v6  }
0x18c: {  	v10 =	vmul.f32 v19, v10;
	v31 =	vsub.s32 $0x5F3759DF, v37;
	v14 =	vmul.f32 v11, v18;
	v18 =	vld [tilespmem:$0x1FF10]  }
0x18d: {  	v53 =	vmul.f32 v13, v62;
	v62 =	vld [tilespmem:$0xA580];
	v5 =	vmul.f32 v31, v32;
	v2 =	vadd.f32 v33, v2  }
0x18e: {  	v10 =	vmul.f32 v10, v19;
	v13 =	vld [tilespmem:$0x9690]  }
0x18f: {  	[tilespmem:$0x1FFF0] =	vst v1;
	v1 =	vsub.s32 $0x5F3759DF, v50;
	v50 =	vld [tilespmem:$0x9550];
	v6 =	vmul.f32 v31, v5;
	v3 =	vadd.f32 v61, v2  }
0x190: {  	v8 =	vadd.f32 v16, v8;
	v10 =	vsub.f32 $1.500000000e+00, v10;
	v37 =	vld [tilespmem:$0x92D0];
	v33 =	vmul.f32 v1, v12  }
0x191: {  	v16 =	vsub.f32 $1.500000000e+00, v6;
	v6 =	vadd.f32 v18, v3;
	v3 =	vld [tilespmem:$0x1FF20]  }
0x192: {  	v2 =	vsub.f32 $1.500000000e+00, v14;
	v33 =	vmul.f32 v1, v33;
	v14 =	vld [tilespmem:$0x9910]  }
0x193: {  	v61 =	vmul.f32 v10, v19;
	v10 =	vadd.f32 v26, v8;
	v19 =	vld [tilespmem:$0x9A50]  }
0x194: {  	v26 =	vsub.f32 $1.500000000e+00, v33;
	v33 =	vld [tilespmem:$0x9CD0]  }
0x195: {  	v2 =	vmul.f32 v11, v2;
	v10 =	vadd.f32 v40, v10;
	v40 =	vld [tilespmem:$0x9F50]  }
0x196: {  	v9 =	vadd.f32 v9, v37;
	v8 =	vadd.f32 v3, v4;
	v3 =	vmul.f32 v1, v26;
	v1 =	vld [tilespmem:$0x1FF30]  }
0x197: {  	v18 =	vld [tilespmem:$0x9B90];
	v10 =	vadd.f32 v22, v10;
	v22 =	vadd.f32 v55, v56;
	v5 =	vmul.f32 v2, v7  }
0x198: {  	v16 =	vmul.f32 v31, v16;
	v55 =	vld [tilespmem:$0xA090];
	v9 =	vadd.f32 v50, v9;
	v4 =	vadd.f32 $1.000000000e+00, v42  }
0x199: {  	v50 =	vld [tilespmem:$0x9570];
	v5 =	vmul.f32 v5, v2;
	v10 =	vadd.f32 v27, v10;
	v49 =	vadd.f32 v49, v22  }
0x19a: {  	v22 =	vld [tilespmem:$0xA450];
	v9 =	vadd.f32 v13, v9;
	v31 =	vshra.s32 v4, $0x1;
	v56 =	vmul.f32 $5.000000000e-01, v4  }
0x19b: {  	v42 =	vld [tilespmem:$0x9E10];
	v4 =	vmul.f32 v3, v12;
	v6 =	vadd.f32 v1, v6;
	v1 =	vsub.s32 $0x5F3759DF, v31  }
0x19c: {  	v11 =	vmul.f32 v16, v32;
	v26 =	vld [tilespmem:$0xA310];
	v5 =	vsub.f32 $1.500000000e+00, v5;
	v27 =	vmul.f32 v1, v56  }
0x19d: {  	v10 =	vadd.f32 v60, v10;
	v60 =	vld [tilespmem:$0xA590];
	v9 =	vadd.f32 v29, v9;
	v4 =	vmul.f32 v4, v3  }
0x19e: {  	v2 =	vmul.f32 v5, v2;
	v5 =	vadd.f32 v45, v49;
	v45 =	vld [tilespmem:$0x92E0];
	v27 =	vmul.f32 v1, v27  }
0x19f: {  	v49 =	vld [tilespmem:$0x9420];
	v9 =	vadd.f32 v14, v9;
	v4 =	vsub.f32 $1.500000000e+00, v4  }
0x1a0: {  	v11 =	vmul.f32 v11, v16;
	v10 =	vadd.f32 v17, v10;
	v17 =	vld [tilespmem:$0x1FF90];
	v27 =	vsub.f32 $1.500000000e+00, v27  }
0x1a1: {  	v9 =	vadd.f32 v19, v9;
	v4 =	vmul.f32 v4, v3;
	v3 =	vld [tilespmem:$0x1FF40]  }
0x1a2: {  	v11 =	vsub.f32 $1.500000000e+00, v11;
	v1 =	vmul.f32 v1, v27;
	v27 =	vld [tilespmem:$0x1FF50]  }
0x1a3: {  	v5 =	vadd.f32 v43, v5;
	v43 =	vld [tilespmem:$0x1FF60];
	v9 =	vadd.f32 v18, v9  }
0x1a4: {  	v11 =	vmul.f32 v11, v16;
	v16 =	vld [tilespmem:$0x1FF80]  }
0x1a5: {  	v19 =	vld [tilespmem:$0x9F70];
	v9 =	vadd.f32 v33, v9  }
0x1a6: {  	v3 =	vadd.f32 v3, v8;
	v8 =	vld [tilespmem:$0x9560]  }
0x1a7: {  	v9 =	vadd.f32 v42, v9;
	v6 =	vadd.f32 v27, v6;
	v27 =	vld [tilespmem:$0x1FF70]  }
0x1a8: {  	v31 =	vld [tilespmem:$0xA1D0]  }
0x1a9: {  	v18 =	vld [tilespmem:$0xA1F0];
	v45 =	vadd.f32 v49, v45;
	v9 =	vadd.f32 v40, v9  }
0x1aa: {  	v20 =	vadd.f32 v20, v21;
	v10 =	vadd.f32 v43, v10;
	v43 =	vld [tilespmem:$0x96A0]  }
0x1ab: {  	v12 =	vmul.f32 v4, v12;
	v42 =	vld [tilespmem:$0x9300];
	v9 =	vadd.f32 v55, v9;
	v8 =	vadd.f32 v8, v45  }
0x1ac: {  	v40 =	vld [tilespmem:$0x96C0];
	v27 =	vadd.f32 v27, v3;
	v3 =	vadd.f32 v41, v5;
	v5 =	vmul.f32 v2, v7  }
0x1ad: {  	v45 =	vld [tilespmem:$0x9440];
	v7 =	vadd.f32 v16, v6;
	v6 =	vadd.f32 v17, v10;
	v10 =	vmul.f32 v11, v32  }
0x1ae: {  	v9 =	vadd.f32 v31, v9;
	v31 =	vld [tilespmem:$0x9A80];
	v38 =	vadd.f32 v38, v3;
	v5 =	vmul.f32 v5, v2  }
0x1af: {  	v21 =	vmul.f32 v1, v56;
	v8 =	vadd.f32 v43, v8;
	v43 =	vld [tilespmem:$0x9D00];
	v10 =	vmul.f32 v10, v11  }
0x1b0: {  	v41 =	vld [tilespmem:$0x97E0];
	v36 =	vadd.f32 v36, v38;
	v5 =	vsub.f32 $1.500000000e+00, v5;
	v38 =	vmul.f32 v12, v4  }
0x1b1: {  	v20 =	vadd.f32 v59, v20;
	v21 =	vmul.f32 v21, v1;
	v17 =	vld [tilespmem:$0x9920];
	v10 =	vsub.f32 $1.500000000e+00, v10  }
0x1b2: {  	v16 =	vld [tilespmem:$0x9BA0];
	v42 =	vadd.f32 v45, v42;
	v59 =	vmul.f32 v5, v2;
	v5 =	vsub.f32 $1.500000000e+00, v38  }
0x1b3: {  	v32 =	vld [tilespmem:$0x9CE0];
	v38 =	vmul.f32 v10, v11;
	v11 =	vadd.f32 v57, v20;
	v20 =	vsub.f32 $1.500000000e+00, v21  }
0x1b4: {  	v45 =	vld [tilespmem:$0x95B0];
	v7 =	vadd.f32 $1.000000000e+00, v7;
	v2 =	vadd.f32 v23, v36  }
0x1b5: {  	v57 =	vadd.f32 $1.000000000e+00, v15;
	v20 =	vmul.f32 v20, v1;
	v1 =	vld [tilespmem:$0x1FFA0]  }
0x1b6: {  	v3 =	vld [tilespmem:$0x9A60];
	v13 =	vshra.s32 v7, $0x1;
	v2 =	vadd.f32 v58, v2  }
0x1b7: {  	v12 =	vld [tilespmem:$0x9E20];
	v58 =	vadd.f32 v54, v11;
	v15 =	vshra.s32 v57, $0x1;
	v54 =	vmul.f32 $5.000000000e-01, v57  }
0x1b8: {  	v13 =	vsub.s32 $0x5F3759DF, v13;
	v8 =	vadd.f32 v41, v8;
	v23 =	vld [tilespmem:$0x9F60];
	v15 =	vsub.s32 $0x5F3759DF, v15  }
0x1b9: {  	v10 =	vld [tilespmem:$0xA0A0];
	v2 =	vadd.f32 v25, v2;
	v25 =	vadd.f32 $1.000000000e+00, v27;
	v57 =	vmul.f32 v15, v54  }
0x1ba: {  	v21 =	vld [tilespmem:$0xA1E0];
	v36 =	vmul.f32 v5, v4;
	v1 =	vadd.f32 v1, v6;
	v6 =	vadd.f32 v52, v58  }
0x1bb: {  	v4 =	vld [tilespmem:$0xA320];
	v2 =	vadd.f32 v24, v2;
	v24 =	vmul.f32 v15, v57;
	v57 =	vmul.f32 $5.000000000e-01, v7  }
0x1bc: {  	v27 =	vld [tilespmem:$0x92F0];
	v58 =	vshra.s32 v25, $0x1;
	v25 =	vmul.f32 $5.000000000e-01, v25;
	v6 =	vadd.f32 v51, v6  }
0x1bd: {  	v8 =	vadd.f32 v17, v8;
	v37 =	vsub.s32 $0x5F3759DF, v58;
	v29 =	vmul.f32 v13, v57;
	v51 =	vld [tilespmem:$0x9430]  }
0x1be: {  	v5 =	vld [tilespmem:$0xA460];
	v6 =	vadd.f32 v46, v6;
	v46 =	vmul.f32 v37, v25  }
0x1bf: {  	v11 =	vld [tilespmem:$0xA5A0];
	v3 =	vadd.f32 v3, v8;
	v14 =	vmul.f32 v13, v29  }
0x1c0: {  	v7 =	vsub.f32 $1.500000000e+00, v24;
	v24 =	vmul.f32 v37, v46;
	v6 =	vadd.f32 v39, v6;
	v39 =	vld [tilespmem:$0x1FFB0]  }
0x1c1: {  	v3 =	vadd.f32 v16, v3;
	v16 =	vld [tilespmem:$0xA200];
	v14 =	vsub.f32 $1.500000000e+00, v14  }
0x1c2: {  	v52 =	vld [tilespmem:$0x96B0];
	v7 =	vmul.f32 v15, v7;
	v27 =	vadd.f32 v51, v27;
	v15 =	vsub.f32 $1.500000000e+00, v24  }
0x1c3: {  	v58 =	vld [tilespmem:$0x97F0];
	v13 =	vmul.f32 v13, v14  }
0x1c4: {  	v27 =	vadd.f32 v50, v27;
	v37 =	vmul.f32 v37, v15;
	v15 =	vmul.f32 v20, v56;
	v56 =	vld [tilespmem:$0x1FFD0]  }
0x1c5: {  	v33 =	vmul.f32 v13, v57;
	v50 =	vadd.f32 v26, v9;
	v1 =	vadd.f32 v39, v1;
	v39 =	vld [tilespmem:$0x1FFC0]  }
0x1c6: {  	v2 =	vadd.f32 v63, v2;
	v63 =	vld [tilespmem:$0x9A70];
	v6 =	vadd.f32 v35, v6  }
0x1c7: {  	v29 =	vld [tilespmem:$0x9CF0];
	v33 =	vmul.f32 v33, v13;
	v22 =	vadd.f32 v22, v50  }
0x1c8: {  	v46 =	vld [tilespmem:$0x9930];
	v6 =	vadd.f32 v34, v6  }
0x1c9: {  	v24 =	vld [tilespmem:$0x9BB0];
	v14 =	vmul.f32 v15, v20;
	v33 =	vsub.f32 $1.500000000e+00, v33;
	v22 =	vadd.f32 v60, v22  }
0x1ca: {  	v35 =	vld [tilespmem:$0x9E30];
	v2 =	vadd.f32 v39, v2;
	v39 =	vadd.f32 v56, v1;
	v1 =	vmul.f32 v7, v54  }
0x1cb: {  	v26 =	vld [tilespmem:$0x9F80];
	v14 =	vsub.f32 $1.500000000e+00, v14;
	v13 =	vmul.f32 v33, v13;
	v56 =	vmul.f32 v37, v25  }
0x1cc: {  	v2 =	vadd.f32 v48, v2;
	v48 =	vmul.f32 v1, v7;
	v1 =	vadd.f32 v30, v6;
	v30 =	vld [tilespmem:$0x1FFE0]  }
0x1cd: {  	v56 =	vmul.f32 v56, v37;
	v6 =	vmul.f32 v14, v20;
	v20 =	vld [tilespmem:$0x9580]  }
0x1ce: {  	v34 =	vld [tilespmem:$0xA0B0];
	v22 =	vadd.f32 $1.000000000e+00, v22;
	v48 =	vsub.f32 $1.500000000e+00, v48  }
0x1cf: {  	v15 =	vld [tilespmem:$0xA330];
	v57 =	vmul.f32 v13, v57;
	v28 =	vadd.f32 v28, v1;
	v49 =	vsub.f32 $1.500000000e+00, v56  }
0x1d0: {  	v50 =	vshra.s32 v22, $0x1;
	v1 =	vld [tilespmem:$0xA5B0];
	v7 =	vmul.f32 v48, v7;
	v48 =	vadd.f32 $1.000000000e+00, v39  }
0x1d1: {  	v37 =	vmul.f32 v49, v37;
	v56 =	vadd.f32 v44, v28;
	v28 =	vld [tilespmem:$0x9800];
	v30 =	vadd.f32 v30, v2  }
0x1d2: {  	v39 =	vld [tilespmem:$0x9940];
	v20 =	vadd.f32 v20, v42;
	v49 =	vmul.f32 v7, v54;
	v54 =	vshra.s32 v48, $0x1  }
0x1d3: {  	v44 =	vld [tilespmem:$0x9BC0];
	v33 =	vmul.f32 $5.000000000e-01, v48;
	v47 =	vadd.f32 v47, v56;
	v51 =	vmul.f32 v37, v25  }
0x1d4: {  	v2 =	vld [tilespmem:$0xA470];
	v41 =	vsub.s32 $0x5F3759DF, v54;
	v54 =	vadd.f32 v52, v27;
	v30 =	vadd.f32 $1.000000000e+00, v30  }
0x1d5: {  	v42 =	vld [tilespmem:$0xA350];
	v20 =	vadd.f32 v40, v20;
	v55 =	vmul.f32 v49, v7;
	v56 =	vmul.f32 v41, v33  }
0x1d6: {  	v48 =	vld [tilespmem:$0x9E40];
	v9 =	vmul.f32 v51, v37;
	v25 =	vadd.f32 v58, v54;
	v58 =	vadd.f32 v62, v47  }
0x1d7: {  	v22 =	vmul.f32 $5.000000000e-01, v22;
	v27 =	vld [tilespmem:$0xA0C0];
	v20 =	vadd.f32 v28, v20;
	v17 =	vsub.f32 $1.500000000e+00, v55  }
0x1d8: {  	v52 =	vld [tilespmem:$0x96D0];
	v14 =	vmul.f32 v41, v56;
	v56 =	vadd.f32 v32, v3;
	v9 =	vsub.f32 $1.500000000e+00, v9  }
0x1d9: {  	v28 =	vld [tilespmem:$0x9E50];
	v32 =	vmul.f32 v57, v13;
	v25 =	vadd.f32 v46, v25;
	v57 =	vadd.f32 $1.000000000e+00, v58  }
0x1da: {  	v3 =	vld [tilespmem:$0xA340];
	v8 =	vmul.f32 v17, v7;
	v55 =	vsub.f32 $1.500000000e+00, v14;
	v17 =	vadd.f32 v12, v56  }
0x1db: {  	v46 =	vld [tilespmem:$0x9310];
	v9 =	vmul.f32 v9, v37;
	v32 =	vsub.f32 $1.500000000e+00, v32;
	v25 =	vadd.f32 v63, v25  }
0x1dc: {  	v14 =	vld [tilespmem:$0xA480];
	v63 =	vshra.s32 v30, $0x1;
	v30 =	vmul.f32 $5.000000000e-01, v30;
	v60 =	vshra.s32 v57, $0x1  }
0x1dd: {  	v12 =	vld [tilespmem:$0xA5C0];
	v7 =	vmul.f32 v41, v55;
	v17 =	vadd.f32 v23, v17;
	v49 =	vsub.s32 $0x5F3759DF, v63  }
0x1de: {  	v37 =	vld [tilespmem:$0x9950];
	v41 =	vsub.s32 $0x5F3759DF, v50;
	v24 =	vadd.f32 v24, v25;
	v54 =	vmul.f32 v49, v30  }
0x1df: {  	v23 =	vld [tilespmem:$0x9450];
	v51 =	vmul.f32 v41, v22;
	v62 =	vmul.f32 v7, v33;
	v17 =	vadd.f32 v10, v17  }
0x1e0: {  	v25 =	vld [tilespmem:$0x9590];
	v10 =	vmul.f32 v32, v13;
	v13 =	vmul.f32 $5.000000000e-01, v57;
	v24 =	vadd.f32 v29, v24  }
0x1e1: {  	v32 =	vld [tilespmem:$0x9BD0];
	v56 =	vmul.f32 v49, v54;
	v47 =	vmul.f32 v62, v7;
	v17 =	vadd.f32 v21, v17  }
0x1e2: {  	v29 =	vld [tilespmem:$0x9810];
	v54 =	vmul.f32 v41, v51;
	v62 =	vadd.f32 v39, v20;
	v24 =	vadd.f32 v35, v24  }
0x1e3: {  	v51 =	vld [tilespmem:$0x9820];
	v21 =	vsub.s32 $0x5F3759DF, v60;
	v58 =	vsub.f32 $1.500000000e+00, v56;
	v55 =	vsub.f32 $1.500000000e+00, v47  }
0x1e4: {  	v20 =	vld [tilespmem:$0xA0D0];
	v63 =	vmul.f32 v21, v13;
	v31 =	vadd.f32 v31, v62;
	v19 =	vadd.f32 v19, v24  }
0x1e5: {  	v35 =	vld [tilespmem:$0x9A90];
	v4 =	vadd.f32 v4, v17;
	v47 =	vadd.f32 v23, v46  }
0x1e6: {  	v56 =	vld [tilespmem:$0x9460];
	v39 =	vmul.f32 v21, v63;
	v31 =	vadd.f32 v44, v31;
	v19 =	vadd.f32 v34, v19  }
0x1e7: {  	v23 =	vld [tilespmem:$0xA210];
	v40 =	vmul.f32 v49, v58;
	v4 =	vadd.f32 v5, v4;
	v5 =	vsub.f32 $1.500000000e+00, v54  }
0x1e8: {  	v62 =	vld [tilespmem:$0x9470];
	v7 =	vmul.f32 v55, v7;
	v18 =	vadd.f32 v18, v19;
	v19 =	vadd.f32 v25, v47  }
0x1e9: {  	v58 =	vld [tilespmem:$0x9330];
	v39 =	vsub.f32 $1.500000000e+00, v39;
	v63 =	vmul.f32 v40, v30;
	v55 =	vadd.f32 v43, v31  }
0x1ea: {  	v17 =	vld [tilespmem:$0xA490];
	v60 =	vmul.f32 v7, v33;
	v4 =	vadd.f32 v11, v4;
	v19 =	vadd.f32 v52, v19  }
0x1eb: {  	v24 =	vld [tilespmem:$0x9D10];
	v11 =	vmul.f32 v63, v40;
	v25 =	vadd.f32 v48, v55;
	v18 =	vadd.f32 v15, v18  }
0x1ec: {  	v5 =	vmul.f32 v41, v5;
	v4 =	vadd.f32 $1.000000000e+00, v4;
	v52 =	vld [tilespmem:$0x9320];
	v57 =	vadd.f32 v29, v19  }
0x1ed: {  	v49 =	vld [tilespmem:$0x96F0];
	v21 =	vmul.f32 v21, v39;
	v54 =	vsub.f32 $1.500000000e+00, v11;
	v2 =	vadd.f32 v2, v18  }
0x1ee: {  	v43 =	vld [tilespmem:$0x95A0];
	v46 =	vmul.f32 v60, v7;
	v19 =	vadd.f32 v62, v58;
	v18 =	vadd.f32 v37, v57  }
0x1ef: {  	v44 =	vld [tilespmem:$0x9D20];
	v50 =	vmul.f32 v5, v22;
	v1 =	vadd.f32 v1, v2;
	v2 =	vadd.f32 v26, v25  }
0x1f0: {  	v47 =	vld [tilespmem:$0x96E0];
	v48 =	vmul.f32 v21, v13;
	v26 =	vsub.f32 $1.500000000e+00, v46;
	v19 =	vadd.f32 v45, v19  }
0x1f1: {  	v60 =	vmul.f32 v54, v40;
	v31 =	vadd.f32 v56, v52;
	v52 =	vld [tilespmem:$0x9830];
	v18 =	vadd.f32 v35, v18  }
0x1f2: {  	v34 =	vld [tilespmem:$0x9F90];
	v2 =	vadd.f32 v27, v2;
	v27 =	vmul.f32 v48, v21;
	v19 =	vadd.f32 v49, v19  }
0x1f3: {  	v58 =	vld [tilespmem:$0x9970];
	v11 =	vmul.f32 v26, v7;
	v1 =	vadd.f32 $1.000000000e+00, v1;
	v31 =	vadd.f32 v43, v31  }
0x1f4: {  	v55 =	vld [tilespmem:$0x9960];
	v18 =	vadd.f32 v32, v18;
	v32 =	vmul.f32 v50, v5;
	v56 =	vsub.f32 $1.500000000e+00, v27  }
0x1f5: {  	v40 =	vld [tilespmem:$0x9AB0];
	v2 =	vadd.f32 v16, v2;
	v57 =	vadd.f32 v47, v31;
	v47 =	vshra.s32 v4, $0x1  }
0x1f6: {  	v63 =	vld [tilespmem:$0x9AA0];
	v4 =	vmul.f32 $5.000000000e-01, v4;
	v62 =	vsub.f32 $1.500000000e+00, v32;
	v19 =	vadd.f32 v52, v19  }
0x1f7: {  	v43 =	vld [tilespmem:$0x9BF0];
	v7 =	vmul.f32 v56, v21;
	v18 =	vadd.f32 v24, v18;
	v39 =	vadd.f32 v51, v57  }
0x1f8: {  	v41 =	vld [tilespmem:$0x9BE0];
	v2 =	vadd.f32 v3, v2;
	v3 =	vmul.f32 v60, v30;
	v19 =	vadd.f32 v58, v19  }
0x1f9: {  	v45 =	vld [tilespmem:$0x9D30];
	v21 =	vsub.s32 $0x5F3759DF, v47;
	v18 =	vadd.f32 v28, v18;
	v16 =	vadd.f32 v55, v39  }
0x1fa: {  	v15 =	vld [tilespmem:$0xA5D0];
	v3 =	vmul.f32 v3, v60;
	v2 =	vadd.f32 v14, v2;
	v19 =	vadd.f32 v40, v19  }
0x1fb: {  	v48 =	vld [tilespmem:$0x9E70];
	v13 =	vmul.f32 v7, v13;
	v18 =	vadd.f32 v34, v18;
	v16 =	vadd.f32 v63, v16  }
0x1fc: {  	v46 =	vld [tilespmem:$0x9E60];
	v5 =	vmul.f32 v62, v5;
	v3 =	vsub.f32 $1.500000000e+00, v3;
	v19 =	vadd.f32 v43, v19  }
0x1fd: {  	v51 =	vld [tilespmem:$0x9FB0];
	v13 =	vmul.f32 v13, v7;
	v2 =	vadd.f32 v12, v2;
	v16 =	vadd.f32 v41, v16  }
0x1fe: {  	v49 =	vld [tilespmem:$0x9FA0];
	v22 =	vmul.f32 v5, v22;
	v18 =	vadd.f32 v20, v18;
	v19 =	vadd.f32 v45, v19  }
0x1ff: {  	v54 =	vld [tilespmem:$0xA0F0];
	v50 =	vmul.f32 v21, v4;
	v13 =	vsub.f32 $1.500000000e+00, v13;
	v16 =	vadd.f32 v44, v16  }
0x200: {  	v52 =	vld [tilespmem:$0xA0E0];
	v22 =	vmul.f32 v22, v5;
	v2 =	vadd.f32 $1.000000000e+00, v2;
	v19 =	vadd.f32 v48, v19  }
0x201: {  	v57 =	vld [tilespmem:$0xA230];
	v62 =	vshra.s32 v1, $0x1;
	v18 =	vadd.f32 v23, v18;
	v16 =	vadd.f32 v46, v16  }
0x202: {  	v55 =	vld [tilespmem:$0xA220];
	v20 =	vmul.f32 v21, v50;
	v22 =	vsub.f32 $1.500000000e+00, v22;
	v19 =	vadd.f32 v51, v19  }
0x203: {  	v3 =	vmul.f32 v3, v60;
	v60 =	vld [tilespmem:$0xA370];
	v18 =	vadd.f32 v42, v18;
	v16 =	vadd.f32 v49, v16  }
0x204: {  	v58 =	vld [tilespmem:$0xA360];
	v1 =	vmul.f32 $5.000000000e-01, v1;
	v56 =	vsub.f32 $1.500000000e+00, v20;
	v19 =	vadd.f32 v54, v19  }
0x205: {  	v28 =	vld [tilespmem:$0xA4B0];
	v7 =	vmul.f32 v13, v7;
	v17 =	vadd.f32 v17, v18;
	v16 =	vadd.f32 v52, v16  }
0x206: {  	v63 =	vld [tilespmem:$0xA4A0];
	v23 =	vsub.s32 $0x5F3759DF, v62;
	v33 =	vshra.s32 v2, $0x1;
	v19 =	vadd.f32 v57, v19  }
0x207: {  	v31 =	vld [tilespmem:$0xA5F0];
	v2 =	vmul.f32 $5.000000000e-01, v2;
	v15 =	vadd.f32 v15, v17;
	v16 =	vadd.f32 v55, v16  }
0x208: {  	v29 =	vld [tilespmem:$0xA5E0];
	v30 =	vmul.f32 v23, v1;
	v13 =	vmul.f32 v21, v56;
	v19 =	vadd.f32 v60, v19  }
0x209: {  	v5 =	vmul.f32 v22, v5;
	v15 =	vadd.f32 $1.000000000e+00, v15;
	v16 =	vadd.f32 v58, v16  }
0x20a: {  	v20 =	vmul.f32 v23, v30;
	v32 =	vmul.f32 v13, v4;
	v34 =	vadd.f32 v28, v19  }
0x20b: {  	v39 =	vshra.s32 v15, $0x1;
	v15 =	vmul.f32 $5.000000000e-01, v15;
	v14 =	vadd.f32 v63, v16  }
0x20c: {  	v35 =	vsub.f32 $1.500000000e+00, v20;
	v18 =	vsub.s32 $0x5F3759DF, v39;
	v17 =	vadd.f32 v31, v34  }
0x20d: {  	v40 =	vmul.f32 v18, v15;
	v16 =	vsub.s32 $0x5F3759DF, v33;
	v12 =	vadd.f32 v29, v14  }
0x20e: {  	v47 =	vmul.f32 v32, v13;
	v37 =	vmul.f32 v16, v2;
	v17 =	vadd.f32 $1.000000000e+00, v17  }
0x20f: {  	v20 =	vmul.f32 v18, v40;
	v14 =	vmul.f32 v23, v35;
	v12 =	vadd.f32 $1.000000000e+00, v12  }
0x210: {  	v19 =	vmul.f32 v16, v37;
	v42 =	vshra.s32 v17, $0x1;
	v17 =	vmul.f32 $5.000000000e-01, v17  }
0x211: {  	v41 =	vshra.s32 v12, $0x1;
	v12 =	vmul.f32 $5.000000000e-01, v12;
	v24 =	vsub.s32 $0x5F3759DF, v42  }
0x212: {  	v20 =	vsub.f32 $1.500000000e+00, v20;
	v21 =	vsub.s32 $0x5F3759DF, v41;
	v44 =	vmul.f32 v24, v17  }
0x213: {  	v45 =	vmul.f32 v14, v1;
	v43 =	vmul.f32 v21, v12  }
0x214: {  	v19 =	vsub.f32 $1.500000000e+00, v19;
	v18 =	vmul.f32 v18, v20;
	v23 =	vmul.f32 v24, v44  }
0x215: {  	v20 =	vsub.f32 $1.500000000e+00, v47;
	v48 =	vmul.f32 v45, v14;
	v25 =	vmul.f32 v21, v43  }
0x216: {  	v16 =	vmul.f32 v16, v19;
	v50 =	vmul.f32 v18, v15;
	v23 =	vsub.f32 $1.500000000e+00, v23  }
0x217: {  	v13 =	vmul.f32 v20, v13;
	v22 =	vsub.f32 $1.500000000e+00, v48;
	v46 =	vsub.f32 $1.500000000e+00, v25  }
0x218: {  	[tilespmem:$0xA610] =	vst v53;
	v49 =	vmul.f32 v16, v2;
	v23 =	vmul.f32 v24, v23  }
0x219: {  	[tilespmem:$0xA620] =	vst v61;
	v14 =	vmul.f32 v22, v14;
	v19 =	vmul.f32 v21, v46  }
0x21a: {  	[tilespmem:$0xA630] =	vst v59;
	v24 =	vmul.f32 v50, v18;
	v53 =	vmul.f32 v23, v17  }
0x21b: {  	[tilespmem:$0xA640] =	vst v38;
	v21 =	vmul.f32 v49, v16;
	v52 =	vmul.f32 v19, v12  }
0x21c: {  	[tilespmem:$0xA650] =	vst v36;
	v4 =	vmul.f32 v13, v4;
	v24 =	vsub.f32 $1.500000000e+00, v24;
	v26 =	vmul.f32 v53, v23  }
0x21d: {  	[tilespmem:$0xA660] =	vst v6;
	v1 =	vmul.f32 v14, v1;
	v21 =	vsub.f32 $1.500000000e+00, v21;
	v25 =	vmul.f32 v52, v19  }
0x21e: {  	[tilespmem:$0xA670] =	vst v8;
	v4 =	vmul.f32 v4, v13;
	v18 =	vmul.f32 v24, v18;
	v55 =	vsub.f32 $1.500000000e+00, v26  }
0x21f: {  	[tilespmem:$0xA680] =	vst v9;
	v1 =	vmul.f32 v1, v14;
	v16 =	vmul.f32 v21, v16;
	v54 =	vsub.f32 $1.500000000e+00, v25  }
0x220: {  	[tilespmem:$0xA690] =	vst v10;
	v51 =	vld [tilespmem:$0x1FFF0];
	v58 =	vmul.f32 v18, v15;
	v57 =	vmul.f32 v55, v23  }
0x221: {  	[tilespmem:$0xA6A0] =	vst v11;
	v2 =	vmul.f32 v16, v2;
	v56 =	vmul.f32 v54, v19  }
0x222: {  	[tilespmem:$0xA6B0] =	vst v3;
	v1 =	vsub.f32 $1.500000000e+00, v1;
	v3 =	vmul.f32 v58, v18;
	v60 =	vmul.f32 v57, v17  }
0x223: {  	[tilespmem:$0xA6C0] =	vst v7;
	v4 =	vsub.f32 $1.500000000e+00, v4;
	v2 =	vmul.f32 v2, v16;
	v59 =	vmul.f32 v56, v12  }
0x224: {  	[tilespmem:$0xA6D0] =	vst v5;
	v1 =	vmul.f32 v1, v14;
	v3 =	vsub.f32 $1.500000000e+00, v3;
	v62 =	vmul.f32 v60, v57  }
0x225: {  	[tilespmem:$0xA600] =	vst v51;
	v4 =	vmul.f32 v4, v13;
	v2 =	vsub.f32 $1.500000000e+00, v2;
	v61 =	vmul.f32 v59, v56  }
0x226: {  	[tilespmem:$0xA6F0] =	vst v1;
	v1 =	vmul.f32 v3, v18;
	v3 =	vsub.f32 $1.500000000e+00, v62  }
0x227: {  	[tilespmem:$0xA6E0] =	vst v4;
	v2 =	vmul.f32 v2, v16;
	v63 =	vsub.f32 $1.500000000e+00, v61  }
0x228: {  	[tilespmem:$0xA710] =	vst v1;
	v1 =	vmul.f32 v3, v57  }
0x229: {  	s2 =	sadd.s32 $0x1, s2;
	[tilespmem:$0xA700] =	vst v2;
	v2 =	vmul.f32 v63, v56  }
0x22a: {  	p0 =	sne.s32 s2, s22;
	[tilespmem:$0xA730] =	vst v1  }
.Ltmp2:
0x22b: {  	s28 =	simm.s32 $0x0;
	[tilespmem:$0xA720] =	vst v2;
	(pc) =	sbr.rel @p0 .LBB2_1-.Ltmp2, $4  }
0x22c: {  	[hbm4b:s21+s28] =	stream.linear.scatter [tilespmem:s23], [sflag:$0x1], $0x140, $0x38;
	[tilespmem:$0xA780] =	vst v63  }
0x22d: {  	_ =	swait.ge [sflag:s24], $0x140  }
0x22e: {  	[sflag:s24] =	ssyncset.done $0x0  }
0x22f: {  	[sflag:s24] =	ssyncadd.s32 $0xFFFFFEC0  }
0x230: {  	_ =	sfence.sel $0x180000  }
0x231: {  	[bflag:$0x0] =	sbarrier.arrive $0xFFFF  }
0x232: {  	_ =	strace $0x90000047  }
0x233: {  	s0 =	stileid.u32;
	[bflag:$0x2] =	sbarrier.arrive $0xFFFF  }
0x234: {  	p0 =	sne.s32 s0, $0x0;
	s0 =	rddreg [dreg:$0x3]  }
0x235: {  	s0 =	sadd.s32 @!p0 $0x100000, s0  }
0x236: {  	[sflag:s0] =	ssyncadd.tile.s32 @!p0 $0x1;
	_ =	shalt  }
.Lfunc_end2:
_tile_overlayer_lowered:
.L_overlay_start_2:
0x237: {  	(tag) =	ssettag $0x2  }
0x238: {  	s0 =	rddreg [dreg:$0x0];
	s2 =	stileid.u32  }
0x239: {  	s1 =	rddreg [dreg:$0x1];
	p0 =	sne.s32 s2, $0x0  }
0x23a: {  	s3 =	rddreg [dreg:$0x2];
	[bflag:$0x3] =	sbarrier.arrive $0xFFFF;
	s2 =	simm.s32 @!p0 $0x1C01  }
0x23b: {  	[timem:s3], [sflag:s2] =	dma.local @!p0 [hbm:s0], s1  }
0x23c: {  	s0 =	simm.s32 @!p0 $0x1  }
0x23d: {  	_ =	swait.ge @!p0 [sflag:s0], s1  }
0x23e: {  	s1 =	ssub.s32 @!p0 $0x0, s1;
	[sflag:s0] =	ssyncset.done @!p0 $0x0  }
0x23f: {  	[sflag:s0] =	ssyncadd.s32 @!p0 s1  }
0x240: {  	[bflag:$0x3] =	sbarrier.arrive $0xFFFF  }
0x241: {  	_ =	shalt  }

// kernel: kernel.9.cloned.1.call-start
scs
__scs_entry_jumppad:
0x0: {  	(pc) =	sbr.rel $0x88, $3  }
0x1: {  	(tag) =	ssettag $0x0;
	lr =	simm.s32 $0x1  }
0x2: {  	[smem:$0x3F9D] =	sst lr;
	_ =	strace $0xD0000000  }
0x3: {  	_ = 	snop  }
0x4: {  	_ = 	snop  }
0x5: {  	_ = 	snop  }
0x6: {  	_ = 	snop  }
0x7: {  	_ = 	snop  }
__scs_overlays_trampoline_lowered:
0x8: {  	[smem:$0x3FAC] =	sst s0  }
0x9: {  	[smem:$0x3FAD] =	sst s1  }
0xa: {  	[smem:$0x3FAE] =	sst s2  }
0xb: {  	[smem:$0x3FAF] =	sst s3  }
0xc: {  	[smem:$0x3FB0] =	sst s4  }
0xd: {  	[smem:$0x3FB1] =	sst s5  }
0xe: {  	[smem:$0x3FB2] =	sst s6  }
0xf: {  	[smem:$0x3FB3] =	sst s7  }
0x10: {  	[smem:$0x3FB4] =	sst s8  }
0x11: {  	[smem:$0x3FB5] =	sst s9;
	s0 =	simm.s32 @!p0 $0x0  }
0x12: {  	s1 =	sld [smem:$0x3F9B];
	s0 =	simm.s32 @p0 $0x1  }
0x13: {  	[smem:$0x3FB6] =	sst s0;
	s0 =	simm.s32 @!p1 $0x0  }
0x14: {  	s2 =	sld [smem:$0x3F9A];
	s0 =	simm.s32 @p1 $0x1  }
0x15: {  	[smem:$0x3FB7] =	sst s0;
	s0 =	simm.s32 @!p2 $0x0  }
0x16: {  	s3 =	sld [smem:$0x3FDB];
	s0 =	simm.s32 @p2 $0x1  }
0x17: {  	s4 =	simm.s32 $0x1BF5;
	[smem:$0x3FB9] =	sst s0  }
0x18: {  	s0 =	sld [smem:$0x3F9C];
	_ =	swait.ge [sflag:s4], $0x0  }
0x19: {  	s7 =	sld [smem:$0x3F9D]  }
0x1a: {  	s8 =	sadd.s32 $0xFFFFE003, lr  }
0x1b: {  	s9 =	sadd.s32 $0xFFFFFEF7, lr;
	s5 =	simm.s32 $0xFFFFFFFF;
	p2 =	slt.u32 s8, $0xFFFFF086  }
0x1c: {  	p1 =	slt.u32 s9, $0xF7A;
	s5 =	simm.s32 @!p2 $0x0  }
0x1d: {  	s5 =	simm.s32 @p1 $0x1;
	p0 =	seq.s32 s7, s2  }
0x1e: {  	s7 =	smul.u32 @!p0 $0xF7A, s2;
	p2 =	seq.s32 @!p0 s5, $0x0  }
0x1f: {  	s9 =	smul.u32 $0xF7A, s1;
	s8 =	simm.s32 @!p0 $0x1BF5;
	p2 =	por !p2, p0  }
0x20: {  	[sflag:s8] =	ssyncset.s32 @!p0 $0xFFFFF086;
	s6 =	sadd.s32 @!p0 s3, s7;
	s7 =	simm.s32 @!p0 $0x108  }
0x21: {  	s3 =	sadd.s32 s3, s9;
	s6 =	sadd.s32 @!p0 $0x88, s6;
	s7 =	simm.s32 @p2 $0x1082  }
0x22: {  	[simem:s7], [sflag:s8] =	dma.local @!p0 [hbm:s6], $0xF7A  }
0x23: {  	s9 =	sor.u32 $0xD0000000, s2;
	s6 =	simm.s32 $0x108;
	_ =	swait.ge @!p0 [sflag:s8], $0x0  }
0x24: {  	s3 =	sadd.s32 $0x88, s3;
	s6 =	simm.s32 @!p1 $0x1082;
	[sflag:s4] =	ssyncset.s32 $0xFFFFF086  }
0x25: {  	[simem:s6], [sflag:s4] =	dma.local [hbm:s3], $0xF7A  }
0x26: {  	[smem:$0x3F9D] =	sst s1;
	(tag) =	ssettag s2;
	_ =	strace s9  }
0x27: {  	s1 =	sld [smem:$0x3FAD]  }
0x28: {  	s2 =	sld [smem:$0x3FAE]  }
0x29: {  	s4 =	sld [smem:$0x3FB0]  }
0x2a: {  	p0 =	seq.s32 s5, $0x0;
	s5 =	sld [smem:$0x3FB1]  }
0x2b: {  	s6 =	sld [smem:$0x3FB2]  }
0x2c: {  	s7 =	sld [smem:$0x3FB3]  }
0x2d: {  	s3 =	simm.s32 $0x108;
	s8 =	sld [smem:$0x3FB4]  }
0x2e: {  	s3 =	simm.s32 @!p0 $0x1082;
	s9 =	sld [smem:$0x3FB5]  }
0x2f: {  	lr =	sadd.s32 s0, s3;
	s0 =	sld [smem:$0x3FAC]  }
0x30: {  	s3 =	sld [smem:$0x3FAF]  }
0x31: {  	[smem:$0x3FB8] =	sst s10  }
0x32: {  	s10 =	sld [smem:$0x3FB6];
	_ =	sdelay $0x3  }
0x33: {  	p0 =	seq.s32 s10, $0x1;
	s10 =	sld [smem:$0x3FB8];
	_ =	sdelay $0x3  }
0x34: {  	[smem:$0x3FB8] =	sst s10  }
0x35: {  	s10 =	sld [smem:$0x3FB7];
	_ =	sdelay $0x3  }
0x36: {  	p1 =	seq.s32 s10, $0x1;
	s10 =	sld [smem:$0x3FB8];
	_ =	sdelay $0x3  }
0x37: {  	[smem:$0x3FB8] =	sst s10  }
0x38: {  	s10 =	sld [smem:$0x3FB9]  }
0x39: {  	_ = 	snop;
	(pc) =	sbr.ind lr, $3  }
0x3a: {  	_ = 	snop  }
0x3b: {  	_ = 	snop  }
0x3c: {  	p2 =	seq.s32 s10, $0x1;
	s10 =	sld [smem:$0x3FB8]  }
0x3d: {  	_ =	shalt  }
0x3e: {  	_ =	shalt  }
0x3f: {  	_ =	shalt  }
0x40: {  	_ =	shalt  }
0x41: {  	_ =	shalt  }
0x42: {  	_ =	shalt  }
0x43: {  	_ =	shalt  }
0x44: {  	_ =	shalt  }
0x45: {  	_ =	shalt  }
0x46: {  	_ =	shalt  }
0x47: {  	_ =	shalt  }
0x48: {  	_ =	shalt  }
0x49: {  	_ =	shalt  }
0x4a: {  	_ =	shalt  }
0x4b: {  	_ =	shalt  }
0x4c: {  	_ =	shalt  }
0x4d: {  	_ =	shalt  }
0x4e: {  	_ =	shalt  }
0x4f: {  	_ =	shalt  }
0x50: {  	_ =	shalt  }
0x51: {  	_ =	shalt  }
0x52: {  	_ =	shalt  }
0x53: {  	_ =	shalt  }
0x54: {  	_ =	shalt  }
0x55: {  	_ =	shalt  }
0x56: {  	_ =	shalt  }
0x57: {  	_ =	shalt  }
0x58: {  	_ =	shalt  }
0x59: {  	_ =	shalt  }
0x5a: {  	_ =	shalt  }
0x5b: {  	_ =	shalt  }
0x5c: {  	_ =	shalt  }
0x5d: {  	_ =	shalt  }
0x5e: {  	_ =	shalt  }
0x5f: {  	_ =	shalt  }
0x60: {  	_ =	shalt  }
0x61: {  	_ =	shalt  }
0x62: {  	_ =	shalt  }
0x63: {  	_ =	shalt  }
0x64: {  	_ =	shalt  }
0x65: {  	_ =	shalt  }
0x66: {  	_ =	shalt  }
0x67: {  	_ =	shalt  }
0x68: {  	_ =	shalt  }
0x69: {  	_ =	shalt  }
0x6a: {  	_ =	shalt  }
0x6b: {  	_ =	shalt  }
0x6c: {  	_ =	shalt  }
0x6d: {  	_ =	shalt  }
0x6e: {  	_ =	shalt  }
0x6f: {  	_ =	shalt  }
0x70: {  	_ =	shalt  }
0x71: {  	_ =	shalt  }
0x72: {  	_ =	shalt  }
0x73: {  	_ =	shalt  }
0x74: {  	_ =	shalt  }
0x75: {  	_ =	shalt  }
0x76: {  	_ =	shalt  }
0x77: {  	_ =	shalt  }
0x78: {  	_ =	shalt  }
0x79: {  	_ =	shalt  }
0x7a: {  	_ =	shalt  }
0x7b: {  	_ =	shalt  }
0x7c: {  	_ =	shalt  }
0x7d: {  	_ =	shalt  }
0x7e: {  	_ =	shalt  }
0x7f: {  	_ =	shalt  }
0x80: {  	_ =	shalt  }
0x81: {  	_ =	shalt  }
0x82: {  	_ =	shalt  }
0x83: {  	_ =	shalt  }
0x84: {  	_ =	shalt  }
0x85: {  	_ =	shalt  }
0x86: {  	_ =	shalt  }
0x87: {  	_ =	shalt  }
.Lfunc_end0:
.L_simem_size_0:
called_computation.1_lowered:
.L_overlay_start_0:
0x88: {  	s2 =	sld [smem:$0x3FD9]  }
0x89: {  	s3 =	sld [smem:$0x3FFE];
	_ =	sdelay $0x1  }
0x8a: {  	s1 =	srdreg.scid  }
0x8b: {  	s0 =	sand.u32 $0x1, s1  }
0x8c: {  	s17 =	sshll.u32 s0, $0xA;
	s2 =	sadd.s32 s3, s2  }
0x8d: {  	s2 =	sadd.s32 s2, s17  }
0x8e: {  	[smem:$0x3FC4] =	sst s2  }
0x8f: {  	_ = 	snop  }
0x90: {  	s2 =	sld [smem:$0x3FD0];
	(tm) =	ssettm $0x1  }
0x91: {  	s18 =	sld [smem:$0x3FFB];
	_ =	sdelay $0x3  }
0x92: {  	_ =	strace s18  }
0x93: {  	s3 =	sld [smem:$0x3FFC];
	_ =	sdelay $0x3  }
0x94: {  	_ =	strace s3  }
0x95: {  	s3 =	sld [smem:$0x3FFD];
	_ =	sdelay $0x3  }
0x96: {  	_ =	strace s3  }
0x97: {  	_ =	strace $0x8FFFFFFF  }
0x98: {  	s19 =	sld [smem:$0x3FDB];
	_ =	sdelay $0x1  }
0x99: {  	s4 =	simm.s32 $_scs_section_size  }
0x9a: {  	s5 =	simm.s32 $_size__tile_overlayer_lowered;
	s6 =	simm.s32 $_tile_overlayer_lowered  }
0x9b: {  	s22 =	simm.s32 $0x1BFF;
	s21 =	sshll.u32 s6, $0x1;
	s3 =	sadd.s32 s4, s19  }
0x9c: {  	s7 =	simm.s32 $0x0;
	s20 =	sshll.u32 s5, $0x1;
	s5 =	sadd.s32 s21, s3  }
0x9d: {  	[timem:s7], [sflag:s22] =	dma.local [hbm:s5], s20  }
0x9e: {  	_ =	swait.ge [sflag:s22], s20  }
0x9f: {  	s4 =	ssub.s32 $0x0, s20;
	[sflag:s22] =	ssyncset.done $0x0  }
0xa0: {  	[sflag:s22] =	ssyncadd.s32 s4;
	_ =	sdelay $0x1  }
0xa1: {  	s23 =	simm.s32 $0x1B8B  }
0xa2: {  	_ =	swait.ge [sflag:s23], $0x1  }
0xa3: {  	[sflag:s23] =	ssyncset.done $0x0  }
0xa4: {  	s25 =	simm.s32 $0x1B8E;
	s24 =	sld [smem:$0x3FFE];
	[sflag:s23] =	ssyncadd.s32 $0xFFFFFFFF  }
0xa5: {  	s26 =	simm.s32 $execute0_lowered;
	[smem:$0x3FD2] =	sst s25  }
0xa6: {  	s5 =	sshll.u32 s26, $0x1;
	_ =	strace $0x80000049;
	[dreg:$0x1] =	wrdreg $0xFFFFFFFF  }
0xa7: {  	s28 =	simm.s32 $_size_execute0_lowered;
	s3 =	sadd.s32 s3, s5;
	[dreg:$0x0] =	wrdreg $0x0  }
0xa8: {  	s5 =	sshll.u32 s28, $0x1;
	[dreg:$0x2] =	wrdreg s3  }
0xa9: {  	[dreg:$0x3] =	wrdreg s5  }
0xaa: {  	[dreg:$0x4] =	wrdreg $0xC0  }
0xab: {  	_ =	task [dreg:s7], $0x5FFFF  }
0xac: {  	[dreg:$0x1] =	wrdreg $0xFFFFFFFF  }
0xad: {  	[dreg:$0x0] =	wrdreg $0x60  }
0xae: {  	[dreg:$0x2] =	wrdreg s24  }
0xaf: {  	[dreg:$0x3] =	wrdreg s2  }
0xb0: {  	[dreg:$0x4] =	wrdreg $0x9  }
0xb1: {  	_ =	task.clear_ibuf [dreg:s7], $0x5FFFF;
	_ =	strace $0x90000049  }
0xb2: {  	s29 =	simm.s32 $0x9;
	_ =	strace $0x8000004B  }
0xb3: {  	_ =	swait.ge [sflag:s29], $0x1  }
0xb4: {  	[sflag:s29] =	ssyncadd.s32 $0xFFFFFFFF  }
0xb5: {  	_ =	strace $0x9000004B  }
0xb6: {  	_ =	sfence  }
0xb7: {  	s30 =	sld [smem:$0x0];
	_ =	sdelay $0x2  }
0xb8: {  	s31 =	sshll.u32 s1, $0xD;
	s1 =	sshrl.u32 s1, $0x2  }
0xb9: {  	s3 =	sand.u32 $0x4000, s31;
	s1 =	sadd.s32 s1, s30  }
0xba: {  	s0 =	sor.u32 s3, s0;
	s1 =	sshll.u32 s1, $0x11  }
0xbb: {  	s0 =	sor.u32 s1, s0  }
0xbc: {  	s0 =	sadd.s32 $0x8F2B, s0  }
0xbd: {  	[sflag:s0] =	ssyncadd.remote.s32 $0x1  }
0xbe: {  	_ =	sfence.sel $0xFFFF  }
0xbf: {  	[dreg:$0x0] =	wrdreg $0xFFFFFFFF;
	(pc) =	sbr.abs _section_cstart, $3  }
0xc0: {  	[dreg:$0x1] =	wrdreg $0xFFFFFFFF  }
0xc1: {  	_ =	task.clear_ibuf [dreg:s7], $0x2FFFF;
	_ =	strace $0x9FFFFFFF  }
0xc2: {  	(tm) =	ssettm $0x7FFFFFFF  }
0xc3: {  	_ =	shalt  }
tec
execute0_lowered:
.L_overlay_start_1:
0x0: {  	(tag) =	ssettag $0x1  }
0x1: {  	s0 =	rddreg [dreg:$0x0]  }
0x2: {  	s1 =	rddreg [dreg:$0x1];
	s2 =	srdreg.scid  }
0x3: {  	s3 =	simm.s32 $0x0;
	s5 =	stileid.u32;
	s11 =	simm.s32 $0x1  }
0x4: {  	s12 =	simm.s32 $0x2;
	s13 =	simm.s32 $0x14800;
	s14 =	simm.s32 $0x15000  }
0x5: {  	s15 =	simm.s32 $0x15800;
	s16 =	simm.s32 $0x16000;
	s17 =	simm.s32 $0x16800  }
0x6: {  	s18 =	simm.s32 $0x17000;
	s19 =	simm.s32 $0x17800;
	s2 =	sand.u32 $0x1, s2  }
0x7: {  	s20 =	simm.s32 $0x18000;
	[smem:$0x7FF] =	sst s3;
	s4 =	sshll.u32 s2, $0x4  }
0x8: {  	s21 =	simm.s32 $0x3;
	_ =	strace $0x8000004A;
	s4 =	sor.u32 s5, s4  }
0x9: {  	s2 =	ssub.s32 $0x2, s2;
	s5 =	sadd.s32 $0xA00, s0;
	s6 =	smul.u32 $0x2800, s4  }
.Ltmp0:
0xa: {  	s7 =	sshrl.u32 s2, $0x1;
	s29 =	sshll.u32 s4, $0x9;
	(pc) =	sbr.rel .LBB2_1-.Ltmp0, $4  }
0xb: {  	s8 =	smul.u32 $0x500000, s4;
	s2 =	ssub.s32 s2, s7;
	s7 =	sadd.s32 s5, s29  }
0xc: {  	v5 =	vlaneseq.u32;
	v2 =	vimm.f32 $0.0e+00;
	vm0 =	vmmov $0xffff;
	s31 =	smax.u32 s2, $0x1;
	s0 =	sadd.s32 s6, s0;
	[dreg:$0x3] =	wrdreg s7  }
0xd: {  	v3 =	vand.u32 $0x7, v5;
	v4 =	vshrl.u32 v5, $0x3;
	v5 =	vor.u32 $0x8, v5;
	s30 =	sadd.s32 $0x500000, s8;
	[dreg:$0x5] =	wrdreg s31;
	s0 =	sadd.s32 $0x5C00, s0  }
0xe: {  	s22 =	simm.s32 $0x0;
	v4 =	vmul.u32 $0x8, v4;
	s6 =	smul.u32 $0x140, s4;
	v0 =	vmov s8;
	v1 =	vmov s30;
	[dreg:$0x4] =	wrdreg s0  }
.LBB2_23:
0xf: {  	s0 =	rddreg [dreg:$0x4]  }
0x10: {  	[hbm4b:s0+s3] =	stream.linear.scatter [tilespmem:s3], [sflag:$0x3], $0x14000, $0x38;
	[tilespmem:$0x1F980] =	vst v63  }
0x11: {  	_ =	swait.ge [sflag:s21], $0x14000  }
0x12: {  	s22 =	sadd.s32 $0x1, s22;
	s31 =	rddreg [dreg:$0x5]  }
0x13: {  	p0 =	sne.s32 s22, s31  }
.Ltmp1:
0x14: {  	_ = 	snop;
	(pc) =	sbr.rel @!p0 .LBB2_24-.Ltmp1, $3  }
0x15: {  	_ =	sdelay $0x1  }
0x16: {  	[sflag:s21] =	ssyncset.done $0x0  }
0x17: {  	[sflag:s21] =	ssyncadd.s32 $0xFFFEC000  }
.LBB2_1:
0x18: {  	s0 =	sand.u32 $0x1F800, s3;
	s2 =	sand.u32 $0x380, s3  }
0x19: {  	s0 =	sor.u32 s2, s0  }
0x1a: {  	[tilespmem:s0+$0x470] =	vst v2  }
0x1b: {  	[tilespmem:s0+$0x0] =	vst v2  }
0x1c: {  	[tilespmem:s0+$0x10] =	vst v2  }
0x1d: {  	[tilespmem:s0+$0x20] =	vst v2  }
0x1e: {  	[tilespmem:s0+$0x30] =	vst v2  }
0x1f: {  	[tilespmem:s0+$0x40] =	vst v2  }
0x20: {  	[tilespmem:s0+$0x50] =	vst v2  }
0x21: {  	[tilespmem:s0+$0x60] =	vst v2  }
0x22: {  	[tilespmem:s0+$0x70] =	vst v2  }
0x23: {  	[tilespmem:s0+$0x400] =	vst v2  }
0x24: {  	[tilespmem:s0+$0x410] =	vst v2  }
0x25: {  	[tilespmem:s0+$0x420] =	vst v2  }
0x26: {  	[tilespmem:s0+$0x430] =	vst v2  }
0x27: {  	s7 =	simm.s32 $0x100;
	s2 =	simm.s32 $0x80;
	[tilespmem:s0+$0x440] =	vst v2  }
0x28: {  	s23 =	simm.s32 $0x200;
	s10 =	sand.u32 $0x1F800, s7;
	s7 =	sand.u32 $0x380, s2;
	[tilespmem:s0+$0x450] =	vst v2  }
.LBB2_2:
0x29: {  	p0 =	sne.s32 s23, $0x14000;
	[tilespmem:s0+$0x460] =	vst v2;
	s0 =	sor.u32 s7, s10  }
0x2a: {  	[tilespmem:s0+$0x470] =	vst v2  }
0x2b: {  	[tilespmem:s0+$0x0] =	vst v2  }
0x2c: {  	[tilespmem:s0+$0x10] =	vst v2  }
0x2d: {  	[tilespmem:s0+$0x20] =	vst v2  }
0x2e: {  	[tilespmem:s0+$0x30] =	vst v2  }
0x2f: {  	[tilespmem:s0+$0x40] =	vst v2  }
0x30: {  	[tilespmem:s0+$0x50] =	vst v2  }
0x31: {  	[tilespmem:s0+$0x60] =	vst v2  }
0x32: {  	[tilespmem:s0+$0x70] =	vst v2  }
0x33: {  	[tilespmem:s0+$0x400] =	vst v2  }
.Ltmp2:
0x34: {  	[tilespmem:s0+$0x410] =	vst v2;
	(pc) =	sbr.rel @p0 .LBB2_2-.Ltmp2, $4  }
0x35: {  	[tilespmem:s0+$0x420] =	vst v2  }
0x36: {  	[tilespmem:s0+$0x430] =	vst v2  }
0x37: {  	s2 =	sadd.s32 $0x80, s2;
	[tilespmem:s0+$0x440] =	vst v2  }
0x38: {  	s10 =	sand.u32 $0x1F800, s23;
	s23 =	sadd.s32 $0x100, s23;
	s7 =	sand.u32 $0x380, s2;
	[tilespmem:s0+$0x450] =	vst v2  }
0x39: {  	s2 =	sor.u32 s7, s10;
	[tilespmem:s0+$0x460] =	vst v2  }
0x3a: {  	[tilespmem:s2+$0x470] =	vst v2  }
0x3b: {  	[tilespmem:s2+$0x0] =	vst v2  }
0x3c: {  	[tilespmem:s2+$0x10] =	vst v2  }
0x3d: {  	[tilespmem:s2+$0x20] =	vst v2  }
0x3e: {  	[tilespmem:s2+$0x30] =	vst v2  }
0x3f: {  	[tilespmem:s2+$0x40] =	vst v2  }
0x40: {  	[tilespmem:s2+$0x50] =	vst v2  }
0x41: {  	[tilespmem:s2+$0x60] =	vst v2  }
0x42: {  	[tilespmem:s2+$0x70] =	vst v2  }
0x43: {  	[tilespmem:s2+$0x400] =	vst v2  }
0x44: {  	[tilespmem:s2+$0x410] =	vst v2  }
0x45: {  	[tilespmem:s2+$0x420] =	vst v2  }
.Ltmp3:
0x46: {  	[tilespmem:s2+$0x430] =	vst v2;
	(pc) =	sbr.rel .LBB2_4-.Ltmp3, $4  }
0x47: {  	[tilespmem:s2+$0x440] =	vst v2  }
0x48: {  	s23 =	simm.s32 $0x0;
	s30 =	rddreg [dreg:$0x3];
	[tilespmem:s2+$0x450] =	vst v2  }
0x49: {  	s31 =	simm.s32 $0x1C800;
	p0 =	por $0x0, $0x0;
	s0 =	simm.s32 $0x0;
	[tilespmem:s2+$0x460] =	vst v2  }
0x4a: {  	[tilespmem:s31], [sflag:$0x2] =	stream.linear.gather [hbm4b:s30+s23], $0x1000, $0x38;
	[tilespmem:$0x1F980] =	vst v63  }
.LBB2_14:
0x4b: {  	s0 =	sshll.u32 s25, $0x6  }
0x4c: {  	v6 =	vld [tilespmem:s0+$0x1E800];
	_ =	sdelay $0x4  }
0x4d: {  	[tilespmem:$0x1E800] =	vst v6  }
0x4e: {  	v6 =	vld [tilespmem:s0+$0x1E810];
	_ =	sdelay $0x4  }
0x4f: {  	[tilespmem:$0x1E810] =	vst v6  }
0x50: {  	v6 =	vld [tilespmem:s0+$0x1E820];
	_ =	sdelay $0x4  }
0x51: {  	[tilespmem:$0x1E820] =	vst v6  }
0x52: {  	p1 =	sne.s32 s23, $0x29;
	v6 =	vld [tilespmem:s0+$0x1E830]  }
.Ltmp4:
0x53: {  	_ = 	snop;
	(pc) =	sbr.rel @!p1 .LBB2_15-.Ltmp4, $2  }
0x54: {  	_ =	sdelay $0x2  }
0x55: {  	p0 =	por !p0, !p0;
	s0 =	ssub.s32 s24, s0;
	[tilespmem:$0x1E830] =	vst v6  }
.LBB2_4:
0x56: {  	s2 =	smov.u32 s23  }
0x57: {  	s23 =	sadd.s32 $0x1, s23;
	p1 =	seq.s32 s2, $0x28  }
0x58: {  	s2 =	sadd.s32 @!p1 s4, s23  }
0x59: {  	s8 =	simm.s32 $0x1;
	s7 =	smulhi.u32 @!p1 $0xC7CE0C7D, s2  }
0x5a: {  	s8 =	simm.s32 @!p0 $0x0  }
0x5b: {  	s8 =	sshll.u32 s8, $0xC;
	s7 =	sshrl.u32 @!p1 s7, $0x5  }
0x5c: {  	s8 =	sor.u32 $0x1C840, s8;
	s7 =	smul.u32 @!p1 $0x29, s7  }
0x5d: {  	_ =	swait.ge [sflag:s12], $0x1000;
	s9 =	simm.s32 $0x0;
	v6 =	vmov s8  }
0x5e: {  	[sflag:s12] =	ssyncset.done $0x0;
	s10 =	sshll.u32 @!p1 s23, $0xC;
	s2 =	ssub.s32 @!p1 s2, s7  }
0x5f: {  	[sflag:s12] =	ssyncadd.s32 $0xFFFFF000;
	s7 =	sand.u32 @!p1 $0x1000, s10;
	s2 =	sshll.u32 @!p1 s2, $0x9  }
0x60: {  	s8 =	simm.s32 @!p1 $0x0;
	s7 =	sor.u32 @!p1 $0x1C800, s7;
	s2 =	sadd.s32 @!p1 s5, s2  }
0x61: {  	[tilespmem:s7], [sflag:$0x2] =	stream.linear.gather @!p1 [hbm4b:s2+s8], $0x1000, $0x38;
	[tilespmem:$0x1F980] =	vst v63  }
0x62: {  	v7 =	vld.idx.msk [tilespmem:v6+s9+$0xFFFFFFC0 ss:$0x1], $0xffff;
	_ =	sdelay $0x4  }
0x63: {  	vm1 =	vge.s32 v7, v0;
	vm2 =	vlt.s32 v7, v1  }
0x64: {  	vm1 =	vmand vm1, vm2  }
0x65: {  	[tilespmem:s0+$0x1E800] =	vst.msk vm1, v7;
	v7 =	vmpcnt.ones.xlane vm1  }
0x66: {  	v8 =	vld.idx.msk [tilespmem:v6+s9+$0xFFFFFFD0 ss:$0x1], $0xffff  }
0x67: {  	(v2sf) =	vpush v7, $0x0;
	_ =	sdelay $0x3  }
0x68: {  	vm1 =	vge.s32 v8, v0;
	vm2 =	vlt.s32 v8, v1  }
0x69: {  	vm1 =	vmand vm1, vm2  }
0x6a: {  	v7 =	vmpcnt.ones.xlane vm1;
	_ =	sdelay $0x1  }
0x6b: {  	(v2sf) =	vpush v7, $0x0;
	_ =	sdelay $0x6  }
0x6c: {  	s10 =	spop (v2sf)  }
0x6d: {  	s24 =	sadd.s32 s0, s10  }
0x6e: {  	[tilespmem:s24+$0x1E800] =	vst.msk vm1, v8  }
0x6f: {  	v7 =	vld.idx.msk [tilespmem:v6+s9+$0xFFFFFFE0 ss:$0x1], $0xffff;
	_ =	sdelay $0x4  }
0x70: {  	vm1 =	vge.s32 v7, v0;
	vm2 =	vlt.s32 v7, v1;
	s25 =	spop (v2sf)  }
0x71: {  	s0 =	sadd.s32 s24, s25;
	vm1 =	vmand vm1, vm2  }
0x72: {  	[tilespmem:s0+$0x1E800] =	vst.msk vm1, v7;
	v7 =	vmpcnt.ones.xlane vm1  }
0x73: {  	v8 =	vld.idx.msk [tilespmem:v6+s9+$0xFFFFFFF0 ss:$0x1], $0xffff  }
0x74: {  	(v2sf) =	vpush v7, $0x0;
	_ =	sdelay $0x3  }
0x75: {  	vm1 =	vge.s32 v8, v0;
	vm2 =	vlt.s32 v8, v1  }
0x76: {  	vm1 =	vmand vm1, vm2  }
0x77: {  	v7 =	vmpcnt.ones.xlane vm1;
	_ =	sdelay $0x1  }
0x78: {  	(v2sf) =	vpush v7, $0x0;
	_ =	sdelay $0x6  }
0x79: {  	s26 =	spop (v2sf)  }
0x7a: {  	s0 =	sadd.s32 s0, s26  }
0x7b: {  	[tilespmem:s0+$0x1E800] =	vst.msk vm1, v8  }
0x7c: {  	v7 =	vld.idx.msk [tilespmem:v6+s9+$0x0 ss:$0x1], $0xffff;
	_ =	sdelay $0x4  }
0x7d: {  	vm1 =	vge.s32 v7, v0;
	vm2 =	vlt.s32 v7, v1;
	s28 =	spop (v2sf)  }
0x7e: {  	s0 =	sadd.s32 s0, s28;
	vm1 =	vmand vm1, vm2  }
0x7f: {  	[tilespmem:s0+$0x1E800] =	vst.msk vm1, v7;
	v7 =	vmpcnt.ones.xlane vm1  }
0x80: {  	v8 =	vld.idx.msk [tilespmem:v6+s9+$0x10 ss:$0x1], $0xffff  }
0x81: {  	(v2sf) =	vpush v7, $0x0;
	_ =	sdelay $0x3  }
0x82: {  	vm1 =	vge.s32 v8, v0;
	vm2 =	vlt.s32 v8, v1  }
0x83: {  	vm1 =	vmand vm1, vm2  }
0x84: {  	v7 =	vmpcnt.ones.xlane vm1;
	_ =	sdelay $0x1  }
0x85: {  	(v2sf) =	vpush v7, $0x0;
	_ =	sdelay $0x6  }
0x86: {  	s29 =	spop (v2sf)  }
0x87: {  	s0 =	sadd.s32 s0, s29  }
0x88: {  	[tilespmem:s0+$0x1E800] =	vst.msk vm1, v8  }
0x89: {  	v7 =	vld.idx.msk [tilespmem:v6+s9+$0x20 ss:$0x1], $0xffff;
	_ =	sdelay $0x4  }
0x8a: {  	vm1 =	vge.s32 v7, v0;
	vm2 =	vlt.s32 v7, v1;
	s30 =	spop (v2sf)  }
0x8b: {  	s0 =	sadd.s32 s0, s30;
	vm1 =	vmand vm1, vm2  }
0x8c: {  	[tilespmem:s0+$0x1E800] =	vst.msk vm1, v7;
	v7 =	vmpcnt.ones.xlane vm1  }
0x8d: {  	v8 =	vld.idx.msk [tilespmem:v6+s9+$0x30 ss:$0x1], $0xffff  }
0x8e: {  	(v2sf) =	vpush v7, $0x0;
	_ =	sdelay $0x3  }
0x8f: {  	vm1 =	vge.s32 v8, v0;
	vm2 =	vlt.s32 v8, v1  }
0x90: {  	vm1 =	vmand vm1, vm2  }
0x91: {  	v7 =	vmpcnt.ones.xlane vm1;
	_ =	sdelay $0x1  }
0x92: {  	(v2sf) =	vpush v7, $0x0;
	_ =	sdelay $0x6  }
0x93: {  	s31 =	spop (v2sf)  }
0x94: {  	s0 =	sadd.s32 s0, s31  }
0x95: {  	s24 =	simm.s32 $0x80;
	[tilespmem:s0+$0x1E800] =	vst.msk vm1, v8  }
0x96: {  	v7 =	vld.idx.msk [tilespmem:v6+s24+$0xFFFFFFC0 ss:$0x1], $0xffff;
	_ =	sdelay $0x4  }
0x97: {  	s25 =	simm.s32 $0x400;
	vm1 =	vge.s32 v7, v0;
	vm2 =	vlt.s32 v7, v1;
	s2 =	spop (v2sf)  }
.LBB2_5:
0x98: {  	p1 =	sne.s32 s25, $0x3E00  }
0x99: {  	vm1 =	vmand vm1, vm2;
	s0 =	sadd.s32 s0, s2;
	s26 =	smov.u32 s25;
	s25 =	sadd.s32 $0x200, s25  }
0x9a: {  	[tilespmem:s0+$0x1E800] =	vst.msk vm1, v7;
	v7 =	vmpcnt.ones.xlane vm1  }
0x9b: {  	v8 =	vld.idx.msk [tilespmem:v6+s24+$0xFFFFFFD0 ss:$0x1], $0xffff  }
0x9c: {  	(v2sf) =	vpush v7, $0x0;
	_ =	sdelay $0x4  }
0x9d: {  	vm1 =	vge.s32 v8, v0;
	vm2 =	vlt.s32 v8, v1  }
0x9e: {  	vm1 =	vmand vm1, vm2  }
0x9f: {  	v7 =	vmpcnt.ones.xlane vm1;
	_ =	sdelay $0x1  }
0xa0: {  	(v2sf) =	vpush v7, $0x0;
	_ =	sdelay $0x5  }
0xa1: {  	s2 =	spop (v2sf)  }
0xa2: {  	s0 =	sadd.s32 s0, s2  }
0xa3: {  	[tilespmem:s0+$0x1E800] =	vst.msk vm1, v8  }
0xa4: {  	v7 =	vld.idx.msk [tilespmem:v6+s24+$0xFFFFFFE0 ss:$0x1], $0xffff;
	_ =	sdelay $0x5  }
0xa5: {  	vm1 =	vge.s32 v7, v0;
	vm2 =	vlt.s32 v7, v1;
	s2 =	spop (v2sf)  }
0xa6: {  	vm1 =	vmand vm1, vm2;
	s0 =	sadd.s32 s0, s2  }
0xa7: {  	[tilespmem:s0+$0x1E800] =	vst.msk vm1, v7;
	v7 =	vmpcnt.ones.xlane vm1  }
0xa8: {  	v8 =	vld.idx.msk [tilespmem:v6+s24+$0xFFFFFFF0 ss:$0x1], $0xffff  }
0xa9: {  	(v2sf) =	vpush v7, $0x0;
	_ =	sdelay $0x4  }
0xaa: {  	vm1 =	vge.s32 v8, v0;
	vm2 =	vlt.s32 v8, v1  }
0xab: {  	vm1 =	vmand vm1, vm2  }
0xac: {  	v7 =	vmpcnt.ones.xlane vm1;
	_ =	sdelay $0x1  }
0xad: {  	(v2sf) =	vpush v7, $0x0;
	_ =	sdelay $0x5  }
0xae: {  	s2 =	spop (v2sf)  }
0xaf: {  	s0 =	sadd.s32 s0, s2  }
0xb0: {  	[tilespmem:s0+$0x1E800] =	vst.msk vm1, v8  }
0xb1: {  	v7 =	vld.idx.msk [tilespmem:v6+s24+$0x0 ss:$0x1], $0xffff;
	_ =	sdelay $0x5  }
0xb2: {  	vm1 =	vge.s32 v7, v0;
	vm2 =	vlt.s32 v7, v1;
	s2 =	spop (v2sf)  }
0xb3: {  	vm1 =	vmand vm1, vm2;
	s0 =	sadd.s32 s0, s2  }
0xb4: {  	[tilespmem:s0+$0x1E800] =	vst.msk vm1, v7;
	v7 =	vmpcnt.ones.xlane vm1  }
0xb5: {  	v8 =	vld.idx.msk [tilespmem:v6+s24+$0x10 ss:$0x1], $0xffff  }
0xb6: {  	(v2sf) =	vpush v7, $0x0;
	_ =	sdelay $0x4  }
0xb7: {  	vm1 =	vge.s32 v8, v0;
	vm2 =	vlt.s32 v8, v1  }
0xb8: {  	vm1 =	vmand vm1, vm2  }
0xb9: {  	v7 =	vmpcnt.ones.xlane vm1;
	_ =	sdelay $0x1  }
0xba: {  	(v2sf) =	vpush v7, $0x0;
	_ =	sdelay $0x5  }
0xbb: {  	s2 =	spop (v2sf)  }
0xbc: {  	s0 =	sadd.s32 s0, s2  }
0xbd: {  	[tilespmem:s0+$0x1E800] =	vst.msk vm1, v8  }
0xbe: {  	v7 =	vld.idx.msk [tilespmem:v6+s24+$0x20 ss:$0x1], $0xffff;
	_ =	sdelay $0x5  }
0xbf: {  	vm1 =	vge.s32 v7, v0;
	vm2 =	vlt.s32 v7, v1;
	s2 =	spop (v2sf)  }
0xc0: {  	vm1 =	vmand vm1, vm2;
	s0 =	sadd.s32 s0, s2  }
0xc1: {  	[tilespmem:s0+$0x1E800] =	vst.msk vm1, v7;
	v7 =	vmpcnt.ones.xlane vm1  }
0xc2: {  	v8 =	vld.idx.msk [tilespmem:v6+s24+$0x30 ss:$0x1], $0xffff  }
0xc3: {  	(v2sf) =	vpush v7, $0x0;
	_ =	sdelay $0x4  }
0xc4: {  	vm1 =	vge.s32 v8, v0;
	vm2 =	vlt.s32 v8, v1  }
0xc5: {  	vm1 =	vmand vm1, vm2  }
0xc6: {  	v7 =	vmpcnt.ones.xlane vm1;
	_ =	sdelay $0x1  }
0xc7: {  	(v2sf) =	vpush v7, $0x0;
	_ =	sdelay $0x5  }
0xc8: {  	s2 =	spop (v2sf)  }
0xc9: {  	s0 =	sadd.s32 s0, s2  }
0xca: {  	s24 =	sshra.s32 s26, $0x2;
	[tilespmem:s0+$0x1E800] =	vst.msk vm1, v8  }
0xcb: {  	v7 =	vld.idx.msk [tilespmem:v6+s24+$0xFFFFFFC0 ss:$0x1], $0xffff;
	_ =	sdelay $0x1  }
.Ltmp5:
0xcc: {  	(pc) =	sbr.rel @p1 .LBB2_5-.Ltmp5, $2  }
0xcd: {  	_ =	sdelay $0x2  }
0xce: {  	vm1 =	vge.s32 v7, v0;
	vm2 =	vlt.s32 v7, v1;
	s2 =	spop (v2sf)  }
0xcf: {  	_ =	sdelay $0x1  }
0xd0: {  	vm1 =	vmand vm1, vm2;
	s0 =	sadd.s32 s0, s2  }
0xd1: {  	[tilespmem:s0+$0x1E800] =	vst.msk vm1, v7;
	v7 =	vmpcnt.ones.xlane vm1  }
0xd2: {  	v8 =	vld.idx.msk [tilespmem:v6+s24+$0xFFFFFFD0 ss:$0x1], $0xffff  }
0xd3: {  	(v2sf) =	vpush v7, $0x0;
	_ =	sdelay $0x3  }
0xd4: {  	vm1 =	vge.s32 v8, v0;
	vm2 =	vlt.s32 v8, v1  }
0xd5: {  	vm1 =	vmand vm1, vm2  }
0xd6: {  	v7 =	vmpcnt.ones.xlane vm1;
	_ =	sdelay $0x1  }
0xd7: {  	(v2sf) =	vpush v7, $0x0;
	_ =	sdelay $0x6  }
0xd8: {  	s8 =	spop (v2sf)  }
0xd9: {  	s0 =	sadd.s32 s0, s8  }
0xda: {  	[tilespmem:s0+$0x1E800] =	vst.msk vm1, v8  }
0xdb: {  	v7 =	vld.idx.msk [tilespmem:v6+s24+$0xFFFFFFE0 ss:$0x1], $0xffff;
	_ =	sdelay $0x4  }
0xdc: {  	vm1 =	vge.s32 v7, v0;
	vm2 =	vlt.s32 v7, v1;
	s9 =	spop (v2sf)  }
0xdd: {  	s0 =	sadd.s32 s0, s9;
	vm1 =	vmand vm1, vm2  }
0xde: {  	[tilespmem:s0+$0x1E800] =	vst.msk vm1, v7;
	v7 =	vmpcnt.ones.xlane vm1  }
0xdf: {  	v8 =	vld.idx.msk [tilespmem:v6+s24+$0xFFFFFFF0 ss:$0x1], $0xffff  }
0xe0: {  	(v2sf) =	vpush v7, $0x0;
	_ =	sdelay $0x3  }
0xe1: {  	vm1 =	vge.s32 v8, v0;
	vm2 =	vlt.s32 v8, v1  }
0xe2: {  	vm1 =	vmand vm1, vm2  }
0xe3: {  	v7 =	vmpcnt.ones.xlane vm1;
	_ =	sdelay $0x1  }
0xe4: {  	(v2sf) =	vpush v7, $0x0;
	_ =	sdelay $0x6  }
0xe5: {  	s10 =	spop (v2sf)  }
0xe6: {  	s0 =	sadd.s32 s0, s10  }
0xe7: {  	[tilespmem:s0+$0x1E800] =	vst.msk vm1, v8  }
0xe8: {  	v7 =	vld.idx.msk [tilespmem:v6+s24+$0x0 ss:$0x1], $0xffff;
	_ =	sdelay $0x4  }
0xe9: {  	vm1 =	vge.s32 v7, v0;
	vm2 =	vlt.s32 v7, v1;
	s25 =	spop (v2sf)  }
0xea: {  	s0 =	sadd.s32 s0, s25;
	vm1 =	vmand vm1, vm2  }
0xeb: {  	[tilespmem:s0+$0x1E800] =	vst.msk vm1, v7;
	v7 =	vmpcnt.ones.xlane vm1  }
0xec: {  	v8 =	vld.idx.msk [tilespmem:v6+s24+$0x10 ss:$0x1], $0xffff  }
0xed: {  	(v2sf) =	vpush v7, $0x0;
	_ =	sdelay $0x3  }
0xee: {  	vm1 =	vge.s32 v8, v0;
	vm2 =	vlt.s32 v8, v1  }
0xef: {  	vm1 =	vmand vm1, vm2  }
0xf0: {  	v7 =	vmpcnt.ones.xlane vm1;
	_ =	sdelay $0x1  }
0xf1: {  	(v2sf) =	vpush v7, $0x0;
	_ =	sdelay $0x6  }
0xf2: {  	s26 =	spop (v2sf)  }
0xf3: {  	s0 =	sadd.s32 s0, s26  }
0xf4: {  	[tilespmem:s0+$0x1E800] =	vst.msk vm1, v8  }
0xf5: {  	v7 =	vld.idx.msk [tilespmem:v6+s24+$0x20 ss:$0x1], $0xffff;
	_ =	sdelay $0x4  }
0xf6: {  	vm1 =	vge.s32 v7, v0;
	vm2 =	vlt.s32 v7, v1;
	s28 =	spop (v2sf)  }
0xf7: {  	s0 =	sadd.s32 s0, s28;
	vm1 =	vmand vm1, vm2  }
0xf8: {  	[tilespmem:s0+$0x1E800] =	vst.msk vm1, v7  }
0xf9: {  	v6 =	vld.idx.msk [tilespmem:v6+s24+$0x30 ss:$0x1], $0xffff;
	_ =	sdelay $0x4  }
0xfa: {  	vm2 =	vge.s32 v6, v0;
	vm3 =	vlt.s32 v6, v1  }
0xfb: {  	v7 =	vmpcnt.ones.xlane vm1;
	vm1 =	vmand vm2, vm3  }
0xfc: {  	v63 =	vmpcnt.ones.xlane vm1  }
0xfd: {  	(v2sf) =	vpush v7, $0x0  }
0xfe: {  	(v2sf) =	vpush v63, $0x0;
	_ =	sdelay $0xd  }
0xff: {  	s29 =	spop (v2sf)  }
0x100: {  	s0 =	sadd.s32 s0, s29;
	s30 =	spop (v2sf)  }
0x101: {  	s24 =	sadd.s32 s0, s30  }
0x102: {  	s2 =	sand.u32 $0x3F, s24  }
0x103: {  	s7 =	sshra.s32 s24, $0x1F;
	p1 =	slt.s32 s24, $0x1;
	p2 =	sne.s32 s2, $0x0  }
0x104: {  	s31 =	sshrl.u32 s7, $0x1A;
	p1 =	por !p1, !p2  }
0x105: {  	s7 =	simm.s32 $0x1;
	s2 =	sadd.s32 s31, s24;
	p1 =	por !p1, !p1  }
0x106: {  	s2 =	sshra.s32 s2, $0x6;
	s7 =	simm.s32 @!p1 $0x0  }
0x107: {  	s25 =	ssub.s32 s2, s7  }
0x108: {  	p1 =	slt.s32 s25, $0x1  }
.Ltmp6:
0x109: {  	_ = 	snop;
	(pc) =	sbr.rel @p1 .LBB2_14-.Ltmp6, $2  }
0x10a: {  	_ =	sdelay $0x2  }
0x10b: {  	[tilespmem:s0+$0x1E800] =	vst.msk vm1, v6  }
0x10c: {  	v6 =	vld [tilespmem:$0x1E800];
	_ =	sdelay $0x4  }
0x10d: {  	v7 =	vshll.u32 v6, $0x1  }
0x10e: {  	v8 =	vld [tilespmem:$0x1E810];
	v9 =	vand.u32 $0x7, v6;
	v7 =	vand.u32 $0x7FF0, v7  }
0x10f: {  	v10 =	vld [tilespmem:$0x1E820];
	v7 =	vor.u32 v9, v7  }
0x110: {  	v63 =	vld [tilespmem:$0x1E830];
	v11 =	vperm.xlane v7, v3;
	_ =	sdelay $0x1  }
0x111: {  	v6 =	vand.u32 $0x3FFF, v6;
	v7 =	vperm.xlane v7, v5;
	v11 =	vadd.s32 v4, v11  }
0x112: {  	[tilespmem:$0x1F900] =	vst v6;
	v6 =	vand.u32 $0x3FFF, v8  }
0x113: {  	[tilespmem:$0x1F910] =	vst v6;
	v6 =	vand.u32 $0x3FFF, v10;
	v7 =	vadd.s32 v4, v7  }
0x114: {  	[tilespmem:$0x1F920] =	vst v6;
	v6 =	vand.u32 $0x3FFF, v63  }
0x115: {  	s26 =	simm.s32 $0x0;
	[tilespmem:$0x1F930] =	vst v6  }
0x116: {  	[tilespmem:s13], [sflag:$0x1] =	stream.indirect_vreg.gather [hbm4b:s1+s26], $0x80, v11, vm0, $0xb8;
	[tilespmem:$0x1F980] =	vst v63  }
0x117: {  	_ = 	snop  }
0x118: {  	[tilespmem:s14], [sflag:$0x1] =	stream.indirect_vreg.gather [hbm4b:s1+s26], $0x80, v7, vm0, $0xb8;
	[tilespmem:$0x1F980] =	vst v63  }
0x119: {  	v6 =	vld [tilespmem:$0x1F910];
	_ =	sdelay $0x4  }
0x11a: {  	v7 =	vshll.u32 v6, $0x1  }
0x11b: {  	v6 =	vand.u32 $0x7, v6;
	v7 =	vand.u32 $0xFFFFFFF0, v7  }
0x11c: {  	v6 =	vor.u32 v6, v7  }
0x11d: {  	v7 =	vperm.xlane v6, v3;
	_ =	sdelay $0x1  }
0x11e: {  	v6 =	vperm.xlane v6, v5;
	v7 =	vadd.s32 v4, v7;
	_ =	sdelay $0x1  }
0x11f: {  	v6 =	vadd.s32 v4, v6;
	_ =	sdelay $0x2  }
0x120: {  	[tilespmem:s15], [sflag:$0x1] =	stream.indirect_vreg.gather [hbm4b:s1+s26], $0x80, v7, vm0, $0xb8;
	[tilespmem:$0x1F980] =	vst v63  }
0x121: {  	_ = 	snop  }
0x122: {  	[tilespmem:s16], [sflag:$0x1] =	stream.indirect_vreg.gather [hbm4b:s1+s26], $0x80, v6, vm0, $0xb8;
	[tilespmem:$0x1F980] =	vst v63  }
0x123: {  	v6 =	vld [tilespmem:$0x1F920];
	_ =	sdelay $0x4  }
0x124: {  	v7 =	vshll.u32 v6, $0x1  }
0x125: {  	v6 =	vand.u32 $0x7, v6;
	v7 =	vand.u32 $0xFFFFFFF0, v7  }
0x126: {  	v6 =	vor.u32 v6, v7  }
0x127: {  	v7 =	vperm.xlane v6, v3;
	_ =	sdelay $0x1  }
0x128: {  	v6 =	vperm.xlane v6, v5;
	v7 =	vadd.s32 v4, v7;
	_ =	sdelay $0x1  }
0x129: {  	v6 =	vadd.s32 v4, v6;
	_ =	sdelay $0x2  }
0x12a: {  	[tilespmem:s17], [sflag:$0x1] =	stream.indirect_vreg.gather [hbm4b:s1+s26], $0x80, v7, vm0, $0xb8;
	[tilespmem:$0x1F980] =	vst v63  }
0x12b: {  	_ = 	snop  }
0x12c: {  	[tilespmem:s18], [sflag:$0x1] =	stream.indirect_vreg.gather [hbm4b:s1+s26], $0x80, v6, vm0, $0xb8;
	[tilespmem:$0x1F980] =	vst v63  }
0x12d: {  	v6 =	vld [tilespmem:$0x1F930];
	_ =	sdelay $0x4  }
0x12e: {  	v7 =	vshll.u32 v6, $0x1  }
0x12f: {  	v6 =	vand.u32 $0x7, v6;
	v7 =	vand.u32 $0xFFFFFFF0, v7  }
0x130: {  	v6 =	vor.u32 v6, v7  }
0x131: {  	v7 =	vperm.xlane v6, v3;
	_ =	sdelay $0x1  }
0x132: {  	v6 =	vperm.xlane v6, v5;
	v7 =	vadd.s32 v4, v7;
	_ =	sdelay $0x1  }
0x133: {  	v6 =	vadd.s32 v4, v6;
	_ =	sdelay $0x2  }
0x134: {  	[tilespmem:s19], [sflag:$0x1] =	stream.indirect_vreg.gather [hbm4b:s1+s26], $0x80, v7, vm0, $0xb8;
	[tilespmem:$0x1F980] =	vst v63  }
0x135: {  	s0 =	simm.s32 $0x1E800;
	s29 =	simm.s32 $0x0  }
0x136: {  	[tilespmem:s20], [sflag:$0x1] =	stream.indirect_vreg.gather [hbm4b:s1+s26], $0x80, v6, vm0, $0xb8;
	[tilespmem:$0x1F980] =	vst v63  }
.LBB2_9:
0x137: {  	s29 =	sadd.s32 $0x1, s29  }
0x138: {  	p1 =	sge.s32 s29, s25  }
.Ltmp7:
0x139: {  	_ = 	snop;
	(pc) =	sbr.rel @p1 .LBB2_11-.Ltmp7, $4  }
0x13a: {  	_ = 	snop  }
0x13b: {  	_ =	swait.ge [sflag:s11], $0x4000  }
0x13c: {  	[sflag:s11] =	ssyncset.done $0x0  }
0x13d: {  	[sflag:s11] =	ssyncadd.s32 $0xFFFFC000  }
0x13e: {  	s2 =	sshll.u32 s29, $0x8  }
0x13f: {  	s2 =	sshra.s32 s2, $0x2  }
0x140: {  	v6 =	vld [tilespmem:s2+$0x1E800];
	_ =	sdelay $0x3  }
0x141: {  	s7 =	sand.u32 $0x1, s29  }
0x142: {  	s8 =	sshll.u32 s7, $0x6;
	v7 =	vand.u32 $0x3FFF, v6  }
0x143: {  	[tilespmem:s8+$0x1F900] =	vst v7  }
0x144: {  	v7 =	vld [tilespmem:s2+$0x1E810];
	_ =	sdelay $0x4  }
0x145: {  	v7 =	vand.u32 $0x3FFF, v7  }
0x146: {  	[tilespmem:s8+$0x1F910] =	vst v7  }
0x147: {  	v7 =	vld [tilespmem:s2+$0x1E820];
	_ =	sdelay $0x3  }
0x148: {  	v8 =	vshll.u32 v6, $0x1  }
0x149: {  	v6 =	vand.u32 $0x7, v6;
	v8 =	vand.u32 $0x7FF0, v8;
	v7 =	vand.u32 $0x3FFF, v7  }
0x14a: {  	v6 =	vor.u32 v6, v8;
	[tilespmem:s8+$0x1F920] =	vst v7  }
0x14b: {  	v8 =	vperm.xlane v6, v3;
	v7 =	vld [tilespmem:s2+$0x1E830];
	_ =	sdelay $0x1  }
0x14c: {  	v6 =	vperm.xlane v6, v5;
	v8 =	vadd.s32 v4, v8;
	_ =	sdelay $0x1  }
0x14d: {  	v6 =	vadd.s32 v4, v6  }
0x14e: {  	s2 =	sshll.u32 s7, $0xE;
	v7 =	vand.u32 $0x3FFF, v7  }
0x14f: {  	s7 =	sadd.s32 $0x14800, s2;
	[tilespmem:s8+$0x1F930] =	vst v7  }
0x150: {  	[tilespmem:s7], [sflag:$0x1] =	stream.indirect_vreg.gather [hbm4b:s1+s3], $0x80, v8, vm0, $0xb8;
	[tilespmem:$0x1F980] =	vst v63  }
0x151: {  	s31 =	sadd.s32 $0x15000, s2  }
0x152: {  	[tilespmem:s31], [sflag:$0x1] =	stream.indirect_vreg.gather [hbm4b:s1+s3], $0x80, v6, vm0, $0xb8;
	[tilespmem:$0x1F980] =	vst v63  }
0x153: {  	v6 =	vld [tilespmem:s8+$0x1F910];
	_ =	sdelay $0x4  }
0x154: {  	v7 =	vshll.u32 v6, $0x1  }
0x155: {  	v6 =	vand.u32 $0x7, v6;
	v7 =	vand.u32 $0xFFFFFFF0, v7  }
0x156: {  	v6 =	vor.u32 v6, v7  }
0x157: {  	v7 =	vperm.xlane v6, v3;
	_ =	sdelay $0x1  }
0x158: {  	v6 =	vperm.xlane v6, v5;
	v7 =	vadd.s32 v4, v7;
	_ =	sdelay $0x1  }
0x159: {  	v6 =	vadd.s32 v4, v6;
	_ =	sdelay $0x1  }
0x15a: {  	s9 =	sadd.s32 $0x15800, s2  }
0x15b: {  	[tilespmem:s9], [sflag:$0x1] =	stream.indirect_vreg.gather [hbm4b:s1+s3], $0x80, v7, vm0, $0xb8;
	[tilespmem:$0x1F980] =	vst v63  }
0x15c: {  	s10 =	sadd.s32 $0x16000, s2  }
0x15d: {  	[tilespmem:s10], [sflag:$0x1] =	stream.indirect_vreg.gather [hbm4b:s1+s3], $0x80, v6, vm0, $0xb8;
	[tilespmem:$0x1F980] =	vst v63  }
0x15e: {  	v6 =	vld [tilespmem:s8+$0x1F920];
	_ =	sdelay $0x4  }
0x15f: {  	v7 =	vshll.u32 v6, $0x1  }
0x160: {  	v6 =	vand.u32 $0x7, v6;
	v7 =	vand.u32 $0xFFFFFFF0, v7  }
0x161: {  	v6 =	vor.u32 v6, v7  }
0x162: {  	v7 =	vperm.xlane v6, v3;
	_ =	sdelay $0x1  }
0x163: {  	v6 =	vperm.xlane v6, v5;
	v7 =	vadd.s32 v4, v7;
	_ =	sdelay $0x1  }
0x164: {  	v6 =	vadd.s32 v4, v6;
	_ =	sdelay $0x1  }
0x165: {  	s28 =	sadd.s32 $0x16800, s2  }
0x166: {  	[tilespmem:s28], [sflag:$0x1] =	stream.indirect_vreg.gather [hbm4b:s1+s3], $0x80, v7, vm0, $0xb8;
	[tilespmem:$0x1F980] =	vst v63  }
0x167: {  	s30 =	sadd.s32 $0x17000, s2  }
0x168: {  	[tilespmem:s30], [sflag:$0x1] =	stream.indirect_vreg.gather [hbm4b:s1+s3], $0x80, v6, vm0, $0xb8;
	[tilespmem:$0x1F980] =	vst v63  }
0x169: {  	v6 =	vld [tilespmem:s8+$0x1F930];
	_ =	sdelay $0x4  }
0x16a: {  	v7 =	vshll.u32 v6, $0x1  }
0x16b: {  	v6 =	vand.u32 $0x7, v6;
	v7 =	vand.u32 $0xFFFFFFF0, v7  }
0x16c: {  	v6 =	vor.u32 v6, v7  }
0x16d: {  	v7 =	vperm.xlane v6, v3;
	_ =	sdelay $0x1  }
0x16e: {  	v6 =	vperm.xlane v6, v5;
	v7 =	vadd.s32 v4, v7;
	_ =	sdelay $0x1  }
0x16f: {  	v6 =	vadd.s32 v4, v6;
	_ =	sdelay $0x1  }
0x170: {  	s31 =	sadd.s32 $0x17800, s2  }
0x171: {  	[tilespmem:s31], [sflag:$0x1] =	stream.indirect_vreg.gather [hbm4b:s1+s3], $0x80, v7, vm0, $0xb8;
	[tilespmem:$0x1F980] =	vst v63  }
0x172: {  	s2 =	sor.u32 $0x18000, s2  }
0x173: {  	[tilespmem:s2], [sflag:$0x1] =	stream.indirect_vreg.gather [hbm4b:s1+s3], $0x80, v6, vm0, $0xb8;
	[tilespmem:$0x1F980] =	vst v63  }
.LBB2_11:
0x174: {  	v6 =	vld [tilespmem:s0+$0x0];
	_ =	sdelay $0x4  }
0x175: {  	(v2sf) =	vpush v6, $0x0;
	_ =	sdelay $0x1  }
0x176: {  	s2 =	simm.s32 $0x0  }
0x177: {  	s7 =	sand.u32 $0x7800, s26;
	s2 =	sand.u32 $0x380, s2  }
0x178: {  	s2 =	sor.u32 s2, s7  }
0x179: {  	s7 =	sadd.s32 $0x14800, s2;
	v18 =	vld [tilespmem:s2+$0x14800]  }
0x17a: {  	v14 =	vld [tilespmem:s7+$0x40]  }
0x17b: {  	v11 =	vld [tilespmem:s7+$0x60]  }
0x17c: {  	v7 =	vld [tilespmem:s7+$0x460]  }
0x17d: {  	v12 =	vld [tilespmem:s7+$0x70]  }
0x17e: {  	v8 =	vld [tilespmem:s7+$0x440]  }
0x17f: {  	v9 =	vld [tilespmem:s7+$0x430]  }
0x180: {  	v10 =	vld [tilespmem:s7+$0x420]  }
0x181: {  	v13 =	vld [tilespmem:s7+$0x410]  }
0x182: {  	v19 =	vld [tilespmem:s7+$0x30]  }
0x183: {  	v20 =	vld [tilespmem:s7+$0x20];
	s9 =	spop (v2sf)  }
0x184: {  	v21 =	vld [tilespmem:s7+$0x10];
	s2 =	sshra.s32 s9, $0xE  }
0x185: {  	v16 =	vld [tilespmem:s7+$0x400];
	s8 =	ssub.s32 s2, s6  }
0x186: {  	v17 =	vld [tilespmem:s7+$0x50];
	s2 =	sshll.u32 s2, $0x7;
	s8 =	sshll.u32 s8, $0x8  }
0x187: {  	v15 =	vld [tilespmem:s7+$0x450];
	s2 =	sand.u32 $0x380, s2;
	s8 =	sand.u32 $0xFFFFF800, s8  }
0x188: {  	v6 =	vld [tilespmem:s7+$0x470];
	s2 =	sor.u32 s2, s8  }
0x189: {  	[tilespmem:s2+$0x0] =	vst.add.f32.msk $0xffff, v18;
	s10 =	sor.u32 $0x10, s2  }
0x18a: {  	s30 =	simm.s32 $0x80;
	s8 =	sor.u32 $0x20, s2;
	[tilespmem:s10+$0x0] =	vst.add.f32.msk $0xffff, v21  }
0x18b: {  	s31 =	smov.u32 s26;
	s28 =	sor.u32 $0x30, s2;
	s7 =	sor.u32 $0x40, s2;
	[tilespmem:s8+$0x0] =	vst.add.f32.msk $0xffff, v20  }
0x18c: {  	s10 =	sor.u32 $0x60, s2;
	s8 =	sor.u32 $0x50, s2;
	[tilespmem:s28+$0x0] =	vst.add.f32.msk $0xffff, v19;
	s28 =	smov.u32 s0  }
.LBB2_12:
0x18d: {  	p1 =	seq.s32 s30, $0x1F80;
	[tilespmem:s7+$0x0] =	vst.add.f32.msk $0xffff, v14;
	s31 =	sadd.s32 $0x100, s31;
	s28 =	sadd.s32 $0x1, s28  }
0x18e: {  	s7 =	sor.u32 $0x70, s2;
	[tilespmem:s8+$0x0] =	vst.add.f32.msk $0xffff, v17;
	s8 =	smov.u32 s30;
	s30 =	sadd.s32 $0x80, s30  }
0x18f: {  	[tilespmem:s10+$0x0] =	vst.add.f32.msk $0xffff, v11;
	s10 =	sor.u32 $0x400, s2  }
0x190: {  	[tilespmem:s7+$0x0] =	vst.add.f32.msk $0xffff, v12;
	s7 =	sor.u32 $0x410, s2  }
0x191: {  	[tilespmem:s10+$0x0] =	vst.add.f32.msk $0xffff, v16;
	s10 =	sor.u32 $0x420, s2  }
0x192: {  	[tilespmem:s7+$0x0] =	vst.add.f32.msk $0xffff, v13;
	s7 =	sor.u32 $0x430, s2  }
0x193: {  	[tilespmem:s10+$0x0] =	vst.add.f32.msk $0xffff, v10;
	s10 =	sor.u32 $0x440, s2  }
0x194: {  	[tilespmem:s7+$0x0] =	vst.add.f32.msk $0xffff, v9;
	s7 =	sor.u32 $0x450, s2  }
0x195: {  	[tilespmem:s10+$0x0] =	vst.add.f32.msk $0xffff, v8;
	s10 =	sor.u32 $0x460, s2  }
0x196: {  	s2 =	sor.u32 $0x470, s2;
	[tilespmem:s7+$0x0] =	vst.add.f32.msk $0xffff, v15  }
0x197: {  	[tilespmem:s10+$0x0] =	vst.add.f32.msk $0xffff, v7  }
0x198: {  	[tilespmem:s2+$0x0] =	vst.add.f32.msk $0xffff, v6  }
0x199: {  	v6 =	vld [tilespmem:s28+$0x0];
	_ =	sdelay $0x4  }
0x19a: {  	(v2sf) =	vpush v6, $0x0;
	_ =	sdelay $0x2  }
0x19b: {  	s7 =	sand.u32 $0x380, s8;
	s2 =	sand.u32 $0x7800, s31  }
0x19c: {  	s2 =	sor.u32 s7, s2  }
0x19d: {  	s7 =	sadd.s32 $0x14800, s2;
	v18 =	vld [tilespmem:s2+$0x14800]  }
0x19e: {  	v14 =	vld [tilespmem:s7+$0x40]  }
0x19f: {  	v6 =	vld [tilespmem:s7+$0x470]  }
0x1a0: {  	v11 =	vld [tilespmem:s7+$0x60]  }
0x1a1: {  	v7 =	vld [tilespmem:s7+$0x460]  }
0x1a2: {  	v12 =	vld [tilespmem:s7+$0x70]  }
0x1a3: {  	v8 =	vld [tilespmem:s7+$0x440]  }
0x1a4: {  	v9 =	vld [tilespmem:s7+$0x430]  }
0x1a5: {  	v10 =	vld [tilespmem:s7+$0x420]  }
0x1a6: {  	v13 =	vld [tilespmem:s7+$0x410]  }
0x1a7: {  	v19 =	vld [tilespmem:s7+$0x30];
	s2 =	spop (v2sf)  }
0x1a8: {  	s2 =	sshra.s32 s2, $0xE;
	v20 =	vld [tilespmem:s7+$0x20]  }
0x1a9: {  	s8 =	ssub.s32 s2, s6;
	v21 =	vld [tilespmem:s7+$0x10];
	s2 =	sshll.u32 s2, $0x7  }
0x1aa: {  	v16 =	vld [tilespmem:s7+$0x400];
	s8 =	sshll.u32 s8, $0x8;
	s2 =	sand.u32 $0x380, s2  }
0x1ab: {  	v17 =	vld [tilespmem:s7+$0x50];
	s8 =	sand.u32 $0xFFFFF800, s8  }
.Ltmp8:
0x1ac: {  	v15 =	vld [tilespmem:s7+$0x450];
	s2 =	sor.u32 s2, s8;
	(pc) =	sbr.rel @!p1 .LBB2_12-.Ltmp8, $4  }
0x1ad: {  	[tilespmem:s2+$0x0] =	vst.add.f32.msk $0xffff, v18;
	s7 =	sor.u32 $0x10, s2;
	s8 =	sor.u32 $0x20, s2;
	s10 =	sor.u32 $0x60, s2  }
0x1ae: {  	s9 =	sor.u32 $0x30, s2;
	[tilespmem:s7+$0x0] =	vst.add.f32.msk $0xffff, v21  }
0x1af: {  	s7 =	sor.u32 $0x40, s2;
	[tilespmem:s8+$0x0] =	vst.add.f32.msk $0xffff, v20  }
0x1b0: {  	s8 =	sor.u32 $0x50, s2;
	[tilespmem:s9+$0x0] =	vst.add.f32.msk $0xffff, v19  }
0x1b1: {  	[tilespmem:s7+$0x0] =	vst.add.f32.msk $0xffff, v14  }
0x1b2: {  	[tilespmem:s8+$0x0] =	vst.add.f32.msk $0xffff, v17  }
0x1b3: {  	s9 =	sor.u32 $0x70, s2;
	[tilespmem:s10+$0x0] =	vst.add.f32.msk $0xffff, v11  }
0x1b4: {  	s28 =	sor.u32 $0x400, s2;
	[tilespmem:s9+$0x0] =	vst.add.f32.msk $0xffff, v12  }
0x1b5: {  	s30 =	sor.u32 $0x410, s2;
	[tilespmem:s28+$0x0] =	vst.add.f32.msk $0xffff, v16  }
0x1b6: {  	s31 =	sor.u32 $0x420, s2;
	[tilespmem:s30+$0x0] =	vst.add.f32.msk $0xffff, v13  }
0x1b7: {  	s9 =	sor.u32 $0x430, s2;
	[tilespmem:s31+$0x0] =	vst.add.f32.msk $0xffff, v10  }
0x1b8: {  	s10 =	sor.u32 $0x440, s2;
	[tilespmem:s9+$0x0] =	vst.add.f32.msk $0xffff, v9  }
0x1b9: {  	s28 =	sor.u32 $0x450, s2;
	[tilespmem:s10+$0x0] =	vst.add.f32.msk $0xffff, v8  }
0x1ba: {  	s30 =	sor.u32 $0x460, s2;
	[tilespmem:s28+$0x0] =	vst.add.f32.msk $0xffff, v15  }
0x1bb: {  	s31 =	sor.u32 $0x470, s2;
	[tilespmem:s30+$0x0] =	vst.add.f32.msk $0xffff, v7  }
0x1bc: {  	[tilespmem:s31+$0x0] =	vst.add.f32.msk $0xffff, v6  }
0x1bd: {  	p1 =	seq.s32 s29, s25  }
.Ltmp9:
0x1be: {  	_ = 	snop;
	(pc) =	sbr.rel @!p1 .LBB2_9-.Ltmp9, $4  }
.Ltmp10:
0x1bf: {  	_ = 	snop;
	(pc) =	sbr.rel @p1 .LBB2_14-.Ltmp10, $4  }
0x1c0: {  	_ = 	snop  }
0x1c1: {  	_ = 	snop  }
0x1c2: {  	s26 =	sadd.s32 $0x4000, s26;
	s0 =	sadd.s32 $0x40, s0  }
0x1c3: {  	_ = 	snop  }
.LBB2_15:
0x1c4: {  	s2 =	sadd.s32 $0x3F, s0  }
0x1c5: {  	s7 =	sand.u32 $0x3F, s2  }
0x1c6: {  	s31 =	sshra.s32 s2, $0x1F;
	p1 =	slt.s32 s2, $0x1;
	p0 =	sne.s32 s7, $0x0  }
0x1c7: {  	s7 =	sshrl.u32 s31, $0x1A;
	p0 =	por !p1, !p0  }
0x1c8: {  	s2 =	sadd.s32 s7, s2;
	s7 =	simm.s32 $0x1;
	p0 =	por !p0, !p0  }
0x1c9: {  	s2 =	sshra.s32 s2, $0x6;
	s7 =	simm.s32 @!p0 $0x0  }
0x1ca: {  	s23 =	ssub.s32 s2, s7  }
0x1cb: {  	p0 =	slt.s32 s23, $0x1  }
.Ltmp11:
0x1cc: {  	_ = 	snop;
	(pc) =	sbr.rel @p0 .LBB2_23-.Ltmp11, $4  }
0x1cd: {  	[tilespmem:s0+$0x1E800] =	vst v1  }
0x1ce: {  	[tilespmem:s0+$0x1E810] =	vst v1  }
0x1cf: {  	[tilespmem:s0+$0x1E820] =	vst v1  }
0x1d0: {  	[tilespmem:s0+$0x1E830] =	vst v1  }
0x1d1: {  	v6 =	vld [tilespmem:$0x1E800];
	_ =	sdelay $0x4  }
0x1d2: {  	v7 =	vshll.u32 v6, $0x1  }
0x1d3: {  	v8 =	vld [tilespmem:$0x1E810];
	v9 =	vand.u32 $0x7, v6;
	v7 =	vand.u32 $0x7FF0, v7  }
0x1d4: {  	v10 =	vld [tilespmem:$0x1E820];
	v7 =	vor.u32 v9, v7  }
0x1d5: {  	v63 =	vld [tilespmem:$0x1E830];
	v11 =	vperm.xlane v7, v3;
	_ =	sdelay $0x1  }
0x1d6: {  	v6 =	vand.u32 $0x3FFF, v6;
	v7 =	vperm.xlane v7, v5;
	v11 =	vadd.s32 v4, v11  }
0x1d7: {  	[tilespmem:$0x1F900] =	vst v6;
	v6 =	vand.u32 $0x3FFF, v8  }
0x1d8: {  	[tilespmem:$0x1F910] =	vst v6;
	v6 =	vand.u32 $0x3FFF, v10;
	v7 =	vadd.s32 v4, v7  }
0x1d9: {  	[tilespmem:$0x1F920] =	vst v6;
	v6 =	vand.u32 $0x3FFF, v63  }
0x1da: {  	s24 =	simm.s32 $0x0;
	[tilespmem:$0x1F930] =	vst v6  }
0x1db: {  	[tilespmem:s13], [sflag:$0x1] =	stream.indirect_vreg.gather [hbm4b:s1+s24], $0x80, v11, vm0, $0xb8;
	[tilespmem:$0x1F980] =	vst v63  }
0x1dc: {  	_ = 	snop  }
0x1dd: {  	[tilespmem:s14], [sflag:$0x1] =	stream.indirect_vreg.gather [hbm4b:s1+s24], $0x80, v7, vm0, $0xb8;
	[tilespmem:$0x1F980] =	vst v63  }
0x1de: {  	v6 =	vld [tilespmem:$0x1F910];
	_ =	sdelay $0x4  }
0x1df: {  	v7 =	vshll.u32 v6, $0x1  }
0x1e0: {  	v6 =	vand.u32 $0x7, v6;
	v7 =	vand.u32 $0xFFFFFFF0, v7  }
0x1e1: {  	v6 =	vor.u32 v6, v7  }
0x1e2: {  	v7 =	vperm.xlane v6, v3;
	_ =	sdelay $0x1  }
0x1e3: {  	v6 =	vperm.xlane v6, v5;
	v7 =	vadd.s32 v4, v7;
	_ =	sdelay $0x1  }
0x1e4: {  	v6 =	vadd.s32 v4, v6;
	_ =	sdelay $0x2  }
0x1e5: {  	[tilespmem:s15], [sflag:$0x1] =	stream.indirect_vreg.gather [hbm4b:s1+s24], $0x80, v7, vm0, $0xb8;
	[tilespmem:$0x1F980] =	vst v63  }
0x1e6: {  	_ = 	snop  }
0x1e7: {  	[tilespmem:s16], [sflag:$0x1] =	stream.indirect_vreg.gather [hbm4b:s1+s24], $0x80, v6, vm0, $0xb8;
	[tilespmem:$0x1F980] =	vst v63  }
0x1e8: {  	v6 =	vld [tilespmem:$0x1F920];
	_ =	sdelay $0x4  }
0x1e9: {  	v7 =	vshll.u32 v6, $0x1  }
0x1ea: {  	v6 =	vand.u32 $0x7, v6;
	v7 =	vand.u32 $0xFFFFFFF0, v7  }
0x1eb: {  	v6 =	vor.u32 v6, v7  }
0x1ec: {  	v7 =	vperm.xlane v6, v3;
	_ =	sdelay $0x1  }
0x1ed: {  	v6 =	vperm.xlane v6, v5;
	v7 =	vadd.s32 v4, v7;
	_ =	sdelay $0x1  }
0x1ee: {  	v6 =	vadd.s32 v4, v6;
	_ =	sdelay $0x2  }
0x1ef: {  	[tilespmem:s17], [sflag:$0x1] =	stream.indirect_vreg.gather [hbm4b:s1+s24], $0x80, v7, vm0, $0xb8;
	[tilespmem:$0x1F980] =	vst v63  }
0x1f0: {  	_ = 	snop  }
0x1f1: {  	[tilespmem:s18], [sflag:$0x1] =	stream.indirect_vreg.gather [hbm4b:s1+s24], $0x80, v6, vm0, $0xb8;
	[tilespmem:$0x1F980] =	vst v63  }
0x1f2: {  	v6 =	vld [tilespmem:$0x1F930];
	_ =	sdelay $0x4  }
0x1f3: {  	v7 =	vshll.u32 v6, $0x1  }
0x1f4: {  	v6 =	vand.u32 $0x7, v6;
	v7 =	vand.u32 $0xFFFFFFF0, v7  }
0x1f5: {  	v6 =	vor.u32 v6, v7  }
0x1f6: {  	v7 =	vperm.xlane v6, v3;
	_ =	sdelay $0x1  }
0x1f7: {  	v6 =	vperm.xlane v6, v5;
	v7 =	vadd.s32 v4, v7;
	_ =	sdelay $0x1  }
0x1f8: {  	v6 =	vadd.s32 v4, v6;
	_ =	sdelay $0x2  }
0x1f9: {  	[tilespmem:s19], [sflag:$0x1] =	stream.indirect_vreg.gather [hbm4b:s1+s24], $0x80, v7, vm0, $0xb8;
	[tilespmem:$0x1F980] =	vst v63  }
0x1fa: {  	s25 =	simm.s32 $0x1E800;
	s26 =	simm.s32 $0x0  }
0x1fb: {  	[tilespmem:s20], [sflag:$0x1] =	stream.indirect_vreg.gather [hbm4b:s1+s24], $0x80, v6, vm0, $0xb8;
	[tilespmem:$0x1F980] =	vst v63  }
.LBB2_18:
0x1fc: {  	s26 =	sadd.s32 $0x1, s26  }
0x1fd: {  	p0 =	sge.s32 s26, s23  }
.Ltmp12:
0x1fe: {  	_ = 	snop;
	(pc) =	sbr.rel @p0 .LBB2_20-.Ltmp12, $4  }
0x1ff: {  	_ = 	snop  }
0x200: {  	_ =	swait.ge [sflag:s11], $0x4000  }
0x201: {  	[sflag:s11] =	ssyncset.done $0x0  }
0x202: {  	[sflag:s11] =	ssyncadd.s32 $0xFFFFC000  }
0x203: {  	s0 =	sshll.u32 s26, $0x8  }
0x204: {  	s0 =	sshra.s32 s0, $0x2  }
0x205: {  	v6 =	vld [tilespmem:s0+$0x1E800];
	_ =	sdelay $0x3  }
0x206: {  	s2 =	sand.u32 $0x1, s26  }
0x207: {  	s7 =	sshll.u32 s2, $0x6;
	v7 =	vand.u32 $0x3FFF, v6  }
0x208: {  	[tilespmem:s7+$0x1F900] =	vst v7  }
0x209: {  	v7 =	vld [tilespmem:s0+$0x1E810];
	_ =	sdelay $0x4  }
0x20a: {  	v7 =	vand.u32 $0x3FFF, v7  }
0x20b: {  	[tilespmem:s7+$0x1F910] =	vst v7  }
0x20c: {  	v7 =	vld [tilespmem:s0+$0x1E820];
	_ =	sdelay $0x3  }
0x20d: {  	v8 =	vshll.u32 v6, $0x1  }
0x20e: {  	v6 =	vand.u32 $0x7, v6;
	v8 =	vand.u32 $0x7FF0, v8;
	v7 =	vand.u32 $0x3FFF, v7  }
0x20f: {  	v6 =	vor.u32 v6, v8;
	[tilespmem:s7+$0x1F920] =	vst v7  }
0x210: {  	v8 =	vperm.xlane v6, v3;
	v7 =	vld [tilespmem:s0+$0x1E830];
	_ =	sdelay $0x1  }
0x211: {  	v6 =	vperm.xlane v6, v5;
	v8 =	vadd.s32 v4, v8;
	_ =	sdelay $0x1  }
0x212: {  	v6 =	vadd.s32 v4, v6  }
0x213: {  	s8 =	sshll.u32 s2, $0xE;
	v7 =	vand.u32 $0x3FFF, v7  }
0x214: {  	s2 =	sadd.s32 $0x14800, s8;
	[tilespmem:s7+$0x1F930] =	vst v7  }
0x215: {  	[tilespmem:s2], [sflag:$0x1] =	stream.indirect_vreg.gather [hbm4b:s1+s3], $0x80, v8, vm0, $0xb8;
	[tilespmem:$0x1F980] =	vst v63  }
0x216: {  	s9 =	sadd.s32 $0x15000, s8  }
0x217: {  	[tilespmem:s9], [sflag:$0x1] =	stream.indirect_vreg.gather [hbm4b:s1+s3], $0x80, v6, vm0, $0xb8;
	[tilespmem:$0x1F980] =	vst v63  }
0x218: {  	v6 =	vld [tilespmem:s7+$0x1F910];
	_ =	sdelay $0x4  }
0x219: {  	v7 =	vshll.u32 v6, $0x1  }
0x21a: {  	v6 =	vand.u32 $0x7, v6;
	v7 =	vand.u32 $0xFFFFFFF0, v7  }
0x21b: {  	v6 =	vor.u32 v6, v7  }
0x21c: {  	v7 =	vperm.xlane v6, v3;
	_ =	sdelay $0x1  }
0x21d: {  	v6 =	vperm.xlane v6, v5;
	v7 =	vadd.s32 v4, v7;
	_ =	sdelay $0x1  }
0x21e: {  	v6 =	vadd.s32 v4, v6;
	_ =	sdelay $0x1  }
0x21f: {  	s10 =	sadd.s32 $0x15800, s8  }
0x220: {  	[tilespmem:s10], [sflag:$0x1] =	stream.indirect_vreg.gather [hbm4b:s1+s3], $0x80, v7, vm0, $0xb8;
	[tilespmem:$0x1F980] =	vst v63  }
0x221: {  	s28 =	sadd.s32 $0x16000, s8  }
0x222: {  	[tilespmem:s28], [sflag:$0x1] =	stream.indirect_vreg.gather [hbm4b:s1+s3], $0x80, v6, vm0, $0xb8;
	[tilespmem:$0x1F980] =	vst v63  }
0x223: {  	v6 =	vld [tilespmem:s7+$0x1F920];
	_ =	sdelay $0x4  }
0x224: {  	v7 =	vshll.u32 v6, $0x1  }
0x225: {  	v6 =	vand.u32 $0x7, v6;
	v7 =	vand.u32 $0xFFFFFFF0, v7  }
0x226: {  	v6 =	vor.u32 v6, v7  }
0x227: {  	v7 =	vperm.xlane v6, v3;
	_ =	sdelay $0x1  }
0x228: {  	v6 =	vperm.xlane v6, v5;
	v7 =	vadd.s32 v4, v7;
	_ =	sdelay $0x1  }
0x229: {  	v6 =	vadd.s32 v4, v6;
	_ =	sdelay $0x1  }
0x22a: {  	s29 =	sadd.s32 $0x16800, s8  }
0x22b: {  	[tilespmem:s29], [sflag:$0x1] =	stream.indirect_vreg.gather [hbm4b:s1+s3], $0x80, v7, vm0, $0xb8;
	[tilespmem:$0x1F980] =	vst v63  }
0x22c: {  	s30 =	sadd.s32 $0x17000, s8  }
0x22d: {  	[tilespmem:s30], [sflag:$0x1] =	stream.indirect_vreg.gather [hbm4b:s1+s3], $0x80, v6, vm0, $0xb8;
	[tilespmem:$0x1F980] =	vst v63  }
0x22e: {  	v6 =	vld [tilespmem:s7+$0x1F930];
	_ =	sdelay $0x4  }
0x22f: {  	v7 =	vshll.u32 v6, $0x1  }
0x230: {  	v6 =	vand.u32 $0x7, v6;
	v7 =	vand.u32 $0xFFFFFFF0, v7  }
0x231: {  	v6 =	vor.u32 v6, v7  }
0x232: {  	v7 =	vperm.xlane v6, v3;
	_ =	sdelay $0x1  }
0x233: {  	v6 =	vperm.xlane v6, v5;
	v7 =	vadd.s32 v4, v7;
	_ =	sdelay $0x1  }
0x234: {  	v6 =	vadd.s32 v4, v6;
	_ =	sdelay $0x1  }
0x235: {  	s31 =	sadd.s32 $0x17800, s8  }
0x236: {  	[tilespmem:s31], [sflag:$0x1] =	stream.indirect_vreg.gather [hbm4b:s1+s3], $0x80, v7, vm0, $0xb8;
	[tilespmem:$0x1F980] =	vst v63  }
0x237: {  	s0 =	sor.u32 $0x18000, s8  }
0x238: {  	[tilespmem:s0], [sflag:$0x1] =	stream.indirect_vreg.gather [hbm4b:s1+s3], $0x80, v6, vm0, $0xb8;
	[tilespmem:$0x1F980] =	vst v63  }
.LBB2_20:
0x239: {  	v6 =	vld [tilespmem:s25+$0x0];
	_ =	sdelay $0x4  }
0x23a: {  	(v2sf) =	vpush v6, $0x0;
	_ =	sdelay $0x1  }
0x23b: {  	s0 =	simm.s32 $0x0  }
0x23c: {  	s2 =	sand.u32 $0x7800, s24;
	s0 =	sand.u32 $0x380, s0  }
0x23d: {  	s0 =	sor.u32 s0, s2  }
0x23e: {  	s2 =	sadd.s32 $0x14800, s0;
	v18 =	vld [tilespmem:s0+$0x14800]  }
0x23f: {  	v14 =	vld [tilespmem:s2+$0x40]  }
0x240: {  	v11 =	vld [tilespmem:s2+$0x60]  }
0x241: {  	v7 =	vld [tilespmem:s2+$0x460]  }
0x242: {  	v12 =	vld [tilespmem:s2+$0x70]  }
0x243: {  	v8 =	vld [tilespmem:s2+$0x440]  }
0x244: {  	v9 =	vld [tilespmem:s2+$0x430]  }
0x245: {  	v10 =	vld [tilespmem:s2+$0x420]  }
0x246: {  	v13 =	vld [tilespmem:s2+$0x410]  }
0x247: {  	v19 =	vld [tilespmem:s2+$0x30]  }
0x248: {  	v20 =	vld [tilespmem:s2+$0x20];
	s30 =	spop (v2sf)  }
0x249: {  	v21 =	vld [tilespmem:s2+$0x10];
	s0 =	sshra.s32 s30, $0xE  }
0x24a: {  	v16 =	vld [tilespmem:s2+$0x400];
	s7 =	ssub.s32 s0, s6  }
0x24b: {  	v17 =	vld [tilespmem:s2+$0x50];
	s0 =	sshll.u32 s0, $0x7;
	s7 =	sshll.u32 s7, $0x8  }
0x24c: {  	v15 =	vld [tilespmem:s2+$0x450];
	s0 =	sand.u32 $0x380, s0;
	s7 =	sand.u32 $0xFFFFF800, s7  }
0x24d: {  	v6 =	vld [tilespmem:s2+$0x470];
	s2 =	sor.u32 s0, s7  }
0x24e: {  	[tilespmem:s2+$0x0] =	vst.add.f32.msk $0xffff, v18;
	s0 =	sor.u32 $0x10, s2  }
0x24f: {  	s28 =	simm.s32 $0x80;
	s7 =	sor.u32 $0x20, s2;
	[tilespmem:s0+$0x0] =	vst.add.f32.msk $0xffff, v21  }
0x250: {  	s29 =	smov.u32 s24;
	s31 =	sor.u32 $0x30, s2;
	s10 =	sor.u32 $0x60, s2;
	[tilespmem:s7+$0x0] =	vst.add.f32.msk $0xffff, v20  }
0x251: {  	s8 =	sor.u32 $0x50, s2;
	s0 =	smov.u32 s25;
	s7 =	sor.u32 $0x40, s2;
	[tilespmem:s31+$0x0] =	vst.add.f32.msk $0xffff, v19  }
.LBB2_21:
0x252: {  	p0 =	seq.s32 s28, $0x1F80;
	[tilespmem:s7+$0x0] =	vst.add.f32.msk $0xffff, v14;
	s29 =	sadd.s32 $0x100, s29;
	s0 =	sadd.s32 $0x1, s0  }
0x253: {  	s7 =	sor.u32 $0x70, s2;
	[tilespmem:s8+$0x0] =	vst.add.f32.msk $0xffff, v17;
	s8 =	smov.u32 s28;
	s28 =	sadd.s32 $0x80, s28  }
0x254: {  	s9 =	sor.u32 $0x400, s2;
	[tilespmem:s10+$0x0] =	vst.add.f32.msk $0xffff, v11  }
0x255: {  	[tilespmem:s7+$0x0] =	vst.add.f32.msk $0xffff, v12;
	s7 =	sor.u32 $0x410, s2  }
0x256: {  	[tilespmem:s9+$0x0] =	vst.add.f32.msk $0xffff, v16;
	s9 =	sor.u32 $0x420, s2  }
0x257: {  	[tilespmem:s7+$0x0] =	vst.add.f32.msk $0xffff, v13;
	s7 =	sor.u32 $0x430, s2  }
0x258: {  	[tilespmem:s9+$0x0] =	vst.add.f32.msk $0xffff, v10;
	s9 =	sor.u32 $0x440, s2  }
0x259: {  	[tilespmem:s7+$0x0] =	vst.add.f32.msk $0xffff, v9;
	s7 =	sor.u32 $0x450, s2  }
0x25a: {  	[tilespmem:s9+$0x0] =	vst.add.f32.msk $0xffff, v8;
	s9 =	sor.u32 $0x460, s2  }
0x25b: {  	s2 =	sor.u32 $0x470, s2;
	[tilespmem:s7+$0x0] =	vst.add.f32.msk $0xffff, v15  }
0x25c: {  	[tilespmem:s9+$0x0] =	vst.add.f32.msk $0xffff, v7  }
0x25d: {  	[tilespmem:s2+$0x0] =	vst.add.f32.msk $0xffff, v6  }
0x25e: {  	v6 =	vld [tilespmem:s0+$0x0];
	_ =	sdelay $0x4  }
0x25f: {  	(v2sf) =	vpush v6, $0x0;
	_ =	sdelay $0x2  }
0x260: {  	s7 =	sand.u32 $0x380, s8;
	s2 =	sand.u32 $0x7800, s29  }
0x261: {  	s2 =	sor.u32 s7, s2  }
0x262: {  	s7 =	sadd.s32 $0x14800, s2;
	v18 =	vld [tilespmem:s2+$0x14800]  }
0x263: {  	v14 =	vld [tilespmem:s7+$0x40]  }
0x264: {  	v6 =	vld [tilespmem:s7+$0x470]  }
0x265: {  	v11 =	vld [tilespmem:s7+$0x60]  }
0x266: {  	v7 =	vld [tilespmem:s7+$0x460]  }
0x267: {  	v12 =	vld [tilespmem:s7+$0x70]  }
0x268: {  	v8 =	vld [tilespmem:s7+$0x440]  }
0x269: {  	v9 =	vld [tilespmem:s7+$0x430]  }
0x26a: {  	v10 =	vld [tilespmem:s7+$0x420]  }
0x26b: {  	v13 =	vld [tilespmem:s7+$0x410]  }
0x26c: {  	v19 =	vld [tilespmem:s7+$0x30];
	s2 =	spop (v2sf)  }
0x26d: {  	s2 =	sshra.s32 s2, $0xE;
	v20 =	vld [tilespmem:s7+$0x20]  }
0x26e: {  	s8 =	ssub.s32 s2, s6;
	v21 =	vld [tilespmem:s7+$0x10];
	s2 =	sshll.u32 s2, $0x7  }
0x26f: {  	v16 =	vld [tilespmem:s7+$0x400];
	s8 =	sshll.u32 s8, $0x8;
	s2 =	sand.u32 $0x380, s2  }
0x270: {  	v17 =	vld [tilespmem:s7+$0x50];
	s8 =	sand.u32 $0xFFFFF800, s8  }
.Ltmp13:
0x271: {  	v15 =	vld [tilespmem:s7+$0x450];
	s2 =	sor.u32 s2, s8;
	(pc) =	sbr.rel @!p0 .LBB2_21-.Ltmp13, $4  }
0x272: {  	[tilespmem:s2+$0x0] =	vst.add.f32.msk $0xffff, v18;
	s7 =	sor.u32 $0x10, s2;
	s8 =	sor.u32 $0x20, s2;
	s10 =	sor.u32 $0x60, s2  }
0x273: {  	s9 =	sor.u32 $0x30, s2;
	[tilespmem:s7+$0x0] =	vst.add.f32.msk $0xffff, v21  }
0x274: {  	s7 =	sor.u32 $0x40, s2;
	[tilespmem:s8+$0x0] =	vst.add.f32.msk $0xffff, v20  }
0x275: {  	s8 =	sor.u32 $0x50, s2;
	[tilespmem:s9+$0x0] =	vst.add.f32.msk $0xffff, v19  }
0x276: {  	[tilespmem:s7+$0x0] =	vst.add.f32.msk $0xffff, v14  }
0x277: {  	[tilespmem:s8+$0x0] =	vst.add.f32.msk $0xffff, v17  }
0x278: {  	s0 =	sor.u32 $0x70, s2;
	[tilespmem:s10+$0x0] =	vst.add.f32.msk $0xffff, v11  }
0x279: {  	s31 =	sor.u32 $0x400, s2;
	[tilespmem:s0+$0x0] =	vst.add.f32.msk $0xffff, v12  }
0x27a: {  	s8 =	sor.u32 $0x410, s2;
	[tilespmem:s31+$0x0] =	vst.add.f32.msk $0xffff, v16  }
0x27b: {  	s9 =	sor.u32 $0x420, s2;
	[tilespmem:s8+$0x0] =	vst.add.f32.msk $0xffff, v13  }
0x27c: {  	s10 =	sor.u32 $0x430, s2;
	[tilespmem:s9+$0x0] =	vst.add.f32.msk $0xffff, v10  }
0x27d: {  	s28 =	sor.u32 $0x440, s2;
	[tilespmem:s10+$0x0] =	vst.add.f32.msk $0xffff, v9  }
0x27e: {  	s29 =	sor.u32 $0x450, s2;
	[tilespmem:s28+$0x0] =	vst.add.f32.msk $0xffff, v8  }
0x27f: {  	s30 =	sor.u32 $0x460, s2;
	[tilespmem:s29+$0x0] =	vst.add.f32.msk $0xffff, v15  }
0x280: {  	s31 =	sor.u32 $0x470, s2;
	[tilespmem:s30+$0x0] =	vst.add.f32.msk $0xffff, v7  }
0x281: {  	[tilespmem:s31+$0x0] =	vst.add.f32.msk $0xffff, v6  }
0x282: {  	p0 =	seq.s32 s26, s23  }
.Ltmp14:
0x283: {  	_ = 	snop;
	(pc) =	sbr.rel @!p0 .LBB2_18-.Ltmp14, $4  }
.Ltmp15:
0x284: {  	_ = 	snop;
	(pc) =	sbr.rel @p0 .LBB2_23-.Ltmp15, $4  }
0x285: {  	_ = 	snop  }
0x286: {  	_ = 	snop  }
0x287: {  	s24 =	sadd.s32 $0x4000, s24;
	s25 =	sadd.s32 $0x40, s25  }
0x288: {  	_ = 	snop  }
.LBB2_24:
0x289: {  	_ =	sfence.sel $0x180000  }
0x28a: {  	[bflag:$0x0] =	sbarrier.arrive $0xFFFF  }
0x28b: {  	_ =	strace $0x9000004A  }
0x28c: {  	s0 =	stileid.u32;
	[bflag:$0x2] =	sbarrier.arrive $0xFFFF  }
0x28d: {  	p0 =	sne.s32 s0, $0x0;
	s0 =	rddreg [dreg:$0x2]  }
0x28e: {  	s0 =	sadd.s32 @!p0 $0x100000, s0  }
0x28f: {  	[sflag:s0] =	ssyncadd.tile.s32 @!p0 $0x1;
	_ =	shalt  }
.Lfunc_end2:
_tile_overlayer_lowered:
.L_overlay_start_2:
0x290: {  	(tag) =	ssettag $0x2  }
0x291: {  	s0 =	rddreg [dreg:$0x0];
	s2 =	stileid.u32  }
0x292: {  	s1 =	rddreg [dreg:$0x1];
	p0 =	sne.s32 s2, $0x0  }
0x293: {  	s3 =	rddreg [dreg:$0x2];
	[bflag:$0x3] =	sbarrier.arrive $0xFFFF;
	s2 =	simm.s32 @!p0 $0x1C03  }
0x294: {  	[timem:s3], [sflag:s2] =	dma.local @!p0 [hbm:s0], s1  }
0x295: {  	s0 =	simm.s32 @!p0 $0x3  }
0x296: {  	_ =	swait.ge @!p0 [sflag:s0], s1  }
0x297: {  	s1 =	ssub.s32 @!p0 $0x0, s1;
	[sflag:s0] =	ssyncset.done @!p0 $0x0  }
0x298: {  	[sflag:s0] =	ssyncadd.s32 @!p0 s1  }
0x299: {  	[bflag:$0x3] =	sbarrier.arrive $0xFFFF  }
0x29a: {  	_ =	shalt  }

</sc_bundles>
